<compile_context>
chip_gen: v7x
topology: tpu7x:2x2x1
jax: 0.10.2.dev20260603
libtpu: 0.0.44.dev20260713+nightly
codegen_flags: <defaults>
</compile_context>

<pallas_src>
import functools

import jax
import jax.numpy as jnp
from jax import lax
from jax.experimental import pallas as pl
from jax.experimental.pallas import tpu as pltpu
from jax.experimental.pallas import tpu_sc as plsc

N = 10000
E = 320000
D = 128

NW = 32
CHUNK = 128
NCH = 80
EPW = NCH * CHUNK
EPAD = NW * EPW
BLK = 8
NBLK = NCH // BLK
NROWS = 10240
NTRASH = NROWS - N
SPT = NROWS // 16
SUBCHUNKS = ((0, 128), (128, 128), (256, 128), (384, 128), (512, 128))
RB = 1024


@functools.lru_cache(maxsize=None)
def _make_scatter():
    mesh = plsc.VectorSubcoreMesh(core_axis_name="c", subcore_axis_name="s")
    return functools.partial(
        pl.kernel,
        mesh=mesh,
        out_type=[jax.ShapeDtypeStruct((2, NROWS, D), jnp.float32),
                  jax.ShapeDtypeStruct((2 * NROWS,), jnp.float32)],
        scratch_types=[
            pltpu.VMEM((2 * BLK, CHUNK), jnp.int32),
            pltpu.VMEM((2 * BLK, CHUNK), jnp.int32),
            pltpu.VMEM((CHUNK, D), jnp.float32),
            pltpu.VMEM((CHUNK, D), jnp.float32),
            pltpu.VMEM((CHUNK,), jnp.float32),
            pltpu.VMEM((SPT,), jnp.float32),
            pltpu.VMEM_SHARED((NROWS, D), jnp.float32),
            pltpu.VMEM_SHARED((NROWS,), jnp.float32),
            pltpu.SemaphoreType.DMA,
            pltpu.SemaphoreType.DMA,
            pltpu.SemaphoreType.DMA,
            pltpu.SemaphoreType.DMA,
        ],
    )(_scatter_body)


def _scatter_body(x_hbm, il_hbm, pacc_hbm, pdeg_hbm,
                  ib0, ib1, bufa, bufb, ones, zdeg, acc, dacc,
                  sema, semb, semi, semd):
    cid = lax.axis_index("c")
    sid = lax.axis_index("s")
    w = cid * 16 + sid

    zv = jnp.zeros((16,), jnp.float32)

    def _fillz(r, carry):
        for c in range(D // 16):
            bufa[r, pl.ds(c * 16, 16)] = zv
        return carry

    lax.fori_loop(jnp.int32(0), jnp.int32(CHUNK), _fillz, jnp.int32(0))

    def _fillz1(r, carry):
        zdeg[pl.ds(r * 16, 16)] = zv
        return carry

    lax.fori_loop(jnp.int32(0), jnp.int32(SPT // 16), _fillz1, jnp.int32(0))

    def _fillo(r, carry):
        ones[pl.ds(r * 16, 16)] = jnp.ones((16,), jnp.float32)
        return carry

    lax.fori_loop(jnp.int32(0), jnp.int32(CHUNK // 16), _fillo, jnp.int32(0))

    base = sid * SPT
    for off, n in SUBCHUNKS:
        pltpu.sync_copy(bufa.at[pl.ds(0, n)], acc.at[pl.ds(base + off, n)])
    pltpu.sync_copy(zdeg, dacc.at[pl.ds(base, SPT)])

    pltpu.sync_copy(il_hbm.at[w, pl.ds(0, 2 * BLK)], ib0)
    pltpu.async_copy(il_hbm.at[w, pl.ds(2 * BLK, 2 * BLK)], ib1, semi)
    pltpu.async_copy(x_hbm.at[ib0.at[jnp.int32(0)]], bufa, sema)
    pltpu.async_copy(x_hbm.at[ib0.at[jnp.int32(2)]], bufb, semb)
    plsc.subcore_barrier()


    def _sub_block(ib_cur, ib_nxt, nxt_row, aft_row, has_aft):
        for k in range(BLK // 2):
            sa = ib_cur.at[jnp.int32(4 * k)]
            sb = ib_cur.at[jnp.int32(4 * k + 2)]
            da = ib_cur.at[jnp.int32(4 * k + 1)]
            db = ib_cur.at[jnp.int32(4 * k + 3)]
            pltpu.make_async_copy(x_hbm.at[sa], bufa, sema).wait()
            pltpu.sync_copy(bufa, acc.at[da], add=True)
            pltpu.async_copy(ones, dacc.at[da], semd, add=True)
            if k < BLK // 2 - 1:
                pltpu.async_copy(x_hbm.at[ib_cur.at[jnp.int32(4 * k + 4)]],
                                 bufa, sema)
            elif nxt_row is not None:
                pltpu.make_async_copy(
                    il_hbm.at[w, pl.ds(nxt_row, 2 * BLK)], ib_nxt,
                    semi).wait()
                pltpu.async_copy(x_hbm.at[ib_nxt.at[jnp.int32(0)]],
                                 bufa, sema)
            pltpu.make_async_copy(x_hbm.at[sb], bufb, semb).wait()
            pltpu.sync_copy(bufb, acc.at[db], add=True)
            pltpu.async_copy(ones, dacc.at[db], semd, add=True)
            if k < BLK // 2 - 1:
                pltpu.async_copy(x_hbm.at[ib_cur.at[jnp.int32(4 * k + 6)]],
                                 bufb, semb)
            elif nxt_row is not None:
                pltpu.async_copy(x_hbm.at[ib_nxt.at[jnp.int32(2)]],
                                 bufb, semb)
        for k in range(BLK):
            pltpu.make_async_copy(
                ones, dacc.at[ib_cur.at[jnp.int32(1)]], semd).wait()
        if aft_row is not None:
            @pl.when(has_aft)
            def _():
                pltpu.async_copy(il_hbm.at[w, pl.ds(aft_row, 2 * BLK)],
                                 ib_cur, semi)

    def _blocks(b, carry):
        row0 = b * (4 * BLK)
        _sub_block(ib0, ib1,
                   nxt_row=row0 + 2 * BLK, aft_row=row0 + 4 * BLK,
                   has_aft=b < NBLK // 2 - 1)
        is_last = b >= NBLK // 2 - 1

        @pl.when(jnp.logical_not(is_last))
        def _():
            _sub_block(ib1, ib0,
                       nxt_row=row0 + 4 * BLK, aft_row=None, has_aft=None)
            pltpu.async_copy(il_hbm.at[w, pl.ds(row0 + 6 * BLK, 2 * BLK)],
                             ib1, semi)

        @pl.when(is_last)
        def _():
            _sub_block(ib1, ib0, nxt_row=None, aft_row=None, has_aft=None)
        return carry

    lax.fori_loop(jnp.int32(0), jnp.int32(NBLK // 2), _blocks, jnp.int32(0))
    plsc.subcore_barrier()

    pltpu.sync_copy(acc.at[pl.ds(base, SPT)],
                    pacc_hbm.at[cid, pl.ds(base, SPT)])
    pltpu.sync_copy(dacc.at[pl.ds(base, SPT)], zdeg)
    pltpu.sync_copy(zdeg, pdeg_hbm.at[pl.ds(cid * NROWS + base, SPT)])


def _fin_body(pacc_ref, deg_ref, w_ref, b_ref, nn_ref, o_ref):
    i = pl.program_id(0)
    dg8 = deg_ref[0] + deg_ref[1]
    dgb = jnp.broadcast_to(dg8[:, None, :],
                           (RB // 128, 128, 128)).reshape(RB, 128)
    lane = lax.broadcasted_iota(jnp.int32, (RB, 128), 1)
    rowm = lax.broadcasted_iota(jnp.int32, (RB, 128), 0) % 128
    dg = jnp.sum(jnp.where(lane == rowm, dgb, 0.0), axis=1, keepdims=True)
    p = pacc_ref[0] + pacc_ref[1]
    t = p / jnp.maximum(dg, 1.0)
    y = jnp.dot(t, w_ref[...], preferred_element_type=jnp.float32)
    y = y + jnp.minimum(dg, 1.0) * b_ref[...]
    nodes = lax.broadcasted_iota(jnp.int32, (RB, 1), 0) + i * RB
    o_ref[...] = jnp.where(nodes < nn_ref[0, 0], y, 0.0)


def _finalize(pacc, pdeg, W, b2d, nn):
    return pl.pallas_call(
        _fin_body,
        grid=(NROWS // RB,),
        in_specs=[
            pl.BlockSpec((2, RB, D), lambda i: (i - i, i, i - i)),
            pl.BlockSpec((2, RB // 128, 128), lambda i: (i - i, i, i - i)),
            pl.BlockSpec((D, D), lambda i: (i - i, i - i)),
            pl.BlockSpec((1, D), lambda i: (i - i, i - i)),
            pl.BlockSpec((1, 1), lambda i: (i - i, i - i)),
        ],
        out_specs=pl.BlockSpec((RB, D), lambda i: (i, i - i)),
        out_shape=jax.ShapeDtypeStruct((NROWS, D), jnp.float32),
    )(pacc, pdeg.reshape(2, NROWS // 128, 128), W, b2d, nn)


def kernel(x_raw, edge_index, num_nodes, W, b):
    x2d = x_raw[0]
    dst = edge_index[0].astype(jnp.int32)
    src = edge_index[1].astype(jnp.int32)
    npad = EPAD - E
    pad_src = (jnp.arange(npad, dtype=jnp.int32) * 7919) % N
    pad_dst = N + (jnp.arange(npad, dtype=jnp.int32) % NTRASH)
    srcp = jnp.concatenate([src, pad_src]).reshape(NW, NCH, CHUNK)
    dstp = jnp.concatenate([dst, pad_dst]).reshape(NW, NCH, CHUNK)
    il = jnp.stack([srcp, dstp], axis=2).reshape(NW, 2 * NCH, CHUNK)
    nn = num_nodes[0].astype(jnp.int32).reshape(1, 1)

    pacc, pdeg = _make_scatter()(x2d, il)
    out = _finalize(pacc, pdeg, W, b[None, :], nn)
    return out[None, :N]

# --- scband reference (transcript-rebuilt; emitter-appended) ---
"""Pipeline reference for scband-gnn-lin-22170621182128 (READ-ONLY COPY).

The authoritative reference and input builder live on the scoring server;
editing this copy changes nothing except your own understanding.
"""

import jax
jax.config.update('jax_enable_x64', True)
import jax.numpy as jnp
import numpy as np

B = 1
N = 10000
E = 320000
D_IN = 128
D_OUT = 128


def setup_inputs(seed: int = 0) -> dict:
    key = jax.random.key(seed)
    k1, k2, k3, k4, k5 = jax.random.split(key, 5)
    x_raw = jax.random.normal(k1, (B, N, D_IN), dtype=jnp.float32)
    edge_index = jax.random.randint(k2, (2, E), 0, N, dtype=jnp.int64)
    # uniform(in_channels, tensor) init: bound = 1/sqrt(in_channels)
    bound = 1.0 / np.sqrt(D_IN)
    W = jax.random.uniform(k3, (D_IN, D_OUT), minval=-bound, maxval=bound, dtype=jnp.float32)
    b = jax.random.uniform(k4, (D_OUT,), minval=-bound, maxval=bound, dtype=jnp.float32)
    num_nodes = jax.random.randint(k5, (B,), 0, N, dtype=jnp.int64)
    return {"x_raw": x_raw, "edge_index": edge_index, "num_nodes": num_nodes, "W": W, "b": b}


def _spmm_norm(x2d, src, dst, deg, mask):
    # torch.sparse.mm(A, x) with A[dst, src] = 1 (duplicates coalesce-summed),
    # then divide by row-sum degree (clamped to 1), then mask rows >= num_nodes
    agg = jax.ops.segment_sum(x2d[src], dst, num_segments=N)
    out = agg / deg[:, None]
    return jnp.where(mask, out, 0.0)


def reference(x_raw, edge_index, num_nodes, W, b):
    # Dense_SAGEConv (normalize=False): x = x @ W + b, then A x / deg, then mask
    x = jnp.matmul(x_raw, W) + b
    dst = edge_index[0]
    src = edge_index[1]
    deg = jax.ops.segment_sum(jnp.ones((E,), dtype=jnp.float32), dst, num_segments=N)
    deg = jnp.clip(deg, 1.0, None)
    mask = (jnp.arange(N) < num_nodes[0])[:, None]
    conv_out = _spmm_norm(x[0], src, dst, deg, mask)[None]
    # GNN_Lin forward computes one more aggregation hop eagerly; with
    # args['n-hops'] == 2 it is dead code and conv1 output is returned.
    extra = _spmm_norm(conv_out[0], src, dst, deg, mask)[None]
    _ = extra
    return conv_out

if __name__ == "__main__":
    import jax
    _d = setup_inputs()
    print(jax.jit(kernel)(*tuple(_d.values())))

</pallas_src>

<mosaic_0001>
#map = affine_map<(d0, d1) -> (0, 0)>
#map1 = affine_map<(d0, d1) -> (0, 0, 0)>
#map2 = affine_map<(d0, d1) -> (0)>
module attributes {stable_mosaic.version = 14 : i64} {
  func.func @_scatter_body(%arg0: i32, %arg1: i32, %arg2: memref<10000x128xf32, #tpu.memory_space<hbm>>, %arg3: memref<32x160x128xi32, #tpu.memory_space<hbm>>, %arg4: memref<2x10240x128xf32, #tpu.memory_space<hbm>>, %arg5: memref<20480xf32, #tpu.memory_space<hbm>>, %arg6: memref<16x128xi32, #tpu.memory_space<vmem>>, %arg7: memref<16x128xi32, #tpu.memory_space<vmem>>, %arg8: memref<128x128xf32, #tpu.memory_space<vmem>>, %arg9: memref<128x128xf32, #tpu.memory_space<vmem>>, %arg10: memref<128xf32, #tpu.memory_space<vmem>>, %arg11: memref<640xf32, #tpu.memory_space<vmem>>, %arg12: memref<10240x128xf32, #tpu.memory_space<vmem_shared>>, %arg13: memref<10240xf32, #tpu.memory_space<vmem_shared>>, %arg14: memref<!tpu.dma_semaphore, #tpu.memory_space<semaphore_mem>>, %arg15: memref<!tpu.dma_semaphore, #tpu.memory_space<semaphore_mem>>, %arg16: memref<!tpu.dma_semaphore, #tpu.memory_space<semaphore_mem>>, %arg17: memref<!tpu.dma_semaphore, #tpu.memory_space<semaphore_mem>>) attributes {dimension_semantics = [#tpu.dimension_semantics<core_parallel>, #tpu.dimension_semantics<subcore_parallel>], iteration_bounds = array<i64: 2, 16>, scalar_prefetch = 0 : i64, scratch_operands = 12 : i64, tpu.core_type = #tpu.core_type<sc_vector_subcore>, window_params = [{transform_indices = #map}, {transform_indices = #map1}, {transform_indices = #map1}, {transform_indices = #map2}]} {
    %mul3A = arith.constant 16 : i32
    %mul3A_0 = arith.muli %arg0, %mul3A : i32
    %add3A = arith.addi %mul3A_0, %arg1 : i32
    %broadcast_in_dim3A = arith.constant 0.000000e+00 : f32
    %broadcast_in_dim3A_1 = vector.broadcast %broadcast_in_dim3A : f32 to vector<16xf32>
    %while3A = arith.constant 0 : i32
    %while3A_2 = arith.constant 0 : i32
    %while3A_3 = arith.constant 128 : i32
    %while3A_4 = arith.subi %while3A_3, %while3A_2 : i32
    %while3A_5 = arith.addi %while3A_2, %while3A_4 : i32
    %while3A_6 = arith.constant 1 : i32
    %while3A_7 = arith.divsi %while3A_4, %while3A_6 : i32
    %while3A_8 = arith.muli %while3A_7, %while3A_6 : i32
    %while3A_9 = arith.addi %while3A_2, %while3A_8 : i32
    %while3A_10 = arith.constant 1 : i32
    scf.for %while3A_82 = %while3A_2 to %while3A_9 step %while3A_10  : i32 {
      %swap3A = arith.index_cast %while3A_82 : i32 to index
      %swap3A_83 = arith.constant 0 : index
      %swap3A_84 = tpu.vector_load %arg8[%swap3A, %swap3A_83] {strides = array<i32>} : memref<128x128xf32, #tpu.memory_space<vmem>>, vector<1x16xf32>,
      %swap3A_85 = vector.shape_cast %swap3A_84 : vector<1x16xf32> to vector<16xf32>
      %swap3A_86 = vector.shape_cast %broadcast_in_dim3A_1 : vector<16xf32> to vector<1x16xf32>
      tpu.vector_store %arg8[%swap3A, %swap3A_83], %swap3A_86 {strides = array<i32>} : memref<128x128xf32, #tpu.memory_space<vmem>>, vector<1x16xf32>,
      %swap3A_87 = arith.index_cast %while3A_82 : i32 to index
      %swap3A_88 = arith.constant 16 : index
      %swap3A_89 = tpu.vector_load %arg8[%swap3A_87, %swap3A_88] {strides = array<i32>} : memref<128x128xf32, #tpu.memory_space<vmem>>, vector<1x16xf32>,
      %swap3A_90 = vector.shape_cast %swap3A_89 : vector<1x16xf32> to vector<16xf32>
      %swap3A_91 = vector.shape_cast %broadcast_in_dim3A_1 : vector<16xf32> to vector<1x16xf32>
      tpu.vector_store %arg8[%swap3A_87, %swap3A_88], %swap3A_91 {strides = array<i32>} : memref<128x128xf32, #tpu.memory_space<vmem>>, vector<1x16xf32>,
      %swap3A_92 = arith.index_cast %while3A_82 : i32 to index
      %swap3A_93 = arith.constant 32 : index
      %swap3A_94 = tpu.vector_load %arg8[%swap3A_92, %swap3A_93] {strides = array<i32>} : memref<128x128xf32, #tpu.memory_space<vmem>>, vector<1x16xf32>,
      %swap3A_95 = vector.shape_cast %swap3A_94 : vector<1x16xf32> to vector<16xf32>
      %swap3A_96 = vector.shape_cast %broadcast_in_dim3A_1 : vector<16xf32> to vector<1x16xf32>
      tpu.vector_store %arg8[%swap3A_92, %swap3A_93], %swap3A_96 {strides = array<i32>} : memref<128x128xf32, #tpu.memory_space<vmem>>, vector<1x16xf32>,
      %swap3A_97 = arith.index_cast %while3A_82 : i32 to index
      %swap3A_98 = arith.constant 48 : index
      %swap3A_99 = tpu.vector_load %arg8[%swap3A_97, %swap3A_98] {strides = array<i32>} : memref<128x128xf32, #tpu.memory_space<vmem>>, vector<1x16xf32>,
      %swap3A_100 = vector.shape_cast %swap3A_99 : vector<1x16xf32> to vector<16xf32>
      %swap3A_101 = vector.shape_cast %broadcast_in_dim3A_1 : vector<16xf32> to vector<1x16xf32>
      tpu.vector_store %arg8[%swap3A_97, %swap3A_98], %swap3A_101 {strides = array<i32>} : memref<128x128xf32, #tpu.memory_space<vmem>>, vector<1x16xf32>,
      %swap3A_102 = arith.index_cast %while3A_82 : i32 to index
      %swap3A_103 = arith.constant 64 : index
      %swap3A_104 = tpu.vector_load %arg8[%swap3A_102, %swap3A_103] {strides = array<i32>} : memref<128x128xf32, #tpu.memory_space<vmem>>, vector<1x16xf32>,
      %swap3A_105 = vector.shape_cast %swap3A_104 : vector<1x16xf32> to vector<16xf32>
      %swap3A_106 = vector.shape_cast %broadcast_in_dim3A_1 : vector<16xf32> to vector<1x16xf32>
      tpu.vector_store %arg8[%swap3A_102, %swap3A_103], %swap3A_106 {strides = array<i32>} : memref<128x128xf32, #tpu.memory_space<vmem>>, vector<1x16xf32>,
      %swap3A_107 = arith.index_cast %while3A_82 : i32 to index
      %swap3A_108 = arith.constant 80 : index
      %swap3A_109 = tpu.vector_load %arg8[%swap3A_107, %swap3A_108] {strides = array<i32>} : memref<128x128xf32, #tpu.memory_space<vmem>>, vector<1x16xf32>,
      %swap3A_110 = vector.shape_cast %swap3A_109 : vector<1x16xf32> to vector<16xf32>
      %swap3A_111 = vector.shape_cast %broadcast_in_dim3A_1 : vector<16xf32> to vector<1x16xf32>
      tpu.vector_store %arg8[%swap3A_107, %swap3A_108], %swap3A_111 {strides = array<i32>} : memref<128x128xf32, #tpu.memory_space<vmem>>, vector<1x16xf32>,
      %swap3A_112 = arith.index_cast %while3A_82 : i32 to index
      %swap3A_113 = arith.constant 96 : index
      %swap3A_114 = tpu.vector_load %arg8[%swap3A_112, %swap3A_113] {strides = array<i32>} : memref<128x128xf32, #tpu.memory_space<vmem>>, vector<1x16xf32>,
      %swap3A_115 = vector.shape_cast %swap3A_114 : vector<1x16xf32> to vector<16xf32>
      %swap3A_116 = vector.shape_cast %broadcast_in_dim3A_1 : vector<16xf32> to vector<1x16xf32>
      tpu.vector_store %arg8[%swap3A_112, %swap3A_113], %swap3A_116 {strides = array<i32>} : memref<128x128xf32, #tpu.memory_space<vmem>>, vector<1x16xf32>,
      %swap3A_117 = arith.index_cast %while3A_82 : i32 to index
      %swap3A_118 = arith.constant 112 : index
      %swap3A_119 = tpu.vector_load %arg8[%swap3A_117, %swap3A_118] {strides = array<i32>} : memref<128x128xf32, #tpu.memory_space<vmem>>, vector<1x16xf32>,
      %swap3A_120 = vector.shape_cast %swap3A_119 : vector<1x16xf32> to vector<16xf32>
      %swap3A_121 = vector.shape_cast %broadcast_in_dim3A_1 : vector<16xf32> to vector<1x16xf32>
      tpu.vector_store %arg8[%swap3A_117, %swap3A_118], %swap3A_121 {strides = array<i32>} : memref<128x128xf32, #tpu.memory_space<vmem>>, vector<1x16xf32>,
    }
    %while3A_11 = arith.constant 1 : i32
    scf.for %while3A_82 = %while3A_9 to %while3A_5 step %while3A_11  : i32 {
      %swap3A = arith.index_cast %while3A_82 : i32 to index
      %swap3A_83 = arith.constant 0 : index
      %swap3A_84 = tpu.vector_load %arg8[%swap3A, %swap3A_83] {strides = array<i32>} : memref<128x128xf32, #tpu.memory_space<vmem>>, vector<1x16xf32>,
      %swap3A_85 = vector.shape_cast %swap3A_84 : vector<1x16xf32> to vector<16xf32>
      %swap3A_86 = vector.shape_cast %broadcast_in_dim3A_1 : vector<16xf32> to vector<1x16xf32>
      tpu.vector_store %arg8[%swap3A, %swap3A_83], %swap3A_86 {strides = array<i32>} : memref<128x128xf32, #tpu.memory_space<vmem>>, vector<1x16xf32>,
      %swap3A_87 = arith.index_cast %while3A_82 : i32 to index
      %swap3A_88 = arith.constant 16 : index
      %swap3A_89 = tpu.vector_load %arg8[%swap3A_87, %swap3A_88] {strides = array<i32>} : memref<128x128xf32, #tpu.memory_space<vmem>>, vector<1x16xf32>,
      %swap3A_90 = vector.shape_cast %swap3A_89 : vector<1x16xf32> to vector<16xf32>
      %swap3A_91 = vector.shape_cast %broadcast_in_dim3A_1 : vector<16xf32> to vector<1x16xf32>
      tpu.vector_store %arg8[%swap3A_87, %swap3A_88], %swap3A_91 {strides = array<i32>} : memref<128x128xf32, #tpu.memory_space<vmem>>, vector<1x16xf32>,
      %swap3A_92 = arith.index_cast %while3A_82 : i32 to index
      %swap3A_93 = arith.constant 32 : index
      %swap3A_94 = tpu.vector_load %arg8[%swap3A_92, %swap3A_93] {strides = array<i32>} : memref<128x128xf32, #tpu.memory_space<vmem>>, vector<1x16xf32>,
      %swap3A_95 = vector.shape_cast %swap3A_94 : vector<1x16xf32> to vector<16xf32>
      %swap3A_96 = vector.shape_cast %broadcast_in_dim3A_1 : vector<16xf32> to vector<1x16xf32>
      tpu.vector_store %arg8[%swap3A_92, %swap3A_93], %swap3A_96 {strides = array<i32>} : memref<128x128xf32, #tpu.memory_space<vmem>>, vector<1x16xf32>,
      %swap3A_97 = arith.index_cast %while3A_82 : i32 to index
      %swap3A_98 = arith.constant 48 : index
      %swap3A_99 = tpu.vector_load %arg8[%swap3A_97, %swap3A_98] {strides = array<i32>} : memref<128x128xf32, #tpu.memory_space<vmem>>, vector<1x16xf32>,
      %swap3A_100 = vector.shape_cast %swap3A_99 : vector<1x16xf32> to vector<16xf32>
      %swap3A_101 = vector.shape_cast %broadcast_in_dim3A_1 : vector<16xf32> to vector<1x16xf32>
      tpu.vector_store %arg8[%swap3A_97, %swap3A_98], %swap3A_101 {strides = array<i32>} : memref<128x128xf32, #tpu.memory_space<vmem>>, vector<1x16xf32>,
      %swap3A_102 = arith.index_cast %while3A_82 : i32 to index
      %swap3A_103 = arith.constant 64 : index
      %swap3A_104 = tpu.vector_load %arg8[%swap3A_102, %swap3A_103] {strides = array<i32>} : memref<128x128xf32, #tpu.memory_space<vmem>>, vector<1x16xf32>,
      %swap3A_105 = vector.shape_cast %swap3A_104 : vector<1x16xf32> to vector<16xf32>
      %swap3A_106 = vector.shape_cast %broadcast_in_dim3A_1 : vector<16xf32> to vector<1x16xf32>
      tpu.vector_store %arg8[%swap3A_102, %swap3A_103], %swap3A_106 {strides = array<i32>} : memref<128x128xf32, #tpu.memory_space<vmem>>, vector<1x16xf32>,
      %swap3A_107 = arith.index_cast %while3A_82 : i32 to index
      %swap3A_108 = arith.constant 80 : index
      %swap3A_109 = tpu.vector_load %arg8[%swap3A_107, %swap3A_108] {strides = array<i32>} : memref<128x128xf32, #tpu.memory_space<vmem>>, vector<1x16xf32>,
      %swap3A_110 = vector.shape_cast %swap3A_109 : vector<1x16xf32> to vector<16xf32>
      %swap3A_111 = vector.shape_cast %broadcast_in_dim3A_1 : vector<16xf32> to vector<1x16xf32>
      tpu.vector_store %arg8[%swap3A_107, %swap3A_108], %swap3A_111 {strides = array<i32>} : memref<128x128xf32, #tpu.memory_space<vmem>>, vector<1x16xf32>,
      %swap3A_112 = arith.index_cast %while3A_82 : i32 to index
      %swap3A_113 = arith.constant 96 : index
      %swap3A_114 = tpu.vector_load %arg8[%swap3A_112, %swap3A_113] {strides = array<i32>} : memref<128x128xf32, #tpu.memory_space<vmem>>, vector<1x16xf32>,
      %swap3A_115 = vector.shape_cast %swap3A_114 : vector<1x16xf32> to vector<16xf32>
      %swap3A_116 = vector.shape_cast %broadcast_in_dim3A_1 : vector<16xf32> to vector<1x16xf32>
      tpu.vector_store %arg8[%swap3A_112, %swap3A_113], %swap3A_116 {strides = array<i32>} : memref<128x128xf32, #tpu.memory_space<vmem>>, vector<1x16xf32>,
      %swap3A_117 = arith.index_cast %while3A_82 : i32 to index
      %swap3A_118 = arith.constant 112 : index
      %swap3A_119 = tpu.vector_load %arg8[%swap3A_117, %swap3A_118] {strides = array<i32>} : memref<128x128xf32, #tpu.memory_space<vmem>>, vector<1x16xf32>,
      %swap3A_120 = vector.shape_cast %swap3A_119 : vector<1x16xf32> to vector<16xf32>
      %swap3A_121 = vector.shape_cast %broadcast_in_dim3A_1 : vector<16xf32> to vector<1x16xf32>
      tpu.vector_store %arg8[%swap3A_117, %swap3A_118], %swap3A_121 {strides = array<i32>} : memref<128x128xf32, #tpu.memory_space<vmem>>, vector<1x16xf32>,
    }
    %while3A_12 = arith.constant 0 : i32
    %while3A_13 = arith.constant 0 : i32
    %while3A_14 = arith.constant 40 : i32
    %while3A_15 = arith.subi %while3A_14, %while3A_13 : i32
    %while3A_16 = arith.addi %while3A_13, %while3A_15 : i32
    %while3A_17 = arith.constant 1 : i32
    %while3A_18 = arith.divsi %while3A_15, %while3A_17 : i32
    %while3A_19 = arith.muli %while3A_18, %while3A_17 : i32
    %while3A_20 = arith.addi %while3A_13, %while3A_19 : i32
    %while3A_21 = arith.constant 1 : i32
    scf.for %while3A_82 = %while3A_13 to %while3A_20 step %while3A_21  : i32 {
      %mul3A_83 = arith.constant 16 : i32
      %mul3A_84 = arith.muli %while3A_82, %mul3A_83 : i32
      %swap3A = arith.index_cast %mul3A_84 : i32 to index
      %swap3A_85 = tpu.vector_load %arg11[%swap3A] {strides = array<i32>} : memref<640xf32, #tpu.memory_space<vmem>>, vector<16xf32>,
      %swap3A_86 = vector.shape_cast %swap3A_85 : vector<16xf32> to vector<16xf32>
      %swap3A_87 = vector.shape_cast %broadcast_in_dim3A_1 : vector<16xf32> to vector<16xf32>
      tpu.vector_store %arg11[%swap3A], %swap3A_87 {strides = array<i32>} : memref<640xf32, #tpu.memory_space<vmem>>, vector<16xf32>,
    }
    %while3A_22 = arith.constant 1 : i32
    scf.for %while3A_82 = %while3A_20 to %while3A_16 step %while3A_22  : i32 {
      %mul3A_83 = arith.constant 16 : i32
      %mul3A_84 = arith.muli %while3A_82, %mul3A_83 : i32
      %swap3A = arith.index_cast %mul3A_84 : i32 to index
      %swap3A_85 = tpu.vector_load %arg11[%swap3A] {strides = array<i32>} : memref<640xf32, #tpu.memory_space<vmem>>, vector<16xf32>,
      %swap3A_86 = vector.shape_cast %swap3A_85 : vector<16xf32> to vector<16xf32>
      %swap3A_87 = vector.shape_cast %broadcast_in_dim3A_1 : vector<16xf32> to vector<16xf32>
      tpu.vector_store %arg11[%swap3A], %swap3A_87 {strides = array<i32>} : memref<640xf32, #tpu.memory_space<vmem>>, vector<16xf32>,
    }
    %while3A_23 = arith.constant 0 : i32
    %while3A_24 = arith.constant 0 : i32
    %while3A_25 = arith.constant 8 : i32
    %while3A_26 = arith.subi %while3A_25, %while3A_24 : i32
    %while3A_27 = arith.addi %while3A_24, %while3A_26 : i32
    %while3A_28 = arith.constant 1 : i32
    %while3A_29 = arith.divsi %while3A_26, %while3A_28 : i32
    %while3A_30 = arith.muli %while3A_29, %while3A_28 : i32
    %while3A_31 = arith.addi %while3A_24, %while3A_30 : i32
    %while3A_32 = arith.constant 1 : i32
    scf.for %while3A_82 = %while3A_24 to %while3A_31 step %while3A_32  : i32 {
      %broadcast_in_dim3A_83 = arith.constant 1.000000e+00 : f32
      %broadcast_in_dim3A_84 = vector.broadcast %broadcast_in_dim3A_83 : f32 to vector<16xf32>
      %mul3A_85 = arith.constant 16 : i32
      %mul3A_86 = arith.muli %while3A_82, %mul3A_85 : i32
      %swap3A = arith.index_cast %mul3A_86 : i32 to index
      %swap3A_87 = tpu.vector_load %arg10[%swap3A] {strides = array<i32>} : memref<128xf32, #tpu.memory_space<vmem>>, vector<16xf32>,
      %swap3A_88 = vector.shape_cast %swap3A_87 : vector<16xf32> to vector<16xf32>
      %swap3A_89 = vector.shape_cast %broadcast_in_dim3A_84 : vector<16xf32> to vector<16xf32>
      tpu.vector_store %arg10[%swap3A], %swap3A_89 {strides = array<i32>} : memref<128xf32, #tpu.memory_space<vmem>>, vector<16xf32>,
    }
    %while3A_33 = arith.constant 1 : i32
    scf.for %while3A_82 = %while3A_31 to %while3A_27 step %while3A_33  : i32 {
      %broadcast_in_dim3A_83 = arith.constant 1.000000e+00 : f32
      %broadcast_in_dim3A_84 = vector.broadcast %broadcast_in_dim3A_83 : f32 to vector<16xf32>
      %mul3A_85 = arith.constant 16 : i32
      %mul3A_86 = arith.muli %while3A_82, %mul3A_85 : i32
      %swap3A = arith.index_cast %mul3A_86 : i32 to index
      %swap3A_87 = tpu.vector_load %arg10[%swap3A] {strides = array<i32>} : memref<128xf32, #tpu.memory_space<vmem>>, vector<16xf32>,
      %swap3A_88 = vector.shape_cast %swap3A_87 : vector<16xf32> to vector<16xf32>
      %swap3A_89 = vector.shape_cast %broadcast_in_dim3A_84 : vector<16xf32> to vector<16xf32>
      tpu.vector_store %arg10[%swap3A], %swap3A_89 {strides = array<i32>} : memref<128xf32, #tpu.memory_space<vmem>>, vector<16xf32>,
    }
    %mul3A_34 = arith.constant 640 : i32
    %mul3A_35 = arith.muli %arg1, %mul3A_34 : i32
    %add3A_36 = arith.constant 0 : i32
    %add3A_37 = arith.addi %mul3A_35, %add3A_36 : i32
    "tpu.region"() ({
      %run_scoped3A = tpu.sem_alloc : memref<!tpu.dma_semaphore, #tpu.memory_space<semaphore_mem>>
      %dma_start3A_82 = arith.constant 0 : i32
      %dma_start3A_83 = arith.constant 0 : i32
      %dma_start3A_84 = tpu.memref_slice %arg8[%dma_start3A_82, %dma_start3A_83] : memref<128x128xf32, #tpu.memory_space<vmem>> -> memref<128x128xf32, #tpu.memory_space<vmem>>
      %dma_start3A_85 = arith.constant 0 : i32
      %dma_start3A_86 = tpu.memref_slice %arg12[%add3A_37, %dma_start3A_85] : memref<10240x128xf32, #tpu.memory_space<vmem_shared>> -> memref<128x128xf32, #tpu.memory_space<vmem_shared>>
      %dma_start3A_87 = arith.constant 0 : i32
      %dma_start3A_88 = tpu.memref_slice %arg12[%add3A_37, %dma_start3A_87] : memref<10240x128xf32, #tpu.memory_space<vmem_shared>> -> memref<128x128xf32, #tpu.memory_space<vmem_shared>>
      %dma_start3A_89 = arith.constant 0 : i32
      %dma_start3A_90 = arith.constant 0 : i32
      %dma_start3A_91 = tpu.memref_slice %arg8[%dma_start3A_89, %dma_start3A_90] : memref<128x128xf32, #tpu.memory_space<vmem>> -> memref<128x128xf32, #tpu.memory_space<vmem>>
      tpu.enqueue_dma source(%dma_start3A_91 : memref<128x128xf32, #tpu.memory_space<vmem>>) target(%dma_start3A_88 : memref<128x128xf32, #tpu.memory_space<vmem_shared>>) target_semaphore(%run_scoped3A : memref<!tpu.dma_semaphore, #tpu.memory_space<semaphore_mem>>)
      %dma_wait3A = arith.constant 0 : i32
      %dma_wait3A_92 = arith.constant 0 : i32
      %dma_wait3A_93 = tpu.memref_slice %arg8[%dma_wait3A, %dma_wait3A_92] : memref<128x128xf32, #tpu.memory_space<vmem>> -> memref<128x128xf32, #tpu.memory_space<vmem>>
      %dma_wait3A_94 = arith.constant 0 : i32
      %dma_wait3A_95 = tpu.memref_slice %arg12[%add3A_37, %dma_wait3A_94] : memref<10240x128xf32, #tpu.memory_space<vmem_shared>> -> memref<128x128xf32, #tpu.memory_space<vmem_shared>>
      %dma_wait3A_96 = arith.constant 0 : i32
      %dma_wait3A_97 = tpu.memref_slice %arg12[%add3A_37, %dma_wait3A_96] : memref<10240x128xf32, #tpu.memory_space<vmem_shared>> -> memref<128x128xf32, #tpu.memory_space<vmem_shared>>
      %dma_wait3A_98 = arith.constant 0 : i32
      %dma_wait3A_99 = arith.constant 0 : i32
      %dma_wait3A_100 = tpu.memref_slice %arg8[%dma_wait3A_98, %dma_wait3A_99] : memref<128x128xf32, #tpu.memory_space<vmem>> -> memref<128x128xf32, #tpu.memory_space<vmem>>
      tpu.wait_dma2 semaphore(%run_scoped3A : memref<!tpu.dma_semaphore, #tpu.memory_space<semaphore_mem>>) src(%dma_wait3A_100 : memref<128x128xf32, #tpu.memory_space<vmem>>) dst(%dma_wait3A_97 : memref<128x128xf32, #tpu.memory_space<vmem_shared>>)
      tpu.yield
    }) : () -> ()
    %add3A_38 = arith.constant 128 : i32
    %add3A_39 = arith.addi %mul3A_35, %add3A_38 : i32
    "tpu.region"() ({
      %run_scoped3A = tpu.sem_alloc : memref<!tpu.dma_semaphore, #tpu.memory_space<semaphore_mem>>
      %dma_start3A_82 = arith.constant 0 : i32
      %dma_start3A_83 = arith.constant 0 : i32
      %dma_start3A_84 = tpu.memref_slice %arg8[%dma_start3A_82, %dma_start3A_83] : memref<128x128xf32, #tpu.memory_space<vmem>> -> memref<128x128xf32, #tpu.memory_space<vmem>>
      %dma_start3A_85 = arith.constant 0 : i32
      %dma_start3A_86 = tpu.memref_slice %arg12[%add3A_39, %dma_start3A_85] : memref<10240x128xf32, #tpu.memory_space<vmem_shared>> -> memref<128x128xf32, #tpu.memory_space<vmem_shared>>
      %dma_start3A_87 = arith.constant 0 : i32
      %dma_start3A_88 = tpu.memref_slice %arg12[%add3A_39, %dma_start3A_87] : memref<10240x128xf32, #tpu.memory_space<vmem_shared>> -> memref<128x128xf32, #tpu.memory_space<vmem_shared>>
      %dma_start3A_89 = arith.constant 0 : i32
      %dma_start3A_90 = arith.constant 0 : i32
      %dma_start3A_91 = tpu.memref_slice %arg8[%dma_start3A_89, %dma_start3A_90] : memref<128x128xf32, #tpu.memory_space<vmem>> -> memref<128x128xf32, #tpu.memory_space<vmem>>
      tpu.enqueue_dma source(%dma_start3A_91 : memref<128x128xf32, #tpu.memory_space<vmem>>) target(%dma_start3A_88 : memref<128x128xf32, #tpu.memory_space<vmem_shared>>) target_semaphore(%run_scoped3A : memref<!tpu.dma_semaphore, #tpu.memory_space<semaphore_mem>>)
      %dma_wait3A = arith.constant 0 : i32
      %dma_wait3A_92 = arith.constant 0 : i32
      %dma_wait3A_93 = tpu.memref_slice %arg8[%dma_wait3A, %dma_wait3A_92] : memref<128x128xf32, #tpu.memory_space<vmem>> -> memref<128x128xf32, #tpu.memory_space<vmem>>
      %dma_wait3A_94 = arith.constant 0 : i32
      %dma_wait3A_95 = tpu.memref_slice %arg12[%add3A_39, %dma_wait3A_94] : memref<10240x128xf32, #tpu.memory_space<vmem_shared>> -> memref<128x128xf32, #tpu.memory_space<vmem_shared>>
      %dma_wait3A_96 = arith.constant 0 : i32
      %dma_wait3A_97 = tpu.memref_slice %arg12[%add3A_39, %dma_wait3A_96] : memref<10240x128xf32, #tpu.memory_space<vmem_shared>> -> memref<128x128xf32, #tpu.memory_space<vmem_shared>>
      %dma_wait3A_98 = arith.constant 0 : i32
      %dma_wait3A_99 = arith.constant 0 : i32
      %dma_wait3A_100 = tpu.memref_slice %arg8[%dma_wait3A_98, %dma_wait3A_99] : memref<128x128xf32, #tpu.memory_space<vmem>> -> memref<128x128xf32, #tpu.memory_space<vmem>>
      tpu.wait_dma2 semaphore(%run_scoped3A : memref<!tpu.dma_semaphore, #tpu.memory_space<semaphore_mem>>) src(%dma_wait3A_100 : memref<128x128xf32, #tpu.memory_space<vmem>>) dst(%dma_wait3A_97 : memref<128x128xf32, #tpu.memory_space<vmem_shared>>)
      tpu.yield
    }) : () -> ()
    %add3A_40 = arith.constant 256 : i32
    %add3A_41 = arith.addi %mul3A_35, %add3A_40 : i32
    "tpu.region"() ({
      %run_scoped3A = tpu.sem_alloc : memref<!tpu.dma_semaphore, #tpu.memory_space<semaphore_mem>>
      %dma_start3A_82 = arith.constant 0 : i32
      %dma_start3A_83 = arith.constant 0 : i32
      %dma_start3A_84 = tpu.memref_slice %arg8[%dma_start3A_82, %dma_start3A_83] : memref<128x128xf32, #tpu.memory_space<vmem>> -> memref<128x128xf32, #tpu.memory_space<vmem>>
      %dma_start3A_85 = arith.constant 0 : i32
      %dma_start3A_86 = tpu.memref_slice %arg12[%add3A_41, %dma_start3A_85] : memref<10240x128xf32, #tpu.memory_space<vmem_shared>> -> memref<128x128xf32, #tpu.memory_space<vmem_shared>>
      %dma_start3A_87 = arith.constant 0 : i32
      %dma_start3A_88 = tpu.memref_slice %arg12[%add3A_41, %dma_start3A_87] : memref<10240x128xf32, #tpu.memory_space<vmem_shared>> -> memref<128x128xf32, #tpu.memory_space<vmem_shared>>
      %dma_start3A_89 = arith.constant 0 : i32
      %dma_start3A_90 = arith.constant 0 : i32
      %dma_start3A_91 = tpu.memref_slice %arg8[%dma_start3A_89, %dma_start3A_90] : memref<128x128xf32, #tpu.memory_space<vmem>> -> memref<128x128xf32, #tpu.memory_space<vmem>>
      tpu.enqueue_dma source(%dma_start3A_91 : memref<128x128xf32, #tpu.memory_space<vmem>>) target(%dma_start3A_88 : memref<128x128xf32, #tpu.memory_space<vmem_shared>>) target_semaphore(%run_scoped3A : memref<!tpu.dma_semaphore, #tpu.memory_space<semaphore_mem>>)
      %dma_wait3A = arith.constant 0 : i32
      %dma_wait3A_92 = arith.constant 0 : i32
      %dma_wait3A_93 = tpu.memref_slice %arg8[%dma_wait3A, %dma_wait3A_92] : memref<128x128xf32, #tpu.memory_space<vmem>> -> memref<128x128xf32, #tpu.memory_space<vmem>>
      %dma_wait3A_94 = arith.constant 0 : i32
      %dma_wait3A_95 = tpu.memref_slice %arg12[%add3A_41, %dma_wait3A_94] : memref<10240x128xf32, #tpu.memory_space<vmem_shared>> -> memref<128x128xf32, #tpu.memory_space<vmem_shared>>
      %dma_wait3A_96 = arith.constant 0 : i32
      %dma_wait3A_97 = tpu.memref_slice %arg12[%add3A_41, %dma_wait3A_96] : memref<10240x128xf32, #tpu.memory_space<vmem_shared>> -> memref<128x128xf32, #tpu.memory_space<vmem_shared>>
      %dma_wait3A_98 = arith.constant 0 : i32
      %dma_wait3A_99 = arith.constant 0 : i32
      %dma_wait3A_100 = tpu.memref_slice %arg8[%dma_wait3A_98, %dma_wait3A_99] : memref<128x128xf32, #tpu.memory_space<vmem>> -> memref<128x128xf32, #tpu.memory_space<vmem>>
      tpu.wait_dma2 semaphore(%run_scoped3A : memref<!tpu.dma_semaphore, #tpu.memory_space<semaphore_mem>>) src(%dma_wait3A_100 : memref<128x128xf32, #tpu.memory_space<vmem>>) dst(%dma_wait3A_97 : memref<128x128xf32, #tpu.memory_space<vmem_shared>>)
      tpu.yield
    }) : () -> ()
    %add3A_42 = arith.constant 384 : i32
    %add3A_43 = arith.addi %mul3A_35, %add3A_42 : i32
    "tpu.region"() ({
      %run_scoped3A = tpu.sem_alloc : memref<!tpu.dma_semaphore, #tpu.memory_space<semaphore_mem>>
      %dma_start3A_82 = arith.constant 0 : i32
      %dma_start3A_83 = arith.constant 0 : i32
      %dma_start3A_84 = tpu.memref_slice %arg8[%dma_start3A_82, %dma_start3A_83] : memref<128x128xf32, #tpu.memory_space<vmem>> -> memref<128x128xf32, #tpu.memory_space<vmem>>
      %dma_start3A_85 = arith.constant 0 : i32
      %dma_start3A_86 = tpu.memref_slice %arg12[%add3A_43, %dma_start3A_85] : memref<10240x128xf32, #tpu.memory_space<vmem_shared>> -> memref<128x128xf32, #tpu.memory_space<vmem_shared>>
      %dma_start3A_87 = arith.constant 0 : i32
      %dma_start3A_88 = tpu.memref_slice %arg12[%add3A_43, %dma_start3A_87] : memref<10240x128xf32, #tpu.memory_space<vmem_shared>> -> memref<128x128xf32, #tpu.memory_space<vmem_shared>>
      %dma_start3A_89 = arith.constant 0 : i32
      %dma_start3A_90 = arith.constant 0 : i32
      %dma_start3A_91 = tpu.memref_slice %arg8[%dma_start3A_89, %dma_start3A_90] : memref<128x128xf32, #tpu.memory_space<vmem>> -> memref<128x128xf32, #tpu.memory_space<vmem>>
      tpu.enqueue_dma source(%dma_start3A_91 : memref<128x128xf32, #tpu.memory_space<vmem>>) target(%dma_start3A_88 : memref<128x128xf32, #tpu.memory_space<vmem_shared>>) target_semaphore(%run_scoped3A : memref<!tpu.dma_semaphore, #tpu.memory_space<semaphore_mem>>)
      %dma_wait3A = arith.constant 0 : i32
      %dma_wait3A_92 = arith.constant 0 : i32
      %dma_wait3A_93 = tpu.memref_slice %arg8[%dma_wait3A, %dma_wait3A_92] : memref<128x128xf32, #tpu.memory_space<vmem>> -> memref<128x128xf32, #tpu.memory_space<vmem>>
      %dma_wait3A_94 = arith.constant 0 : i32
      %dma_wait3A_95 = tpu.memref_slice %arg12[%add3A_43, %dma_wait3A_94] : memref<10240x128xf32, #tpu.memory_space<vmem_shared>> -> memref<128x128xf32, #tpu.memory_space<vmem_shared>>
      %dma_wait3A_96 = arith.constant 0 : i32
      %dma_wait3A_97 = tpu.memref_slice %arg12[%add3A_43, %dma_wait3A_96] : memref<10240x128xf32, #tpu.memory_space<vmem_shared>> -> memref<128x128xf32, #tpu.memory_space<vmem_shared>>
      %dma_wait3A_98 = arith.constant 0 : i32
      %dma_wait3A_99 = arith.constant 0 : i32
      %dma_wait3A_100 = tpu.memref_slice %arg8[%dma_wait3A_98, %dma_wait3A_99] : memref<128x128xf32, #tpu.memory_space<vmem>> -> memref<128x128xf32, #tpu.memory_space<vmem>>
      tpu.wait_dma2 semaphore(%run_scoped3A : memref<!tpu.dma_semaphore, #tpu.memory_space<semaphore_mem>>) src(%dma_wait3A_100 : memref<128x128xf32, #tpu.memory_space<vmem>>) dst(%dma_wait3A_97 : memref<128x128xf32, #tpu.memory_space<vmem_shared>>)
      tpu.yield
    }) : () -> ()
    %add3A_44 = arith.constant 512 : i32
    %add3A_45 = arith.addi %mul3A_35, %add3A_44 : i32
    "tpu.region"() ({
      %run_scoped3A = tpu.sem_alloc : memref<!tpu.dma_semaphore, #tpu.memory_space<semaphore_mem>>
      %dma_start3A_82 = arith.constant 0 : i32
      %dma_start3A_83 = arith.constant 0 : i32
      %dma_start3A_84 = tpu.memref_slice %arg8[%dma_start3A_82, %dma_start3A_83] : memref<128x128xf32, #tpu.memory_space<vmem>> -> memref<128x128xf32, #tpu.memory_space<vmem>>
      %dma_start3A_85 = arith.constant 0 : i32
      %dma_start3A_86 = tpu.memref_slice %arg12[%add3A_45, %dma_start3A_85] : memref<10240x128xf32, #tpu.memory_space<vmem_shared>> -> memref<128x128xf32, #tpu.memory_space<vmem_shared>>
      %dma_start3A_87 = arith.constant 0 : i32
      %dma_start3A_88 = tpu.memref_slice %arg12[%add3A_45, %dma_start3A_87] : memref<10240x128xf32, #tpu.memory_space<vmem_shared>> -> memref<128x128xf32, #tpu.memory_space<vmem_shared>>
      %dma_start3A_89 = arith.constant 0 : i32
      %dma_start3A_90 = arith.constant 0 : i32
      %dma_start3A_91 = tpu.memref_slice %arg8[%dma_start3A_89, %dma_start3A_90] : memref<128x128xf32, #tpu.memory_space<vmem>> -> memref<128x128xf32, #tpu.memory_space<vmem>>
      tpu.enqueue_dma source(%dma_start3A_91 : memref<128x128xf32, #tpu.memory_space<vmem>>) target(%dma_start3A_88 : memref<128x128xf32, #tpu.memory_space<vmem_shared>>) target_semaphore(%run_scoped3A : memref<!tpu.dma_semaphore, #tpu.memory_space<semaphore_mem>>)
      %dma_wait3A = arith.constant 0 : i32
      %dma_wait3A_92 = arith.constant 0 : i32
      %dma_wait3A_93 = tpu.memref_slice %arg8[%dma_wait3A, %dma_wait3A_92] : memref<128x128xf32, #tpu.memory_space<vmem>> -> memref<128x128xf32, #tpu.memory_space<vmem>>
      %dma_wait3A_94 = arith.constant 0 : i32
      %dma_wait3A_95 = tpu.memref_slice %arg12[%add3A_45, %dma_wait3A_94] : memref<10240x128xf32, #tpu.memory_space<vmem_shared>> -> memref<128x128xf32, #tpu.memory_space<vmem_shared>>
      %dma_wait3A_96 = arith.constant 0 : i32
      %dma_wait3A_97 = tpu.memref_slice %arg12[%add3A_45, %dma_wait3A_96] : memref<10240x128xf32, #tpu.memory_space<vmem_shared>> -> memref<128x128xf32, #tpu.memory_space<vmem_shared>>
      %dma_wait3A_98 = arith.constant 0 : i32
      %dma_wait3A_99 = arith.constant 0 : i32
      %dma_wait3A_100 = tpu.memref_slice %arg8[%dma_wait3A_98, %dma_wait3A_99] : memref<128x128xf32, #tpu.memory_space<vmem>> -> memref<128x128xf32, #tpu.memory_space<vmem>>
      tpu.wait_dma2 semaphore(%run_scoped3A : memref<!tpu.dma_semaphore, #tpu.memory_space<semaphore_mem>>) src(%dma_wait3A_100 : memref<128x128xf32, #tpu.memory_space<vmem>>) dst(%dma_wait3A_97 : memref<128x128xf32, #tpu.memory_space<vmem_shared>>)
      tpu.yield
    }) : () -> ()
    "tpu.region"() ({
      %run_scoped3A = tpu.sem_alloc : memref<!tpu.dma_semaphore, #tpu.memory_space<semaphore_mem>>
      %dma_start3A_82 = tpu.memref_slice %arg13[%mul3A_35] : memref<10240xf32, #tpu.memory_space<vmem_shared>> -> memref<640xf32, #tpu.memory_space<vmem_shared>>
      %dma_start3A_83 = tpu.memref_slice %arg13[%mul3A_35] : memref<10240xf32, #tpu.memory_space<vmem_shared>> -> memref<640xf32, #tpu.memory_space<vmem_shared>>
      tpu.enqueue_dma source(%arg11 : memref<640xf32, #tpu.memory_space<vmem>>) target(%dma_start3A_83 : memref<640xf32, #tpu.memory_space<vmem_shared>>) target_semaphore(%run_scoped3A : memref<!tpu.dma_semaphore, #tpu.memory_space<semaphore_mem>>)
      %dma_wait3A = tpu.memref_slice %arg13[%mul3A_35] : memref<10240xf32, #tpu.memory_space<vmem_shared>> -> memref<640xf32, #tpu.memory_space<vmem_shared>>
      %dma_wait3A_84 = tpu.memref_slice %arg13[%mul3A_35] : memref<10240xf32, #tpu.memory_space<vmem_shared>> -> memref<640xf32, #tpu.memory_space<vmem_shared>>
      tpu.wait_dma2 semaphore(%run_scoped3A : memref<!tpu.dma_semaphore, #tpu.memory_space<semaphore_mem>>) src(%arg11 : memref<640xf32, #tpu.memory_space<vmem>>) dst(%dma_wait3A_84 : memref<640xf32, #tpu.memory_space<vmem_shared>>)
      tpu.yield
    }) : () -> ()
    "tpu.region"() ({
      %run_scoped3A = tpu.sem_alloc : memref<!tpu.dma_semaphore, #tpu.memory_space<semaphore_mem>>
      %dma_start3A_82 = arith.constant 0 : i32
      %dma_start3A_83 = arith.constant 0 : i32
      %dma_start3A_84 = tpu.memref_slice %arg3[%add3A, %dma_start3A_82, %dma_start3A_83] : memref<32x160x128xi32, #tpu.memory_space<hbm>> -> memref<1x16x128xi32, #tpu.memory_space<hbm>>
      %dma_start3A_85 = tpu.memref_squeeze %dma_start3A_84 : memref<1x16x128xi32, #tpu.memory_space<hbm>> -> memref<16x128xi32, #tpu.memory_space<hbm>>
      %dma_start3A_86 = arith.constant 0 : i32
      %dma_start3A_87 = arith.constant 0 : i32
      %dma_start3A_88 = tpu.memref_slice %arg3[%add3A, %dma_start3A_86, %dma_start3A_87] : memref<32x160x128xi32, #tpu.memory_space<hbm>> -> memref<1x16x128xi32, #tpu.memory_space<hbm>>
      %dma_start3A_89 = tpu.memref_squeeze %dma_start3A_88 : memref<1x16x128xi32, #tpu.memory_space<hbm>> -> memref<16x128xi32, #tpu.memory_space<hbm>>
      tpu.enqueue_dma source(%dma_start3A_89 : memref<16x128xi32, #tpu.memory_space<hbm>>) target(%arg6 : memref<16x128xi32, #tpu.memory_space<vmem>>) target_semaphore(%run_scoped3A : memref<!tpu.dma_semaphore, #tpu.memory_space<semaphore_mem>>)
      %dma_wait3A = arith.constant 0 : i32
      %dma_wait3A_90 = arith.constant 0 : i32
      %dma_wait3A_91 = tpu.memref_slice %arg3[%add3A, %dma_wait3A, %dma_wait3A_90] : memref<32x160x128xi32, #tpu.memory_space<hbm>> -> memref<1x16x128xi32, #tpu.memory_space<hbm>>
      %dma_wait3A_92 = tpu.memref_squeeze %dma_wait3A_91 : memref<1x16x128xi32, #tpu.memory_space<hbm>> -> memref<16x128xi32, #tpu.memory_space<hbm>>
      %dma_wait3A_93 = arith.constant 0 : i32
      %dma_wait3A_94 = arith.constant 0 : i32
      %dma_wait3A_95 = tpu.memref_slice %arg3[%add3A, %dma_wait3A_93, %dma_wait3A_94] : memref<32x160x128xi32, #tpu.memory_space<hbm>> -> memref<1x16x128xi32, #tpu.memory_space<hbm>>
      %dma_wait3A_96 = tpu.memref_squeeze %dma_wait3A_95 : memref<1x16x128xi32, #tpu.memory_space<hbm>> -> memref<16x128xi32, #tpu.memory_space<hbm>>
      tpu.wait_dma2 semaphore(%run_scoped3A : memref<!tpu.dma_semaphore, #tpu.memory_space<semaphore_mem>>) src(%dma_wait3A_96 : memref<16x128xi32, #tpu.memory_space<hbm>>) dst(%arg6 : memref<16x128xi32, #tpu.memory_space<vmem>>)
      tpu.yield
    }) : () -> ()
    %dma_start3A = arith.constant 16 : i32
    %dma_start3A_46 = arith.constant 0 : i32
    %dma_start3A_47 = tpu.memref_slice %arg3[%add3A, %dma_start3A, %dma_start3A_46] : memref<32x160x128xi32, #tpu.memory_space<hbm>> -> memref<1x16x128xi32, #tpu.memory_space<hbm>>
    %dma_start3A_48 = tpu.memref_squeeze %dma_start3A_47 : memref<1x16x128xi32, #tpu.memory_space<hbm>> -> memref<16x128xi32, #tpu.memory_space<hbm>>
    %dma_start3A_49 = arith.constant 16 : i32
    %dma_start3A_50 = arith.constant 0 : i32
    %dma_start3A_51 = tpu.memref_slice %arg3[%add3A, %dma_start3A_49, %dma_start3A_50] : memref<32x160x128xi32, #tpu.memory_space<hbm>> -> memref<1x16x128xi32, #tpu.memory_space<hbm>>
    %dma_start3A_52 = tpu.memref_squeeze %dma_start3A_51 : memref<1x16x128xi32, #tpu.memory_space<hbm>> -> memref<16x128xi32, #tpu.memory_space<hbm>>
    tpu.enqueue_dma source(%dma_start3A_52 : memref<16x128xi32, #tpu.memory_space<hbm>>) target(%arg7 : memref<16x128xi32, #tpu.memory_space<vmem>>) target_semaphore(%arg16 : memref<!tpu.dma_semaphore, #tpu.memory_space<semaphore_mem>>)
    %dma_start3A_53 = arith.constant 0 : i32
    %dma_start3A_54 = arith.constant 0 : i32
    %dma_start3A_55 = tpu.memref_slice %arg6[%dma_start3A_53, %dma_start3A_54] : memref<16x128xi32, #tpu.memory_space<vmem>> -> memref<1x128xi32, #tpu.memory_space<vmem>>
    %dma_start3A_56 = tpu.memref_squeeze %dma_start3A_55 : memref<1x128xi32, #tpu.memory_space<vmem>> -> memref<128xi32, #tpu.memory_space<vmem>>
    %dma_start3A_57 = arith.constant 0 : i32
    %dma_start3A_58 = arith.constant 0 : i32
    %dma_start3A_59 = tpu.memref_slice %arg2[%dma_start3A_57, %dma_start3A_58] : memref<10000x128xf32, #tpu.memory_space<hbm>> -> memref<10000x128xf32, #tpu.memory_space<hbm>>
    tpu.enqueue_indirect_dma source(%dma_start3A_59 : memref<10000x128xf32, #tpu.memory_space<hbm>>) target(%arg8 : memref<128x128xf32, #tpu.memory_space<vmem>>) offsets(%dma_start3A_56 : memref<128xi32, #tpu.memory_space<vmem>>) semaphore(%arg14 : memref<!tpu.dma_semaphore, #tpu.memory_space<semaphore_mem>>)
    %dma_start3A_60 = arith.constant 2 : i32
    %dma_start3A_61 = arith.constant 0 : i32
    %dma_start3A_62 = tpu.memref_slice %arg6[%dma_start3A_60, %dma_start3A_61] : memref<16x128xi32, #tpu.memory_space<vmem>> -> memref<1x128xi32, #tpu.memory_space<vmem>>
    %dma_start3A_63 = tpu.memref_squeeze %dma_start3A_62 : memref<1x128xi32, #tpu.memory_space<vmem>> -> memref<128xi32, #tpu.memory_space<vmem>>
    %dma_start3A_64 = arith.constant 0 : i32
    %dma_start3A_65 = arith.constant 0 : i32
    %dma_start3A_66 = tpu.memref_slice %arg2[%dma_start3A_64, %dma_start3A_65] : memref<10000x128xf32, #tpu.memory_space<hbm>> -> memref<10000x128xf32, #tpu.memory_space<hbm>>
    tpu.enqueue_indirect_dma source(%dma_start3A_66 : memref<10000x128xf32, #tpu.memory_space<hbm>>) target(%arg9 : memref<128x128xf32, #tpu.memory_space<vmem>>) offsets(%dma_start3A_63 : memref<128xi32, #tpu.memory_space<vmem>>) semaphore(%arg15 : memref<!tpu.dma_semaphore, #tpu.memory_space<semaphore_mem>>)
    %barrier3A = arith.constant 0 : index
    tpu.barrier barrier_id(%barrier3A)
    %while3A_67 = arith.constant 0 : i32
    %while3A_68 = arith.constant 0 : i32
    %while3A_69 = arith.constant 5 : i32
    %while3A_70 = arith.subi %while3A_69, %while3A_68 : i32
    %while3A_71 = arith.addi %while3A_68, %while3A_70 : i32
    %while3A_72 = arith.constant 1 : i32
    %while3A_73 = arith.divsi %while3A_70, %while3A_72 : i32
    %while3A_74 = arith.muli %while3A_73, %while3A_72 : i32
    %while3A_75 = arith.addi %while3A_68, %while3A_74 : i32
    %while3A_76 = arith.constant 1 : i32
    scf.for %while3A_82 = %while3A_68 to %while3A_75 step %while3A_76  : i32 {
      %mul3A_83 = arith.constant 32 : i32
      %mul3A_84 = arith.muli %while3A_82, %mul3A_83 : i32
      %add3A_85 = arith.constant 16 : i32
      %add3A_86 = arith.addi %mul3A_84, %add3A_85 : i32
      %add3A_87 = arith.constant 32 : i32
      %add3A_88 = arith.addi %mul3A_84, %add3A_87 : i32
      %lt3A = arith.constant 4 : i32
      %lt3A_89 = arith.cmpi slt, %while3A_82, %lt3A : i32
      %dma_wait3A = arith.constant 0 : i32
      %dma_wait3A_90 = arith.constant 0 : i32
      %dma_wait3A_91 = tpu.memref_slice %arg6[%dma_wait3A, %dma_wait3A_90] : memref<16x128xi32, #tpu.memory_space<vmem>> -> memref<1x128xi32, #tpu.memory_space<vmem>>
      %dma_wait3A_92 = tpu.memref_squeeze %dma_wait3A_91 : memref<1x128xi32, #tpu.memory_space<vmem>> -> memref<128xi32, #tpu.memory_space<vmem>>
      %dma_wait3A_93 = arith.constant 0 : i32
      %dma_wait3A_94 = arith.constant 0 : i32
      %dma_wait3A_95 = tpu.memref_slice %arg2[%dma_wait3A_93, %dma_wait3A_94] : memref<10000x128xf32, #tpu.memory_space<hbm>> -> memref<10000x128xf32, #tpu.memory_space<hbm>>
      tpu.wait_indirect_dma semaphore(%arg14 : memref<!tpu.dma_semaphore, #tpu.memory_space<semaphore_mem>>) src(%dma_wait3A_95 : memref<10000x128xf32, #tpu.memory_space<hbm>>) dst(%arg8 : memref<128x128xf32, #tpu.memory_space<vmem>>)
      %run_scoped3A = arith.constant 1 : i32
      "tpu.region"() ({
        %run_scoped3A_319 = tpu.sem_alloc : memref<!tpu.dma_semaphore, #tpu.memory_space<semaphore_mem>>
        %dma_start3A_320 = arith.constant 0 : i32
        %dma_start3A_321 = tpu.memref_slice %arg6[%run_scoped3A, %dma_start3A_320] : memref<16x128xi32, #tpu.memory_space<vmem>> -> memref<1x128xi32, #tpu.memory_space<vmem>>
        %dma_start3A_322 = tpu.memref_squeeze %dma_start3A_321 : memref<1x128xi32, #tpu.memory_space<vmem>> -> memref<128xi32, #tpu.memory_space<vmem>>
        %dma_start3A_323 = arith.constant 0 : i32
        %dma_start3A_324 = arith.constant 0 : i32
        %dma_start3A_325 = tpu.memref_slice %arg12[%dma_start3A_323, %dma_start3A_324] : memref<10240x128xf32, #tpu.memory_space<vmem_shared>> -> memref<10240x128xf32, #tpu.memory_space<vmem_shared>>
        tpu.enqueue_indirect_dma source(%arg8 : memref<128x128xf32, #tpu.memory_space<vmem>>) target(%dma_start3A_325 : memref<10240x128xf32, #tpu.memory_space<vmem_shared>>) offsets(%dma_start3A_322 : memref<128xi32, #tpu.memory_space<vmem>>) semaphore(%run_scoped3A_319 : memref<!tpu.dma_semaphore, #tpu.memory_space<semaphore_mem>>) {add = true}
        %dma_wait3A_326 = arith.constant 0 : i32
        %dma_wait3A_327 = tpu.memref_slice %arg6[%run_scoped3A, %dma_wait3A_326] : memref<16x128xi32, #tpu.memory_space<vmem>> -> memref<1x128xi32, #tpu.memory_space<vmem>>
        %dma_wait3A_328 = tpu.memref_squeeze %dma_wait3A_327 : memref<1x128xi32, #tpu.memory_space<vmem>> -> memref<128xi32, #tpu.memory_space<vmem>>
        %dma_wait3A_329 = arith.constant 0 : i32
        %dma_wait3A_330 = arith.constant 0 : i32
        %dma_wait3A_331 = tpu.memref_slice %arg12[%dma_wait3A_329, %dma_wait3A_330] : memref<10240x128xf32, #tpu.memory_space<vmem_shared>> -> memref<10240x128xf32, #tpu.memory_space<vmem_shared>>
        tpu.wait_indirect_dma semaphore(%run_scoped3A_319 : memref<!tpu.dma_semaphore, #tpu.memory_space<semaphore_mem>>) src(%arg8 : memref<128x128xf32, #tpu.memory_space<vmem>>) dst(%dma_wait3A_331 : memref<10240x128xf32, #tpu.memory_space<vmem_shared>>)
        tpu.yield
      }) : () -> ()
      %dma_start3A_96 = arith.constant 1 : i32
      %dma_start3A_97 = arith.constant 0 : i32
      %dma_start3A_98 = tpu.memref_slice %arg6[%dma_start3A_96, %dma_start3A_97] : memref<16x128xi32, #tpu.memory_space<vmem>> -> memref<1x128xi32, #tpu.memory_space<vmem>>
      %dma_start3A_99 = tpu.memref_squeeze %dma_start3A_98 : memref<1x128xi32, #tpu.memory_space<vmem>> -> memref<128xi32, #tpu.memory_space<vmem>>
      %dma_start3A_100 = arith.constant 0 : i32
      %dma_start3A_101 = tpu.memref_slice %arg13[%dma_start3A_100] : memref<10240xf32, #tpu.memory_space<vmem_shared>> -> memref<10240xf32, #tpu.memory_space<vmem_shared>>
      tpu.enqueue_indirect_dma source(%arg10 : memref<128xf32, #tpu.memory_space<vmem>>) target(%dma_start3A_101 : memref<10240xf32, #tpu.memory_space<vmem_shared>>) offsets(%dma_start3A_99 : memref<128xi32, #tpu.memory_space<vmem>>) semaphore(%arg17 : memref<!tpu.dma_semaphore, #tpu.memory_space<semaphore_mem>>) {add = true}
      %dma_start3A_102 = arith.constant 4 : i32
      %dma_start3A_103 = arith.constant 0 : i32
      %dma_start3A_104 = tpu.memref_slice %arg6[%dma_start3A_102, %dma_start3A_103] : memref<16x128xi32, #tpu.memory_space<vmem>> -> memref<1x128xi32, #tpu.memory_space<vmem>>
      %dma_start3A_105 = tpu.memref_squeeze %dma_start3A_104 : memref<1x128xi32, #tpu.memory_space<vmem>> -> memref<128xi32, #tpu.memory_space<vmem>>
      %dma_start3A_106 = arith.constant 0 : i32
      %dma_start3A_107 = arith.constant 0 : i32
      %dma_start3A_108 = tpu.memref_slice %arg2[%dma_start3A_106, %dma_start3A_107] : memref<10000x128xf32, #tpu.memory_space<hbm>> -> memref<10000x128xf32, #tpu.memory_space<hbm>>
      tpu.enqueue_indirect_dma source(%dma_start3A_108 : memref<10000x128xf32, #tpu.memory_space<hbm>>) target(%arg8 : memref<128x128xf32, #tpu.memory_space<vmem>>) offsets(%dma_start3A_105 : memref<128xi32, #tpu.memory_space<vmem>>) semaphore(%arg14 : memref<!tpu.dma_semaphore, #tpu.memory_space<semaphore_mem>>)
      %dma_wait3A_109 = arith.constant 2 : i32
      %dma_wait3A_110 = arith.constant 0 : i32
      %dma_wait3A_111 = tpu.memref_slice %arg6[%dma_wait3A_109, %dma_wait3A_110] : memref<16x128xi32, #tpu.memory_space<vmem>> -> memref<1x128xi32, #tpu.memory_space<vmem>>
      %dma_wait3A_112 = tpu.memref_squeeze %dma_wait3A_111 : memref<1x128xi32, #tpu.memory_space<vmem>> -> memref<128xi32, #tpu.memory_space<vmem>>
      %dma_wait3A_113 = arith.constant 0 : i32
      %dma_wait3A_114 = arith.constant 0 : i32
      %dma_wait3A_115 = tpu.memref_slice %arg2[%dma_wait3A_113, %dma_wait3A_114] : memref<10000x128xf32, #tpu.memory_space<hbm>> -> memref<10000x128xf32, #tpu.memory_space<hbm>>
      tpu.wait_indirect_dma semaphore(%arg15 : memref<!tpu.dma_semaphore, #tpu.memory_space<semaphore_mem>>) src(%dma_wait3A_115 : memref<10000x128xf32, #tpu.memory_space<hbm>>) dst(%arg9 : memref<128x128xf32, #tpu.memory_space<vmem>>)
      %run_scoped3A_116 = arith.constant 3 : i32
      "tpu.region"() ({
        %run_scoped3A_319 = tpu.sem_alloc : memref<!tpu.dma_semaphore, #tpu.memory_space<semaphore_mem>>
        %dma_start3A_320 = arith.constant 0 : i32
        %dma_start3A_321 = tpu.memref_slice %arg6[%run_scoped3A_116, %dma_start3A_320] : memref<16x128xi32, #tpu.memory_space<vmem>> -> memref<1x128xi32, #tpu.memory_space<vmem>>
        %dma_start3A_322 = tpu.memref_squeeze %dma_start3A_321 : memref<1x128xi32, #tpu.memory_space<vmem>> -> memref<128xi32, #tpu.memory_space<vmem>>
        %dma_start3A_323 = arith.constant 0 : i32
        %dma_start3A_324 = arith.constant 0 : i32
        %dma_start3A_325 = tpu.memref_slice %arg12[%dma_start3A_323, %dma_start3A_324] : memref<10240x128xf32, #tpu.memory_space<vmem_shared>> -> memref<10240x128xf32, #tpu.memory_space<vmem_shared>>
        tpu.enqueue_indirect_dma source(%arg9 : memref<128x128xf32, #tpu.memory_space<vmem>>) target(%dma_start3A_325 : memref<10240x128xf32, #tpu.memory_space<vmem_shared>>) offsets(%dma_start3A_322 : memref<128xi32, #tpu.memory_space<vmem>>) semaphore(%run_scoped3A_319 : memref<!tpu.dma_semaphore, #tpu.memory_space<semaphore_mem>>) {add = true}
        %dma_wait3A_326 = arith.constant 0 : i32
        %dma_wait3A_327 = tpu.memref_slice %arg6[%run_scoped3A_116, %dma_wait3A_326] : memref<16x128xi32, #tpu.memory_space<vmem>> -> memref<1x128xi32, #tpu.memory_space<vmem>>
        %dma_wait3A_328 = tpu.memref_squeeze %dma_wait3A_327 : memref<1x128xi32, #tpu.memory_space<vmem>> -> memref<128xi32, #tpu.memory_space<vmem>>
        %dma_wait3A_329 = arith.constant 0 : i32
        %dma_wait3A_330 = arith.constant 0 : i32
        %dma_wait3A_331 = tpu.memref_slice %arg12[%dma_wait3A_329, %dma_wait3A_330] : memref<10240x128xf32, #tpu.memory_space<vmem_shared>> -> memref<10240x128xf32, #tpu.memory_space<vmem_shared>>
        tpu.wait_indirect_dma semaphore(%run_scoped3A_319 : memref<!tpu.dma_semaphore, #tpu.memory_space<semaphore_mem>>) src(%arg9 : memref<128x128xf32, #tpu.memory_space<vmem>>) dst(%dma_wait3A_331 : memref<10240x128xf32, #tpu.memory_space<vmem_shared>>)
        tpu.yield
      }) : () -> ()
      %dma_start3A_117 = arith.constant 3 : i32
      %dma_start3A_118 = arith.constant 0 : i32
      %dma_start3A_119 = tpu.memref_slice %arg6[%dma_start3A_117, %dma_start3A_118] : memref<16x128xi32, #tpu.memory_space<vmem>> -> memref<1x128xi32, #tpu.memory_space<vmem>>
      %dma_start3A_120 = tpu.memref_squeeze %dma_start3A_119 : memref<1x128xi32, #tpu.memory_space<vmem>> -> memref<128xi32, #tpu.memory_space<vmem>>
      %dma_start3A_121 = arith.constant 0 : i32
      %dma_start3A_122 = tpu.memref_slice %arg13[%dma_start3A_121] : memref<10240xf32, #tpu.memory_space<vmem_shared>> -> memref<10240xf32, #tpu.memory_space<vmem_shared>>
      tpu.enqueue_indirect_dma source(%arg10 : memref<128xf32, #tpu.memory_space<vmem>>) target(%dma_start3A_122 : memref<10240xf32, #tpu.memory_space<vmem_shared>>) offsets(%dma_start3A_120 : memref<128xi32, #tpu.memory_space<vmem>>) semaphore(%arg17 : memref<!tpu.dma_semaphore, #tpu.memory_space<semaphore_mem>>) {add = true}
      %dma_start3A_123 = arith.constant 6 : i32
      %dma_start3A_124 = arith.constant 0 : i32
      %dma_start3A_125 = tpu.memref_slice %arg6[%dma_start3A_123, %dma_start3A_124] : memref<16x128xi32, #tpu.memory_space<vmem>> -> memref<1x128xi32, #tpu.memory_space<vmem>>
      %dma_start3A_126 = tpu.memref_squeeze %dma_start3A_125 : memref<1x128xi32, #tpu.memory_space<vmem>> -> memref<128xi32, #tpu.memory_space<vmem>>
      %dma_start3A_127 = arith.constant 0 : i32
      %dma_start3A_128 = arith.constant 0 : i32
      %dma_start3A_129 = tpu.memref_slice %arg2[%dma_start3A_127, %dma_start3A_128] : memref<10000x128xf32, #tpu.memory_space<hbm>> -> memref<10000x128xf32, #tpu.memory_space<hbm>>
      tpu.enqueue_indirect_dma source(%dma_start3A_129 : memref<10000x128xf32, #tpu.memory_space<hbm>>) target(%arg9 : memref<128x128xf32, #tpu.memory_space<vmem>>) offsets(%dma_start3A_126 : memref<128xi32, #tpu.memory_space<vmem>>) semaphore(%arg15 : memref<!tpu.dma_semaphore, #tpu.memory_space<semaphore_mem>>)
      %dma_wait3A_130 = arith.constant 4 : i32
      %dma_wait3A_131 = arith.constant 0 : i32
      %dma_wait3A_132 = tpu.memref_slice %arg6[%dma_wait3A_130, %dma_wait3A_131] : memref<16x128xi32, #tpu.memory_space<vmem>> -> memref<1x128xi32, #tpu.memory_space<vmem>>
      %dma_wait3A_133 = tpu.memref_squeeze %dma_wait3A_132 : memref<1x128xi32, #tpu.memory_space<vmem>> -> memref<128xi32, #tpu.memory_space<vmem>>
      %dma_wait3A_134 = arith.constant 0 : i32
      %dma_wait3A_135 = arith.constant 0 : i32
      %dma_wait3A_136 = tpu.memref_slice %arg2[%dma_wait3A_134, %dma_wait3A_135] : memref<10000x128xf32, #tpu.memory_space<hbm>> -> memref<10000x128xf32, #tpu.memory_space<hbm>>
      tpu.wait_indirect_dma semaphore(%arg14 : memref<!tpu.dma_semaphore, #tpu.memory_space<semaphore_mem>>) src(%dma_wait3A_136 : memref<10000x128xf32, #tpu.memory_space<hbm>>) dst(%arg8 : memref<128x128xf32, #tpu.memory_space<vmem>>)
      %run_scoped3A_137 = arith.constant 5 : i32
      "tpu.region"() ({
        %run_scoped3A_319 = tpu.sem_alloc : memref<!tpu.dma_semaphore, #tpu.memory_space<semaphore_mem>>
        %dma_start3A_320 = arith.constant 0 : i32
        %dma_start3A_321 = tpu.memref_slice %arg6[%run_scoped3A_137, %dma_start3A_320] : memref<16x128xi32, #tpu.memory_space<vmem>> -> memref<1x128xi32, #tpu.memory_space<vmem>>
        %dma_start3A_322 = tpu.memref_squeeze %dma_start3A_321 : memref<1x128xi32, #tpu.memory_space<vmem>> -> memref<128xi32, #tpu.memory_space<vmem>>
        %dma_start3A_323 = arith.constant 0 : i32
        %dma_start3A_324 = arith.constant 0 : i32
        %dma_start3A_325 = tpu.memref_slice %arg12[%dma_start3A_323, %dma_start3A_324] : memref<10240x128xf32, #tpu.memory_space<vmem_shared>> -> memref<10240x128xf32, #tpu.memory_space<vmem_shared>>
        tpu.enqueue_indirect_dma source(%arg8 : memref<128x128xf32, #tpu.memory_space<vmem>>) target(%dma_start3A_325 : memref<10240x128xf32, #tpu.memory_space<vmem_shared>>) offsets(%dma_start3A_322 : memref<128xi32, #tpu.memory_space<vmem>>) semaphore(%run_scoped3A_319 : memref<!tpu.dma_semaphore, #tpu.memory_space<semaphore_mem>>) {add = true}
        %dma_wait3A_326 = arith.constant 0 : i32
        %dma_wait3A_327 = tpu.memref_slice %arg6[%run_scoped3A_137, %dma_wait3A_326] : memref<16x128xi32, #tpu.memory_space<vmem>> -> memref<1x128xi32, #tpu.memory_space<vmem>>
        %dma_wait3A_328 = tpu.memref_squeeze %dma_wait3A_327 : memref<1x128xi32, #tpu.memory_space<vmem>> -> memref<128xi32, #tpu.memory_space<vmem>>
        %dma_wait3A_329 = arith.constant 0 : i32
        %dma_wait3A_330 = arith.constant 0 : i32
        %dma_wait3A_331 = tpu.memref_slice %arg12[%dma_wait3A_329, %dma_wait3A_330] : memref<10240x128xf32, #tpu.memory_space<vmem_shared>> -> memref<10240x128xf32, #tpu.memory_space<vmem_shared>>
        tpu.wait_indirect_dma semaphore(%run_scoped3A_319 : memref<!tpu.dma_semaphore, #tpu.memory_space<semaphore_mem>>) src(%arg8 : memref<128x128xf32, #tpu.memory_space<vmem>>) dst(%dma_wait3A_331 : memref<10240x128xf32, #tpu.memory_space<vmem_shared>>)
        tpu.yield
      }) : () -> ()
      %dma_start3A_138 = arith.constant 5 : i32
      %dma_start3A_139 = arith.constant 0 : i32
      %dma_start3A_140 = tpu.memref_slice %arg6[%dma_start3A_138, %dma_start3A_139] : memref<16x128xi32, #tpu.memory_space<vmem>> -> memref<1x128xi32, #tpu.memory_space<vmem>>
      %dma_start3A_141 = tpu.memref_squeeze %dma_start3A_140 : memref<1x128xi32, #tpu.memory_space<vmem>> -> memref<128xi32, #tpu.memory_space<vmem>>
      %dma_start3A_142 = arith.constant 0 : i32
      %dma_start3A_143 = tpu.memref_slice %arg13[%dma_start3A_142] : memref<10240xf32, #tpu.memory_space<vmem_shared>> -> memref<10240xf32, #tpu.memory_space<vmem_shared>>
      tpu.enqueue_indirect_dma source(%arg10 : memref<128xf32, #tpu.memory_space<vmem>>) target(%dma_start3A_143 : memref<10240xf32, #tpu.memory_space<vmem_shared>>) offsets(%dma_start3A_141 : memref<128xi32, #tpu.memory_space<vmem>>) semaphore(%arg17 : memref<!tpu.dma_semaphore, #tpu.memory_space<semaphore_mem>>) {add = true}
      %dma_start3A_144 = arith.constant 8 : i32
      %dma_start3A_145 = arith.constant 0 : i32
      %dma_start3A_146 = tpu.memref_slice %arg6[%dma_start3A_144, %dma_start3A_145] : memref<16x128xi32, #tpu.memory_space<vmem>> -> memref<1x128xi32, #tpu.memory_space<vmem>>
      %dma_start3A_147 = tpu.memref_squeeze %dma_start3A_146 : memref<1x128xi32, #tpu.memory_space<vmem>> -> memref<128xi32, #tpu.memory_space<vmem>>
      %dma_start3A_148 = arith.constant 0 : i32
      %dma_start3A_149 = arith.constant 0 : i32
      %dma_start3A_150 = tpu.memref_slice %arg2[%dma_start3A_148, %dma_start3A_149] : memref<10000x128xf32, #tpu.memory_space<hbm>> -> memref<10000x128xf32, #tpu.memory_space<hbm>>
      tpu.enqueue_indirect_dma source(%dma_start3A_150 : memref<10000x128xf32, #tpu.memory_space<hbm>>) target(%arg8 : memref<128x128xf32, #tpu.memory_space<vmem>>) offsets(%dma_start3A_147 : memref<128xi32, #tpu.memory_space<vmem>>) semaphore(%arg14 : memref<!tpu.dma_semaphore, #tpu.memory_space<semaphore_mem>>)
      %dma_wait3A_151 = arith.constant 6 : i32
      %dma_wait3A_152 = arith.constant 0 : i32
      %dma_wait3A_153 = tpu.memref_slice %arg6[%dma_wait3A_151, %dma_wait3A_152] : memref<16x128xi32, #tpu.memory_space<vmem>> -> memref<1x128xi32, #tpu.memory_space<vmem>>
      %dma_wait3A_154 = tpu.memref_squeeze %dma_wait3A_153 : memref<1x128xi32, #tpu.memory_space<vmem>> -> memref<128xi32, #tpu.memory_space<vmem>>
      %dma_wait3A_155 = arith.constant 0 : i32
      %dma_wait3A_156 = arith.constant 0 : i32
      %dma_wait3A_157 = tpu.memref_slice %arg2[%dma_wait3A_155, %dma_wait3A_156] : memref<10000x128xf32, #tpu.memory_space<hbm>> -> memref<10000x128xf32, #tpu.memory_space<hbm>>
      tpu.wait_indirect_dma semaphore(%arg15 : memref<!tpu.dma_semaphore, #tpu.memory_space<semaphore_mem>>) src(%dma_wait3A_157 : memref<10000x128xf32, #tpu.memory_space<hbm>>) dst(%arg9 : memref<128x128xf32, #tpu.memory_space<vmem>>)
      %run_scoped3A_158 = arith.constant 7 : i32
      "tpu.region"() ({
        %run_scoped3A_319 = tpu.sem_alloc : memref<!tpu.dma_semaphore, #tpu.memory_space<semaphore_mem>>
        %dma_start3A_320 = arith.constant 0 : i32
        %dma_start3A_321 = tpu.memref_slice %arg6[%run_scoped3A_158, %dma_start3A_320] : memref<16x128xi32, #tpu.memory_space<vmem>> -> memref<1x128xi32, #tpu.memory_space<vmem>>
        %dma_start3A_322 = tpu.memref_squeeze %dma_start3A_321 : memref<1x128xi32, #tpu.memory_space<vmem>> -> memref<128xi32, #tpu.memory_space<vmem>>
        %dma_start3A_323 = arith.constant 0 : i32
        %dma_start3A_324 = arith.constant 0 : i32
        %dma_start3A_325 = tpu.memref_slice %arg12[%dma_start3A_323, %dma_start3A_324] : memref<10240x128xf32, #tpu.memory_space<vmem_shared>> -> memref<10240x128xf32, #tpu.memory_space<vmem_shared>>
        tpu.enqueue_indirect_dma source(%arg9 : memref<128x128xf32, #tpu.memory_space<vmem>>) target(%dma_start3A_325 : memref<10240x128xf32, #tpu.memory_space<vmem_shared>>) offsets(%dma_start3A_322 : memref<128xi32, #tpu.memory_space<vmem>>) semaphore(%run_scoped3A_319 : memref<!tpu.dma_semaphore, #tpu.memory_space<semaphore_mem>>) {add = true}
        %dma_wait3A_326 = arith.constant 0 : i32
        %dma_wait3A_327 = tpu.memref_slice %arg6[%run_scoped3A_158, %dma_wait3A_326] : memref<16x128xi32, #tpu.memory_space<vmem>> -> memref<1x128xi32, #tpu.memory_space<vmem>>
        %dma_wait3A_328 = tpu.memref_squeeze %dma_wait3A_327 : memref<1x128xi32, #tpu.memory_space<vmem>> -> memref<128xi32, #tpu.memory_space<vmem>>
        %dma_wait3A_329 = arith.constant 0 : i32
        %dma_wait3A_330 = arith.constant 0 : i32
        %dma_wait3A_331 = tpu.memref_slice %arg12[%dma_wait3A_329, %dma_wait3A_330] : memref<10240x128xf32, #tpu.memory_space<vmem_shared>> -> memref<10240x128xf32, #tpu.memory_space<vmem_shared>>
        tpu.wait_indirect_dma semaphore(%run_scoped3A_319 : memref<!tpu.dma_semaphore, #tpu.memory_space<semaphore_mem>>) src(%arg9 : memref<128x128xf32, #tpu.memory_space<vmem>>) dst(%dma_wait3A_331 : memref<10240x128xf32, #tpu.memory_space<vmem_shared>>)
        tpu.yield
      }) : () -> ()
      %dma_start3A_159 = arith.constant 7 : i32
      %dma_start3A_160 = arith.constant 0 : i32
      %dma_start3A_161 = tpu.memref_slice %arg6[%dma_start3A_159, %dma_start3A_160] : memref<16x128xi32, #tpu.memory_space<vmem>> -> memref<1x128xi32, #tpu.memory_space<vmem>>
      %dma_start3A_162 = tpu.memref_squeeze %dma_start3A_161 : memref<1x128xi32, #tpu.memory_space<vmem>> -> memref<128xi32, #tpu.memory_space<vmem>>
      %dma_start3A_163 = arith.constant 0 : i32
      %dma_start3A_164 = tpu.memref_slice %arg13[%dma_start3A_163] : memref<10240xf32, #tpu.memory_space<vmem_shared>> -> memref<10240xf32, #tpu.memory_space<vmem_shared>>
      tpu.enqueue_indirect_dma source(%arg10 : memref<128xf32, #tpu.memory_space<vmem>>) target(%dma_start3A_164 : memref<10240xf32, #tpu.memory_space<vmem_shared>>) offsets(%dma_start3A_162 : memref<128xi32, #tpu.memory_space<vmem>>) semaphore(%arg17 : memref<!tpu.dma_semaphore, #tpu.memory_space<semaphore_mem>>) {add = true}
      %dma_start3A_165 = arith.constant 10 : i32
      %dma_start3A_166 = arith.constant 0 : i32
      %dma_start3A_167 = tpu.memref_slice %arg6[%dma_start3A_165, %dma_start3A_166] : memref<16x128xi32, #tpu.memory_space<vmem>> -> memref<1x128xi32, #tpu.memory_space<vmem>>
      %dma_start3A_168 = tpu.memref_squeeze %dma_start3A_167 : memref<1x128xi32, #tpu.memory_space<vmem>> -> memref<128xi32, #tpu.memory_space<vmem>>
      %dma_start3A_169 = arith.constant 0 : i32
      %dma_start3A_170 = arith.constant 0 : i32
      %dma_start3A_171 = tpu.memref_slice %arg2[%dma_start3A_169, %dma_start3A_170] : memref<10000x128xf32, #tpu.memory_space<hbm>> -> memref<10000x128xf32, #tpu.memory_space<hbm>>
      tpu.enqueue_indirect_dma source(%dma_start3A_171 : memref<10000x128xf32, #tpu.memory_space<hbm>>) target(%arg9 : memref<128x128xf32, #tpu.memory_space<vmem>>) offsets(%dma_start3A_168 : memref<128xi32, #tpu.memory_space<vmem>>) semaphore(%arg15 : memref<!tpu.dma_semaphore, #tpu.memory_space<semaphore_mem>>)
      %dma_wait3A_172 = arith.constant 8 : i32
      %dma_wait3A_173 = arith.constant 0 : i32
      %dma_wait3A_174 = tpu.memref_slice %arg6[%dma_wait3A_172, %dma_wait3A_173] : memref<16x128xi32, #tpu.memory_space<vmem>> -> memref<1x128xi32, #tpu.memory_space<vmem>>
      %dma_wait3A_175 = tpu.memref_squeeze %dma_wait3A_174 : memref<1x128xi32, #tpu.memory_space<vmem>> -> memref<128xi32, #tpu.memory_space<vmem>>
      %dma_wait3A_176 = arith.constant 0 : i32
      %dma_wait3A_177 = arith.constant 0 : i32
      %dma_wait3A_178 = tpu.memref_slice %arg2[%dma_wait3A_176, %dma_wait3A_177] : memref<10000x128xf32, #tpu.memory_space<hbm>> -> memref<10000x128xf32, #tpu.memory_space<hbm>>
      tpu.wait_indirect_dma semaphore(%arg14 : memref<!tpu.dma_semaphore, #tpu.memory_space<semaphore_mem>>) src(%dma_wait3A_178 : memref<10000x128xf32, #tpu.memory_space<hbm>>) dst(%arg8 : memref<128x128xf32, #tpu.memory_space<vmem>>)
      %run_scoped3A_179 = arith.constant 9 : i32
      "tpu.region"() ({
        %run_scoped3A_319 = tpu.sem_alloc : memref<!tpu.dma_semaphore, #tpu.memory_space<semaphore_mem>>
        %dma_start3A_320 = arith.constant 0 : i32
        %dma_start3A_321 = tpu.memref_slice %arg6[%run_scoped3A_179, %dma_start3A_320] : memref<16x128xi32, #tpu.memory_space<vmem>> -> memref<1x128xi32, #tpu.memory_space<vmem>>
        %dma_start3A_322 = tpu.memref_squeeze %dma_start3A_321 : memref<1x128xi32, #tpu.memory_space<vmem>> -> memref<128xi32, #tpu.memory_space<vmem>>
        %dma_start3A_323 = arith.constant 0 : i32
        %dma_start3A_324 = arith.constant 0 : i32
        %dma_start3A_325 = tpu.memref_slice %arg12[%dma_start3A_323, %dma_start3A_324] : memref<10240x128xf32, #tpu.memory_space<vmem_shared>> -> memref<10240x128xf32, #tpu.memory_space<vmem_shared>>
        tpu.enqueue_indirect_dma source(%arg8 : memref<128x128xf32, #tpu.memory_space<vmem>>) target(%dma_start3A_325 : memref<10240x128xf32, #tpu.memory_space<vmem_shared>>) offsets(%dma_start3A_322 : memref<128xi32, #tpu.memory_space<vmem>>) semaphore(%run_scoped3A_319 : memref<!tpu.dma_semaphore, #tpu.memory_space<semaphore_mem>>) {add = true}
        %dma_wait3A_326 = arith.constant 0 : i32
        %dma_wait3A_327 = tpu.memref_slice %arg6[%run_scoped3A_179, %dma_wait3A_326] : memref<16x128xi32, #tpu.memory_space<vmem>> -> memref<1x128xi32, #tpu.memory_space<vmem>>
        %dma_wait3A_328 = tpu.memref_squeeze %dma_wait3A_327 : memref<1x128xi32, #tpu.memory_space<vmem>> -> memref<128xi32, #tpu.memory_space<vmem>>
        %dma_wait3A_329 = arith.constant 0 : i32
        %dma_wait3A_330 = arith.constant 0 : i32
        %dma_wait3A_331 = tpu.memref_slice %arg12[%dma_wait3A_329, %dma_wait3A_330] : memref<10240x128xf32, #tpu.memory_space<vmem_shared>> -> memref<10240x128xf32, #tpu.memory_space<vmem_shared>>
        tpu.wait_indirect_dma semaphore(%run_scoped3A_319 : memref<!tpu.dma_semaphore, #tpu.memory_space<semaphore_mem>>) src(%arg8 : memref<128x128xf32, #tpu.memory_space<vmem>>) dst(%dma_wait3A_331 : memref<10240x128xf32, #tpu.memory_space<vmem_shared>>)
        tpu.yield
      }) : () -> ()
      %dma_start3A_180 = arith.constant 9 : i32
      %dma_start3A_181 = arith.constant 0 : i32
      %dma_start3A_182 = tpu.memref_slice %arg6[%dma_start3A_180, %dma_start3A_181] : memref<16x128xi32, #tpu.memory_space<vmem>> -> memref<1x128xi32, #tpu.memory_space<vmem>>
      %dma_start3A_183 = tpu.memref_squeeze %dma_start3A_182 : memref<1x128xi32, #tpu.memory_space<vmem>> -> memref<128xi32, #tpu.memory_space<vmem>>
      %dma_start3A_184 = arith.constant 0 : i32
      %dma_start3A_185 = tpu.memref_slice %arg13[%dma_start3A_184] : memref<10240xf32, #tpu.memory_space<vmem_shared>> -> memref<10240xf32, #tpu.memory_space<vmem_shared>>
      tpu.enqueue_indirect_dma source(%arg10 : memref<128xf32, #tpu.memory_space<vmem>>) target(%dma_start3A_185 : memref<10240xf32, #tpu.memory_space<vmem_shared>>) offsets(%dma_start3A_183 : memref<128xi32, #tpu.memory_space<vmem>>) semaphore(%arg17 : memref<!tpu.dma_semaphore, #tpu.memory_space<semaphore_mem>>) {add = true}
      %dma_start3A_186 = arith.constant 12 : i32
      %dma_start3A_187 = arith.constant 0 : i32
      %dma_start3A_188 = tpu.memref_slice %arg6[%dma_start3A_186, %dma_start3A_187] : memref<16x128xi32, #tpu.memory_space<vmem>> -> memref<1x128xi32, #tpu.memory_space<vmem>>
      %dma_start3A_189 = tpu.memref_squeeze %dma_start3A_188 : memref<1x128xi32, #tpu.memory_space<vmem>> -> memref<128xi32, #tpu.memory_space<vmem>>
      %dma_start3A_190 = arith.constant 0 : i32
      %dma_start3A_191 = arith.constant 0 : i32
      %dma_start3A_192 = tpu.memref_slice %arg2[%dma_start3A_190, %dma_start3A_191] : memref<10000x128xf32, #tpu.memory_space<hbm>> -> memref<10000x128xf32, #tpu.memory_space<hbm>>
      tpu.enqueue_indirect_dma source(%dma_start3A_192 : memref<10000x128xf32, #tpu.memory_space<hbm>>) target(%arg8 : memref<128x128xf32, #tpu.memory_space<vmem>>) offsets(%dma_start3A_189 : memref<128xi32, #tpu.memory_space<vmem>>) semaphore(%arg14 : memref<!tpu.dma_semaphore, #tpu.memory_space<semaphore_mem>>)
      %dma_wait3A_193 = arith.constant 10 : i32
      %dma_wait3A_194 = arith.constant 0 : i32
      %dma_wait3A_195 = tpu.memref_slice %arg6[%dma_wait3A_193, %dma_wait3A_194] : memref<16x128xi32, #tpu.memory_space<vmem>> -> memref<1x128xi32, #tpu.memory_space<vmem>>
      %dma_wait3A_196 = tpu.memref_squeeze %dma_wait3A_195 : memref<1x128xi32, #tpu.memory_space<vmem>> -> memref<128xi32, #tpu.memory_space<vmem>>
      %dma_wait3A_197 = arith.constant 0 : i32
      %dma_wait3A_198 = arith.constant 0 : i32
      %dma_wait3A_199 = tpu.memref_slice %arg2[%dma_wait3A_197, %dma_wait3A_198] : memref<10000x128xf32, #tpu.memory_space<hbm>> -> memref<10000x128xf32, #tpu.memory_space<hbm>>
      tpu.wait_indirect_dma semaphore(%arg15 : memref<!tpu.dma_semaphore, #tpu.memory_space<semaphore_mem>>) src(%dma_wait3A_199 : memref<10000x128xf32, #tpu.memory_space<hbm>>) dst(%arg9 : memref<128x128xf32, #tpu.memory_space<vmem>>)
      %run_scoped3A_200 = arith.constant 11 : i32
      "tpu.region"() ({
        %run_scoped3A_319 = tpu.sem_alloc : memref<!tpu.dma_semaphore, #tpu.memory_space<semaphore_mem>>
        %dma_start3A_320 = arith.constant 0 : i32
        %dma_start3A_321 = tpu.memref_slice %arg6[%run_scoped3A_200, %dma_start3A_320] : memref<16x128xi32, #tpu.memory_space<vmem>> -> memref<1x128xi32, #tpu.memory_space<vmem>>
        %dma_start3A_322 = tpu.memref_squeeze %dma_start3A_321 : memref<1x128xi32, #tpu.memory_space<vmem>> -> memref<128xi32, #tpu.memory_space<vmem>>
        %dma_start3A_323 = arith.constant 0 : i32
        %dma_start3A_324 = arith.constant 0 : i32
        %dma_start3A_325 = tpu.memref_slice %arg12[%dma_start3A_323, %dma_start3A_324] : memref<10240x128xf32, #tpu.memory_space<vmem_shared>> -> memref<10240x128xf32, #tpu.memory_space<vmem_shared>>
        tpu.enqueue_indirect_dma source(%arg9 : memref<128x128xf32, #tpu.memory_space<vmem>>) target(%dma_start3A_325 : memref<10240x128xf32, #tpu.memory_space<vmem_shared>>) offsets(%dma_start3A_322 : memref<128xi32, #tpu.memory_space<vmem>>) semaphore(%run_scoped3A_319 : memref<!tpu.dma_semaphore, #tpu.memory_space<semaphore_mem>>) {add = true}
        %dma_wait3A_326 = arith.constant 0 : i32
        %dma_wait3A_327 = tpu.memref_slice %arg6[%run_scoped3A_200, %dma_wait3A_326] : memref<16x128xi32, #tpu.memory_space<vmem>> -> memref<1x128xi32, #tpu.memory_space<vmem>>
        %dma_wait3A_328 = tpu.memref_squeeze %dma_wait3A_327 : memref<1x128xi32, #tpu.memory_space<vmem>> -> memref<128xi32, #tpu.memory_space<vmem>>
        %dma_wait3A_329 = arith.constant 0 : i32
        %dma_wait3A_330 = arith.constant 0 : i32
        %dma_wait3A_331 = tpu.memref_slice %arg12[%dma_wait3A_329, %dma_wait3A_330] : memref<10240x128xf32, #tpu.memory_space<vmem_shared>> -> memref<10240x128xf32, #tpu.memory_space<vmem_shared>>
        tpu.wait_indirect_dma semaphore(%run_scoped3A_319 : memref<!tpu.dma_semaphore, #tpu.memory_space<semaphore_mem>>) src(%arg9 : memref<128x128xf32, #tpu.memory_space<vmem>>) dst(%dma_wait3A_331 : memref<10240x128xf32, #tpu.memory_space<vmem_shared>>)
        tpu.yield
      }) : () -> ()
      %dma_start3A_201 = arith.constant 11 : i32
      %dma_start3A_202 = arith.constant 0 : i32
      %dma_start3A_203 = tpu.memref_slice %arg6[%dma_start3A_201, %dma_start3A_202] : memref<16x128xi32, #tpu.memory_space<vmem>> -> memref<1x128xi32, #tpu.memory_space<vmem>>
      %dma_start3A_204 = tpu.memref_squeeze %dma_start3A_203 : memref<1x128xi32, #tpu.memory_space<vmem>> -> memref<128xi32, #tpu.memory_space<vmem>>
      %dma_start3A_205 = arith.constant 0 : i32
      %dma_start3A_206 = tpu.memref_slice %arg13[%dma_start3A_205] : memref<10240xf32, #tpu.memory_space<vmem_shared>> -> memref<10240xf32, #tpu.memory_space<vmem_shared>>
      tpu.enqueue_indirect_dma source(%arg10 : memref<128xf32, #tpu.memory_space<vmem>>) target(%dma_start3A_206 : memref<10240xf32, #tpu.memory_space<vmem_shared>>) offsets(%dma_start3A_204 : memref<128xi32, #tpu.memory_space<vmem>>) semaphore(%arg17 : memref<!tpu.dma_semaphore, #tpu.memory_space<semaphore_mem>>) {add = true}
      %dma_start3A_207 = arith.constant 14 : i32
      %dma_start3A_208 = arith.constant 0 : i32
      %dma_start3A_209 = tpu.memref_slice %arg6[%dma_start3A_207, %dma_start3A_208] : memref<16x128xi32, #tpu.memory_space<vmem>> -> memref<1x128xi32, #tpu.memory_space<vmem>>
      %dma_start3A_210 = tpu.memref_squeeze %dma_start3A_209 : memref<1x128xi32, #tpu.memory_space<vmem>> -> memref<128xi32, #tpu.memory_space<vmem>>
      %dma_start3A_211 = arith.constant 0 : i32
      %dma_start3A_212 = arith.constant 0 : i32
      %dma_start3A_213 = tpu.memref_slice %arg2[%dma_start3A_211, %dma_start3A_212] : memref<10000x128xf32, #tpu.memory_space<hbm>> -> memref<10000x128xf32, #tpu.memory_space<hbm>>
      tpu.enqueue_indirect_dma source(%dma_start3A_213 : memref<10000x128xf32, #tpu.memory_space<hbm>>) target(%arg9 : memref<128x128xf32, #tpu.memory_space<vmem>>) offsets(%dma_start3A_210 : memref<128xi32, #tpu.memory_space<vmem>>) semaphore(%arg15 : memref<!tpu.dma_semaphore, #tpu.memory_space<semaphore_mem>>)
      %dma_wait3A_214 = arith.constant 12 : i32
      %dma_wait3A_215 = arith.constant 0 : i32
      %dma_wait3A_216 = tpu.memref_slice %arg6[%dma_wait3A_214, %dma_wait3A_215] : memref<16x128xi32, #tpu.memory_space<vmem>> -> memref<1x128xi32, #tpu.memory_space<vmem>>
      %dma_wait3A_217 = tpu.memref_squeeze %dma_wait3A_216 : memref<1x128xi32, #tpu.memory_space<vmem>> -> memref<128xi32, #tpu.memory_space<vmem>>
      %dma_wait3A_218 = arith.constant 0 : i32
      %dma_wait3A_219 = arith.constant 0 : i32
      %dma_wait3A_220 = tpu.memref_slice %arg2[%dma_wait3A_218, %dma_wait3A_219] : memref<10000x128xf32, #tpu.memory_space<hbm>> -> memref<10000x128xf32, #tpu.memory_space<hbm>>
      tpu.wait_indirect_dma semaphore(%arg14 : memref<!tpu.dma_semaphore, #tpu.memory_space<semaphore_mem>>) src(%dma_wait3A_220 : memref<10000x128xf32, #tpu.memory_space<hbm>>) dst(%arg8 : memref<128x128xf32, #tpu.memory_space<vmem>>)
      %run_scoped3A_221 = arith.constant 13 : i32
      "tpu.region"() ({
        %run_scoped3A_319 = tpu.sem_alloc : memref<!tpu.dma_semaphore, #tpu.memory_space<semaphore_mem>>
        %dma_start3A_320 = arith.constant 0 : i32
        %dma_start3A_321 = tpu.memref_slice %arg6[%run_scoped3A_221, %dma_start3A_320] : memref<16x128xi32, #tpu.memory_space<vmem>> -> memref<1x128xi32, #tpu.memory_space<vmem>>
        %dma_start3A_322 = tpu.memref_squeeze %dma_start3A_321 : memref<1x128xi32, #tpu.memory_space<vmem>> -> memref<128xi32, #tpu.memory_space<vmem>>
        %dma_start3A_323 = arith.constant 0 : i32
        %dma_start3A_324 = arith.constant 0 : i32
        %dma_start3A_325 = tpu.memref_slice %arg12[%dma_start3A_323, %dma_start3A_324] : memref<10240x128xf32, #tpu.memory_space<vmem_shared>> -> memref<10240x128xf32, #tpu.memory_space<vmem_shared>>
        tpu.enqueue_indirect_dma source(%arg8 : memref<128x128xf32, #tpu.memory_space<vmem>>) target(%dma_start3A_325 : memref<10240x128xf32, #tpu.memory_space<vmem_shared>>) offsets(%dma_start3A_322 : memref<128xi32, #tpu.memory_space<vmem>>) semaphore(%run_scoped3A_319 : memref<!tpu.dma_semaphore, #tpu.memory_space<semaphore_mem>>) {add = true}
        %dma_wait3A_326 = arith.constant 0 : i32
        %dma_wait3A_327 = tpu.memref_slice %arg6[%run_scoped3A_221, %dma_wait3A_326] : memref<16x128xi32, #tpu.memory_space<vmem>> -> memref<1x128xi32, #tpu.memory_space<vmem>>
        %dma_wait3A_328 = tpu.memref_squeeze %dma_wait3A_327 : memref<1x128xi32, #tpu.memory_space<vmem>> -> memref<128xi32, #tpu.memory_space<vmem>>
        %dma_wait3A_329 = arith.constant 0 : i32
        %dma_wait3A_330 = arith.constant 0 : i32
        %dma_wait3A_331 = tpu.memref_slice %arg12[%dma_wait3A_329, %dma_wait3A_330] : memref<10240x128xf32, #tpu.memory_space<vmem_shared>> -> memref<10240x128xf32, #tpu.memory_space<vmem_shared>>
        tpu.wait_indirect_dma semaphore(%run_scoped3A_319 : memref<!tpu.dma_semaphore, #tpu.memory_space<semaphore_mem>>) src(%arg8 : memref<128x128xf32, #tpu.memory_space<vmem>>) dst(%dma_wait3A_331 : memref<10240x128xf32, #tpu.memory_space<vmem_shared>>)
        tpu.yield
      }) : () -> ()
      %dma_start3A_222 = arith.constant 13 : i32
      %dma_start3A_223 = arith.constant 0 : i32
      %dma_start3A_224 = tpu.memref_slice %arg6[%dma_start3A_222, %dma_start3A_223] : memref<16x128xi32, #tpu.memory_space<vmem>> -> memref<1x128xi32, #tpu.memory_space<vmem>>
      %dma_start3A_225 = tpu.memref_squeeze %dma_start3A_224 : memref<1x128xi32, #tpu.memory_space<vmem>> -> memref<128xi32, #tpu.memory_space<vmem>>
      %dma_start3A_226 = arith.constant 0 : i32
      %dma_start3A_227 = tpu.memref_slice %arg13[%dma_start3A_226] : memref<10240xf32, #tpu.memory_space<vmem_shared>> -> memref<10240xf32, #tpu.memory_space<vmem_shared>>
      tpu.enqueue_indirect_dma source(%arg10 : memref<128xf32, #tpu.memory_space<vmem>>) target(%dma_start3A_227 : memref<10240xf32, #tpu.memory_space<vmem_shared>>) offsets(%dma_start3A_225 : memref<128xi32, #tpu.memory_space<vmem>>) semaphore(%arg17 : memref<!tpu.dma_semaphore, #tpu.memory_space<semaphore_mem>>) {add = true}
      %dma_wait3A_228 = arith.constant 0 : i32
      %dma_wait3A_229 = tpu.memref_slice %arg3[%add3A, %add3A_86, %dma_wait3A_228] : memref<32x160x128xi32, #tpu.memory_space<hbm>> -> memref<1x16x128xi32, #tpu.memory_space<hbm>>
      %dma_wait3A_230 = tpu.memref_squeeze %dma_wait3A_229 : memref<1x16x128xi32, #tpu.memory_space<hbm>> -> memref<16x128xi32, #tpu.memory_space<hbm>>
      %dma_wait3A_231 = arith.constant 0 : i32
      %dma_wait3A_232 = tpu.memref_slice %arg3[%add3A, %add3A_86, %dma_wait3A_231] : memref<32x160x128xi32, #tpu.memory_space<hbm>> -> memref<1x16x128xi32, #tpu.memory_space<hbm>>
      %dma_wait3A_233 = tpu.memref_squeeze %dma_wait3A_232 : memref<1x16x128xi32, #tpu.memory_space<hbm>> -> memref<16x128xi32, #tpu.memory_space<hbm>>
      tpu.wait_dma2 semaphore(%arg16 : memref<!tpu.dma_semaphore, #tpu.memory_space<semaphore_mem>>) src(%dma_wait3A_233 : memref<16x128xi32, #tpu.memory_space<hbm>>) dst(%arg7 : memref<16x128xi32, #tpu.memory_space<vmem>>)
      %dma_start3A_234 = arith.constant 0 : i32
      %dma_start3A_235 = arith.constant 0 : i32
      %dma_start3A_236 = tpu.memref_slice %arg7[%dma_start3A_234, %dma_start3A_235] : memref<16x128xi32, #tpu.memory_space<vmem>> -> memref<1x128xi32, #tpu.memory_space<vmem>>
      %dma_start3A_237 = tpu.memref_squeeze %dma_start3A_236 : memref<1x128xi32, #tpu.memory_space<vmem>> -> memref<128xi32, #tpu.memory_space<vmem>>
      %dma_start3A_238 = arith.constant 0 : i32
      %dma_start3A_239 = arith.constant 0 : i32
      %dma_start3A_240 = tpu.memref_slice %arg2[%dma_start3A_238, %dma_start3A_239] : memref<10000x128xf32, #tpu.memory_space<hbm>> -> memref<10000x128xf32, #tpu.memory_space<hbm>>
      tpu.enqueue_indirect_dma source(%dma_start3A_240 : memref<10000x128xf32, #tpu.memory_space<hbm>>) target(%arg8 : memref<128x128xf32, #tpu.memory_space<vmem>>) offsets(%dma_start3A_237 : memref<128xi32, #tpu.memory_space<vmem>>) semaphore(%arg14 : memref<!tpu.dma_semaphore, #tpu.memory_space<semaphore_mem>>)
      %dma_wait3A_241 = arith.constant 14 : i32
      %dma_wait3A_242 = arith.constant 0 : i32
      %dma_wait3A_243 = tpu.memref_slice %arg6[%dma_wait3A_241, %dma_wait3A_242] : memref<16x128xi32, #tpu.memory_space<vmem>> -> memref<1x128xi32, #tpu.memory_space<vmem>>
      %dma_wait3A_244 = tpu.memref_squeeze %dma_wait3A_243 : memref<1x128xi32, #tpu.memory_space<vmem>> -> memref<128xi32, #tpu.memory_space<vmem>>
      %dma_wait3A_245 = arith.constant 0 : i32
      %dma_wait3A_246 = arith.constant 0 : i32
      %dma_wait3A_247 = tpu.memref_slice %arg2[%dma_wait3A_245, %dma_wait3A_246] : memref<10000x128xf32, #tpu.memory_space<hbm>> -> memref<10000x128xf32, #tpu.memory_space<hbm>>
      tpu.wait_indirect_dma semaphore(%arg15 : memref<!tpu.dma_semaphore, #tpu.memory_space<semaphore_mem>>) src(%dma_wait3A_247 : memref<10000x128xf32, #tpu.memory_space<hbm>>) dst(%arg9 : memref<128x128xf32, #tpu.memory_space<vmem>>)
      %run_scoped3A_248 = arith.constant 15 : i32
      "tpu.region"() ({
        %run_scoped3A_319 = tpu.sem_alloc : memref<!tpu.dma_semaphore, #tpu.memory_space<semaphore_mem>>
        %dma_start3A_320 = arith.constant 0 : i32
        %dma_start3A_321 = tpu.memref_slice %arg6[%run_scoped3A_248, %dma_start3A_320] : memref<16x128xi32, #tpu.memory_space<vmem>> -> memref<1x128xi32, #tpu.memory_space<vmem>>
        %dma_start3A_322 = tpu.memref_squeeze %dma_start3A_321 : memref<1x128xi32, #tpu.memory_space<vmem>> -> memref<128xi32, #tpu.memory_space<vmem>>
        %dma_start3A_323 = arith.constant 0 : i32
        %dma_start3A_324 = arith.constant 0 : i32
        %dma_start3A_325 = tpu.memref_slice %arg12[%dma_start3A_323, %dma_start3A_324] : memref<10240x128xf32, #tpu.memory_space<vmem_shared>> -> memref<10240x128xf32, #tpu.memory_space<vmem_shared>>
        tpu.enqueue_indirect_dma source(%arg9 : memref<128x128xf32, #tpu.memory_space<vmem>>) target(%dma_start3A_325 : memref<10240x128xf32, #tpu.memory_space<vmem_shared>>) offsets(%dma_start3A_322 : memref<128xi32, #tpu.memory_space<vmem>>) semaphore(%run_scoped3A_319 : memref<!tpu.dma_semaphore, #tpu.memory_space<semaphore_mem>>) {add = true}
        %dma_wait3A_326 = arith.constant 0 : i32
        %dma_wait3A_327 = tpu.memref_slice %arg6[%run_scoped3A_248, %dma_wait3A_326] : memref<16x128xi32, #tpu.memory_space<vmem>> -> memref<1x128xi32, #tpu.memory_space<vmem>>
        %dma_wait3A_328 = tpu.memref_squeeze %dma_wait3A_327 : memref<1x128xi32, #tpu.memory_space<vmem>> -> memref<128xi32, #tpu.memory_space<vmem>>
        %dma_wait3A_329 = arith.constant 0 : i32
        %dma_wait3A_330 = arith.constant 0 : i32
        %dma_wait3A_331 = tpu.memref_slice %arg12[%dma_wait3A_329, %dma_wait3A_330] : memref<10240x128xf32, #tpu.memory_space<vmem_shared>> -> memref<10240x128xf32, #tpu.memory_space<vmem_shared>>
        tpu.wait_indirect_dma semaphore(%run_scoped3A_319 : memref<!tpu.dma_semaphore, #tpu.memory_space<semaphore_mem>>) src(%arg9 : memref<128x128xf32, #tpu.memory_space<vmem>>) dst(%dma_wait3A_331 : memref<10240x128xf32, #tpu.memory_space<vmem_shared>>)
        tpu.yield
      }) : () -> ()
      %dma_start3A_249 = arith.constant 15 : i32
      %dma_start3A_250 = arith.constant 0 : i32
      %dma_start3A_251 = tpu.memref_slice %arg6[%dma_start3A_249, %dma_start3A_250] : memref<16x128xi32, #tpu.memory_space<vmem>> -> memref<1x128xi32, #tpu.memory_space<vmem>>
      %dma_start3A_252 = tpu.memref_squeeze %dma_start3A_251 : memref<1x128xi32, #tpu.memory_space<vmem>> -> memref<128xi32, #tpu.memory_space<vmem>>
      %dma_start3A_253 = arith.constant 0 : i32
      %dma_start3A_254 = tpu.memref_slice %arg13[%dma_start3A_253] : memref<10240xf32, #tpu.memory_space<vmem_shared>> -> memref<10240xf32, #tpu.memory_space<vmem_shared>>
      tpu.enqueue_indirect_dma source(%arg10 : memref<128xf32, #tpu.memory_space<vmem>>) target(%dma_start3A_254 : memref<10240xf32, #tpu.memory_space<vmem_shared>>) offsets(%dma_start3A_252 : memref<128xi32, #tpu.memory_space<vmem>>) semaphore(%arg17 : memref<!tpu.dma_semaphore, #tpu.memory_space<semaphore_mem>>) {add = true}
      %dma_start3A_255 = arith.constant 2 : i32
      %dma_start3A_256 = arith.constant 0 : i32
      %dma_start3A_257 = tpu.memref_slice %arg7[%dma_start3A_255, %dma_start3A_256] : memref<16x128xi32, #tpu.memory_space<vmem>> -> memref<1x128xi32, #tpu.memory_space<vmem>>
      %dma_start3A_258 = tpu.memref_squeeze %dma_start3A_257 : memref<1x128xi32, #tpu.memory_space<vmem>> -> memref<128xi32, #tpu.memory_space<vmem>>
      %dma_start3A_259 = arith.constant 0 : i32
      %dma_start3A_260 = arith.constant 0 : i32
      %dma_start3A_261 = tpu.memref_slice %arg2[%dma_start3A_259, %dma_start3A_260] : memref<10000x128xf32, #tpu.memory_space<hbm>> -> memref<10000x128xf32, #tpu.memory_space<hbm>>
      tpu.enqueue_indirect_dma source(%dma_start3A_261 : memref<10000x128xf32, #tpu.memory_space<hbm>>) target(%arg9 : memref<128x128xf32, #tpu.memory_space<vmem>>) offsets(%dma_start3A_258 : memref<128xi32, #tpu.memory_space<vmem>>) semaphore(%arg15 : memref<!tpu.dma_semaphore, #tpu.memory_space<semaphore_mem>>)
      %dma_wait3A_262 = arith.constant 1 : i32
      %dma_wait3A_263 = arith.constant 0 : i32
      %dma_wait3A_264 = tpu.memref_slice %arg6[%dma_wait3A_262, %dma_wait3A_263] : memref<16x128xi32, #tpu.memory_space<vmem>> -> memref<1x128xi32, #tpu.memory_space<vmem>>
      %dma_wait3A_265 = tpu.memref_squeeze %dma_wait3A_264 : memref<1x128xi32, #tpu.memory_space<vmem>> -> memref<128xi32, #tpu.memory_space<vmem>>
      %dma_wait3A_266 = arith.constant 0 : i32
      %dma_wait3A_267 = tpu.memref_slice %arg13[%dma_wait3A_266] : memref<10240xf32, #tpu.memory_space<vmem_shared>> -> memref<10240xf32, #tpu.memory_space<vmem_shared>>
      tpu.wait_indirect_dma semaphore(%arg17 : memref<!tpu.dma_semaphore, #tpu.memory_space<semaphore_mem>>) src(%arg10 : memref<128xf32, #tpu.memory_space<vmem>>) dst(%dma_wait3A_267 : memref<10240xf32, #tpu.memory_space<vmem_shared>>)
      %dma_wait3A_268 = arith.constant 1 : i32
      %dma_wait3A_269 = arith.constant 0 : i32
      %dma_wait3A_270 = tpu.memref_slice %arg6[%dma_wait3A_268, %dma_wait3A_269] : memref<16x128xi32, #tpu.memory_space<vmem>> -> memref<1x128xi32, #tpu.memory_space<vmem>>
      %dma_wait3A_271 = tpu.memref_squeeze %dma_wait3A_270 : memref<1x128xi32, #tpu.memory_space<vmem>> -> memref<128xi32, #tpu.memory_space<vmem>>
      %dma_wait3A_272 = arith.constant 0 : i32
      %dma_wait3A_273 = tpu.memref_slice %arg13[%dma_wait3A_272] : memref<10240xf32, #tpu.memory_space<vmem_shared>> -> memref<10240xf32, #tpu.memory_space<vmem_shared>>
      tpu.wait_indirect_dma semaphore(%arg17 : memref<!tpu.dma_semaphore, #tpu.memory_space<semaphore_mem>>) src(%arg10 : memref<128xf32, #tpu.memory_space<vmem>>) dst(%dma_wait3A_273 : memref<10240xf32, #tpu.memory_space<vmem_shared>>)
      %dma_wait3A_274 = arith.constant 1 : i32
      %dma_wait3A_275 = arith.constant 0 : i32
      %dma_wait3A_276 = tpu.memref_slice %arg6[%dma_wait3A_274, %dma_wait3A_275] : memref<16x128xi32, #tpu.memory_space<vmem>> -> memref<1x128xi32, #tpu.memory_space<vmem>>
      %dma_wait3A_277 = tpu.memref_squeeze %dma_wait3A_276 : memref<1x128xi32, #tpu.memory_space<vmem>> -> memref<128xi32, #tpu.memory_space<vmem>>
      %dma_wait3A_278 = arith.constant 0 : i32
      %dma_wait3A_279 = tpu.memref_slice %arg13[%dma_wait3A_278] : memref<10240xf32, #tpu.memory_space<vmem_shared>> -> memref<10240xf32, #tpu.memory_space<vmem_shared>>
      tpu.wait_indirect_dma semaphore(%arg17 : memref<!tpu.dma_semaphore, #tpu.memory_space<semaphore_mem>>) src(%arg10 : memref<128xf32, #tpu.memory_space<vmem>>) dst(%dma_wait3A_279 : memref<10240xf32, #tpu.memory_space<vmem_shared>>)
      %dma_wait3A_280 = arith.constant 1 : i32
      %dma_wait3A_281 = arith.constant 0 : i32
      %dma_wait3A_282 = tpu.memref_slice %arg6[%dma_wait3A_280, %dma_wait3A_281] : memref<16x128xi32, #tpu.memory_space<vmem>> -> memref<1x128xi32, #tpu.memory_space<vmem>>
      %dma_wait3A_283 = tpu.memref_squeeze %dma_wait3A_282 : memref<1x128xi32, #tpu.memory_space<vmem>> -> memref<128xi32, #tpu.memory_space<vmem>>
      %dma_wait3A_284 = arith.constant 0 : i32
      %dma_wait3A_285 = tpu.memref_slice %arg13[%dma_wait3A_284] : memref<10240xf32, #tpu.memory_space<vmem_shared>> -> memref<10240xf32, #tpu.memory_space<vmem_shared>>
      tpu.wait_indirect_dma semaphore(%arg17 : memref<!tpu.dma_semaphore, #tpu.memory_space<semaphore_mem>>) src(%arg10 : memref<128xf32, #tpu.memory_space<vmem>>) dst(%dma_wait3A_285 : memref<10240xf32, #tpu.memory_space<vmem_shared>>)
      %dma_wait3A_286 = arith.constant 1 : i32
      %dma_wait3A_287 = arith.constant 0 : i32
      %dma_wait3A_288 = tpu.memref_slice %arg6[%dma_wait3A_286, %dma_wait3A_287] : memref<16x128xi32, #tpu.memory_space<vmem>> -> memref<1x128xi32, #tpu.memory_space<vmem>>
      %dma_wait3A_289 = tpu.memref_squeeze %dma_wait3A_288 : memref<1x128xi32, #tpu.memory_space<vmem>> -> memref<128xi32, #tpu.memory_space<vmem>>
      %dma_wait3A_290 = arith.constant 0 : i32
      %dma_wait3A_291 = tpu.memref_slice %arg13[%dma_wait3A_290] : memref<10240xf32, #tpu.memory_space<vmem_shared>> -> memref<10240xf32, #tpu.memory_space<vmem_shared>>
      tpu.wait_indirect_dma semaphore(%arg17 : memref<!tpu.dma_semaphore, #tpu.memory_space<semaphore_mem>>) src(%arg10 : memref<128xf32, #tpu.memory_space<vmem>>) dst(%dma_wait3A_291 : memref<10240xf32, #tpu.memory_space<vmem_shared>>)
      %dma_wait3A_292 = arith.constant 1 : i32
      %dma_wait3A_293 = arith.constant 0 : i32
      %dma_wait3A_294 = tpu.memref_slice %arg6[%dma_wait3A_292, %dma_wait3A_293] : memref<16x128xi32, #tpu.memory_space<vmem>> -> memref<1x128xi32, #tpu.memory_space<vmem>>
      %dma_wait3A_295 = tpu.memref_squeeze %dma_wait3A_294 : memref<1x128xi32, #tpu.memory_space<vmem>> -> memref<128xi32, #tpu.memory_space<vmem>>
      %dma_wait3A_296 = arith.constant 0 : i32
      %dma_wait3A_297 = tpu.memref_slice %arg13[%dma_wait3A_296] : memref<10240xf32, #tpu.memory_space<vmem_shared>> -> memref<10240xf32, #tpu.memory_space<vmem_shared>>
      tpu.wait_indirect_dma semaphore(%arg17 : memref<!tpu.dma_semaphore, #tpu.memory_space<semaphore_mem>>) src(%arg10 : memref<128xf32, #tpu.memory_space<vmem>>) dst(%dma_wait3A_297 : memref<10240xf32, #tpu.memory_space<vmem_shared>>)
      %dma_wait3A_298 = arith.constant 1 : i32
      %dma_wait3A_299 = arith.constant 0 : i32
      %dma_wait3A_300 = tpu.memref_slice %arg6[%dma_wait3A_298, %dma_wait3A_299] : memref<16x128xi32, #tpu.memory_space<vmem>> -> memref<1x128xi32, #tpu.memory_space<vmem>>
      %dma_wait3A_301 = tpu.memref_squeeze %dma_wait3A_300 : memref<1x128xi32, #tpu.memory_space<vmem>> -> memref<128xi32, #tpu.memory_space<vmem>>
      %dma_wait3A_302 = arith.constant 0 : i32
      %dma_wait3A_303 = tpu.memref_slice %arg13[%dma_wait3A_302] : memref<10240xf32, #tpu.memory_space<vmem_shared>> -> memref<10240xf32, #tpu.memory_space<vmem_shared>>
      tpu.wait_indirect_dma semaphore(%arg17 : memref<!tpu.dma_semaphore, #tpu.memory_space<semaphore_mem>>) src(%arg10 : memref<128xf32, #tpu.memory_space<vmem>>) dst(%dma_wait3A_303 : memref<10240xf32, #tpu.memory_space<vmem_shared>>)
      %dma_wait3A_304 = arith.constant 1 : i32
      %dma_wait3A_305 = arith.constant 0 : i32
      %dma_wait3A_306 = tpu.memref_slice %arg6[%dma_wait3A_304, %dma_wait3A_305] : memref<16x128xi32, #tpu.memory_space<vmem>> -> memref<1x128xi32, #tpu.memory_space<vmem>>
      %dma_wait3A_307 = tpu.memref_squeeze %dma_wait3A_306 : memref<1x128xi32, #tpu.memory_space<vmem>> -> memref<128xi32, #tpu.memory_space<vmem>>
      %dma_wait3A_308 = arith.constant 0 : i32
      %dma_wait3A_309 = tpu.memref_slice %arg13[%dma_wait3A_308] : memref<10240xf32, #tpu.memory_space<vmem_shared>> -> memref<10240xf32, #tpu.memory_space<vmem_shared>>
      tpu.wait_indirect_dma semaphore(%arg17 : memref<!tpu.dma_semaphore, #tpu.memory_space<semaphore_mem>>) src(%arg10 : memref<128xf32, #tpu.memory_space<vmem>>) dst(%dma_wait3A_309 : memref<10240xf32, #tpu.memory_space<vmem_shared>>)
      %convert_element_type3A = arith.extui %lt3A_89 : i1 to i32
      %cond3A = arith.constant 0 : i32
      %cond3A_310 = arith.cmpi ne, %convert_element_type3A, %cond3A : i32
      scf.if %cond3A_310 {
        %dma_start3A_319 = arith.constant 0 : i32
        %dma_start3A_320 = tpu.memref_slice %arg3[%add3A, %add3A_88, %dma_start3A_319] : memref<32x160x128xi32, #tpu.memory_space<hbm>> -> memref<1x16x128xi32, #tpu.memory_space<hbm>>
        %dma_start3A_321 = tpu.memref_squeeze %dma_start3A_320 : memref<1x16x128xi32, #tpu.memory_space<hbm>> -> memref<16x128xi32, #tpu.memory_space<hbm>>
        %dma_start3A_322 = arith.constant 0 : i32
        %dma_start3A_323 = tpu.memref_slice %arg3[%add3A, %add3A_88, %dma_start3A_322] : memref<32x160x128xi32, #tpu.memory_space<hbm>> -> memref<1x16x128xi32, #tpu.memory_space<hbm>>
        %dma_start3A_324 = tpu.memref_squeeze %dma_start3A_323 : memref<1x16x128xi32, #tpu.memory_space<hbm>> -> memref<16x128xi32, #tpu.memory_space<hbm>>
        tpu.enqueue_dma source(%dma_start3A_324 : memref<16x128xi32, #tpu.memory_space<hbm>>) target(%arg6 : memref<16x128xi32, #tpu.memory_space<vmem>>) target_semaphore(%arg16 : memref<!tpu.dma_semaphore, #tpu.memory_space<semaphore_mem>>)
      } else {
      }
      %ge3A = arith.constant 4 : i32
      %ge3A_311 = arith.cmpi sge, %while3A_82, %ge3A : i32
      %not3A = arith.constant true
      %not3A_312 = arith.xori %ge3A_311, %not3A : i1
      %convert_element_type3A_313 = arith.extui %not3A_312 : i1 to i32
      %cond3A_314 = arith.constant 0 : i32
      %cond3A_315 = arith.cmpi ne, %convert_element_type3A_313, %cond3A_314 : i32
      scf.if %cond3A_315 {
        %add3A_319 = arith.constant 32 : i32
        %add3A_320 = arith.addi %mul3A_84, %add3A_319 : i32
        %dma_wait3A_321 = arith.constant 0 : i32
        %dma_wait3A_322 = arith.constant 0 : i32
        %dma_wait3A_323 = tpu.memref_slice %arg7[%dma_wait3A_321, %dma_wait3A_322] : memref<16x128xi32, #tpu.memory_space<vmem>> -> memref<1x128xi32, #tpu.memory_space<vmem>>
        %dma_wait3A_324 = tpu.memref_squeeze %dma_wait3A_323 : memref<1x128xi32, #tpu.memory_space<vmem>> -> memref<128xi32, #tpu.memory_space<vmem>>
        %dma_wait3A_325 = arith.constant 0 : i32
        %dma_wait3A_326 = arith.constant 0 : i32
        %dma_wait3A_327 = tpu.memref_slice %arg2[%dma_wait3A_325, %dma_wait3A_326] : memref<10000x128xf32, #tpu.memory_space<hbm>> -> memref<10000x128xf32, #tpu.memory_space<hbm>>
        tpu.wait_indirect_dma semaphore(%arg14 : memref<!tpu.dma_semaphore, #tpu.memory_space<semaphore_mem>>) src(%dma_wait3A_327 : memref<10000x128xf32, #tpu.memory_space<hbm>>) dst(%arg8 : memref<128x128xf32, #tpu.memory_space<vmem>>)
        %run_scoped3A_328 = arith.constant 1 : i32
        "tpu.region"() ({
          %run_scoped3A_551 = tpu.sem_alloc : memref<!tpu.dma_semaphore, #tpu.memory_space<semaphore_mem>>
          %dma_start3A_552 = arith.constant 0 : i32
          %dma_start3A_553 = tpu.memref_slice %arg7[%run_scoped3A_328, %dma_start3A_552] : memref<16x128xi32, #tpu.memory_space<vmem>> -> memref<1x128xi32, #tpu.memory_space<vmem>>
          %dma_start3A_554 = tpu.memref_squeeze %dma_start3A_553 : memref<1x128xi32, #tpu.memory_space<vmem>> -> memref<128xi32, #tpu.memory_space<vmem>>
          %dma_start3A_555 = arith.constant 0 : i32
          %dma_start3A_556 = arith.constant 0 : i32
          %dma_start3A_557 = tpu.memref_slice %arg12[%dma_start3A_555, %dma_start3A_556] : memref<10240x128xf32, #tpu.memory_space<vmem_shared>> -> memref<10240x128xf32, #tpu.memory_space<vmem_shared>>
          tpu.enqueue_indirect_dma source(%arg8 : memref<128x128xf32, #tpu.memory_space<vmem>>) target(%dma_start3A_557 : memref<10240x128xf32, #tpu.memory_space<vmem_shared>>) offsets(%dma_start3A_554 : memref<128xi32, #tpu.memory_space<vmem>>) semaphore(%run_scoped3A_551 : memref<!tpu.dma_semaphore, #tpu.memory_space<semaphore_mem>>) {add = true}
          %dma_wait3A_558 = arith.constant 0 : i32
          %dma_wait3A_559 = tpu.memref_slice %arg7[%run_scoped3A_328, %dma_wait3A_558] : memref<16x128xi32, #tpu.memory_space<vmem>> -> memref<1x128xi32, #tpu.memory_space<vmem>>
          %dma_wait3A_560 = tpu.memref_squeeze %dma_wait3A_559 : memref<1x128xi32, #tpu.memory_space<vmem>> -> memref<128xi32, #tpu.memory_space<vmem>>
          %dma_wait3A_561 = arith.constant 0 : i32
          %dma_wait3A_562 = arith.constant 0 : i32
          %dma_wait3A_563 = tpu.memref_slice %arg12[%dma_wait3A_561, %dma_wait3A_562] : memref<10240x128xf32, #tpu.memory_space<vmem_shared>> -> memref<10240x128xf32, #tpu.memory_space<vmem_shared>>
          tpu.wait_indirect_dma semaphore(%run_scoped3A_551 : memref<!tpu.dma_semaphore, #tpu.memory_space<semaphore_mem>>) src(%arg8 : memref<128x128xf32, #tpu.memory_space<vmem>>) dst(%dma_wait3A_563 : memref<10240x128xf32, #tpu.memory_space<vmem_shared>>)
          tpu.yield
        }) : () -> ()
        %dma_start3A_329 = arith.constant 1 : i32
        %dma_start3A_330 = arith.constant 0 : i32
        %dma_start3A_331 = tpu.memref_slice %arg7[%dma_start3A_329, %dma_start3A_330] : memref<16x128xi32, #tpu.memory_space<vmem>> -> memref<1x128xi32, #tpu.memory_space<vmem>>
        %dma_start3A_332 = tpu.memref_squeeze %dma_start3A_331 : memref<1x128xi32, #tpu.memory_space<vmem>> -> memref<128xi32, #tpu.memory_space<vmem>>
        %dma_start3A_333 = arith.constant 0 : i32
        %dma_start3A_334 = tpu.memref_slice %arg13[%dma_start3A_333] : memref<10240xf32, #tpu.memory_space<vmem_shared>> -> memref<10240xf32, #tpu.memory_space<vmem_shared>>
        tpu.enqueue_indirect_dma source(%arg10 : memref<128xf32, #tpu.memory_space<vmem>>) target(%dma_start3A_334 : memref<10240xf32, #tpu.memory_space<vmem_shared>>) offsets(%dma_start3A_332 : memref<128xi32, #tpu.memory_space<vmem>>) semaphore(%arg17 : memref<!tpu.dma_semaphore, #tpu.memory_space<semaphore_mem>>) {add = true}
        %dma_start3A_335 = arith.constant 4 : i32
        %dma_start3A_336 = arith.constant 0 : i32
        %dma_start3A_337 = tpu.memref_slice %arg7[%dma_start3A_335, %dma_start3A_336] : memref<16x128xi32, #tpu.memory_space<vmem>> -> memref<1x128xi32, #tpu.memory_space<vmem>>
        %dma_start3A_338 = tpu.memref_squeeze %dma_start3A_337 : memref<1x128xi32, #tpu.memory_space<vmem>> -> memref<128xi32, #tpu.memory_space<vmem>>
        %dma_start3A_339 = arith.constant 0 : i32
        %dma_start3A_340 = arith.constant 0 : i32
        %dma_start3A_341 = tpu.memref_slice %arg2[%dma_start3A_339, %dma_start3A_340] : memref<10000x128xf32, #tpu.memory_space<hbm>> -> memref<10000x128xf32, #tpu.memory_space<hbm>>
        tpu.enqueue_indirect_dma source(%dma_start3A_341 : memref<10000x128xf32, #tpu.memory_space<hbm>>) target(%arg8 : memref<128x128xf32, #tpu.memory_space<vmem>>) offsets(%dma_start3A_338 : memref<128xi32, #tpu.memory_space<vmem>>) semaphore(%arg14 : memref<!tpu.dma_semaphore, #tpu.memory_space<semaphore_mem>>)
        %dma_wait3A_342 = arith.constant 2 : i32
        %dma_wait3A_343 = arith.constant 0 : i32
        %dma_wait3A_344 = tpu.memref_slice %arg7[%dma_wait3A_342, %dma_wait3A_343] : memref<16x128xi32, #tpu.memory_space<vmem>> -> memref<1x128xi32, #tpu.memory_space<vmem>>
        %dma_wait3A_345 = tpu.memref_squeeze %dma_wait3A_344 : memref<1x128xi32, #tpu.memory_space<vmem>> -> memref<128xi32, #tpu.memory_space<vmem>>
        %dma_wait3A_346 = arith.constant 0 : i32
        %dma_wait3A_347 = arith.constant 0 : i32
        %dma_wait3A_348 = tpu.memref_slice %arg2[%dma_wait3A_346, %dma_wait3A_347] : memref<10000x128xf32, #tpu.memory_space<hbm>> -> memref<10000x128xf32, #tpu.memory_space<hbm>>
        tpu.wait_indirect_dma semaphore(%arg15 : memref<!tpu.dma_semaphore, #tpu.memory_space<semaphore_mem>>) src(%dma_wait3A_348 : memref<10000x128xf32, #tpu.memory_space<hbm>>) dst(%arg9 : memref<128x128xf32, #tpu.memory_space<vmem>>)
        %run_scoped3A_349 = arith.constant 3 : i32
        "tpu.region"() ({
          %run_scoped3A_551 = tpu.sem_alloc : memref<!tpu.dma_semaphore, #tpu.memory_space<semaphore_mem>>
          %dma_start3A_552 = arith.constant 0 : i32
          %dma_start3A_553 = tpu.memref_slice %arg7[%run_scoped3A_349, %dma_start3A_552] : memref<16x128xi32, #tpu.memory_space<vmem>> -> memref<1x128xi32, #tpu.memory_space<vmem>>
          %dma_start3A_554 = tpu.memref_squeeze %dma_start3A_553 : memref<1x128xi32, #tpu.memory_space<vmem>> -> memref<128xi32, #tpu.memory_space<vmem>>
          %dma_start3A_555 = arith.constant 0 : i32
          %dma_start3A_556 = arith.constant 0 : i32
          %dma_start3A_557 = tpu.memref_slice %arg12[%dma_start3A_555, %dma_start3A_556] : memref<10240x128xf32, #tpu.memory_space<vmem_shared>> -> memref<10240x128xf32, #tpu.memory_space<vmem_shared>>
          tpu.enqueue_indirect_dma source(%arg9 : memref<128x128xf32, #tpu.memory_space<vmem>>) target(%dma_start3A_557 : memref<10240x128xf32, #tpu.memory_space<vmem_shared>>) offsets(%dma_start3A_554 : memref<128xi32, #tpu.memory_space<vmem>>) semaphore(%run_scoped3A_551 : memref<!tpu.dma_semaphore, #tpu.memory_space<semaphore_mem>>) {add = true}
          %dma_wait3A_558 = arith.constant 0 : i32
          %dma_wait3A_559 = tpu.memref_slice %arg7[%run_scoped3A_349, %dma_wait3A_558] : memref<16x128xi32, #tpu.memory_space<vmem>> -> memref<1x128xi32, #tpu.memory_space<vmem>>
          %dma_wait3A_560 = tpu.memref_squeeze %dma_wait3A_559 : memref<1x128xi32, #tpu.memory_space<vmem>> -> memref<128xi32, #tpu.memory_space<vmem>>
          %dma_wait3A_561 = arith.constant 0 : i32
          %dma_wait3A_562 = arith.constant 0 : i32
          %dma_wait3A_563 = tpu.memref_slice %arg12[%dma_wait3A_561, %dma_wait3A_562] : memref<10240x128xf32, #tpu.memory_space<vmem_shared>> -> memref<10240x128xf32, #tpu.memory_space<vmem_shared>>
          tpu.wait_indirect_dma semaphore(%run_scoped3A_551 : memref<!tpu.dma_semaphore, #tpu.memory_space<semaphore_mem>>) src(%arg9 : memref<128x128xf32, #tpu.memory_space<vmem>>) dst(%dma_wait3A_563 : memref<10240x128xf32, #tpu.memory_space<vmem_shared>>)
          tpu.yield
        }) : () -> ()
        %dma_start3A_350 = arith.constant 3 : i32
        %dma_start3A_351 = arith.constant 0 : i32
        %dma_start3A_352 = tpu.memref_slice %arg7[%dma_start3A_350, %dma_start3A_351] : memref<16x128xi32, #tpu.memory_space<vmem>> -> memref<1x128xi32, #tpu.memory_space<vmem>>
        %dma_start3A_353 = tpu.memref_squeeze %dma_start3A_352 : memref<1x128xi32, #tpu.memory_space<vmem>> -> memref<128xi32, #tpu.memory_space<vmem>>
        %dma_start3A_354 = arith.constant 0 : i32
        %dma_start3A_355 = tpu.memref_slice %arg13[%dma_start3A_354] : memref<10240xf32, #tpu.memory_space<vmem_shared>> -> memref<10240xf32, #tpu.memory_space<vmem_shared>>
        tpu.enqueue_indirect_dma source(%arg10 : memref<128xf32, #tpu.memory_space<vmem>>) target(%dma_start3A_355 : memref<10240xf32, #tpu.memory_space<vmem_shared>>) offsets(%dma_start3A_353 : memref<128xi32, #tpu.memory_space<vmem>>) semaphore(%arg17 : memref<!tpu.dma_semaphore, #tpu.memory_space<semaphore_mem>>) {add = true}
        %dma_start3A_356 = arith.constant 6 : i32
        %dma_start3A_357 = arith.constant 0 : i32
        %dma_start3A_358 = tpu.memref_slice %arg7[%dma_start3A_356, %dma_start3A_357] : memref<16x128xi32, #tpu.memory_space<vmem>> -> memref<1x128xi32, #tpu.memory_space<vmem>>
        %dma_start3A_359 = tpu.memref_squeeze %dma_start3A_358 : memref<1x128xi32, #tpu.memory_space<vmem>> -> memref<128xi32, #tpu.memory_space<vmem>>
        %dma_start3A_360 = arith.constant 0 : i32
        %dma_start3A_361 = arith.constant 0 : i32
        %dma_start3A_362 = tpu.memref_slice %arg2[%dma_start3A_360, %dma_start3A_361] : memref<10000x128xf32, #tpu.memory_space<hbm>> -> memref<10000x128xf32, #tpu.memory_space<hbm>>
        tpu.enqueue_indirect_dma source(%dma_start3A_362 : memref<10000x128xf32, #tpu.memory_space<hbm>>) target(%arg9 : memref<128x128xf32, #tpu.memory_space<vmem>>) offsets(%dma_start3A_359 : memref<128xi32, #tpu.memory_space<vmem>>) semaphore(%arg15 : memref<!tpu.dma_semaphore, #tpu.memory_space<semaphore_mem>>)
        %dma_wait3A_363 = arith.constant 4 : i32
        %dma_wait3A_364 = arith.constant 0 : i32
        %dma_wait3A_365 = tpu.memref_slice %arg7[%dma_wait3A_363, %dma_wait3A_364] : memref<16x128xi32, #tpu.memory_space<vmem>> -> memref<1x128xi32, #tpu.memory_space<vmem>>
        %dma_wait3A_366 = tpu.memref_squeeze %dma_wait3A_365 : memref<1x128xi32, #tpu.memory_space<vmem>> -> memref<128xi32, #tpu.memory_space<vmem>>
        %dma_wait3A_367 = arith.constant 0 : i32
        %dma_wait3A_368 = arith.constant 0 : i32
        %dma_wait3A_369 = tpu.memref_slice %arg2[%dma_wait3A_367, %dma_wait3A_368] : memref<10000x128xf32, #tpu.memory_space<hbm>> -> memref<10000x128xf32, #tpu.memory_space<hbm>>
        tpu.wait_indirect_dma semaphore(%arg14 : memref<!tpu.dma_semaphore, #tpu.memory_space<semaphore_mem>>) src(%dma_wait3A_369 : memref<10000x128xf32, #tpu.memory_space<hbm>>) dst(%arg8 : memref<128x128xf32, #tpu.memory_space<vmem>>)
        %run_scoped3A_370 = arith.constant 5 : i32
        "tpu.region"() ({
          %run_scoped3A_551 = tpu.sem_alloc : memref<!tpu.dma_semaphore, #tpu.memory_space<semaphore_mem>>
          %dma_start3A_552 = arith.constant 0 : i32
          %dma_start3A_553 = tpu.memref_slice %arg7[%run_scoped3A_370, %dma_start3A_552] : memref<16x128xi32, #tpu.memory_space<vmem>> -> memref<1x128xi32, #tpu.memory_space<vmem>>
          %dma_start3A_554 = tpu.memref_squeeze %dma_start3A_553 : memref<1x128xi32, #tpu.memory_space<vmem>> -> memref<128xi32, #tpu.memory_space<vmem>>
          %dma_start3A_555 = arith.constant 0 : i32
          %dma_start3A_556 = arith.constant 0 : i32
          %dma_start3A_557 = tpu.memref_slice %arg12[%dma_start3A_555, %dma_start3A_556] : memref<10240x128xf32, #tpu.memory_space<vmem_shared>> -> memref<10240x128xf32, #tpu.memory_space<vmem_shared>>
          tpu.enqueue_indirect_dma source(%arg8 : memref<128x128xf32, #tpu.memory_space<vmem>>) target(%dma_start3A_557 : memref<10240x128xf32, #tpu.memory_space<vmem_shared>>) offsets(%dma_start3A_554 : memref<128xi32, #tpu.memory_space<vmem>>) semaphore(%run_scoped3A_551 : memref<!tpu.dma_semaphore, #tpu.memory_space<semaphore_mem>>) {add = true}
          %dma_wait3A_558 = arith.constant 0 : i32
          %dma_wait3A_559 = tpu.memref_slice %arg7[%run_scoped3A_370, %dma_wait3A_558] : memref<16x128xi32, #tpu.memory_space<vmem>> -> memref<1x128xi32, #tpu.memory_space<vmem>>
          %dma_wait3A_560 = tpu.memref_squeeze %dma_wait3A_559 : memref<1x128xi32, #tpu.memory_space<vmem>> -> memref<128xi32, #tpu.memory_space<vmem>>
          %dma_wait3A_561 = arith.constant 0 : i32
          %dma_wait3A_562 = arith.constant 0 : i32
          %dma_wait3A_563 = tpu.memref_slice %arg12[%dma_wait3A_561, %dma_wait3A_562] : memref<10240x128xf32, #tpu.memory_space<vmem_shared>> -> memref<10240x128xf32, #tpu.memory_space<vmem_shared>>
          tpu.wait_indirect_dma semaphore(%run_scoped3A_551 : memref<!tpu.dma_semaphore, #tpu.memory_space<semaphore_mem>>) src(%arg8 : memref<128x128xf32, #tpu.memory_space<vmem>>) dst(%dma_wait3A_563 : memref<10240x128xf32, #tpu.memory_space<vmem_shared>>)
          tpu.yield
        }) : () -> ()
        %dma_start3A_371 = arith.constant 5 : i32
        %dma_start3A_372 = arith.constant 0 : i32
        %dma_start3A_373 = tpu.memref_slice %arg7[%dma_start3A_371, %dma_start3A_372] : memref<16x128xi32, #tpu.memory_space<vmem>> -> memref<1x128xi32, #tpu.memory_space<vmem>>
        %dma_start3A_374 = tpu.memref_squeeze %dma_start3A_373 : memref<1x128xi32, #tpu.memory_space<vmem>> -> memref<128xi32, #tpu.memory_space<vmem>>
        %dma_start3A_375 = arith.constant 0 : i32
        %dma_start3A_376 = tpu.memref_slice %arg13[%dma_start3A_375] : memref<10240xf32, #tpu.memory_space<vmem_shared>> -> memref<10240xf32, #tpu.memory_space<vmem_shared>>
        tpu.enqueue_indirect_dma source(%arg10 : memref<128xf32, #tpu.memory_space<vmem>>) target(%dma_start3A_376 : memref<10240xf32, #tpu.memory_space<vmem_shared>>) offsets(%dma_start3A_374 : memref<128xi32, #tpu.memory_space<vmem>>) semaphore(%arg17 : memref<!tpu.dma_semaphore, #tpu.memory_space<semaphore_mem>>) {add = true}
        %dma_start3A_377 = arith.constant 8 : i32
        %dma_start3A_378 = arith.constant 0 : i32
        %dma_start3A_379 = tpu.memref_slice %arg7[%dma_start3A_377, %dma_start3A_378] : memref<16x128xi32, #tpu.memory_space<vmem>> -> memref<1x128xi32, #tpu.memory_space<vmem>>
        %dma_start3A_380 = tpu.memref_squeeze %dma_start3A_379 : memref<1x128xi32, #tpu.memory_space<vmem>> -> memref<128xi32, #tpu.memory_space<vmem>>
        %dma_start3A_381 = arith.constant 0 : i32
        %dma_start3A_382 = arith.constant 0 : i32
        %dma_start3A_383 = tpu.memref_slice %arg2[%dma_start3A_381, %dma_start3A_382] : memref<10000x128xf32, #tpu.memory_space<hbm>> -> memref<10000x128xf32, #tpu.memory_space<hbm>>
        tpu.enqueue_indirect_dma source(%dma_start3A_383 : memref<10000x128xf32, #tpu.memory_space<hbm>>) target(%arg8 : memref<128x128xf32, #tpu.memory_space<vmem>>) offsets(%dma_start3A_380 : memref<128xi32, #tpu.memory_space<vmem>>) semaphore(%arg14 : memref<!tpu.dma_semaphore, #tpu.memory_space<semaphore_mem>>)
        %dma_wait3A_384 = arith.constant 6 : i32
        %dma_wait3A_385 = arith.constant 0 : i32
        %dma_wait3A_386 = tpu.memref_slice %arg7[%dma_wait3A_384, %dma_wait3A_385] : memref<16x128xi32, #tpu.memory_space<vmem>> -> memref<1x128xi32, #tpu.memory_space<vmem>>
        %dma_wait3A_387 = tpu.memref_squeeze %dma_wait3A_386 : memref<1x128xi32, #tpu.memory_space<vmem>> -> memref<128xi32, #tpu.memory_space<vmem>>
        %dma_wait3A_388 = arith.constant 0 : i32
        %dma_wait3A_389 = arith.constant 0 : i32
        %dma_wait3A_390 = tpu.memref_slice %arg2[%dma_wait3A_388, %dma_wait3A_389] : memref<10000x128xf32, #tpu.memory_space<hbm>> -> memref<10000x128xf32, #tpu.memory_space<hbm>>
        tpu.wait_indirect_dma semaphore(%arg15 : memref<!tpu.dma_semaphore, #tpu.memory_space<semaphore_mem>>) src(%dma_wait3A_390 : memref<10000x128xf32, #tpu.memory_space<hbm>>) dst(%arg9 : memref<128x128xf32, #tpu.memory_space<vmem>>)
        %run_scoped3A_391 = arith.constant 7 : i32
        "tpu.region"() ({
          %run_scoped3A_551 = tpu.sem_alloc : memref<!tpu.dma_semaphore, #tpu.memory_space<semaphore_mem>>
          %dma_start3A_552 = arith.constant 0 : i32
          %dma_start3A_553 = tpu.memref_slice %arg7[%run_scoped3A_391, %dma_start3A_552] : memref<16x128xi32, #tpu.memory_space<vmem>> -> memref<1x128xi32, #tpu.memory_space<vmem>>
          %dma_start3A_554 = tpu.memref_squeeze %dma_start3A_553 : memref<1x128xi32, #tpu.memory_space<vmem>> -> memref<128xi32, #tpu.memory_space<vmem>>
          %dma_start3A_555 = arith.constant 0 : i32
          %dma_start3A_556 = arith.constant 0 : i32
          %dma_start3A_557 = tpu.memref_slice %arg12[%dma_start3A_555, %dma_start3A_556] : memref<10240x128xf32, #tpu.memory_space<vmem_shared>> -> memref<10240x128xf32, #tpu.memory_space<vmem_shared>>
          tpu.enqueue_indirect_dma source(%arg9 : memref<128x128xf32, #tpu.memory_space<vmem>>) target(%dma_start3A_557 : memref<10240x128xf32, #tpu.memory_space<vmem_shared>>) offsets(%dma_start3A_554 : memref<128xi32, #tpu.memory_space<vmem>>) semaphore(%run_scoped3A_551 : memref<!tpu.dma_semaphore, #tpu.memory_space<semaphore_mem>>) {add = true}
          %dma_wait3A_558 = arith.constant 0 : i32
          %dma_wait3A_559 = tpu.memref_slice %arg7[%run_scoped3A_391, %dma_wait3A_558] : memref<16x128xi32, #tpu.memory_space<vmem>> -> memref<1x128xi32, #tpu.memory_space<vmem>>
          %dma_wait3A_560 = tpu.memref_squeeze %dma_wait3A_559 : memref<1x128xi32, #tpu.memory_space<vmem>> -> memref<128xi32, #tpu.memory_space<vmem>>
          %dma_wait3A_561 = arith.constant 0 : i32
          %dma_wait3A_562 = arith.constant 0 : i32
          %dma_wait3A_563 = tpu.memref_slice %arg12[%dma_wait3A_561, %dma_wait3A_562] : memref<10240x128xf32, #tpu.memory_space<vmem_shared>> -> memref<10240x128xf32, #tpu.memory_space<vmem_shared>>
          tpu.wait_indirect_dma semaphore(%run_scoped3A_551 : memref<!tpu.dma_semaphore, #tpu.memory_space<semaphore_mem>>) src(%arg9 : memref<128x128xf32, #tpu.memory_space<vmem>>) dst(%dma_wait3A_563 : memref<10240x128xf32, #tpu.memory_space<vmem_shared>>)
          tpu.yield
        }) : () -> ()
        %dma_start3A_392 = arith.constant 7 : i32
        %dma_start3A_393 = arith.constant 0 : i32
        %dma_start3A_394 = tpu.memref_slice %arg7[%dma_start3A_392, %dma_start3A_393] : memref<16x128xi32, #tpu.memory_space<vmem>> -> memref<1x128xi32, #tpu.memory_space<vmem>>
        %dma_start3A_395 = tpu.memref_squeeze %dma_start3A_394 : memref<1x128xi32, #tpu.memory_space<vmem>> -> memref<128xi32, #tpu.memory_space<vmem>>
        %dma_start3A_396 = arith.constant 0 : i32
        %dma_start3A_397 = tpu.memref_slice %arg13[%dma_start3A_396] : memref<10240xf32, #tpu.memory_space<vmem_shared>> -> memref<10240xf32, #tpu.memory_space<vmem_shared>>
        tpu.enqueue_indirect_dma source(%arg10 : memref<128xf32, #tpu.memory_space<vmem>>) target(%dma_start3A_397 : memref<10240xf32, #tpu.memory_space<vmem_shared>>) offsets(%dma_start3A_395 : memref<128xi32, #tpu.memory_space<vmem>>) semaphore(%arg17 : memref<!tpu.dma_semaphore, #tpu.memory_space<semaphore_mem>>) {add = true}
        %dma_start3A_398 = arith.constant 10 : i32
        %dma_start3A_399 = arith.constant 0 : i32
        %dma_start3A_400 = tpu.memref_slice %arg7[%dma_start3A_398, %dma_start3A_399] : memref<16x128xi32, #tpu.memory_space<vmem>> -> memref<1x128xi32, #tpu.memory_space<vmem>>
        %dma_start3A_401 = tpu.memref_squeeze %dma_start3A_400 : memref<1x128xi32, #tpu.memory_space<vmem>> -> memref<128xi32, #tpu.memory_space<vmem>>
        %dma_start3A_402 = arith.constant 0 : i32
        %dma_start3A_403 = arith.constant 0 : i32
        %dma_start3A_404 = tpu.memref_slice %arg2[%dma_start3A_402, %dma_start3A_403] : memref<10000x128xf32, #tpu.memory_space<hbm>> -> memref<10000x128xf32, #tpu.memory_space<hbm>>
        tpu.enqueue_indirect_dma source(%dma_start3A_404 : memref<10000x128xf32, #tpu.memory_space<hbm>>) target(%arg9 : memref<128x128xf32, #tpu.memory_space<vmem>>) offsets(%dma_start3A_401 : memref<128xi32, #tpu.memory_space<vmem>>) semaphore(%arg15 : memref<!tpu.dma_semaphore, #tpu.memory_space<semaphore_mem>>)
        %dma_wait3A_405 = arith.constant 8 : i32
        %dma_wait3A_406 = arith.constant 0 : i32
        %dma_wait3A_407 = tpu.memref_slice %arg7[%dma_wait3A_405, %dma_wait3A_406] : memref<16x128xi32, #tpu.memory_space<vmem>> -> memref<1x128xi32, #tpu.memory_space<vmem>>
        %dma_wait3A_408 = tpu.memref_squeeze %dma_wait3A_407 : memref<1x128xi32, #tpu.memory_space<vmem>> -> memref<128xi32, #tpu.memory_space<vmem>>
        %dma_wait3A_409 = arith.constant 0 : i32
        %dma_wait3A_410 = arith.constant 0 : i32
        %dma_wait3A_411 = tpu.memref_slice %arg2[%dma_wait3A_409, %dma_wait3A_410] : memref<10000x128xf32, #tpu.memory_space<hbm>> -> memref<10000x128xf32, #tpu.memory_space<hbm>>
        tpu.wait_indirect_dma semaphore(%arg14 : memref<!tpu.dma_semaphore, #tpu.memory_space<semaphore_mem>>) src(%dma_wait3A_411 : memref<10000x128xf32, #tpu.memory_space<hbm>>) dst(%arg8 : memref<128x128xf32, #tpu.memory_space<vmem>>)
        %run_scoped3A_412 = arith.constant 9 : i32
        "tpu.region"() ({
          %run_scoped3A_551 = tpu.sem_alloc : memref<!tpu.dma_semaphore, #tpu.memory_space<semaphore_mem>>
          %dma_start3A_552 = arith.constant 0 : i32
          %dma_start3A_553 = tpu.memref_slice %arg7[%run_scoped3A_412, %dma_start3A_552] : memref<16x128xi32, #tpu.memory_space<vmem>> -> memref<1x128xi32, #tpu.memory_space<vmem>>
          %dma_start3A_554 = tpu.memref_squeeze %dma_start3A_553 : memref<1x128xi32, #tpu.memory_space<vmem>> -> memref<128xi32, #tpu.memory_space<vmem>>
          %dma_start3A_555 = arith.constant 0 : i32
          %dma_start3A_556 = arith.constant 0 : i32
          %dma_start3A_557 = tpu.memref_slice %arg12[%dma_start3A_555, %dma_start3A_556] : memref<10240x128xf32, #tpu.memory_space<vmem_shared>> -> memref<10240x128xf32, #tpu.memory_space<vmem_shared>>
          tpu.enqueue_indirect_dma source(%arg8 : memref<128x128xf32, #tpu.memory_space<vmem>>) target(%dma_start3A_557 : memref<10240x128xf32, #tpu.memory_space<vmem_shared>>) offsets(%dma_start3A_554 : memref<128xi32, #tpu.memory_space<vmem>>) semaphore(%run_scoped3A_551 : memref<!tpu.dma_semaphore, #tpu.memory_space<semaphore_mem>>) {add = true}
          %dma_wait3A_558 = arith.constant 0 : i32
          %dma_wait3A_559 = tpu.memref_slice %arg7[%run_scoped3A_412, %dma_wait3A_558] : memref<16x128xi32, #tpu.memory_space<vmem>> -> memref<1x128xi32, #tpu.memory_space<vmem>>
          %dma_wait3A_560 = tpu.memref_squeeze %dma_wait3A_559 : memref<1x128xi32, #tpu.memory_space<vmem>> -> memref<128xi32, #tpu.memory_space<vmem>>
          %dma_wait3A_561 = arith.constant 0 : i32
          %dma_wait3A_562 = arith.constant 0 : i32
          %dma_wait3A_563 = tpu.memref_slice %arg12[%dma_wait3A_561, %dma_wait3A_562] : memref<10240x128xf32, #tpu.memory_space<vmem_shared>> -> memref<10240x128xf32, #tpu.memory_space<vmem_shared>>
          tpu.wait_indirect_dma semaphore(%run_scoped3A_551 : memref<!tpu.dma_semaphore, #tpu.memory_space<semaphore_mem>>) src(%arg8 : memref<128x128xf32, #tpu.memory_space<vmem>>) dst(%dma_wait3A_563 : memref<10240x128xf32, #tpu.memory_space<vmem_shared>>)
          tpu.yield
        }) : () -> ()
        %dma_start3A_413 = arith.constant 9 : i32
        %dma_start3A_414 = arith.constant 0 : i32
        %dma_start3A_415 = tpu.memref_slice %arg7[%dma_start3A_413, %dma_start3A_414] : memref<16x128xi32, #tpu.memory_space<vmem>> -> memref<1x128xi32, #tpu.memory_space<vmem>>
        %dma_start3A_416 = tpu.memref_squeeze %dma_start3A_415 : memref<1x128xi32, #tpu.memory_space<vmem>> -> memref<128xi32, #tpu.memory_space<vmem>>
        %dma_start3A_417 = arith.constant 0 : i32
        %dma_start3A_418 = tpu.memref_slice %arg13[%dma_start3A_417] : memref<10240xf32, #tpu.memory_space<vmem_shared>> -> memref<10240xf32, #tpu.memory_space<vmem_shared>>
        tpu.enqueue_indirect_dma source(%arg10 : memref<128xf32, #tpu.memory_space<vmem>>) target(%dma_start3A_418 : memref<10240xf32, #tpu.memory_space<vmem_shared>>) offsets(%dma_start3A_416 : memref<128xi32, #tpu.memory_space<vmem>>) semaphore(%arg17 : memref<!tpu.dma_semaphore, #tpu.memory_space<semaphore_mem>>) {add = true}
        %dma_start3A_419 = arith.constant 12 : i32
        %dma_start3A_420 = arith.constant 0 : i32
        %dma_start3A_421 = tpu.memref_slice %arg7[%dma_start3A_419, %dma_start3A_420] : memref<16x128xi32, #tpu.memory_space<vmem>> -> memref<1x128xi32, #tpu.memory_space<vmem>>
        %dma_start3A_422 = tpu.memref_squeeze %dma_start3A_421 : memref<1x128xi32, #tpu.memory_space<vmem>> -> memref<128xi32, #tpu.memory_space<vmem>>
        %dma_start3A_423 = arith.constant 0 : i32
        %dma_start3A_424 = arith.constant 0 : i32
        %dma_start3A_425 = tpu.memref_slice %arg2[%dma_start3A_423, %dma_start3A_424] : memref<10000x128xf32, #tpu.memory_space<hbm>> -> memref<10000x128xf32, #tpu.memory_space<hbm>>
        tpu.enqueue_indirect_dma source(%dma_start3A_425 : memref<10000x128xf32, #tpu.memory_space<hbm>>) target(%arg8 : memref<128x128xf32, #tpu.memory_space<vmem>>) offsets(%dma_start3A_422 : memref<128xi32, #tpu.memory_space<vmem>>) semaphore(%arg14 : memref<!tpu.dma_semaphore, #tpu.memory_space<semaphore_mem>>)
        %dma_wait3A_426 = arith.constant 10 : i32
        %dma_wait3A_427 = arith.constant 0 : i32
        %dma_wait3A_428 = tpu.memref_slice %arg7[%dma_wait3A_426, %dma_wait3A_427] : memref<16x128xi32, #tpu.memory_space<vmem>> -> memref<1x128xi32, #tpu.memory_space<vmem>>
        %dma_wait3A_429 = tpu.memref_squeeze %dma_wait3A_428 : memref<1x128xi32, #tpu.memory_space<vmem>> -> memref<128xi32, #tpu.memory_space<vmem>>
        %dma_wait3A_430 = arith.constant 0 : i32
        %dma_wait3A_431 = arith.constant 0 : i32
        %dma_wait3A_432 = tpu.memref_slice %arg2[%dma_wait3A_430, %dma_wait3A_431] : memref<10000x128xf32, #tpu.memory_space<hbm>> -> memref<10000x128xf32, #tpu.memory_space<hbm>>
        tpu.wait_indirect_dma semaphore(%arg15 : memref<!tpu.dma_semaphore, #tpu.memory_space<semaphore_mem>>) src(%dma_wait3A_432 : memref<10000x128xf32, #tpu.memory_space<hbm>>) dst(%arg9 : memref<128x128xf32, #tpu.memory_space<vmem>>)
        %run_scoped3A_433 = arith.constant 11 : i32
        "tpu.region"() ({
          %run_scoped3A_551 = tpu.sem_alloc : memref<!tpu.dma_semaphore, #tpu.memory_space<semaphore_mem>>
          %dma_start3A_552 = arith.constant 0 : i32
          %dma_start3A_553 = tpu.memref_slice %arg7[%run_scoped3A_433, %dma_start3A_552] : memref<16x128xi32, #tpu.memory_space<vmem>> -> memref<1x128xi32, #tpu.memory_space<vmem>>
          %dma_start3A_554 = tpu.memref_squeeze %dma_start3A_553 : memref<1x128xi32, #tpu.memory_space<vmem>> -> memref<128xi32, #tpu.memory_space<vmem>>
          %dma_start3A_555 = arith.constant 0 : i32
          %dma_start3A_556 = arith.constant 0 : i32
          %dma_start3A_557 = tpu.memref_slice %arg12[%dma_start3A_555, %dma_start3A_556] : memref<10240x128xf32, #tpu.memory_space<vmem_shared>> -> memref<10240x128xf32, #tpu.memory_space<vmem_shared>>
          tpu.enqueue_indirect_dma source(%arg9 : memref<128x128xf32, #tpu.memory_space<vmem>>) target(%dma_start3A_557 : memref<10240x128xf32, #tpu.memory_space<vmem_shared>>) offsets(%dma_start3A_554 : memref<128xi32, #tpu.memory_space<vmem>>) semaphore(%run_scoped3A_551 : memref<!tpu.dma_semaphore, #tpu.memory_space<semaphore_mem>>) {add = true}
          %dma_wait3A_558 = arith.constant 0 : i32
          %dma_wait3A_559 = tpu.memref_slice %arg7[%run_scoped3A_433, %dma_wait3A_558] : memref<16x128xi32, #tpu.memory_space<vmem>> -> memref<1x128xi32, #tpu.memory_space<vmem>>
          %dma_wait3A_560 = tpu.memref_squeeze %dma_wait3A_559 : memref<1x128xi32, #tpu.memory_space<vmem>> -> memref<128xi32, #tpu.memory_space<vmem>>
          %dma_wait3A_561 = arith.constant 0 : i32
          %dma_wait3A_562 = arith.constant 0 : i32
          %dma_wait3A_563 = tpu.memref_slice %arg12[%dma_wait3A_561, %dma_wait3A_562] : memref<10240x128xf32, #tpu.memory_space<vmem_shared>> -> memref<10240x128xf32, #tpu.memory_space<vmem_shared>>
          tpu.wait_indirect_dma semaphore(%run_scoped3A_551 : memref<!tpu.dma_semaphore, #tpu.memory_space<semaphore_mem>>) src(%arg9 : memref<128x128xf32, #tpu.memory_space<vmem>>) dst(%dma_wait3A_563 : memref<10240x128xf32, #tpu.memory_space<vmem_shared>>)
          tpu.yield
        }) : () -> ()
        %dma_start3A_434 = arith.constant 11 : i32
        %dma_start3A_435 = arith.constant 0 : i32
        %dma_start3A_436 = tpu.memref_slice %arg7[%dma_start3A_434, %dma_start3A_435] : memref<16x128xi32, #tpu.memory_space<vmem>> -> memref<1x128xi32, #tpu.memory_space<vmem>>
        %dma_start3A_437 = tpu.memref_squeeze %dma_start3A_436 : memref<1x128xi32, #tpu.memory_space<vmem>> -> memref<128xi32, #tpu.memory_space<vmem>>
        %dma_start3A_438 = arith.constant 0 : i32
        %dma_start3A_439 = tpu.memref_slice %arg13[%dma_start3A_438] : memref<10240xf32, #tpu.memory_space<vmem_shared>> -> memref<10240xf32, #tpu.memory_space<vmem_shared>>
        tpu.enqueue_indirect_dma source(%arg10 : memref<128xf32, #tpu.memory_space<vmem>>) target(%dma_start3A_439 : memref<10240xf32, #tpu.memory_space<vmem_shared>>) offsets(%dma_start3A_437 : memref<128xi32, #tpu.memory_space<vmem>>) semaphore(%arg17 : memref<!tpu.dma_semaphore, #tpu.memory_space<semaphore_mem>>) {add = true}
        %dma_start3A_440 = arith.constant 14 : i32
        %dma_start3A_441 = arith.constant 0 : i32
        %dma_start3A_442 = tpu.memref_slice %arg7[%dma_start3A_440, %dma_start3A_441] : memref<16x128xi32, #tpu.memory_space<vmem>> -> memref<1x128xi32, #tpu.memory_space<vmem>>
        %dma_start3A_443 = tpu.memref_squeeze %dma_start3A_442 : memref<1x128xi32, #tpu.memory_space<vmem>> -> memref<128xi32, #tpu.memory_space<vmem>>
        %dma_start3A_444 = arith.constant 0 : i32
        %dma_start3A_445 = arith.constant 0 : i32
        %dma_start3A_446 = tpu.memref_slice %arg2[%dma_start3A_444, %dma_start3A_445] : memref<10000x128xf32, #tpu.memory_space<hbm>> -> memref<10000x128xf32, #tpu.memory_space<hbm>>
        tpu.enqueue_indirect_dma source(%dma_start3A_446 : memref<10000x128xf32, #tpu.memory_space<hbm>>) target(%arg9 : memref<128x128xf32, #tpu.memory_space<vmem>>) offsets(%dma_start3A_443 : memref<128xi32, #tpu.memory_space<vmem>>) semaphore(%arg15 : memref<!tpu.dma_semaphore, #tpu.memory_space<semaphore_mem>>)
        %dma_wait3A_447 = arith.constant 12 : i32
        %dma_wait3A_448 = arith.constant 0 : i32
        %dma_wait3A_449 = tpu.memref_slice %arg7[%dma_wait3A_447, %dma_wait3A_448] : memref<16x128xi32, #tpu.memory_space<vmem>> -> memref<1x128xi32, #tpu.memory_space<vmem>>
        %dma_wait3A_450 = tpu.memref_squeeze %dma_wait3A_449 : memref<1x128xi32, #tpu.memory_space<vmem>> -> memref<128xi32, #tpu.memory_space<vmem>>
        %dma_wait3A_451 = arith.constant 0 : i32
        %dma_wait3A_452 = arith.constant 0 : i32
        %dma_wait3A_453 = tpu.memref_slice %arg2[%dma_wait3A_451, %dma_wait3A_452] : memref<10000x128xf32, #tpu.memory_space<hbm>> -> memref<10000x128xf32, #tpu.memory_space<hbm>>
        tpu.wait_indirect_dma semaphore(%arg14 : memref<!tpu.dma_semaphore, #tpu.memory_space<semaphore_mem>>) src(%dma_wait3A_453 : memref<10000x128xf32, #tpu.memory_space<hbm>>) dst(%arg8 : memref<128x128xf32, #tpu.memory_space<vmem>>)
        %run_scoped3A_454 = arith.constant 13 : i32
        "tpu.region"() ({
          %run_scoped3A_551 = tpu.sem_alloc : memref<!tpu.dma_semaphore, #tpu.memory_space<semaphore_mem>>
          %dma_start3A_552 = arith.constant 0 : i32
          %dma_start3A_553 = tpu.memref_slice %arg7[%run_scoped3A_454, %dma_start3A_552] : memref<16x128xi32, #tpu.memory_space<vmem>> -> memref<1x128xi32, #tpu.memory_space<vmem>>
          %dma_start3A_554 = tpu.memref_squeeze %dma_start3A_553 : memref<1x128xi32, #tpu.memory_space<vmem>> -> memref<128xi32, #tpu.memory_space<vmem>>
          %dma_start3A_555 = arith.constant 0 : i32
          %dma_start3A_556 = arith.constant 0 : i32
          %dma_start3A_557 = tpu.memref_slice %arg12[%dma_start3A_555, %dma_start3A_556] : memref<10240x128xf32, #tpu.memory_space<vmem_shared>> -> memref<10240x128xf32, #tpu.memory_space<vmem_shared>>
          tpu.enqueue_indirect_dma source(%arg8 : memref<128x128xf32, #tpu.memory_space<vmem>>) target(%dma_start3A_557 : memref<10240x128xf32, #tpu.memory_space<vmem_shared>>) offsets(%dma_start3A_554 : memref<128xi32, #tpu.memory_space<vmem>>) semaphore(%run_scoped3A_551 : memref<!tpu.dma_semaphore, #tpu.memory_space<semaphore_mem>>) {add = true}
          %dma_wait3A_558 = arith.constant 0 : i32
          %dma_wait3A_559 = tpu.memref_slice %arg7[%run_scoped3A_454, %dma_wait3A_558] : memref<16x128xi32, #tpu.memory_space<vmem>> -> memref<1x128xi32, #tpu.memory_space<vmem>>
          %dma_wait3A_560 = tpu.memref_squeeze %dma_wait3A_559 : memref<1x128xi32, #tpu.memory_space<vmem>> -> memref<128xi32, #tpu.memory_space<vmem>>
          %dma_wait3A_561 = arith.constant 0 : i32
          %dma_wait3A_562 = arith.constant 0 : i32
          %dma_wait3A_563 = tpu.memref_slice %arg12[%dma_wait3A_561, %dma_wait3A_562] : memref<10240x128xf32, #tpu.memory_space<vmem_shared>> -> memref<10240x128xf32, #tpu.memory_space<vmem_shared>>
          tpu.wait_indirect_dma semaphore(%run_scoped3A_551 : memref<!tpu.dma_semaphore, #tpu.memory_space<semaphore_mem>>) src(%arg8 : memref<128x128xf32, #tpu.memory_space<vmem>>) dst(%dma_wait3A_563 : memref<10240x128xf32, #tpu.memory_space<vmem_shared>>)
          tpu.yield
        }) : () -> ()
        %dma_start3A_455 = arith.constant 13 : i32
        %dma_start3A_456 = arith.constant 0 : i32
        %dma_start3A_457 = tpu.memref_slice %arg7[%dma_start3A_455, %dma_start3A_456] : memref<16x128xi32, #tpu.memory_space<vmem>> -> memref<1x128xi32, #tpu.memory_space<vmem>>
        %dma_start3A_458 = tpu.memref_squeeze %dma_start3A_457 : memref<1x128xi32, #tpu.memory_space<vmem>> -> memref<128xi32, #tpu.memory_space<vmem>>
        %dma_start3A_459 = arith.constant 0 : i32
        %dma_start3A_460 = tpu.memref_slice %arg13[%dma_start3A_459] : memref<10240xf32, #tpu.memory_space<vmem_shared>> -> memref<10240xf32, #tpu.memory_space<vmem_shared>>
        tpu.enqueue_indirect_dma source(%arg10 : memref<128xf32, #tpu.memory_space<vmem>>) target(%dma_start3A_460 : memref<10240xf32, #tpu.memory_space<vmem_shared>>) offsets(%dma_start3A_458 : memref<128xi32, #tpu.memory_space<vmem>>) semaphore(%arg17 : memref<!tpu.dma_semaphore, #tpu.memory_space<semaphore_mem>>) {add = true}
        %dma_wait3A_461 = arith.constant 0 : i32
        %dma_wait3A_462 = tpu.memref_slice %arg3[%add3A, %add3A_320, %dma_wait3A_461] : memref<32x160x128xi32, #tpu.memory_space<hbm>> -> memref<1x16x128xi32, #tpu.memory_space<hbm>>
        %dma_wait3A_463 = tpu.memref_squeeze %dma_wait3A_462 : memref<1x16x128xi32, #tpu.memory_space<hbm>> -> memref<16x128xi32, #tpu.memory_space<hbm>>
        %dma_wait3A_464 = arith.constant 0 : i32
        %dma_wait3A_465 = tpu.memref_slice %arg3[%add3A, %add3A_320, %dma_wait3A_464] : memref<32x160x128xi32, #tpu.memory_space<hbm>> -> memref<1x16x128xi32, #tpu.memory_space<hbm>>
        %dma_wait3A_466 = tpu.memref_squeeze %dma_wait3A_465 : memref<1x16x128xi32, #tpu.memory_space<hbm>> -> memref<16x128xi32, #tpu.memory_space<hbm>>
        tpu.wait_dma2 semaphore(%arg16 : memref<!tpu.dma_semaphore, #tpu.memory_space<semaphore_mem>>) src(%dma_wait3A_466 : memref<16x128xi32, #tpu.memory_space<hbm>>) dst(%arg6 : memref<16x128xi32, #tpu.memory_space<vmem>>)
        %dma_start3A_467 = arith.constant 0 : i32
        %dma_start3A_468 = arith.constant 0 : i32
        %dma_start3A_469 = tpu.memref_slice %arg6[%dma_start3A_467, %dma_start3A_468] : memref<16x128xi32, #tpu.memory_space<vmem>> -> memref<1x128xi32, #tpu.memory_space<vmem>>
        %dma_start3A_470 = tpu.memref_squeeze %dma_start3A_469 : memref<1x128xi32, #tpu.memory_space<vmem>> -> memref<128xi32, #tpu.memory_space<vmem>>
        %dma_start3A_471 = arith.constant 0 : i32
        %dma_start3A_472 = arith.constant 0 : i32
        %dma_start3A_473 = tpu.memref_slice %arg2[%dma_start3A_471, %dma_start3A_472] : memref<10000x128xf32, #tpu.memory_space<hbm>> -> memref<10000x128xf32, #tpu.memory_space<hbm>>
        tpu.enqueue_indirect_dma source(%dma_start3A_473 : memref<10000x128xf32, #tpu.memory_space<hbm>>) target(%arg8 : memref<128x128xf32, #tpu.memory_space<vmem>>) offsets(%dma_start3A_470 : memref<128xi32, #tpu.memory_space<vmem>>) semaphore(%arg14 : memref<!tpu.dma_semaphore, #tpu.memory_space<semaphore_mem>>)
        %dma_wait3A_474 = arith.constant 14 : i32
        %dma_wait3A_475 = arith.constant 0 : i32
        %dma_wait3A_476 = tpu.memref_slice %arg7[%dma_wait3A_474, %dma_wait3A_475] : memref<16x128xi32, #tpu.memory_space<vmem>> -> memref<1x128xi32, #tpu.memory_space<vmem>>
        %dma_wait3A_477 = tpu.memref_squeeze %dma_wait3A_476 : memref<1x128xi32, #tpu.memory_space<vmem>> -> memref<128xi32, #tpu.memory_space<vmem>>
        %dma_wait3A_478 = arith.constant 0 : i32
        %dma_wait3A_479 = arith.constant 0 : i32
        %dma_wait3A_480 = tpu.memref_slice %arg2[%dma_wait3A_478, %dma_wait3A_479] : memref<10000x128xf32, #tpu.memory_space<hbm>> -> memref<10000x128xf32, #tpu.memory_space<hbm>>
        tpu.wait_indirect_dma semaphore(%arg15 : memref<!tpu.dma_semaphore, #tpu.memory_space<semaphore_mem>>) src(%dma_wait3A_480 : memref<10000x128xf32, #tpu.memory_space<hbm>>) dst(%arg9 : memref<128x128xf32, #tpu.memory_space<vmem>>)
        %run_scoped3A_481 = arith.constant 15 : i32
        "tpu.region"() ({
          %run_scoped3A_551 = tpu.sem_alloc : memref<!tpu.dma_semaphore, #tpu.memory_space<semaphore_mem>>
          %dma_start3A_552 = arith.constant 0 : i32
          %dma_start3A_553 = tpu.memref_slice %arg7[%run_scoped3A_481, %dma_start3A_552] : memref<16x128xi32, #tpu.memory_space<vmem>> -> memref<1x128xi32, #tpu.memory_space<vmem>>
          %dma_start3A_554 = tpu.memref_squeeze %dma_start3A_553 : memref<1x128xi32, #tpu.memory_space<vmem>> -> memref<128xi32, #tpu.memory_space<vmem>>
          %dma_start3A_555 = arith.constant 0 : i32
          %dma_start3A_556 = arith.constant 0 : i32
          %dma_start3A_557 = tpu.memref_slice %arg12[%dma_start3A_555, %dma_start3A_556] : memref<10240x128xf32, #tpu.memory_space<vmem_shared>> -> memref<10240x128xf32, #tpu.memory_space<vmem_shared>>
          tpu.enqueue_indirect_dma source(%arg9 : memref<128x128xf32, #tpu.memory_space<vmem>>) target(%dma_start3A_557 : memref<10240x128xf32, #tpu.memory_space<vmem_shared>>) offsets(%dma_start3A_554 : memref<128xi32, #tpu.memory_space<vmem>>) semaphore(%run_scoped3A_551 : memref<!tpu.dma_semaphore, #tpu.memory_space<semaphore_mem>>) {add = true}
          %dma_wait3A_558 = arith.constant 0 : i32
          %dma_wait3A_559 = tpu.memref_slice %arg7[%run_scoped3A_481, %dma_wait3A_558] : memref<16x128xi32, #tpu.memory_space<vmem>> -> memref<1x128xi32, #tpu.memory_space<vmem>>
          %dma_wait3A_560 = tpu.memref_squeeze %dma_wait3A_559 : memref<1x128xi32, #tpu.memory_space<vmem>> -> memref<128xi32, #tpu.memory_space<vmem>>
          %dma_wait3A_561 = arith.constant 0 : i32
          %dma_wait3A_562 = arith.constant 0 : i32
          %dma_wait3A_563 = tpu.memref_slice %arg12[%dma_wait3A_561, %dma_wait3A_562] : memref<10240x128xf32, #tpu.memory_space<vmem_shared>> -> memref<10240x128xf32, #tpu.memory_space<vmem_shared>>
          tpu.wait_indirect_dma semaphore(%run_scoped3A_551 : memref<!tpu.dma_semaphore, #tpu.memory_space<semaphore_mem>>) src(%arg9 : memref<128x128xf32, #tpu.memory_space<vmem>>) dst(%dma_wait3A_563 : memref<10240x128xf32, #tpu.memory_space<vmem_shared>>)
          tpu.yield
        }) : () -> ()
        %dma_start3A_482 = arith.constant 15 : i32
        %dma_start3A_483 = arith.constant 0 : i32
        %dma_start3A_484 = tpu.memref_slice %arg7[%dma_start3A_482, %dma_start3A_483] : memref<16x128xi32, #tpu.memory_space<vmem>> -> memref<1x128xi32, #tpu.memory_space<vmem>>
        %dma_start3A_485 = tpu.memref_squeeze %dma_start3A_484 : memref<1x128xi32, #tpu.memory_space<vmem>> -> memref<128xi32, #tpu.memory_space<vmem>>
        %dma_start3A_486 = arith.constant 0 : i32
        %dma_start3A_487 = tpu.memref_slice %arg13[%dma_start3A_486] : memref<10240xf32, #tpu.memory_space<vmem_shared>> -> memref<10240xf32, #tpu.memory_space<vmem_shared>>
        tpu.enqueue_indirect_dma source(%arg10 : memref<128xf32, #tpu.memory_space<vmem>>) target(%dma_start3A_487 : memref<10240xf32, #tpu.memory_space<vmem_shared>>) offsets(%dma_start3A_485 : memref<128xi32, #tpu.memory_space<vmem>>) semaphore(%arg17 : memref<!tpu.dma_semaphore, #tpu.memory_space<semaphore_mem>>) {add = true}
        %dma_start3A_488 = arith.constant 2 : i32
        %dma_start3A_489 = arith.constant 0 : i32
        %dma_start3A_490 = tpu.memref_slice %arg6[%dma_start3A_488, %dma_start3A_489] : memref<16x128xi32, #tpu.memory_space<vmem>> -> memref<1x128xi32, #tpu.memory_space<vmem>>
        %dma_start3A_491 = tpu.memref_squeeze %dma_start3A_490 : memref<1x128xi32, #tpu.memory_space<vmem>> -> memref<128xi32, #tpu.memory_space<vmem>>
        %dma_start3A_492 = arith.constant 0 : i32
        %dma_start3A_493 = arith.constant 0 : i32
        %dma_start3A_494 = tpu.memref_slice %arg2[%dma_start3A_492, %dma_start3A_493] : memref<10000x128xf32, #tpu.memory_space<hbm>> -> memref<10000x128xf32, #tpu.memory_space<hbm>>
        tpu.enqueue_indirect_dma source(%dma_start3A_494 : memref<10000x128xf32, #tpu.memory_space<hbm>>) target(%arg9 : memref<128x128xf32, #tpu.memory_space<vmem>>) offsets(%dma_start3A_491 : memref<128xi32, #tpu.memory_space<vmem>>) semaphore(%arg15 : memref<!tpu.dma_semaphore, #tpu.memory_space<semaphore_mem>>)
        %dma_wait3A_495 = arith.constant 1 : i32
        %dma_wait3A_496 = arith.constant 0 : i32
        %dma_wait3A_497 = tpu.memref_slice %arg7[%dma_wait3A_495, %dma_wait3A_496] : memref<16x128xi32, #tpu.memory_space<vmem>> -> memref<1x128xi32, #tpu.memory_space<vmem>>
        %dma_wait3A_498 = tpu.memref_squeeze %dma_wait3A_497 : memref<1x128xi32, #tpu.memory_space<vmem>> -> memref<128xi32, #tpu.memory_space<vmem>>
        %dma_wait3A_499 = arith.constant 0 : i32
        %dma_wait3A_500 = tpu.memref_slice %arg13[%dma_wait3A_499] : memref<10240xf32, #tpu.memory_space<vmem_shared>> -> memref<10240xf32, #tpu.memory_space<vmem_shared>>
        tpu.wait_indirect_dma semaphore(%arg17 : memref<!tpu.dma_semaphore, #tpu.memory_space<semaphore_mem>>) src(%arg10 : memref<128xf32, #tpu.memory_space<vmem>>) dst(%dma_wait3A_500 : memref<10240xf32, #tpu.memory_space<vmem_shared>>)
        %dma_wait3A_501 = arith.constant 1 : i32
        %dma_wait3A_502 = arith.constant 0 : i32
        %dma_wait3A_503 = tpu.memref_slice %arg7[%dma_wait3A_501, %dma_wait3A_502] : memref<16x128xi32, #tpu.memory_space<vmem>> -> memref<1x128xi32, #tpu.memory_space<vmem>>
        %dma_wait3A_504 = tpu.memref_squeeze %dma_wait3A_503 : memref<1x128xi32, #tpu.memory_space<vmem>> -> memref<128xi32, #tpu.memory_space<vmem>>
        %dma_wait3A_505 = arith.constant 0 : i32
        %dma_wait3A_506 = tpu.memref_slice %arg13[%dma_wait3A_505] : memref<10240xf32, #tpu.memory_space<vmem_shared>> -> memref<10240xf32, #tpu.memory_space<vmem_shared>>
        tpu.wait_indirect_dma semaphore(%arg17 : memref<!tpu.dma_semaphore, #tpu.memory_space<semaphore_mem>>) src(%arg10 : memref<128xf32, #tpu.memory_space<vmem>>) dst(%dma_wait3A_506 : memref<10240xf32, #tpu.memory_space<vmem_shared>>)
        %dma_wait3A_507 = arith.constant 1 : i32
        %dma_wait3A_508 = arith.constant 0 : i32
        %dma_wait3A_509 = tpu.memref_slice %arg7[%dma_wait3A_507, %dma_wait3A_508] : memref<16x128xi32, #tpu.memory_space<vmem>> -> memref<1x128xi32, #tpu.memory_space<vmem>>
        %dma_wait3A_510 = tpu.memref_squeeze %dma_wait3A_509 : memref<1x128xi32, #tpu.memory_space<vmem>> -> memref<128xi32, #tpu.memory_space<vmem>>
        %dma_wait3A_511 = arith.constant 0 : i32
        %dma_wait3A_512 = tpu.memref_slice %arg13[%dma_wait3A_511] : memref<10240xf32, #tpu.memory_space<vmem_shared>> -> memref<10240xf32, #tpu.memory_space<vmem_shared>>
        tpu.wait_indirect_dma semaphore(%arg17 : memref<!tpu.dma_semaphore, #tpu.memory_space<semaphore_mem>>) src(%arg10 : memref<128xf32, #tpu.memory_space<vmem>>) dst(%dma_wait3A_512 : memref<10240xf32, #tpu.memory_space<vmem_shared>>)
        %dma_wait3A_513 = arith.constant 1 : i32
        %dma_wait3A_514 = arith.constant 0 : i32
        %dma_wait3A_515 = tpu.memref_slice %arg7[%dma_wait3A_513, %dma_wait3A_514] : memref<16x128xi32, #tpu.memory_space<vmem>> -> memref<1x128xi32, #tpu.memory_space<vmem>>
        %dma_wait3A_516 = tpu.memref_squeeze %dma_wait3A_515 : memref<1x128xi32, #tpu.memory_space<vmem>> -> memref<128xi32, #tpu.memory_space<vmem>>
        %dma_wait3A_517 = arith.constant 0 : i32
        %dma_wait3A_518 = tpu.memref_slice %arg13[%dma_wait3A_517] : memref<10240xf32, #tpu.memory_space<vmem_shared>> -> memref<10240xf32, #tpu.memory_space<vmem_shared>>
        tpu.wait_indirect_dma semaphore(%arg17 : memref<!tpu.dma_semaphore, #tpu.memory_space<semaphore_mem>>) src(%arg10 : memref<128xf32, #tpu.memory_space<vmem>>) dst(%dma_wait3A_518 : memref<10240xf32, #tpu.memory_space<vmem_shared>>)
        %dma_wait3A_519 = arith.constant 1 : i32
        %dma_wait3A_520 = arith.constant 0 : i32
        %dma_wait3A_521 = tpu.memref_slice %arg7[%dma_wait3A_519, %dma_wait3A_520] : memref<16x128xi32, #tpu.memory_space<vmem>> -> memref<1x128xi32, #tpu.memory_space<vmem>>
        %dma_wait3A_522 = tpu.memref_squeeze %dma_wait3A_521 : memref<1x128xi32, #tpu.memory_space<vmem>> -> memref<128xi32, #tpu.memory_space<vmem>>
        %dma_wait3A_523 = arith.constant 0 : i32
        %dma_wait3A_524 = tpu.memref_slice %arg13[%dma_wait3A_523] : memref<10240xf32, #tpu.memory_space<vmem_shared>> -> memref<10240xf32, #tpu.memory_space<vmem_shared>>
        tpu.wait_indirect_dma semaphore(%arg17 : memref<!tpu.dma_semaphore, #tpu.memory_space<semaphore_mem>>) src(%arg10 : memref<128xf32, #tpu.memory_space<vmem>>) dst(%dma_wait3A_524 : memref<10240xf32, #tpu.memory_space<vmem_shared>>)
        %dma_wait3A_525 = arith.constant 1 : i32
        %dma_wait3A_526 = arith.constant 0 : i32
        %dma_wait3A_527 = tpu.memref_slice %arg7[%dma_wait3A_525, %dma_wait3A_526] : memref<16x128xi32, #tpu.memory_space<vmem>> -> memref<1x128xi32, #tpu.memory_space<vmem>>
        %dma_wait3A_528 = tpu.memref_squeeze %dma_wait3A_527 : memref<1x128xi32, #tpu.memory_space<vmem>> -> memref<128xi32, #tpu.memory_space<vmem>>
        %dma_wait3A_529 = arith.constant 0 : i32
        %dma_wait3A_530 = tpu.memref_slice %arg13[%dma_wait3A_529] : memref<10240xf32, #tpu.memory_space<vmem_shared>> -> memref<10240xf32, #tpu.memory_space<vmem_shared>>
        tpu.wait_indirect_dma semaphore(%arg17 : memref<!tpu.dma_semaphore, #tpu.memory_space<semaphore_mem>>) src(%arg10 : memref<128xf32, #tpu.memory_space<vmem>>) dst(%dma_wait3A_530 : memref<10240xf32, #tpu.memory_space<vmem_shared>>)
        %dma_wait3A_531 = arith.constant 1 : i32
        %dma_wait3A_532 = arith.constant 0 : i32
        %dma_wait3A_533 = tpu.memref_slice %arg7[%dma_wait3A_531, %dma_wait3A_532] : memref<16x128xi32, #tpu.memory_space<vmem>> -> memref<1x128xi32, #tpu.memory_space<vmem>>
        %dma_wait3A_534 = tpu.memref_squeeze %dma_wait3A_533 : memref<1x128xi32, #tpu.memory_space<vmem>> -> memref<128xi32, #tpu.memory_space<vmem>>
        %dma_wait3A_535 = arith.constant 0 : i32
        %dma_wait3A_536 = tpu.memref_slice %arg13[%dma_wait3A_535] : memref<10240xf32, #tpu.memory_space<vmem_shared>> -> memref<10240xf32, #tpu.memory_space<vmem_shared>>
        tpu.wait_indirect_dma semaphore(%arg17 : memref<!tpu.dma_semaphore, #tpu.memory_space<semaphore_mem>>) src(%arg10 : memref<128xf32, #tpu.memory_space<vmem>>) dst(%dma_wait3A_536 : memref<10240xf32, #tpu.memory_space<vmem_shared>>)
        %dma_wait3A_537 = arith.constant 1 : i32
        %dma_wait3A_538 = arith.constant 0 : i32
        %dma_wait3A_539 = tpu.memref_slice %arg7[%dma_wait3A_537, %dma_wait3A_538] : memref<16x128xi32, #tpu.memory_space<vmem>> -> memref<1x128xi32, #tpu.memory_space<vmem>>
        %dma_wait3A_540 = tpu.memref_squeeze %dma_wait3A_539 : memref<1x128xi32, #tpu.memory_space<vmem>> -> memref<128xi32, #tpu.memory_space<vmem>>
        %dma_wait3A_541 = arith.constant 0 : i32
        %dma_wait3A_542 = tpu.memref_slice %arg13[%dma_wait3A_541] : memref<10240xf32, #tpu.memory_space<vmem_shared>> -> memref<10240xf32, #tpu.memory_space<vmem_shared>>
        tpu.wait_indirect_dma semaphore(%arg17 : memref<!tpu.dma_semaphore, #tpu.memory_space<semaphore_mem>>) src(%arg10 : memref<128xf32, #tpu.memory_space<vmem>>) dst(%dma_wait3A_542 : memref<10240xf32, #tpu.memory_space<vmem_shared>>)
        %add3A_543 = arith.constant 48 : i32
        %add3A_544 = arith.addi %mul3A_84, %add3A_543 : i32
        %dma_start3A_545 = arith.constant 0 : i32
        %dma_start3A_546 = tpu.memref_slice %arg3[%add3A, %add3A_544, %dma_start3A_545] : memref<32x160x128xi32, #tpu.memory_space<hbm>> -> memref<1x16x128xi32, #tpu.memory_space<hbm>>
        %dma_start3A_547 = tpu.memref_squeeze %dma_start3A_546 : memref<1x16x128xi32, #tpu.memory_space<hbm>> -> memref<16x128xi32, #tpu.memory_space<hbm>>
        %dma_start3A_548 = arith.constant 0 : i32
        %dma_start3A_549 = tpu.memref_slice %arg3[%add3A, %add3A_544, %dma_start3A_548] : memref<32x160x128xi32, #tpu.memory_space<hbm>> -> memref<1x16x128xi32, #tpu.memory_space<hbm>>
        %dma_start3A_550 = tpu.memref_squeeze %dma_start3A_549 : memref<1x16x128xi32, #tpu.memory_space<hbm>> -> memref<16x128xi32, #tpu.memory_space<hbm>>
        tpu.enqueue_dma source(%dma_start3A_550 : memref<16x128xi32, #tpu.memory_space<hbm>>) target(%arg7 : memref<16x128xi32, #tpu.memory_space<vmem>>) target_semaphore(%arg16 : memref<!tpu.dma_semaphore, #tpu.memory_space<semaphore_mem>>)
      } else {
      }
      %convert_element_type3A_316 = arith.extui %ge3A_311 : i1 to i32
      %cond3A_317 = arith.constant 0 : i32
      %cond3A_318 = arith.cmpi ne, %convert_element_type3A_316, %cond3A_317 : i32
      scf.if %cond3A_318 {
        %dma_wait3A_319 = arith.constant 0 : i32
        %dma_wait3A_320 = arith.constant 0 : i32
        %dma_wait3A_321 = tpu.memref_slice %arg7[%dma_wait3A_319, %dma_wait3A_320] : memref<16x128xi32, #tpu.memory_space<vmem>> -> memref<1x128xi32, #tpu.memory_space<vmem>>
        %dma_wait3A_322 = tpu.memref_squeeze %dma_wait3A_321 : memref<1x128xi32, #tpu.memory_space<vmem>> -> memref<128xi32, #tpu.memory_space<vmem>>
        %dma_wait3A_323 = arith.constant 0 : i32
        %dma_wait3A_324 = arith.constant 0 : i32
        %dma_wait3A_325 = tpu.memref_slice %arg2[%dma_wait3A_323, %dma_wait3A_324] : memref<10000x128xf32, #tpu.memory_space<hbm>> -> memref<10000x128xf32, #tpu.memory_space<hbm>>
        tpu.wait_indirect_dma semaphore(%arg14 : memref<!tpu.dma_semaphore, #tpu.memory_space<semaphore_mem>>) src(%dma_wait3A_325 : memref<10000x128xf32, #tpu.memory_space<hbm>>) dst(%arg8 : memref<128x128xf32, #tpu.memory_space<vmem>>)
        %run_scoped3A_326 = arith.constant 1 : i32
        "tpu.region"() ({
          %run_scoped3A_521 = tpu.sem_alloc : memref<!tpu.dma_semaphore, #tpu.memory_space<semaphore_mem>>
          %dma_start3A_522 = arith.constant 0 : i32
          %dma_start3A_523 = tpu.memref_slice %arg7[%run_scoped3A_326, %dma_start3A_522] : memref<16x128xi32, #tpu.memory_space<vmem>> -> memref<1x128xi32, #tpu.memory_space<vmem>>
          %dma_start3A_524 = tpu.memref_squeeze %dma_start3A_523 : memref<1x128xi32, #tpu.memory_space<vmem>> -> memref<128xi32, #tpu.memory_space<vmem>>
          %dma_start3A_525 = arith.constant 0 : i32
          %dma_start3A_526 = arith.constant 0 : i32
          %dma_start3A_527 = tpu.memref_slice %arg12[%dma_start3A_525, %dma_start3A_526] : memref<10240x128xf32, #tpu.memory_space<vmem_shared>> -> memref<10240x128xf32, #tpu.memory_space<vmem_shared>>
          tpu.enqueue_indirect_dma source(%arg8 : memref<128x128xf32, #tpu.memory_space<vmem>>) target(%dma_start3A_527 : memref<10240x128xf32, #tpu.memory_space<vmem_shared>>) offsets(%dma_start3A_524 : memref<128xi32, #tpu.memory_space<vmem>>) semaphore(%run_scoped3A_521 : memref<!tpu.dma_semaphore, #tpu.memory_space<semaphore_mem>>) {add = true}
          %dma_wait3A_528 = arith.constant 0 : i32
          %dma_wait3A_529 = tpu.memref_slice %arg7[%run_scoped3A_326, %dma_wait3A_528] : memref<16x128xi32, #tpu.memory_space<vmem>> -> memref<1x128xi32, #tpu.memory_space<vmem>>
          %dma_wait3A_530 = tpu.memref_squeeze %dma_wait3A_529 : memref<1x128xi32, #tpu.memory_space<vmem>> -> memref<128xi32, #tpu.memory_space<vmem>>
          %dma_wait3A_531 = arith.constant 0 : i32
          %dma_wait3A_532 = arith.constant 0 : i32
          %dma_wait3A_533 = tpu.memref_slice %arg12[%dma_wait3A_531, %dma_wait3A_532] : memref<10240x128xf32, #tpu.memory_space<vmem_shared>> -> memref<10240x128xf32, #tpu.memory_space<vmem_shared>>
          tpu.wait_indirect_dma semaphore(%run_scoped3A_521 : memref<!tpu.dma_semaphore, #tpu.memory_space<semaphore_mem>>) src(%arg8 : memref<128x128xf32, #tpu.memory_space<vmem>>) dst(%dma_wait3A_533 : memref<10240x128xf32, #tpu.memory_space<vmem_shared>>)
          tpu.yield
        }) : () -> ()
        %dma_start3A_327 = arith.constant 1 : i32
        %dma_start3A_328 = arith.constant 0 : i32
        %dma_start3A_329 = tpu.memref_slice %arg7[%dma_start3A_327, %dma_start3A_328] : memref<16x128xi32, #tpu.memory_space<vmem>> -> memref<1x128xi32, #tpu.memory_space<vmem>>
        %dma_start3A_330 = tpu.memref_squeeze %dma_start3A_329 : memref<1x128xi32, #tpu.memory_space<vmem>> -> memref<128xi32, #tpu.memory_space<vmem>>
        %dma_start3A_331 = arith.constant 0 : i32
        %dma_start3A_332 = tpu.memref_slice %arg13[%dma_start3A_331] : memref<10240xf32, #tpu.memory_space<vmem_shared>> -> memref<10240xf32, #tpu.memory_space<vmem_shared>>
        tpu.enqueue_indirect_dma source(%arg10 : memref<128xf32, #tpu.memory_space<vmem>>) target(%dma_start3A_332 : memref<10240xf32, #tpu.memory_space<vmem_shared>>) offsets(%dma_start3A_330 : memref<128xi32, #tpu.memory_space<vmem>>) semaphore(%arg17 : memref<!tpu.dma_semaphore, #tpu.memory_space<semaphore_mem>>) {add = true}
        %dma_start3A_333 = arith.constant 4 : i32
        %dma_start3A_334 = arith.constant 0 : i32
        %dma_start3A_335 = tpu.memref_slice %arg7[%dma_start3A_333, %dma_start3A_334] : memref<16x128xi32, #tpu.memory_space<vmem>> -> memref<1x128xi32, #tpu.memory_space<vmem>>
        %dma_start3A_336 = tpu.memref_squeeze %dma_start3A_335 : memref<1x128xi32, #tpu.memory_space<vmem>> -> memref<128xi32, #tpu.memory_space<vmem>>
        %dma_start3A_337 = arith.constant 0 : i32
        %dma_start3A_338 = arith.constant 0 : i32
        %dma_start3A_339 = tpu.memref_slice %arg2[%dma_start3A_337, %dma_start3A_338] : memref<10000x128xf32, #tpu.memory_space<hbm>> -> memref<10000x128xf32, #tpu.memory_space<hbm>>
        tpu.enqueue_indirect_dma source(%dma_start3A_339 : memref<10000x128xf32, #tpu.memory_space<hbm>>) target(%arg8 : memref<128x128xf32, #tpu.memory_space<vmem>>) offsets(%dma_start3A_336 : memref<128xi32, #tpu.memory_space<vmem>>) semaphore(%arg14 : memref<!tpu.dma_semaphore, #tpu.memory_space<semaphore_mem>>)
        %dma_wait3A_340 = arith.constant 2 : i32
        %dma_wait3A_341 = arith.constant 0 : i32
        %dma_wait3A_342 = tpu.memref_slice %arg7[%dma_wait3A_340, %dma_wait3A_341] : memref<16x128xi32, #tpu.memory_space<vmem>> -> memref<1x128xi32, #tpu.memory_space<vmem>>
        %dma_wait3A_343 = tpu.memref_squeeze %dma_wait3A_342 : memref<1x128xi32, #tpu.memory_space<vmem>> -> memref<128xi32, #tpu.memory_space<vmem>>
        %dma_wait3A_344 = arith.constant 0 : i32
        %dma_wait3A_345 = arith.constant 0 : i32
        %dma_wait3A_346 = tpu.memref_slice %arg2[%dma_wait3A_344, %dma_wait3A_345] : memref<10000x128xf32, #tpu.memory_space<hbm>> -> memref<10000x128xf32, #tpu.memory_space<hbm>>
        tpu.wait_indirect_dma semaphore(%arg15 : memref<!tpu.dma_semaphore, #tpu.memory_space<semaphore_mem>>) src(%dma_wait3A_346 : memref<10000x128xf32, #tpu.memory_space<hbm>>) dst(%arg9 : memref<128x128xf32, #tpu.memory_space<vmem>>)
        %run_scoped3A_347 = arith.constant 3 : i32
        "tpu.region"() ({
          %run_scoped3A_521 = tpu.sem_alloc : memref<!tpu.dma_semaphore, #tpu.memory_space<semaphore_mem>>
          %dma_start3A_522 = arith.constant 0 : i32
          %dma_start3A_523 = tpu.memref_slice %arg7[%run_scoped3A_347, %dma_start3A_522] : memref<16x128xi32, #tpu.memory_space<vmem>> -> memref<1x128xi32, #tpu.memory_space<vmem>>
          %dma_start3A_524 = tpu.memref_squeeze %dma_start3A_523 : memref<1x128xi32, #tpu.memory_space<vmem>> -> memref<128xi32, #tpu.memory_space<vmem>>
          %dma_start3A_525 = arith.constant 0 : i32
          %dma_start3A_526 = arith.constant 0 : i32
          %dma_start3A_527 = tpu.memref_slice %arg12[%dma_start3A_525, %dma_start3A_526] : memref<10240x128xf32, #tpu.memory_space<vmem_shared>> -> memref<10240x128xf32, #tpu.memory_space<vmem_shared>>
          tpu.enqueue_indirect_dma source(%arg9 : memref<128x128xf32, #tpu.memory_space<vmem>>) target(%dma_start3A_527 : memref<10240x128xf32, #tpu.memory_space<vmem_shared>>) offsets(%dma_start3A_524 : memref<128xi32, #tpu.memory_space<vmem>>) semaphore(%run_scoped3A_521 : memref<!tpu.dma_semaphore, #tpu.memory_space<semaphore_mem>>) {add = true}
          %dma_wait3A_528 = arith.constant 0 : i32
          %dma_wait3A_529 = tpu.memref_slice %arg7[%run_scoped3A_347, %dma_wait3A_528] : memref<16x128xi32, #tpu.memory_space<vmem>> -> memref<1x128xi32, #tpu.memory_space<vmem>>
          %dma_wait3A_530 = tpu.memref_squeeze %dma_wait3A_529 : memref<1x128xi32, #tpu.memory_space<vmem>> -> memref<128xi32, #tpu.memory_space<vmem>>
          %dma_wait3A_531 = arith.constant 0 : i32
          %dma_wait3A_532 = arith.constant 0 : i32
          %dma_wait3A_533 = tpu.memref_slice %arg12[%dma_wait3A_531, %dma_wait3A_532] : memref<10240x128xf32, #tpu.memory_space<vmem_shared>> -> memref<10240x128xf32, #tpu.memory_space<vmem_shared>>
          tpu.wait_indirect_dma semaphore(%run_scoped3A_521 : memref<!tpu.dma_semaphore, #tpu.memory_space<semaphore_mem>>) src(%arg9 : memref<128x128xf32, #tpu.memory_space<vmem>>) dst(%dma_wait3A_533 : memref<10240x128xf32, #tpu.memory_space<vmem_shared>>)
          tpu.yield
        }) : () -> ()
        %dma_start3A_348 = arith.constant 3 : i32
        %dma_start3A_349 = arith.constant 0 : i32
        %dma_start3A_350 = tpu.memref_slice %arg7[%dma_start3A_348, %dma_start3A_349] : memref<16x128xi32, #tpu.memory_space<vmem>> -> memref<1x128xi32, #tpu.memory_space<vmem>>
        %dma_start3A_351 = tpu.memref_squeeze %dma_start3A_350 : memref<1x128xi32, #tpu.memory_space<vmem>> -> memref<128xi32, #tpu.memory_space<vmem>>
        %dma_start3A_352 = arith.constant 0 : i32
        %dma_start3A_353 = tpu.memref_slice %arg13[%dma_start3A_352] : memref<10240xf32, #tpu.memory_space<vmem_shared>> -> memref<10240xf32, #tpu.memory_space<vmem_shared>>
        tpu.enqueue_indirect_dma source(%arg10 : memref<128xf32, #tpu.memory_space<vmem>>) target(%dma_start3A_353 : memref<10240xf32, #tpu.memory_space<vmem_shared>>) offsets(%dma_start3A_351 : memref<128xi32, #tpu.memory_space<vmem>>) semaphore(%arg17 : memref<!tpu.dma_semaphore, #tpu.memory_space<semaphore_mem>>) {add = true}
        %dma_start3A_354 = arith.constant 6 : i32
        %dma_start3A_355 = arith.constant 0 : i32
        %dma_start3A_356 = tpu.memref_slice %arg7[%dma_start3A_354, %dma_start3A_355] : memref<16x128xi32, #tpu.memory_space<vmem>> -> memref<1x128xi32, #tpu.memory_space<vmem>>
        %dma_start3A_357 = tpu.memref_squeeze %dma_start3A_356 : memref<1x128xi32, #tpu.memory_space<vmem>> -> memref<128xi32, #tpu.memory_space<vmem>>
        %dma_start3A_358 = arith.constant 0 : i32
        %dma_start3A_359 = arith.constant 0 : i32
        %dma_start3A_360 = tpu.memref_slice %arg2[%dma_start3A_358, %dma_start3A_359] : memref<10000x128xf32, #tpu.memory_space<hbm>> -> memref<10000x128xf32, #tpu.memory_space<hbm>>
        tpu.enqueue_indirect_dma source(%dma_start3A_360 : memref<10000x128xf32, #tpu.memory_space<hbm>>) target(%arg9 : memref<128x128xf32, #tpu.memory_space<vmem>>) offsets(%dma_start3A_357 : memref<128xi32, #tpu.memory_space<vmem>>) semaphore(%arg15 : memref<!tpu.dma_semaphore, #tpu.memory_space<semaphore_mem>>)
        %dma_wait3A_361 = arith.constant 4 : i32
        %dma_wait3A_362 = arith.constant 0 : i32
        %dma_wait3A_363 = tpu.memref_slice %arg7[%dma_wait3A_361, %dma_wait3A_362] : memref<16x128xi32, #tpu.memory_space<vmem>> -> memref<1x128xi32, #tpu.memory_space<vmem>>
        %dma_wait3A_364 = tpu.memref_squeeze %dma_wait3A_363 : memref<1x128xi32, #tpu.memory_space<vmem>> -> memref<128xi32, #tpu.memory_space<vmem>>
        %dma_wait3A_365 = arith.constant 0 : i32
        %dma_wait3A_366 = arith.constant 0 : i32
        %dma_wait3A_367 = tpu.memref_slice %arg2[%dma_wait3A_365, %dma_wait3A_366] : memref<10000x128xf32, #tpu.memory_space<hbm>> -> memref<10000x128xf32, #tpu.memory_space<hbm>>
        tpu.wait_indirect_dma semaphore(%arg14 : memref<!tpu.dma_semaphore, #tpu.memory_space<semaphore_mem>>) src(%dma_wait3A_367 : memref<10000x128xf32, #tpu.memory_space<hbm>>) dst(%arg8 : memref<128x128xf32, #tpu.memory_space<vmem>>)
        %run_scoped3A_368 = arith.constant 5 : i32
        "tpu.region"() ({
          %run_scoped3A_521 = tpu.sem_alloc : memref<!tpu.dma_semaphore, #tpu.memory_space<semaphore_mem>>
          %dma_start3A_522 = arith.constant 0 : i32
          %dma_start3A_523 = tpu.memref_slice %arg7[%run_scoped3A_368, %dma_start3A_522] : memref<16x128xi32, #tpu.memory_space<vmem>> -> memref<1x128xi32, #tpu.memory_space<vmem>>
          %dma_start3A_524 = tpu.memref_squeeze %dma_start3A_523 : memref<1x128xi32, #tpu.memory_space<vmem>> -> memref<128xi32, #tpu.memory_space<vmem>>
          %dma_start3A_525 = arith.constant 0 : i32
          %dma_start3A_526 = arith.constant 0 : i32
          %dma_start3A_527 = tpu.memref_slice %arg12[%dma_start3A_525, %dma_start3A_526] : memref<10240x128xf32, #tpu.memory_space<vmem_shared>> -> memref<10240x128xf32, #tpu.memory_space<vmem_shared>>
          tpu.enqueue_indirect_dma source(%arg8 : memref<128x128xf32, #tpu.memory_space<vmem>>) target(%dma_start3A_527 : memref<10240x128xf32, #tpu.memory_space<vmem_shared>>) offsets(%dma_start3A_524 : memref<128xi32, #tpu.memory_space<vmem>>) semaphore(%run_scoped3A_521 : memref<!tpu.dma_semaphore, #tpu.memory_space<semaphore_mem>>) {add = true}
          %dma_wait3A_528 = arith.constant 0 : i32
          %dma_wait3A_529 = tpu.memref_slice %arg7[%run_scoped3A_368, %dma_wait3A_528] : memref<16x128xi32, #tpu.memory_space<vmem>> -> memref<1x128xi32, #tpu.memory_space<vmem>>
          %dma_wait3A_530 = tpu.memref_squeeze %dma_wait3A_529 : memref<1x128xi32, #tpu.memory_space<vmem>> -> memref<128xi32, #tpu.memory_space<vmem>>
          %dma_wait3A_531 = arith.constant 0 : i32
          %dma_wait3A_532 = arith.constant 0 : i32
          %dma_wait3A_533 = tpu.memref_slice %arg12[%dma_wait3A_531, %dma_wait3A_532] : memref<10240x128xf32, #tpu.memory_space<vmem_shared>> -> memref<10240x128xf32, #tpu.memory_space<vmem_shared>>
          tpu.wait_indirect_dma semaphore(%run_scoped3A_521 : memref<!tpu.dma_semaphore, #tpu.memory_space<semaphore_mem>>) src(%arg8 : memref<128x128xf32, #tpu.memory_space<vmem>>) dst(%dma_wait3A_533 : memref<10240x128xf32, #tpu.memory_space<vmem_shared>>)
          tpu.yield
        }) : () -> ()
        %dma_start3A_369 = arith.constant 5 : i32
        %dma_start3A_370 = arith.constant 0 : i32
        %dma_start3A_371 = tpu.memref_slice %arg7[%dma_start3A_369, %dma_start3A_370] : memref<16x128xi32, #tpu.memory_space<vmem>> -> memref<1x128xi32, #tpu.memory_space<vmem>>
        %dma_start3A_372 = tpu.memref_squeeze %dma_start3A_371 : memref<1x128xi32, #tpu.memory_space<vmem>> -> memref<128xi32, #tpu.memory_space<vmem>>
        %dma_start3A_373 = arith.constant 0 : i32
        %dma_start3A_374 = tpu.memref_slice %arg13[%dma_start3A_373] : memref<10240xf32, #tpu.memory_space<vmem_shared>> -> memref<10240xf32, #tpu.memory_space<vmem_shared>>
        tpu.enqueue_indirect_dma source(%arg10 : memref<128xf32, #tpu.memory_space<vmem>>) target(%dma_start3A_374 : memref<10240xf32, #tpu.memory_space<vmem_shared>>) offsets(%dma_start3A_372 : memref<128xi32, #tpu.memory_space<vmem>>) semaphore(%arg17 : memref<!tpu.dma_semaphore, #tpu.memory_space<semaphore_mem>>) {add = true}
        %dma_start3A_375 = arith.constant 8 : i32
        %dma_start3A_376 = arith.constant 0 : i32
        %dma_start3A_377 = tpu.memref_slice %arg7[%dma_start3A_375, %dma_start3A_376] : memref<16x128xi32, #tpu.memory_space<vmem>> -> memref<1x128xi32, #tpu.memory_space<vmem>>
        %dma_start3A_378 = tpu.memref_squeeze %dma_start3A_377 : memref<1x128xi32, #tpu.memory_space<vmem>> -> memref<128xi32, #tpu.memory_space<vmem>>
        %dma_start3A_379 = arith.constant 0 : i32
        %dma_start3A_380 = arith.constant 0 : i32
        %dma_start3A_381 = tpu.memref_slice %arg2[%dma_start3A_379, %dma_start3A_380] : memref<10000x128xf32, #tpu.memory_space<hbm>> -> memref<10000x128xf32, #tpu.memory_space<hbm>>
        tpu.enqueue_indirect_dma source(%dma_start3A_381 : memref<10000x128xf32, #tpu.memory_space<hbm>>) target(%arg8 : memref<128x128xf32, #tpu.memory_space<vmem>>) offsets(%dma_start3A_378 : memref<128xi32, #tpu.memory_space<vmem>>) semaphore(%arg14 : memref<!tpu.dma_semaphore, #tpu.memory_space<semaphore_mem>>)
        %dma_wait3A_382 = arith.constant 6 : i32
        %dma_wait3A_383 = arith.constant 0 : i32
        %dma_wait3A_384 = tpu.memref_slice %arg7[%dma_wait3A_382, %dma_wait3A_383] : memref<16x128xi32, #tpu.memory_space<vmem>> -> memref<1x128xi32, #tpu.memory_space<vmem>>
        %dma_wait3A_385 = tpu.memref_squeeze %dma_wait3A_384 : memref<1x128xi32, #tpu.memory_space<vmem>> -> memref<128xi32, #tpu.memory_space<vmem>>
        %dma_wait3A_386 = arith.constant 0 : i32
        %dma_wait3A_387 = arith.constant 0 : i32
        %dma_wait3A_388 = tpu.memref_slice %arg2[%dma_wait3A_386, %dma_wait3A_387] : memref<10000x128xf32, #tpu.memory_space<hbm>> -> memref<10000x128xf32, #tpu.memory_space<hbm>>
        tpu.wait_indirect_dma semaphore(%arg15 : memref<!tpu.dma_semaphore, #tpu.memory_space<semaphore_mem>>) src(%dma_wait3A_388 : memref<10000x128xf32, #tpu.memory_space<hbm>>) dst(%arg9 : memref<128x128xf32, #tpu.memory_space<vmem>>)
        %run_scoped3A_389 = arith.constant 7 : i32
        "tpu.region"() ({
          %run_scoped3A_521 = tpu.sem_alloc : memref<!tpu.dma_semaphore, #tpu.memory_space<semaphore_mem>>
          %dma_start3A_522 = arith.constant 0 : i32
          %dma_start3A_523 = tpu.memref_slice %arg7[%run_scoped3A_389, %dma_start3A_522] : memref<16x128xi32, #tpu.memory_space<vmem>> -> memref<1x128xi32, #tpu.memory_space<vmem>>
          %dma_start3A_524 = tpu.memref_squeeze %dma_start3A_523 : memref<1x128xi32, #tpu.memory_space<vmem>> -> memref<128xi32, #tpu.memory_space<vmem>>
          %dma_start3A_525 = arith.constant 0 : i32
          %dma_start3A_526 = arith.constant 0 : i32
          %dma_start3A_527 = tpu.memref_slice %arg12[%dma_start3A_525, %dma_start3A_526] : memref<10240x128xf32, #tpu.memory_space<vmem_shared>> -> memref<10240x128xf32, #tpu.memory_space<vmem_shared>>
          tpu.enqueue_indirect_dma source(%arg9 : memref<128x128xf32, #tpu.memory_space<vmem>>) target(%dma_start3A_527 : memref<10240x128xf32, #tpu.memory_space<vmem_shared>>) offsets(%dma_start3A_524 : memref<128xi32, #tpu.memory_space<vmem>>) semaphore(%run_scoped3A_521 : memref<!tpu.dma_semaphore, #tpu.memory_space<semaphore_mem>>) {add = true}
          %dma_wait3A_528 = arith.constant 0 : i32
          %dma_wait3A_529 = tpu.memref_slice %arg7[%run_scoped3A_389, %dma_wait3A_528] : memref<16x128xi32, #tpu.memory_space<vmem>> -> memref<1x128xi32, #tpu.memory_space<vmem>>
          %dma_wait3A_530 = tpu.memref_squeeze %dma_wait3A_529 : memref<1x128xi32, #tpu.memory_space<vmem>> -> memref<128xi32, #tpu.memory_space<vmem>>
          %dma_wait3A_531 = arith.constant 0 : i32
          %dma_wait3A_532 = arith.constant 0 : i32
          %dma_wait3A_533 = tpu.memref_slice %arg12[%dma_wait3A_531, %dma_wait3A_532] : memref<10240x128xf32, #tpu.memory_space<vmem_shared>> -> memref<10240x128xf32, #tpu.memory_space<vmem_shared>>
          tpu.wait_indirect_dma semaphore(%run_scoped3A_521 : memref<!tpu.dma_semaphore, #tpu.memory_space<semaphore_mem>>) src(%arg9 : memref<128x128xf32, #tpu.memory_space<vmem>>) dst(%dma_wait3A_533 : memref<10240x128xf32, #tpu.memory_space<vmem_shared>>)
          tpu.yield
        }) : () -> ()
        %dma_start3A_390 = arith.constant 7 : i32
        %dma_start3A_391 = arith.constant 0 : i32
        %dma_start3A_392 = tpu.memref_slice %arg7[%dma_start3A_390, %dma_start3A_391] : memref<16x128xi32, #tpu.memory_space<vmem>> -> memref<1x128xi32, #tpu.memory_space<vmem>>
        %dma_start3A_393 = tpu.memref_squeeze %dma_start3A_392 : memref<1x128xi32, #tpu.memory_space<vmem>> -> memref<128xi32, #tpu.memory_space<vmem>>
        %dma_start3A_394 = arith.constant 0 : i32
        %dma_start3A_395 = tpu.memref_slice %arg13[%dma_start3A_394] : memref<10240xf32, #tpu.memory_space<vmem_shared>> -> memref<10240xf32, #tpu.memory_space<vmem_shared>>
        tpu.enqueue_indirect_dma source(%arg10 : memref<128xf32, #tpu.memory_space<vmem>>) target(%dma_start3A_395 : memref<10240xf32, #tpu.memory_space<vmem_shared>>) offsets(%dma_start3A_393 : memref<128xi32, #tpu.memory_space<vmem>>) semaphore(%arg17 : memref<!tpu.dma_semaphore, #tpu.memory_space<semaphore_mem>>) {add = true}
        %dma_start3A_396 = arith.constant 10 : i32
        %dma_start3A_397 = arith.constant 0 : i32
        %dma_start3A_398 = tpu.memref_slice %arg7[%dma_start3A_396, %dma_start3A_397] : memref<16x128xi32, #tpu.memory_space<vmem>> -> memref<1x128xi32, #tpu.memory_space<vmem>>
        %dma_start3A_399 = tpu.memref_squeeze %dma_start3A_398 : memref<1x128xi32, #tpu.memory_space<vmem>> -> memref<128xi32, #tpu.memory_space<vmem>>
        %dma_start3A_400 = arith.constant 0 : i32
        %dma_start3A_401 = arith.constant 0 : i32
        %dma_start3A_402 = tpu.memref_slice %arg2[%dma_start3A_400, %dma_start3A_401] : memref<10000x128xf32, #tpu.memory_space<hbm>> -> memref<10000x128xf32, #tpu.memory_space<hbm>>
        tpu.enqueue_indirect_dma source(%dma_start3A_402 : memref<10000x128xf32, #tpu.memory_space<hbm>>) target(%arg9 : memref<128x128xf32, #tpu.memory_space<vmem>>) offsets(%dma_start3A_399 : memref<128xi32, #tpu.memory_space<vmem>>) semaphore(%arg15 : memref<!tpu.dma_semaphore, #tpu.memory_space<semaphore_mem>>)
        %dma_wait3A_403 = arith.constant 8 : i32
        %dma_wait3A_404 = arith.constant 0 : i32
        %dma_wait3A_405 = tpu.memref_slice %arg7[%dma_wait3A_403, %dma_wait3A_404] : memref<16x128xi32, #tpu.memory_space<vmem>> -> memref<1x128xi32, #tpu.memory_space<vmem>>
        %dma_wait3A_406 = tpu.memref_squeeze %dma_wait3A_405 : memref<1x128xi32, #tpu.memory_space<vmem>> -> memref<128xi32, #tpu.memory_space<vmem>>
        %dma_wait3A_407 = arith.constant 0 : i32
        %dma_wait3A_408 = arith.constant 0 : i32
        %dma_wait3A_409 = tpu.memref_slice %arg2[%dma_wait3A_407, %dma_wait3A_408] : memref<10000x128xf32, #tpu.memory_space<hbm>> -> memref<10000x128xf32, #tpu.memory_space<hbm>>
        tpu.wait_indirect_dma semaphore(%arg14 : memref<!tpu.dma_semaphore, #tpu.memory_space<semaphore_mem>>) src(%dma_wait3A_409 : memref<10000x128xf32, #tpu.memory_space<hbm>>) dst(%arg8 : memref<128x128xf32, #tpu.memory_space<vmem>>)
        %run_scoped3A_410 = arith.constant 9 : i32
        "tpu.region"() ({
          %run_scoped3A_521 = tpu.sem_alloc : memref<!tpu.dma_semaphore, #tpu.memory_space<semaphore_mem>>
          %dma_start3A_522 = arith.constant 0 : i32
          %dma_start3A_523 = tpu.memref_slice %arg7[%run_scoped3A_410, %dma_start3A_522] : memref<16x128xi32, #tpu.memory_space<vmem>> -> memref<1x128xi32, #tpu.memory_space<vmem>>
          %dma_start3A_524 = tpu.memref_squeeze %dma_start3A_523 : memref<1x128xi32, #tpu.memory_space<vmem>> -> memref<128xi32, #tpu.memory_space<vmem>>
          %dma_start3A_525 = arith.constant 0 : i32
          %dma_start3A_526 = arith.constant 0 : i32
          %dma_start3A_527 = tpu.memref_slice %arg12[%dma_start3A_525, %dma_start3A_526] : memref<10240x128xf32, #tpu.memory_space<vmem_shared>> -> memref<10240x128xf32, #tpu.memory_space<vmem_shared>>
          tpu.enqueue_indirect_dma source(%arg8 : memref<128x128xf32, #tpu.memory_space<vmem>>) target(%dma_start3A_527 : memref<10240x128xf32, #tpu.memory_space<vmem_shared>>) offsets(%dma_start3A_524 : memref<128xi32, #tpu.memory_space<vmem>>) semaphore(%run_scoped3A_521 : memref<!tpu.dma_semaphore, #tpu.memory_space<semaphore_mem>>) {add = true}
          %dma_wait3A_528 = arith.constant 0 : i32
          %dma_wait3A_529 = tpu.memref_slice %arg7[%run_scoped3A_410, %dma_wait3A_528] : memref<16x128xi32, #tpu.memory_space<vmem>> -> memref<1x128xi32, #tpu.memory_space<vmem>>
          %dma_wait3A_530 = tpu.memref_squeeze %dma_wait3A_529 : memref<1x128xi32, #tpu.memory_space<vmem>> -> memref<128xi32, #tpu.memory_space<vmem>>
          %dma_wait3A_531 = arith.constant 0 : i32
          %dma_wait3A_532 = arith.constant 0 : i32
          %dma_wait3A_533 = tpu.memref_slice %arg12[%dma_wait3A_531, %dma_wait3A_532] : memref<10240x128xf32, #tpu.memory_space<vmem_shared>> -> memref<10240x128xf32, #tpu.memory_space<vmem_shared>>
          tpu.wait_indirect_dma semaphore(%run_scoped3A_521 : memref<!tpu.dma_semaphore, #tpu.memory_space<semaphore_mem>>) src(%arg8 : memref<128x128xf32, #tpu.memory_space<vmem>>) dst(%dma_wait3A_533 : memref<10240x128xf32, #tpu.memory_space<vmem_shared>>)
          tpu.yield
        }) : () -> ()
        %dma_start3A_411 = arith.constant 9 : i32
        %dma_start3A_412 = arith.constant 0 : i32
        %dma_start3A_413 = tpu.memref_slice %arg7[%dma_start3A_411, %dma_start3A_412] : memref<16x128xi32, #tpu.memory_space<vmem>> -> memref<1x128xi32, #tpu.memory_space<vmem>>
        %dma_start3A_414 = tpu.memref_squeeze %dma_start3A_413 : memref<1x128xi32, #tpu.memory_space<vmem>> -> memref<128xi32, #tpu.memory_space<vmem>>
        %dma_start3A_415 = arith.constant 0 : i32
        %dma_start3A_416 = tpu.memref_slice %arg13[%dma_start3A_415] : memref<10240xf32, #tpu.memory_space<vmem_shared>> -> memref<10240xf32, #tpu.memory_space<vmem_shared>>
        tpu.enqueue_indirect_dma source(%arg10 : memref<128xf32, #tpu.memory_space<vmem>>) target(%dma_start3A_416 : memref<10240xf32, #tpu.memory_space<vmem_shared>>) offsets(%dma_start3A_414 : memref<128xi32, #tpu.memory_space<vmem>>) semaphore(%arg17 : memref<!tpu.dma_semaphore, #tpu.memory_space<semaphore_mem>>) {add = true}
        %dma_start3A_417 = arith.constant 12 : i32
        %dma_start3A_418 = arith.constant 0 : i32
        %dma_start3A_419 = tpu.memref_slice %arg7[%dma_start3A_417, %dma_start3A_418] : memref<16x128xi32, #tpu.memory_space<vmem>> -> memref<1x128xi32, #tpu.memory_space<vmem>>
        %dma_start3A_420 = tpu.memref_squeeze %dma_start3A_419 : memref<1x128xi32, #tpu.memory_space<vmem>> -> memref<128xi32, #tpu.memory_space<vmem>>
        %dma_start3A_421 = arith.constant 0 : i32
        %dma_start3A_422 = arith.constant 0 : i32
        %dma_start3A_423 = tpu.memref_slice %arg2[%dma_start3A_421, %dma_start3A_422] : memref<10000x128xf32, #tpu.memory_space<hbm>> -> memref<10000x128xf32, #tpu.memory_space<hbm>>
        tpu.enqueue_indirect_dma source(%dma_start3A_423 : memref<10000x128xf32, #tpu.memory_space<hbm>>) target(%arg8 : memref<128x128xf32, #tpu.memory_space<vmem>>) offsets(%dma_start3A_420 : memref<128xi32, #tpu.memory_space<vmem>>) semaphore(%arg14 : memref<!tpu.dma_semaphore, #tpu.memory_space<semaphore_mem>>)
        %dma_wait3A_424 = arith.constant 10 : i32
        %dma_wait3A_425 = arith.constant 0 : i32
        %dma_wait3A_426 = tpu.memref_slice %arg7[%dma_wait3A_424, %dma_wait3A_425] : memref<16x128xi32, #tpu.memory_space<vmem>> -> memref<1x128xi32, #tpu.memory_space<vmem>>
        %dma_wait3A_427 = tpu.memref_squeeze %dma_wait3A_426 : memref<1x128xi32, #tpu.memory_space<vmem>> -> memref<128xi32, #tpu.memory_space<vmem>>
        %dma_wait3A_428 = arith.constant 0 : i32
        %dma_wait3A_429 = arith.constant 0 : i32
        %dma_wait3A_430 = tpu.memref_slice %arg2[%dma_wait3A_428, %dma_wait3A_429] : memref<10000x128xf32, #tpu.memory_space<hbm>> -> memref<10000x128xf32, #tpu.memory_space<hbm>>
        tpu.wait_indirect_dma semaphore(%arg15 : memref<!tpu.dma_semaphore, #tpu.memory_space<semaphore_mem>>) src(%dma_wait3A_430 : memref<10000x128xf32, #tpu.memory_space<hbm>>) dst(%arg9 : memref<128x128xf32, #tpu.memory_space<vmem>>)
        %run_scoped3A_431 = arith.constant 11 : i32
        "tpu.region"() ({
          %run_scoped3A_521 = tpu.sem_alloc : memref<!tpu.dma_semaphore, #tpu.memory_space<semaphore_mem>>
          %dma_start3A_522 = arith.constant 0 : i32
          %dma_start3A_523 = tpu.memref_slice %arg7[%run_scoped3A_431, %dma_start3A_522] : memref<16x128xi32, #tpu.memory_space<vmem>> -> memref<1x128xi32, #tpu.memory_space<vmem>>
          %dma_start3A_524 = tpu.memref_squeeze %dma_start3A_523 : memref<1x128xi32, #tpu.memory_space<vmem>> -> memref<128xi32, #tpu.memory_space<vmem>>
          %dma_start3A_525 = arith.constant 0 : i32
          %dma_start3A_526 = arith.constant 0 : i32
          %dma_start3A_527 = tpu.memref_slice %arg12[%dma_start3A_525, %dma_start3A_526] : memref<10240x128xf32, #tpu.memory_space<vmem_shared>> -> memref<10240x128xf32, #tpu.memory_space<vmem_shared>>
          tpu.enqueue_indirect_dma source(%arg9 : memref<128x128xf32, #tpu.memory_space<vmem>>) target(%dma_start3A_527 : memref<10240x128xf32, #tpu.memory_space<vmem_shared>>) offsets(%dma_start3A_524 : memref<128xi32, #tpu.memory_space<vmem>>) semaphore(%run_scoped3A_521 : memref<!tpu.dma_semaphore, #tpu.memory_space<semaphore_mem>>) {add = true}
          %dma_wait3A_528 = arith.constant 0 : i32
          %dma_wait3A_529 = tpu.memref_slice %arg7[%run_scoped3A_431, %dma_wait3A_528] : memref<16x128xi32, #tpu.memory_space<vmem>> -> memref<1x128xi32, #tpu.memory_space<vmem>>
          %dma_wait3A_530 = tpu.memref_squeeze %dma_wait3A_529 : memref<1x128xi32, #tpu.memory_space<vmem>> -> memref<128xi32, #tpu.memory_space<vmem>>
          %dma_wait3A_531 = arith.constant 0 : i32
          %dma_wait3A_532 = arith.constant 0 : i32
          %dma_wait3A_533 = tpu.memref_slice %arg12[%dma_wait3A_531, %dma_wait3A_532] : memref<10240x128xf32, #tpu.memory_space<vmem_shared>> -> memref<10240x128xf32, #tpu.memory_space<vmem_shared>>
          tpu.wait_indirect_dma semaphore(%run_scoped3A_521 : memref<!tpu.dma_semaphore, #tpu.memory_space<semaphore_mem>>) src(%arg9 : memref<128x128xf32, #tpu.memory_space<vmem>>) dst(%dma_wait3A_533 : memref<10240x128xf32, #tpu.memory_space<vmem_shared>>)
          tpu.yield
        }) : () -> ()
        %dma_start3A_432 = arith.constant 11 : i32
        %dma_start3A_433 = arith.constant 0 : i32
        %dma_start3A_434 = tpu.memref_slice %arg7[%dma_start3A_432, %dma_start3A_433] : memref<16x128xi32, #tpu.memory_space<vmem>> -> memref<1x128xi32, #tpu.memory_space<vmem>>
        %dma_start3A_435 = tpu.memref_squeeze %dma_start3A_434 : memref<1x128xi32, #tpu.memory_space<vmem>> -> memref<128xi32, #tpu.memory_space<vmem>>
        %dma_start3A_436 = arith.constant 0 : i32
        %dma_start3A_437 = tpu.memref_slice %arg13[%dma_start3A_436] : memref<10240xf32, #tpu.memory_space<vmem_shared>> -> memref<10240xf32, #tpu.memory_space<vmem_shared>>
        tpu.enqueue_indirect_dma source(%arg10 : memref<128xf32, #tpu.memory_space<vmem>>) target(%dma_start3A_437 : memref<10240xf32, #tpu.memory_space<vmem_shared>>) offsets(%dma_start3A_435 : memref<128xi32, #tpu.memory_space<vmem>>) semaphore(%arg17 : memref<!tpu.dma_semaphore, #tpu.memory_space<semaphore_mem>>) {add = true}
        %dma_start3A_438 = arith.constant 14 : i32
        %dma_start3A_439 = arith.constant 0 : i32
        %dma_start3A_440 = tpu.memref_slice %arg7[%dma_start3A_438, %dma_start3A_439] : memref<16x128xi32, #tpu.memory_space<vmem>> -> memref<1x128xi32, #tpu.memory_space<vmem>>
        %dma_start3A_441 = tpu.memref_squeeze %dma_start3A_440 : memref<1x128xi32, #tpu.memory_space<vmem>> -> memref<128xi32, #tpu.memory_space<vmem>>
        %dma_start3A_442 = arith.constant 0 : i32
        %dma_start3A_443 = arith.constant 0 : i32
        %dma_start3A_444 = tpu.memref_slice %arg2[%dma_start3A_442, %dma_start3A_443] : memref<10000x128xf32, #tpu.memory_space<hbm>> -> memref<10000x128xf32, #tpu.memory_space<hbm>>
        tpu.enqueue_indirect_dma source(%dma_start3A_444 : memref<10000x128xf32, #tpu.memory_space<hbm>>) target(%arg9 : memref<128x128xf32, #tpu.memory_space<vmem>>) offsets(%dma_start3A_441 : memref<128xi32, #tpu.memory_space<vmem>>) semaphore(%arg15 : memref<!tpu.dma_semaphore, #tpu.memory_space<semaphore_mem>>)
        %dma_wait3A_445 = arith.constant 12 : i32
        %dma_wait3A_446 = arith.constant 0 : i32
        %dma_wait3A_447 = tpu.memref_slice %arg7[%dma_wait3A_445, %dma_wait3A_446] : memref<16x128xi32, #tpu.memory_space<vmem>> -> memref<1x128xi32, #tpu.memory_space<vmem>>
        %dma_wait3A_448 = tpu.memref_squeeze %dma_wait3A_447 : memref<1x128xi32, #tpu.memory_space<vmem>> -> memref<128xi32, #tpu.memory_space<vmem>>
        %dma_wait3A_449 = arith.constant 0 : i32
        %dma_wait3A_450 = arith.constant 0 : i32
        %dma_wait3A_451 = tpu.memref_slice %arg2[%dma_wait3A_449, %dma_wait3A_450] : memref<10000x128xf32, #tpu.memory_space<hbm>> -> memref<10000x128xf32, #tpu.memory_space<hbm>>
        tpu.wait_indirect_dma semaphore(%arg14 : memref<!tpu.dma_semaphore, #tpu.memory_space<semaphore_mem>>) src(%dma_wait3A_451 : memref<10000x128xf32, #tpu.memory_space<hbm>>) dst(%arg8 : memref<128x128xf32, #tpu.memory_space<vmem>>)
        %run_scoped3A_452 = arith.constant 13 : i32
        "tpu.region"() ({
          %run_scoped3A_521 = tpu.sem_alloc : memref<!tpu.dma_semaphore, #tpu.memory_space<semaphore_mem>>
          %dma_start3A_522 = arith.constant 0 : i32
          %dma_start3A_523 = tpu.memref_slice %arg7[%run_scoped3A_452, %dma_start3A_522] : memref<16x128xi32, #tpu.memory_space<vmem>> -> memref<1x128xi32, #tpu.memory_space<vmem>>
          %dma_start3A_524 = tpu.memref_squeeze %dma_start3A_523 : memref<1x128xi32, #tpu.memory_space<vmem>> -> memref<128xi32, #tpu.memory_space<vmem>>
          %dma_start3A_525 = arith.constant 0 : i32
          %dma_start3A_526 = arith.constant 0 : i32
          %dma_start3A_527 = tpu.memref_slice %arg12[%dma_start3A_525, %dma_start3A_526] : memref<10240x128xf32, #tpu.memory_space<vmem_shared>> -> memref<10240x128xf32, #tpu.memory_space<vmem_shared>>
          tpu.enqueue_indirect_dma source(%arg8 : memref<128x128xf32, #tpu.memory_space<vmem>>) target(%dma_start3A_527 : memref<10240x128xf32, #tpu.memory_space<vmem_shared>>) offsets(%dma_start3A_524 : memref<128xi32, #tpu.memory_space<vmem>>) semaphore(%run_scoped3A_521 : memref<!tpu.dma_semaphore, #tpu.memory_space<semaphore_mem>>) {add = true}
          %dma_wait3A_528 = arith.constant 0 : i32
          %dma_wait3A_529 = tpu.memref_slice %arg7[%run_scoped3A_452, %dma_wait3A_528] : memref<16x128xi32, #tpu.memory_space<vmem>> -> memref<1x128xi32, #tpu.memory_space<vmem>>
          %dma_wait3A_530 = tpu.memref_squeeze %dma_wait3A_529 : memref<1x128xi32, #tpu.memory_space<vmem>> -> memref<128xi32, #tpu.memory_space<vmem>>
          %dma_wait3A_531 = arith.constant 0 : i32
          %dma_wait3A_532 = arith.constant 0 : i32
          %dma_wait3A_533 = tpu.memref_slice %arg12[%dma_wait3A_531, %dma_wait3A_532] : memref<10240x128xf32, #tpu.memory_space<vmem_shared>> -> memref<10240x128xf32, #tpu.memory_space<vmem_shared>>
          tpu.wait_indirect_dma semaphore(%run_scoped3A_521 : memref<!tpu.dma_semaphore, #tpu.memory_space<semaphore_mem>>) src(%arg8 : memref<128x128xf32, #tpu.memory_space<vmem>>) dst(%dma_wait3A_533 : memref<10240x128xf32, #tpu.memory_space<vmem_shared>>)
          tpu.yield
        }) : () -> ()
        %dma_start3A_453 = arith.constant 13 : i32
        %dma_start3A_454 = arith.constant 0 : i32
        %dma_start3A_455 = tpu.memref_slice %arg7[%dma_start3A_453, %dma_start3A_454] : memref<16x128xi32, #tpu.memory_space<vmem>> -> memref<1x128xi32, #tpu.memory_space<vmem>>
        %dma_start3A_456 = tpu.memref_squeeze %dma_start3A_455 : memref<1x128xi32, #tpu.memory_space<vmem>> -> memref<128xi32, #tpu.memory_space<vmem>>
        %dma_start3A_457 = arith.constant 0 : i32
        %dma_start3A_458 = tpu.memref_slice %arg13[%dma_start3A_457] : memref<10240xf32, #tpu.memory_space<vmem_shared>> -> memref<10240xf32, #tpu.memory_space<vmem_shared>>
        tpu.enqueue_indirect_dma source(%arg10 : memref<128xf32, #tpu.memory_space<vmem>>) target(%dma_start3A_458 : memref<10240xf32, #tpu.memory_space<vmem_shared>>) offsets(%dma_start3A_456 : memref<128xi32, #tpu.memory_space<vmem>>) semaphore(%arg17 : memref<!tpu.dma_semaphore, #tpu.memory_space<semaphore_mem>>) {add = true}
        %dma_wait3A_459 = arith.constant 14 : i32
        %dma_wait3A_460 = arith.constant 0 : i32
        %dma_wait3A_461 = tpu.memref_slice %arg7[%dma_wait3A_459, %dma_wait3A_460] : memref<16x128xi32, #tpu.memory_space<vmem>> -> memref<1x128xi32, #tpu.memory_space<vmem>>
        %dma_wait3A_462 = tpu.memref_squeeze %dma_wait3A_461 : memref<1x128xi32, #tpu.memory_space<vmem>> -> memref<128xi32, #tpu.memory_space<vmem>>
        %dma_wait3A_463 = arith.constant 0 : i32
        %dma_wait3A_464 = arith.constant 0 : i32
        %dma_wait3A_465 = tpu.memref_slice %arg2[%dma_wait3A_463, %dma_wait3A_464] : memref<10000x128xf32, #tpu.memory_space<hbm>> -> memref<10000x128xf32, #tpu.memory_space<hbm>>
        tpu.wait_indirect_dma semaphore(%arg15 : memref<!tpu.dma_semaphore, #tpu.memory_space<semaphore_mem>>) src(%dma_wait3A_465 : memref<10000x128xf32, #tpu.memory_space<hbm>>) dst(%arg9 : memref<128x128xf32, #tpu.memory_space<vmem>>)
        %run_scoped3A_466 = arith.constant 15 : i32
        "tpu.region"() ({
          %run_scoped3A_521 = tpu.sem_alloc : memref<!tpu.dma_semaphore, #tpu.memory_space<semaphore_mem>>
          %dma_start3A_522 = arith.constant 0 : i32
          %dma_start3A_523 = tpu.memref_slice %arg7[%run_scoped3A_466, %dma_start3A_522] : memref<16x128xi32, #tpu.memory_space<vmem>> -> memref<1x128xi32, #tpu.memory_space<vmem>>
          %dma_start3A_524 = tpu.memref_squeeze %dma_start3A_523 : memref<1x128xi32, #tpu.memory_space<vmem>> -> memref<128xi32, #tpu.memory_space<vmem>>
          %dma_start3A_525 = arith.constant 0 : i32
          %dma_start3A_526 = arith.constant 0 : i32
          %dma_start3A_527 = tpu.memref_slice %arg12[%dma_start3A_525, %dma_start3A_526] : memref<10240x128xf32, #tpu.memory_space<vmem_shared>> -> memref<10240x128xf32, #tpu.memory_space<vmem_shared>>
          tpu.enqueue_indirect_dma source(%arg9 : memref<128x128xf32, #tpu.memory_space<vmem>>) target(%dma_start3A_527 : memref<10240x128xf32, #tpu.memory_space<vmem_shared>>) offsets(%dma_start3A_524 : memref<128xi32, #tpu.memory_space<vmem>>) semaphore(%run_scoped3A_521 : memref<!tpu.dma_semaphore, #tpu.memory_space<semaphore_mem>>) {add = true}
          %dma_wait3A_528 = arith.constant 0 : i32
          %dma_wait3A_529 = tpu.memref_slice %arg7[%run_scoped3A_466, %dma_wait3A_528] : memref<16x128xi32, #tpu.memory_space<vmem>> -> memref<1x128xi32, #tpu.memory_space<vmem>>
          %dma_wait3A_530 = tpu.memref_squeeze %dma_wait3A_529 : memref<1x128xi32, #tpu.memory_space<vmem>> -> memref<128xi32, #tpu.memory_space<vmem>>
          %dma_wait3A_531 = arith.constant 0 : i32
          %dma_wait3A_532 = arith.constant 0 : i32
          %dma_wait3A_533 = tpu.memref_slice %arg12[%dma_wait3A_531, %dma_wait3A_532] : memref<10240x128xf32, #tpu.memory_space<vmem_shared>> -> memref<10240x128xf32, #tpu.memory_space<vmem_shared>>
          tpu.wait_indirect_dma semaphore(%run_scoped3A_521 : memref<!tpu.dma_semaphore, #tpu.memory_space<semaphore_mem>>) src(%arg9 : memref<128x128xf32, #tpu.memory_space<vmem>>) dst(%dma_wait3A_533 : memref<10240x128xf32, #tpu.memory_space<vmem_shared>>)
          tpu.yield
        }) : () -> ()
        %dma_start3A_467 = arith.constant 15 : i32
        %dma_start3A_468 = arith.constant 0 : i32
        %dma_start3A_469 = tpu.memref_slice %arg7[%dma_start3A_467, %dma_start3A_468] : memref<16x128xi32, #tpu.memory_space<vmem>> -> memref<1x128xi32, #tpu.memory_space<vmem>>
        %dma_start3A_470 = tpu.memref_squeeze %dma_start3A_469 : memref<1x128xi32, #tpu.memory_space<vmem>> -> memref<128xi32, #tpu.memory_space<vmem>>
        %dma_start3A_471 = arith.constant 0 : i32
        %dma_start3A_472 = tpu.memref_slice %arg13[%dma_start3A_471] : memref<10240xf32, #tpu.memory_space<vmem_shared>> -> memref<10240xf32, #tpu.memory_space<vmem_shared>>
        tpu.enqueue_indirect_dma source(%arg10 : memref<128xf32, #tpu.memory_space<vmem>>) target(%dma_start3A_472 : memref<10240xf32, #tpu.memory_space<vmem_shared>>) offsets(%dma_start3A_470 : memref<128xi32, #tpu.memory_space<vmem>>) semaphore(%arg17 : memref<!tpu.dma_semaphore, #tpu.memory_space<semaphore_mem>>) {add = true}
        %dma_wait3A_473 = arith.constant 1 : i32
        %dma_wait3A_474 = arith.constant 0 : i32
        %dma_wait3A_475 = tpu.memref_slice %arg7[%dma_wait3A_473, %dma_wait3A_474] : memref<16x128xi32, #tpu.memory_space<vmem>> -> memref<1x128xi32, #tpu.memory_space<vmem>>
        %dma_wait3A_476 = tpu.memref_squeeze %dma_wait3A_475 : memref<1x128xi32, #tpu.memory_space<vmem>> -> memref<128xi32, #tpu.memory_space<vmem>>
        %dma_wait3A_477 = arith.constant 0 : i32
        %dma_wait3A_478 = tpu.memref_slice %arg13[%dma_wait3A_477] : memref<10240xf32, #tpu.memory_space<vmem_shared>> -> memref<10240xf32, #tpu.memory_space<vmem_shared>>
        tpu.wait_indirect_dma semaphore(%arg17 : memref<!tpu.dma_semaphore, #tpu.memory_space<semaphore_mem>>) src(%arg10 : memref<128xf32, #tpu.memory_space<vmem>>) dst(%dma_wait3A_478 : memref<10240xf32, #tpu.memory_space<vmem_shared>>)
        %dma_wait3A_479 = arith.constant 1 : i32
        %dma_wait3A_480 = arith.constant 0 : i32
        %dma_wait3A_481 = tpu.memref_slice %arg7[%dma_wait3A_479, %dma_wait3A_480] : memref<16x128xi32, #tpu.memory_space<vmem>> -> memref<1x128xi32, #tpu.memory_space<vmem>>
        %dma_wait3A_482 = tpu.memref_squeeze %dma_wait3A_481 : memref<1x128xi32, #tpu.memory_space<vmem>> -> memref<128xi32, #tpu.memory_space<vmem>>
        %dma_wait3A_483 = arith.constant 0 : i32
        %dma_wait3A_484 = tpu.memref_slice %arg13[%dma_wait3A_483] : memref<10240xf32, #tpu.memory_space<vmem_shared>> -> memref<10240xf32, #tpu.memory_space<vmem_shared>>
        tpu.wait_indirect_dma semaphore(%arg17 : memref<!tpu.dma_semaphore, #tpu.memory_space<semaphore_mem>>) src(%arg10 : memref<128xf32, #tpu.memory_space<vmem>>) dst(%dma_wait3A_484 : memref<10240xf32, #tpu.memory_space<vmem_shared>>)
        %dma_wait3A_485 = arith.constant 1 : i32
        %dma_wait3A_486 = arith.constant 0 : i32
        %dma_wait3A_487 = tpu.memref_slice %arg7[%dma_wait3A_485, %dma_wait3A_486] : memref<16x128xi32, #tpu.memory_space<vmem>> -> memref<1x128xi32, #tpu.memory_space<vmem>>
        %dma_wait3A_488 = tpu.memref_squeeze %dma_wait3A_487 : memref<1x128xi32, #tpu.memory_space<vmem>> -> memref<128xi32, #tpu.memory_space<vmem>>
        %dma_wait3A_489 = arith.constant 0 : i32
        %dma_wait3A_490 = tpu.memref_slice %arg13[%dma_wait3A_489] : memref<10240xf32, #tpu.memory_space<vmem_shared>> -> memref<10240xf32, #tpu.memory_space<vmem_shared>>
        tpu.wait_indirect_dma semaphore(%arg17 : memref<!tpu.dma_semaphore, #tpu.memory_space<semaphore_mem>>) src(%arg10 : memref<128xf32, #tpu.memory_space<vmem>>) dst(%dma_wait3A_490 : memref<10240xf32, #tpu.memory_space<vmem_shared>>)
        %dma_wait3A_491 = arith.constant 1 : i32
        %dma_wait3A_492 = arith.constant 0 : i32
        %dma_wait3A_493 = tpu.memref_slice %arg7[%dma_wait3A_491, %dma_wait3A_492] : memref<16x128xi32, #tpu.memory_space<vmem>> -> memref<1x128xi32, #tpu.memory_space<vmem>>
        %dma_wait3A_494 = tpu.memref_squeeze %dma_wait3A_493 : memref<1x128xi32, #tpu.memory_space<vmem>> -> memref<128xi32, #tpu.memory_space<vmem>>
        %dma_wait3A_495 = arith.constant 0 : i32
        %dma_wait3A_496 = tpu.memref_slice %arg13[%dma_wait3A_495] : memref<10240xf32, #tpu.memory_space<vmem_shared>> -> memref<10240xf32, #tpu.memory_space<vmem_shared>>
        tpu.wait_indirect_dma semaphore(%arg17 : memref<!tpu.dma_semaphore, #tpu.memory_space<semaphore_mem>>) src(%arg10 : memref<128xf32, #tpu.memory_space<vmem>>) dst(%dma_wait3A_496 : memref<10240xf32, #tpu.memory_space<vmem_shared>>)
        %dma_wait3A_497 = arith.constant 1 : i32
        %dma_wait3A_498 = arith.constant 0 : i32
        %dma_wait3A_499 = tpu.memref_slice %arg7[%dma_wait3A_497, %dma_wait3A_498] : memref<16x128xi32, #tpu.memory_space<vmem>> -> memref<1x128xi32, #tpu.memory_space<vmem>>
        %dma_wait3A_500 = tpu.memref_squeeze %dma_wait3A_499 : memref<1x128xi32, #tpu.memory_space<vmem>> -> memref<128xi32, #tpu.memory_space<vmem>>
        %dma_wait3A_501 = arith.constant 0 : i32
        %dma_wait3A_502 = tpu.memref_slice %arg13[%dma_wait3A_501] : memref<10240xf32, #tpu.memory_space<vmem_shared>> -> memref<10240xf32, #tpu.memory_space<vmem_shared>>
        tpu.wait_indirect_dma semaphore(%arg17 : memref<!tpu.dma_semaphore, #tpu.memory_space<semaphore_mem>>) src(%arg10 : memref<128xf32, #tpu.memory_space<vmem>>) dst(%dma_wait3A_502 : memref<10240xf32, #tpu.memory_space<vmem_shared>>)
        %dma_wait3A_503 = arith.constant 1 : i32
        %dma_wait3A_504 = arith.constant 0 : i32
        %dma_wait3A_505 = tpu.memref_slice %arg7[%dma_wait3A_503, %dma_wait3A_504] : memref<16x128xi32, #tpu.memory_space<vmem>> -> memref<1x128xi32, #tpu.memory_space<vmem>>
        %dma_wait3A_506 = tpu.memref_squeeze %dma_wait3A_505 : memref<1x128xi32, #tpu.memory_space<vmem>> -> memref<128xi32, #tpu.memory_space<vmem>>
        %dma_wait3A_507 = arith.constant 0 : i32
        %dma_wait3A_508 = tpu.memref_slice %arg13[%dma_wait3A_507] : memref<10240xf32, #tpu.memory_space<vmem_shared>> -> memref<10240xf32, #tpu.memory_space<vmem_shared>>
        tpu.wait_indirect_dma semaphore(%arg17 : memref<!tpu.dma_semaphore, #tpu.memory_space<semaphore_mem>>) src(%arg10 : memref<128xf32, #tpu.memory_space<vmem>>) dst(%dma_wait3A_508 : memref<10240xf32, #tpu.memory_space<vmem_shared>>)
        %dma_wait3A_509 = arith.constant 1 : i32
        %dma_wait3A_510 = arith.constant 0 : i32
        %dma_wait3A_511 = tpu.memref_slice %arg7[%dma_wait3A_509, %dma_wait3A_510] : memref<16x128xi32, #tpu.memory_space<vmem>> -> memref<1x128xi32, #tpu.memory_space<vmem>>
        %dma_wait3A_512 = tpu.memref_squeeze %dma_wait3A_511 : memref<1x128xi32, #tpu.memory_space<vmem>> -> memref<128xi32, #tpu.memory_space<vmem>>
        %dma_wait3A_513 = arith.constant 0 : i32
        %dma_wait3A_514 = tpu.memref_slice %arg13[%dma_wait3A_513] : memref<10240xf32, #tpu.memory_space<vmem_shared>> -> memref<10240xf32, #tpu.memory_space<vmem_shared>>
        tpu.wait_indirect_dma semaphore(%arg17 : memref<!tpu.dma_semaphore, #tpu.memory_space<semaphore_mem>>) src(%arg10 : memref<128xf32, #tpu.memory_space<vmem>>) dst(%dma_wait3A_514 : memref<10240xf32, #tpu.memory_space<vmem_shared>>)
        %dma_wait3A_515 = arith.constant 1 : i32
        %dma_wait3A_516 = arith.constant 0 : i32
        %dma_wait3A_517 = tpu.memref_slice %arg7[%dma_wait3A_515, %dma_wait3A_516] : memref<16x128xi32, #tpu.memory_space<vmem>> -> memref<1x128xi32, #tpu.memory_space<vmem>>
        %dma_wait3A_518 = tpu.memref_squeeze %dma_wait3A_517 : memref<1x128xi32, #tpu.memory_space<vmem>> -> memref<128xi32, #tpu.memory_space<vmem>>
        %dma_wait3A_519 = arith.constant 0 : i32
        %dma_wait3A_520 = tpu.memref_slice %arg13[%dma_wait3A_519] : memref<10240xf32, #tpu.memory_space<vmem_shared>> -> memref<10240xf32, #tpu.memory_space<vmem_shared>>
        tpu.wait_indirect_dma semaphore(%arg17 : memref<!tpu.dma_semaphore, #tpu.memory_space<semaphore_mem>>) src(%arg10 : memref<128xf32, #tpu.memory_space<vmem>>) dst(%dma_wait3A_520 : memref<10240xf32, #tpu.memory_space<vmem_shared>>)
      } else {
      }
    }
    %while3A_77 = arith.constant 1 : i32
    scf.for %while3A_82 = %while3A_75 to %while3A_71 step %while3A_77  : i32 {
      %mul3A_83 = arith.constant 32 : i32
      %mul3A_84 = arith.muli %while3A_82, %mul3A_83 : i32
      %add3A_85 = arith.constant 16 : i32
      %add3A_86 = arith.addi %mul3A_84, %add3A_85 : i32
      %add3A_87 = arith.constant 32 : i32
      %add3A_88 = arith.addi %mul3A_84, %add3A_87 : i32
      %lt3A = arith.constant 4 : i32
      %lt3A_89 = arith.cmpi slt, %while3A_82, %lt3A : i32
      %dma_wait3A = arith.constant 0 : i32
      %dma_wait3A_90 = arith.constant 0 : i32
      %dma_wait3A_91 = tpu.memref_slice %arg6[%dma_wait3A, %dma_wait3A_90] : memref<16x128xi32, #tpu.memory_space<vmem>> -> memref<1x128xi32, #tpu.memory_space<vmem>>
      %dma_wait3A_92 = tpu.memref_squeeze %dma_wait3A_91 : memref<1x128xi32, #tpu.memory_space<vmem>> -> memref<128xi32, #tpu.memory_space<vmem>>
      %dma_wait3A_93 = arith.constant 0 : i32
      %dma_wait3A_94 = arith.constant 0 : i32
      %dma_wait3A_95 = tpu.memref_slice %arg2[%dma_wait3A_93, %dma_wait3A_94] : memref<10000x128xf32, #tpu.memory_space<hbm>> -> memref<10000x128xf32, #tpu.memory_space<hbm>>
      tpu.wait_indirect_dma semaphore(%arg14 : memref<!tpu.dma_semaphore, #tpu.memory_space<semaphore_mem>>) src(%dma_wait3A_95 : memref<10000x128xf32, #tpu.memory_space<hbm>>) dst(%arg8 : memref<128x128xf32, #tpu.memory_space<vmem>>)
      %run_scoped3A = arith.constant 1 : i32
      "tpu.region"() ({
        %run_scoped3A_319 = tpu.sem_alloc : memref<!tpu.dma_semaphore, #tpu.memory_space<semaphore_mem>>
        %dma_start3A_320 = arith.constant 0 : i32
        %dma_start3A_321 = tpu.memref_slice %arg6[%run_scoped3A, %dma_start3A_320] : memref<16x128xi32, #tpu.memory_space<vmem>> -> memref<1x128xi32, #tpu.memory_space<vmem>>
        %dma_start3A_322 = tpu.memref_squeeze %dma_start3A_321 : memref<1x128xi32, #tpu.memory_space<vmem>> -> memref<128xi32, #tpu.memory_space<vmem>>
        %dma_start3A_323 = arith.constant 0 : i32
        %dma_start3A_324 = arith.constant 0 : i32
        %dma_start3A_325 = tpu.memref_slice %arg12[%dma_start3A_323, %dma_start3A_324] : memref<10240x128xf32, #tpu.memory_space<vmem_shared>> -> memref<10240x128xf32, #tpu.memory_space<vmem_shared>>
        tpu.enqueue_indirect_dma source(%arg8 : memref<128x128xf32, #tpu.memory_space<vmem>>) target(%dma_start3A_325 : memref<10240x128xf32, #tpu.memory_space<vmem_shared>>) offsets(%dma_start3A_322 : memref<128xi32, #tpu.memory_space<vmem>>) semaphore(%run_scoped3A_319 : memref<!tpu.dma_semaphore, #tpu.memory_space<semaphore_mem>>) {add = true}
        %dma_wait3A_326 = arith.constant 0 : i32
        %dma_wait3A_327 = tpu.memref_slice %arg6[%run_scoped3A, %dma_wait3A_326] : memref<16x128xi32, #tpu.memory_space<vmem>> -> memref<1x128xi32, #tpu.memory_space<vmem>>
        %dma_wait3A_328 = tpu.memref_squeeze %dma_wait3A_327 : memref<1x128xi32, #tpu.memory_space<vmem>> -> memref<128xi32, #tpu.memory_space<vmem>>
        %dma_wait3A_329 = arith.constant 0 : i32
        %dma_wait3A_330 = arith.constant 0 : i32
        %dma_wait3A_331 = tpu.memref_slice %arg12[%dma_wait3A_329, %dma_wait3A_330] : memref<10240x128xf32, #tpu.memory_space<vmem_shared>> -> memref<10240x128xf32, #tpu.memory_space<vmem_shared>>
        tpu.wait_indirect_dma semaphore(%run_scoped3A_319 : memref<!tpu.dma_semaphore, #tpu.memory_space<semaphore_mem>>) src(%arg8 : memref<128x128xf32, #tpu.memory_space<vmem>>) dst(%dma_wait3A_331 : memref<10240x128xf32, #tpu.memory_space<vmem_shared>>)
        tpu.yield
      }) : () -> ()
      %dma_start3A_96 = arith.constant 1 : i32
      %dma_start3A_97 = arith.constant 0 : i32
      %dma_start3A_98 = tpu.memref_slice %arg6[%dma_start3A_96, %dma_start3A_97] : memref<16x128xi32, #tpu.memory_space<vmem>> -> memref<1x128xi32, #tpu.memory_space<vmem>>
      %dma_start3A_99 = tpu.memref_squeeze %dma_start3A_98 : memref<1x128xi32, #tpu.memory_space<vmem>> -> memref<128xi32, #tpu.memory_space<vmem>>
      %dma_start3A_100 = arith.constant 0 : i32
      %dma_start3A_101 = tpu.memref_slice %arg13[%dma_start3A_100] : memref<10240xf32, #tpu.memory_space<vmem_shared>> -> memref<10240xf32, #tpu.memory_space<vmem_shared>>
      tpu.enqueue_indirect_dma source(%arg10 : memref<128xf32, #tpu.memory_space<vmem>>) target(%dma_start3A_101 : memref<10240xf32, #tpu.memory_space<vmem_shared>>) offsets(%dma_start3A_99 : memref<128xi32, #tpu.memory_space<vmem>>) semaphore(%arg17 : memref<!tpu.dma_semaphore, #tpu.memory_space<semaphore_mem>>) {add = true}
      %dma_start3A_102 = arith.constant 4 : i32
      %dma_start3A_103 = arith.constant 0 : i32
      %dma_start3A_104 = tpu.memref_slice %arg6[%dma_start3A_102, %dma_start3A_103] : memref<16x128xi32, #tpu.memory_space<vmem>> -> memref<1x128xi32, #tpu.memory_space<vmem>>
      %dma_start3A_105 = tpu.memref_squeeze %dma_start3A_104 : memref<1x128xi32, #tpu.memory_space<vmem>> -> memref<128xi32, #tpu.memory_space<vmem>>
      %dma_start3A_106 = arith.constant 0 : i32
      %dma_start3A_107 = arith.constant 0 : i32
      %dma_start3A_108 = tpu.memref_slice %arg2[%dma_start3A_106, %dma_start3A_107] : memref<10000x128xf32, #tpu.memory_space<hbm>> -> memref<10000x128xf32, #tpu.memory_space<hbm>>
      tpu.enqueue_indirect_dma source(%dma_start3A_108 : memref<10000x128xf32, #tpu.memory_space<hbm>>) target(%arg8 : memref<128x128xf32, #tpu.memory_space<vmem>>) offsets(%dma_start3A_105 : memref<128xi32, #tpu.memory_space<vmem>>) semaphore(%arg14 : memref<!tpu.dma_semaphore, #tpu.memory_space<semaphore_mem>>)
      %dma_wait3A_109 = arith.constant 2 : i32
      %dma_wait3A_110 = arith.constant 0 : i32
      %dma_wait3A_111 = tpu.memref_slice %arg6[%dma_wait3A_109, %dma_wait3A_110] : memref<16x128xi32, #tpu.memory_space<vmem>> -> memref<1x128xi32, #tpu.memory_space<vmem>>
      %dma_wait3A_112 = tpu.memref_squeeze %dma_wait3A_111 : memref<1x128xi32, #tpu.memory_space<vmem>> -> memref<128xi32, #tpu.memory_space<vmem>>
      %dma_wait3A_113 = arith.constant 0 : i32
      %dma_wait3A_114 = arith.constant 0 : i32
      %dma_wait3A_115 = tpu.memref_slice %arg2[%dma_wait3A_113, %dma_wait3A_114] : memref<10000x128xf32, #tpu.memory_space<hbm>> -> memref<10000x128xf32, #tpu.memory_space<hbm>>
      tpu.wait_indirect_dma semaphore(%arg15 : memref<!tpu.dma_semaphore, #tpu.memory_space<semaphore_mem>>) src(%dma_wait3A_115 : memref<10000x128xf32, #tpu.memory_space<hbm>>) dst(%arg9 : memref<128x128xf32, #tpu.memory_space<vmem>>)
      %run_scoped3A_116 = arith.constant 3 : i32
      "tpu.region"() ({
        %run_scoped3A_319 = tpu.sem_alloc : memref<!tpu.dma_semaphore, #tpu.memory_space<semaphore_mem>>
        %dma_start3A_320 = arith.constant 0 : i32
        %dma_start3A_321 = tpu.memref_slice %arg6[%run_scoped3A_116, %dma_start3A_320] : memref<16x128xi32, #tpu.memory_space<vmem>> -> memref<1x128xi32, #tpu.memory_space<vmem>>
        %dma_start3A_322 = tpu.memref_squeeze %dma_start3A_321 : memref<1x128xi32, #tpu.memory_space<vmem>> -> memref<128xi32, #tpu.memory_space<vmem>>
        %dma_start3A_323 = arith.constant 0 : i32
        %dma_start3A_324 = arith.constant 0 : i32
        %dma_start3A_325 = tpu.memref_slice %arg12[%dma_start3A_323, %dma_start3A_324] : memref<10240x128xf32, #tpu.memory_space<vmem_shared>> -> memref<10240x128xf32, #tpu.memory_space<vmem_shared>>
        tpu.enqueue_indirect_dma source(%arg9 : memref<128x128xf32, #tpu.memory_space<vmem>>) target(%dma_start3A_325 : memref<10240x128xf32, #tpu.memory_space<vmem_shared>>) offsets(%dma_start3A_322 : memref<128xi32, #tpu.memory_space<vmem>>) semaphore(%run_scoped3A_319 : memref<!tpu.dma_semaphore, #tpu.memory_space<semaphore_mem>>) {add = true}
        %dma_wait3A_326 = arith.constant 0 : i32
        %dma_wait3A_327 = tpu.memref_slice %arg6[%run_scoped3A_116, %dma_wait3A_326] : memref<16x128xi32, #tpu.memory_space<vmem>> -> memref<1x128xi32, #tpu.memory_space<vmem>>
        %dma_wait3A_328 = tpu.memref_squeeze %dma_wait3A_327 : memref<1x128xi32, #tpu.memory_space<vmem>> -> memref<128xi32, #tpu.memory_space<vmem>>
        %dma_wait3A_329 = arith.constant 0 : i32
        %dma_wait3A_330 = arith.constant 0 : i32
        %dma_wait3A_331 = tpu.memref_slice %arg12[%dma_wait3A_329, %dma_wait3A_330] : memref<10240x128xf32, #tpu.memory_space<vmem_shared>> -> memref<10240x128xf32, #tpu.memory_space<vmem_shared>>
        tpu.wait_indirect_dma semaphore(%run_scoped3A_319 : memref<!tpu.dma_semaphore, #tpu.memory_space<semaphore_mem>>) src(%arg9 : memref<128x128xf32, #tpu.memory_space<vmem>>) dst(%dma_wait3A_331 : memref<10240x128xf32, #tpu.memory_space<vmem_shared>>)
        tpu.yield
      }) : () -> ()
      %dma_start3A_117 = arith.constant 3 : i32
      %dma_start3A_118 = arith.constant 0 : i32
      %dma_start3A_119 = tpu.memref_slice %arg6[%dma_start3A_117, %dma_start3A_118] : memref<16x128xi32, #tpu.memory_space<vmem>> -> memref<1x128xi32, #tpu.memory_space<vmem>>
      %dma_start3A_120 = tpu.memref_squeeze %dma_start3A_119 : memref<1x128xi32, #tpu.memory_space<vmem>> -> memref<128xi32, #tpu.memory_space<vmem>>
      %dma_start3A_121 = arith.constant 0 : i32
      %dma_start3A_122 = tpu.memref_slice %arg13[%dma_start3A_121] : memref<10240xf32, #tpu.memory_space<vmem_shared>> -> memref<10240xf32, #tpu.memory_space<vmem_shared>>
      tpu.enqueue_indirect_dma source(%arg10 : memref<128xf32, #tpu.memory_space<vmem>>) target(%dma_start3A_122 : memref<10240xf32, #tpu.memory_space<vmem_shared>>) offsets(%dma_start3A_120 : memref<128xi32, #tpu.memory_space<vmem>>) semaphore(%arg17 : memref<!tpu.dma_semaphore, #tpu.memory_space<semaphore_mem>>) {add = true}
      %dma_start3A_123 = arith.constant 6 : i32
      %dma_start3A_124 = arith.constant 0 : i32
      %dma_start3A_125 = tpu.memref_slice %arg6[%dma_start3A_123, %dma_start3A_124] : memref<16x128xi32, #tpu.memory_space<vmem>> -> memref<1x128xi32, #tpu.memory_space<vmem>>
      %dma_start3A_126 = tpu.memref_squeeze %dma_start3A_125 : memref<1x128xi32, #tpu.memory_space<vmem>> -> memref<128xi32, #tpu.memory_space<vmem>>
      %dma_start3A_127 = arith.constant 0 : i32
      %dma_start3A_128 = arith.constant 0 : i32
      %dma_start3A_129 = tpu.memref_slice %arg2[%dma_start3A_127, %dma_start3A_128] : memref<10000x128xf32, #tpu.memory_space<hbm>> -> memref<10000x128xf32, #tpu.memory_space<hbm>>
      tpu.enqueue_indirect_dma source(%dma_start3A_129 : memref<10000x128xf32, #tpu.memory_space<hbm>>) target(%arg9 : memref<128x128xf32, #tpu.memory_space<vmem>>) offsets(%dma_start3A_126 : memref<128xi32, #tpu.memory_space<vmem>>) semaphore(%arg15 : memref<!tpu.dma_semaphore, #tpu.memory_space<semaphore_mem>>)
      %dma_wait3A_130 = arith.constant 4 : i32
      %dma_wait3A_131 = arith.constant 0 : i32
      %dma_wait3A_132 = tpu.memref_slice %arg6[%dma_wait3A_130, %dma_wait3A_131] : memref<16x128xi32, #tpu.memory_space<vmem>> -> memref<1x128xi32, #tpu.memory_space<vmem>>
      %dma_wait3A_133 = tpu.memref_squeeze %dma_wait3A_132 : memref<1x128xi32, #tpu.memory_space<vmem>> -> memref<128xi32, #tpu.memory_space<vmem>>
      %dma_wait3A_134 = arith.constant 0 : i32
      %dma_wait3A_135 = arith.constant 0 : i32
      %dma_wait3A_136 = tpu.memref_slice %arg2[%dma_wait3A_134, %dma_wait3A_135] : memref<10000x128xf32, #tpu.memory_space<hbm>> -> memref<10000x128xf32, #tpu.memory_space<hbm>>
      tpu.wait_indirect_dma semaphore(%arg14 : memref<!tpu.dma_semaphore, #tpu.memory_space<semaphore_mem>>) src(%dma_wait3A_136 : memref<10000x128xf32, #tpu.memory_space<hbm>>) dst(%arg8 : memref<128x128xf32, #tpu.memory_space<vmem>>)
      %run_scoped3A_137 = arith.constant 5 : i32
      "tpu.region"() ({
        %run_scoped3A_319 = tpu.sem_alloc : memref<!tpu.dma_semaphore, #tpu.memory_space<semaphore_mem>>
        %dma_start3A_320 = arith.constant 0 : i32
        %dma_start3A_321 = tpu.memref_slice %arg6[%run_scoped3A_137, %dma_start3A_320] : memref<16x128xi32, #tpu.memory_space<vmem>> -> memref<1x128xi32, #tpu.memory_space<vmem>>
        %dma_start3A_322 = tpu.memref_squeeze %dma_start3A_321 : memref<1x128xi32, #tpu.memory_space<vmem>> -> memref<128xi32, #tpu.memory_space<vmem>>
        %dma_start3A_323 = arith.constant 0 : i32
        %dma_start3A_324 = arith.constant 0 : i32
        %dma_start3A_325 = tpu.memref_slice %arg12[%dma_start3A_323, %dma_start3A_324] : memref<10240x128xf32, #tpu.memory_space<vmem_shared>> -> memref<10240x128xf32, #tpu.memory_space<vmem_shared>>
        tpu.enqueue_indirect_dma source(%arg8 : memref<128x128xf32, #tpu.memory_space<vmem>>) target(%dma_start3A_325 : memref<10240x128xf32, #tpu.memory_space<vmem_shared>>) offsets(%dma_start3A_322 : memref<128xi32, #tpu.memory_space<vmem>>) semaphore(%run_scoped3A_319 : memref<!tpu.dma_semaphore, #tpu.memory_space<semaphore_mem>>) {add = true}
        %dma_wait3A_326 = arith.constant 0 : i32
        %dma_wait3A_327 = tpu.memref_slice %arg6[%run_scoped3A_137, %dma_wait3A_326] : memref<16x128xi32, #tpu.memory_space<vmem>> -> memref<1x128xi32, #tpu.memory_space<vmem>>
        %dma_wait3A_328 = tpu.memref_squeeze %dma_wait3A_327 : memref<1x128xi32, #tpu.memory_space<vmem>> -> memref<128xi32, #tpu.memory_space<vmem>>
        %dma_wait3A_329 = arith.constant 0 : i32
        %dma_wait3A_330 = arith.constant 0 : i32
        %dma_wait3A_331 = tpu.memref_slice %arg12[%dma_wait3A_329, %dma_wait3A_330] : memref<10240x128xf32, #tpu.memory_space<vmem_shared>> -> memref<10240x128xf32, #tpu.memory_space<vmem_shared>>
        tpu.wait_indirect_dma semaphore(%run_scoped3A_319 : memref<!tpu.dma_semaphore, #tpu.memory_space<semaphore_mem>>) src(%arg8 : memref<128x128xf32, #tpu.memory_space<vmem>>) dst(%dma_wait3A_331 : memref<10240x128xf32, #tpu.memory_space<vmem_shared>>)
        tpu.yield
      }) : () -> ()
      %dma_start3A_138 = arith.constant 5 : i32
      %dma_start3A_139 = arith.constant 0 : i32
      %dma_start3A_140 = tpu.memref_slice %arg6[%dma_start3A_138, %dma_start3A_139] : memref<16x128xi32, #tpu.memory_space<vmem>> -> memref<1x128xi32, #tpu.memory_space<vmem>>
      %dma_start3A_141 = tpu.memref_squeeze %dma_start3A_140 : memref<1x128xi32, #tpu.memory_space<vmem>> -> memref<128xi32, #tpu.memory_space<vmem>>
      %dma_start3A_142 = arith.constant 0 : i32
      %dma_start3A_143 = tpu.memref_slice %arg13[%dma_start3A_142] : memref<10240xf32, #tpu.memory_space<vmem_shared>> -> memref<10240xf32, #tpu.memory_space<vmem_shared>>
      tpu.enqueue_indirect_dma source(%arg10 : memref<128xf32, #tpu.memory_space<vmem>>) target(%dma_start3A_143 : memref<10240xf32, #tpu.memory_space<vmem_shared>>) offsets(%dma_start3A_141 : memref<128xi32, #tpu.memory_space<vmem>>) semaphore(%arg17 : memref<!tpu.dma_semaphore, #tpu.memory_space<semaphore_mem>>) {add = true}
      %dma_start3A_144 = arith.constant 8 : i32
      %dma_start3A_145 = arith.constant 0 : i32
      %dma_start3A_146 = tpu.memref_slice %arg6[%dma_start3A_144, %dma_start3A_145] : memref<16x128xi32, #tpu.memory_space<vmem>> -> memref<1x128xi32, #tpu.memory_space<vmem>>
      %dma_start3A_147 = tpu.memref_squeeze %dma_start3A_146 : memref<1x128xi32, #tpu.memory_space<vmem>> -> memref<128xi32, #tpu.memory_space<vmem>>
      %dma_start3A_148 = arith.constant 0 : i32
      %dma_start3A_149 = arith.constant 0 : i32
      %dma_start3A_150 = tpu.memref_slice %arg2[%dma_start3A_148, %dma_start3A_149] : memref<10000x128xf32, #tpu.memory_space<hbm>> -> memref<10000x128xf32, #tpu.memory_space<hbm>>
      tpu.enqueue_indirect_dma source(%dma_start3A_150 : memref<10000x128xf32, #tpu.memory_space<hbm>>) target(%arg8 : memref<128x128xf32, #tpu.memory_space<vmem>>) offsets(%dma_start3A_147 : memref<128xi32, #tpu.memory_space<vmem>>) semaphore(%arg14 : memref<!tpu.dma_semaphore, #tpu.memory_space<semaphore_mem>>)
      %dma_wait3A_151 = arith.constant 6 : i32
      %dma_wait3A_152 = arith.constant 0 : i32
      %dma_wait3A_153 = tpu.memref_slice %arg6[%dma_wait3A_151, %dma_wait3A_152] : memref<16x128xi32, #tpu.memory_space<vmem>> -> memref<1x128xi32, #tpu.memory_space<vmem>>
      %dma_wait3A_154 = tpu.memref_squeeze %dma_wait3A_153 : memref<1x128xi32, #tpu.memory_space<vmem>> -> memref<128xi32, #tpu.memory_space<vmem>>
      %dma_wait3A_155 = arith.constant 0 : i32
      %dma_wait3A_156 = arith.constant 0 : i32
      %dma_wait3A_157 = tpu.memref_slice %arg2[%dma_wait3A_155, %dma_wait3A_156] : memref<10000x128xf32, #tpu.memory_space<hbm>> -> memref<10000x128xf32, #tpu.memory_space<hbm>>
      tpu.wait_indirect_dma semaphore(%arg15 : memref<!tpu.dma_semaphore, #tpu.memory_space<semaphore_mem>>) src(%dma_wait3A_157 : memref<10000x128xf32, #tpu.memory_space<hbm>>) dst(%arg9 : memref<128x128xf32, #tpu.memory_space<vmem>>)
      %run_scoped3A_158 = arith.constant 7 : i32
      "tpu.region"() ({
        %run_scoped3A_319 = tpu.sem_alloc : memref<!tpu.dma_semaphore, #tpu.memory_space<semaphore_mem>>
        %dma_start3A_320 = arith.constant 0 : i32
        %dma_start3A_321 = tpu.memref_slice %arg6[%run_scoped3A_158, %dma_start3A_320] : memref<16x128xi32, #tpu.memory_space<vmem>> -> memref<1x128xi32, #tpu.memory_space<vmem>>
        %dma_start3A_322 = tpu.memref_squeeze %dma_start3A_321 : memref<1x128xi32, #tpu.memory_space<vmem>> -> memref<128xi32, #tpu.memory_space<vmem>>
        %dma_start3A_323 = arith.constant 0 : i32
        %dma_start3A_324 = arith.constant 0 : i32
        %dma_start3A_325 = tpu.memref_slice %arg12[%dma_start3A_323, %dma_start3A_324] : memref<10240x128xf32, #tpu.memory_space<vmem_shared>> -> memref<10240x128xf32, #tpu.memory_space<vmem_shared>>
        tpu.enqueue_indirect_dma source(%arg9 : memref<128x128xf32, #tpu.memory_space<vmem>>) target(%dma_start3A_325 : memref<10240x128xf32, #tpu.memory_space<vmem_shared>>) offsets(%dma_start3A_322 : memref<128xi32, #tpu.memory_space<vmem>>) semaphore(%run_scoped3A_319 : memref<!tpu.dma_semaphore, #tpu.memory_space<semaphore_mem>>) {add = true}
        %dma_wait3A_326 = arith.constant 0 : i32
        %dma_wait3A_327 = tpu.memref_slice %arg6[%run_scoped3A_158, %dma_wait3A_326] : memref<16x128xi32, #tpu.memory_space<vmem>> -> memref<1x128xi32, #tpu.memory_space<vmem>>
        %dma_wait3A_328 = tpu.memref_squeeze %dma_wait3A_327 : memref<1x128xi32, #tpu.memory_space<vmem>> -> memref<128xi32, #tpu.memory_space<vmem>>
        %dma_wait3A_329 = arith.constant 0 : i32
        %dma_wait3A_330 = arith.constant 0 : i32
        %dma_wait3A_331 = tpu.memref_slice %arg12[%dma_wait3A_329, %dma_wait3A_330] : memref<10240x128xf32, #tpu.memory_space<vmem_shared>> -> memref<10240x128xf32, #tpu.memory_space<vmem_shared>>
        tpu.wait_indirect_dma semaphore(%run_scoped3A_319 : memref<!tpu.dma_semaphore, #tpu.memory_space<semaphore_mem>>) src(%arg9 : memref<128x128xf32, #tpu.memory_space<vmem>>) dst(%dma_wait3A_331 : memref<10240x128xf32, #tpu.memory_space<vmem_shared>>)
        tpu.yield
      }) : () -> ()
      %dma_start3A_159 = arith.constant 7 : i32
      %dma_start3A_160 = arith.constant 0 : i32
      %dma_start3A_161 = tpu.memref_slice %arg6[%dma_start3A_159, %dma_start3A_160] : memref<16x128xi32, #tpu.memory_space<vmem>> -> memref<1x128xi32, #tpu.memory_space<vmem>>
      %dma_start3A_162 = tpu.memref_squeeze %dma_start3A_161 : memref<1x128xi32, #tpu.memory_space<vmem>> -> memref<128xi32, #tpu.memory_space<vmem>>
      %dma_start3A_163 = arith.constant 0 : i32
      %dma_start3A_164 = tpu.memref_slice %arg13[%dma_start3A_163] : memref<10240xf32, #tpu.memory_space<vmem_shared>> -> memref<10240xf32, #tpu.memory_space<vmem_shared>>
      tpu.enqueue_indirect_dma source(%arg10 : memref<128xf32, #tpu.memory_space<vmem>>) target(%dma_start3A_164 : memref<10240xf32, #tpu.memory_space<vmem_shared>>) offsets(%dma_start3A_162 : memref<128xi32, #tpu.memory_space<vmem>>) semaphore(%arg17 : memref<!tpu.dma_semaphore, #tpu.memory_space<semaphore_mem>>) {add = true}
      %dma_start3A_165 = arith.constant 10 : i32
      %dma_start3A_166 = arith.constant 0 : i32
      %dma_start3A_167 = tpu.memref_slice %arg6[%dma_start3A_165, %dma_start3A_166] : memref<16x128xi32, #tpu.memory_space<vmem>> -> memref<1x128xi32, #tpu.memory_space<vmem>>
      %dma_start3A_168 = tpu.memref_squeeze %dma_start3A_167 : memref<1x128xi32, #tpu.memory_space<vmem>> -> memref<128xi32, #tpu.memory_space<vmem>>
      %dma_start3A_169 = arith.constant 0 : i32
      %dma_start3A_170 = arith.constant 0 : i32
      %dma_start3A_171 = tpu.memref_slice %arg2[%dma_start3A_169, %dma_start3A_170] : memref<10000x128xf32, #tpu.memory_space<hbm>> -> memref<10000x128xf32, #tpu.memory_space<hbm>>
      tpu.enqueue_indirect_dma source(%dma_start3A_171 : memref<10000x128xf32, #tpu.memory_space<hbm>>) target(%arg9 : memref<128x128xf32, #tpu.memory_space<vmem>>) offsets(%dma_start3A_168 : memref<128xi32, #tpu.memory_space<vmem>>) semaphore(%arg15 : memref<!tpu.dma_semaphore, #tpu.memory_space<semaphore_mem>>)
      %dma_wait3A_172 = arith.constant 8 : i32
      %dma_wait3A_173 = arith.constant 0 : i32
      %dma_wait3A_174 = tpu.memref_slice %arg6[%dma_wait3A_172, %dma_wait3A_173] : memref<16x128xi32, #tpu.memory_space<vmem>> -> memref<1x128xi32, #tpu.memory_space<vmem>>
      %dma_wait3A_175 = tpu.memref_squeeze %dma_wait3A_174 : memref<1x128xi32, #tpu.memory_space<vmem>> -> memref<128xi32, #tpu.memory_space<vmem>>
      %dma_wait3A_176 = arith.constant 0 : i32
      %dma_wait3A_177 = arith.constant 0 : i32
      %dma_wait3A_178 = tpu.memref_slice %arg2[%dma_wait3A_176, %dma_wait3A_177] : memref<10000x128xf32, #tpu.memory_space<hbm>> -> memref<10000x128xf32, #tpu.memory_space<hbm>>
      tpu.wait_indirect_dma semaphore(%arg14 : memref<!tpu.dma_semaphore, #tpu.memory_space<semaphore_mem>>) src(%dma_wait3A_178 : memref<10000x128xf32, #tpu.memory_space<hbm>>) dst(%arg8 : memref<128x128xf32, #tpu.memory_space<vmem>>)
      %run_scoped3A_179 = arith.constant 9 : i32
      "tpu.region"() ({
        %run_scoped3A_319 = tpu.sem_alloc : memref<!tpu.dma_semaphore, #tpu.memory_space<semaphore_mem>>
        %dma_start3A_320 = arith.constant 0 : i32
        %dma_start3A_321 = tpu.memref_slice %arg6[%run_scoped3A_179, %dma_start3A_320] : memref<16x128xi32, #tpu.memory_space<vmem>> -> memref<1x128xi32, #tpu.memory_space<vmem>>
        %dma_start3A_322 = tpu.memref_squeeze %dma_start3A_321 : memref<1x128xi32, #tpu.memory_space<vmem>> -> memref<128xi32, #tpu.memory_space<vmem>>
        %dma_start3A_323 = arith.constant 0 : i32
        %dma_start3A_324 = arith.constant 0 : i32
        %dma_start3A_325 = tpu.memref_slice %arg12[%dma_start3A_323, %dma_start3A_324] : memref<10240x128xf32, #tpu.memory_space<vmem_shared>> -> memref<10240x128xf32, #tpu.memory_space<vmem_shared>>
        tpu.enqueue_indirect_dma source(%arg8 : memref<128x128xf32, #tpu.memory_space<vmem>>) target(%dma_start3A_325 : memref<10240x128xf32, #tpu.memory_space<vmem_shared>>) offsets(%dma_start3A_322 : memref<128xi32, #tpu.memory_space<vmem>>) semaphore(%run_scoped3A_319 : memref<!tpu.dma_semaphore, #tpu.memory_space<semaphore_mem>>) {add = true}
        %dma_wait3A_326 = arith.constant 0 : i32
        %dma_wait3A_327 = tpu.memref_slice %arg6[%run_scoped3A_179, %dma_wait3A_326] : memref<16x128xi32, #tpu.memory_space<vmem>> -> memref<1x128xi32, #tpu.memory_space<vmem>>
        %dma_wait3A_328 = tpu.memref_squeeze %dma_wait3A_327 : memref<1x128xi32, #tpu.memory_space<vmem>> -> memref<128xi32, #tpu.memory_space<vmem>>
        %dma_wait3A_329 = arith.constant 0 : i32
        %dma_wait3A_330 = arith.constant 0 : i32
        %dma_wait3A_331 = tpu.memref_slice %arg12[%dma_wait3A_329, %dma_wait3A_330] : memref<10240x128xf32, #tpu.memory_space<vmem_shared>> -> memref<10240x128xf32, #tpu.memory_space<vmem_shared>>
        tpu.wait_indirect_dma semaphore(%run_scoped3A_319 : memref<!tpu.dma_semaphore, #tpu.memory_space<semaphore_mem>>) src(%arg8 : memref<128x128xf32, #tpu.memory_space<vmem>>) dst(%dma_wait3A_331 : memref<10240x128xf32, #tpu.memory_space<vmem_shared>>)
        tpu.yield
      }) : () -> ()
      %dma_start3A_180 = arith.constant 9 : i32
      %dma_start3A_181 = arith.constant 0 : i32
      %dma_start3A_182 = tpu.memref_slice %arg6[%dma_start3A_180, %dma_start3A_181] : memref<16x128xi32, #tpu.memory_space<vmem>> -> memref<1x128xi32, #tpu.memory_space<vmem>>
      %dma_start3A_183 = tpu.memref_squeeze %dma_start3A_182 : memref<1x128xi32, #tpu.memory_space<vmem>> -> memref<128xi32, #tpu.memory_space<vmem>>
      %dma_start3A_184 = arith.constant 0 : i32
      %dma_start3A_185 = tpu.memref_slice %arg13[%dma_start3A_184] : memref<10240xf32, #tpu.memory_space<vmem_shared>> -> memref<10240xf32, #tpu.memory_space<vmem_shared>>
      tpu.enqueue_indirect_dma source(%arg10 : memref<128xf32, #tpu.memory_space<vmem>>) target(%dma_start3A_185 : memref<10240xf32, #tpu.memory_space<vmem_shared>>) offsets(%dma_start3A_183 : memref<128xi32, #tpu.memory_space<vmem>>) semaphore(%arg17 : memref<!tpu.dma_semaphore, #tpu.memory_space<semaphore_mem>>) {add = true}
      %dma_start3A_186 = arith.constant 12 : i32
      %dma_start3A_187 = arith.constant 0 : i32
      %dma_start3A_188 = tpu.memref_slice %arg6[%dma_start3A_186, %dma_start3A_187] : memref<16x128xi32, #tpu.memory_space<vmem>> -> memref<1x128xi32, #tpu.memory_space<vmem>>
      %dma_start3A_189 = tpu.memref_squeeze %dma_start3A_188 : memref<1x128xi32, #tpu.memory_space<vmem>> -> memref<128xi32, #tpu.memory_space<vmem>>
      %dma_start3A_190 = arith.constant 0 : i32
      %dma_start3A_191 = arith.constant 0 : i32
      %dma_start3A_192 = tpu.memref_slice %arg2[%dma_start3A_190, %dma_start3A_191] : memref<10000x128xf32, #tpu.memory_space<hbm>> -> memref<10000x128xf32, #tpu.memory_space<hbm>>
      tpu.enqueue_indirect_dma source(%dma_start3A_192 : memref<10000x128xf32, #tpu.memory_space<hbm>>) target(%arg8 : memref<128x128xf32, #tpu.memory_space<vmem>>) offsets(%dma_start3A_189 : memref<128xi32, #tpu.memory_space<vmem>>) semaphore(%arg14 : memref<!tpu.dma_semaphore, #tpu.memory_space<semaphore_mem>>)
      %dma_wait3A_193 = arith.constant 10 : i32
      %dma_wait3A_194 = arith.constant 0 : i32
      %dma_wait3A_195 = tpu.memref_slice %arg6[%dma_wait3A_193, %dma_wait3A_194] : memref<16x128xi32, #tpu.memory_space<vmem>> -> memref<1x128xi32, #tpu.memory_space<vmem>>
      %dma_wait3A_196 = tpu.memref_squeeze %dma_wait3A_195 : memref<1x128xi32, #tpu.memory_space<vmem>> -> memref<128xi32, #tpu.memory_space<vmem>>
      %dma_wait3A_197 = arith.constant 0 : i32
      %dma_wait3A_198 = arith.constant 0 : i32
      %dma_wait3A_199 = tpu.memref_slice %arg2[%dma_wait3A_197, %dma_wait3A_198] : memref<10000x128xf32, #tpu.memory_space<hbm>> -> memref<10000x128xf32, #tpu.memory_space<hbm>>
      tpu.wait_indirect_dma semaphore(%arg15 : memref<!tpu.dma_semaphore, #tpu.memory_space<semaphore_mem>>) src(%dma_wait3A_199 : memref<10000x128xf32, #tpu.memory_space<hbm>>) dst(%arg9 : memref<128x128xf32, #tpu.memory_space<vmem>>)
      %run_scoped3A_200 = arith.constant 11 : i32
      "tpu.region"() ({
        %run_scoped3A_319 = tpu.sem_alloc : memref<!tpu.dma_semaphore, #tpu.memory_space<semaphore_mem>>
        %dma_start3A_320 = arith.constant 0 : i32
        %dma_start3A_321 = tpu.memref_slice %arg6[%run_scoped3A_200, %dma_start3A_320] : memref<16x128xi32, #tpu.memory_space<vmem>> -> memref<1x128xi32, #tpu.memory_space<vmem>>
        %dma_start3A_322 = tpu.memref_squeeze %dma_start3A_321 : memref<1x128xi32, #tpu.memory_space<vmem>> -> memref<128xi32, #tpu.memory_space<vmem>>
        %dma_start3A_323 = arith.constant 0 : i32
        %dma_start3A_324 = arith.constant 0 : i32
        %dma_start3A_325 = tpu.memref_slice %arg12[%dma_start3A_323, %dma_start3A_324] : memref<10240x128xf32, #tpu.memory_space<vmem_shared>> -> memref<10240x128xf32, #tpu.memory_space<vmem_shared>>
        tpu.enqueue_indirect_dma source(%arg9 : memref<128x128xf32, #tpu.memory_space<vmem>>) target(%dma_start3A_325 : memref<10240x128xf32, #tpu.memory_space<vmem_shared>>) offsets(%dma_start3A_322 : memref<128xi32, #tpu.memory_space<vmem>>) semaphore(%run_scoped3A_319 : memref<!tpu.dma_semaphore, #tpu.memory_space<semaphore_mem>>) {add = true}
        %dma_wait3A_326 = arith.constant 0 : i32
        %dma_wait3A_327 = tpu.memref_slice %arg6[%run_scoped3A_200, %dma_wait3A_326] : memref<16x128xi32, #tpu.memory_space<vmem>> -> memref<1x128xi32, #tpu.memory_space<vmem>>
        %dma_wait3A_328 = tpu.memref_squeeze %dma_wait3A_327 : memref<1x128xi32, #tpu.memory_space<vmem>> -> memref<128xi32, #tpu.memory_space<vmem>>
        %dma_wait3A_329 = arith.constant 0 : i32
        %dma_wait3A_330 = arith.constant 0 : i32
        %dma_wait3A_331 = tpu.memref_slice %arg12[%dma_wait3A_329, %dma_wait3A_330] : memref<10240x128xf32, #tpu.memory_space<vmem_shared>> -> memref<10240x128xf32, #tpu.memory_space<vmem_shared>>
        tpu.wait_indirect_dma semaphore(%run_scoped3A_319 : memref<!tpu.dma_semaphore, #tpu.memory_space<semaphore_mem>>) src(%arg9 : memref<128x128xf32, #tpu.memory_space<vmem>>) dst(%dma_wait3A_331 : memref<10240x128xf32, #tpu.memory_space<vmem_shared>>)
        tpu.yield
      }) : () -> ()
      %dma_start3A_201 = arith.constant 11 : i32
      %dma_start3A_202 = arith.constant 0 : i32
      %dma_start3A_203 = tpu.memref_slice %arg6[%dma_start3A_201, %dma_start3A_202] : memref<16x128xi32, #tpu.memory_space<vmem>> -> memref<1x128xi32, #tpu.memory_space<vmem>>
      %dma_start3A_204 = tpu.memref_squeeze %dma_start3A_203 : memref<1x128xi32, #tpu.memory_space<vmem>> -> memref<128xi32, #tpu.memory_space<vmem>>
      %dma_start3A_205 = arith.constant 0 : i32
      %dma_start3A_206 = tpu.memref_slice %arg13[%dma_start3A_205] : memref<10240xf32, #tpu.memory_space<vmem_shared>> -> memref<10240xf32, #tpu.memory_space<vmem_shared>>
      tpu.enqueue_indirect_dma source(%arg10 : memref<128xf32, #tpu.memory_space<vmem>>) target(%dma_start3A_206 : memref<10240xf32, #tpu.memory_space<vmem_shared>>) offsets(%dma_start3A_204 : memref<128xi32, #tpu.memory_space<vmem>>) semaphore(%arg17 : memref<!tpu.dma_semaphore, #tpu.memory_space<semaphore_mem>>) {add = true}
      %dma_start3A_207 = arith.constant 14 : i32
      %dma_start3A_208 = arith.constant 0 : i32
      %dma_start3A_209 = tpu.memref_slice %arg6[%dma_start3A_207, %dma_start3A_208] : memref<16x128xi32, #tpu.memory_space<vmem>> -> memref<1x128xi32, #tpu.memory_space<vmem>>
      %dma_start3A_210 = tpu.memref_squeeze %dma_start3A_209 : memref<1x128xi32, #tpu.memory_space<vmem>> -> memref<128xi32, #tpu.memory_space<vmem>>
      %dma_start3A_211 = arith.constant 0 : i32
      %dma_start3A_212 = arith.constant 0 : i32
      %dma_start3A_213 = tpu.memref_slice %arg2[%dma_start3A_211, %dma_start3A_212] : memref<10000x128xf32, #tpu.memory_space<hbm>> -> memref<10000x128xf32, #tpu.memory_space<hbm>>
      tpu.enqueue_indirect_dma source(%dma_start3A_213 : memref<10000x128xf32, #tpu.memory_space<hbm>>) target(%arg9 : memref<128x128xf32, #tpu.memory_space<vmem>>) offsets(%dma_start3A_210 : memref<128xi32, #tpu.memory_space<vmem>>) semaphore(%arg15 : memref<!tpu.dma_semaphore, #tpu.memory_space<semaphore_mem>>)
      %dma_wait3A_214 = arith.constant 12 : i32
      %dma_wait3A_215 = arith.constant 0 : i32
      %dma_wait3A_216 = tpu.memref_slice %arg6[%dma_wait3A_214, %dma_wait3A_215] : memref<16x128xi32, #tpu.memory_space<vmem>> -> memref<1x128xi32, #tpu.memory_space<vmem>>
      %dma_wait3A_217 = tpu.memref_squeeze %dma_wait3A_216 : memref<1x128xi32, #tpu.memory_space<vmem>> -> memref<128xi32, #tpu.memory_space<vmem>>
      %dma_wait3A_218 = arith.constant 0 : i32
      %dma_wait3A_219 = arith.constant 0 : i32
      %dma_wait3A_220 = tpu.memref_slice %arg2[%dma_wait3A_218, %dma_wait3A_219] : memref<10000x128xf32, #tpu.memory_space<hbm>> -> memref<10000x128xf32, #tpu.memory_space<hbm>>
      tpu.wait_indirect_dma semaphore(%arg14 : memref<!tpu.dma_semaphore, #tpu.memory_space<semaphore_mem>>) src(%dma_wait3A_220 : memref<10000x128xf32, #tpu.memory_space<hbm>>) dst(%arg8 : memref<128x128xf32, #tpu.memory_space<vmem>>)
      %run_scoped3A_221 = arith.constant 13 : i32
      "tpu.region"() ({
        %run_scoped3A_319 = tpu.sem_alloc : memref<!tpu.dma_semaphore, #tpu.memory_space<semaphore_mem>>
        %dma_start3A_320 = arith.constant 0 : i32
        %dma_start3A_321 = tpu.memref_slice %arg6[%run_scoped3A_221, %dma_start3A_320] : memref<16x128xi32, #tpu.memory_space<vmem>> -> memref<1x128xi32, #tpu.memory_space<vmem>>
        %dma_start3A_322 = tpu.memref_squeeze %dma_start3A_321 : memref<1x128xi32, #tpu.memory_space<vmem>> -> memref<128xi32, #tpu.memory_space<vmem>>
        %dma_start3A_323 = arith.constant 0 : i32
        %dma_start3A_324 = arith.constant 0 : i32
        %dma_start3A_325 = tpu.memref_slice %arg12[%dma_start3A_323, %dma_start3A_324] : memref<10240x128xf32, #tpu.memory_space<vmem_shared>> -> memref<10240x128xf32, #tpu.memory_space<vmem_shared>>
        tpu.enqueue_indirect_dma source(%arg8 : memref<128x128xf32, #tpu.memory_space<vmem>>) target(%dma_start3A_325 : memref<10240x128xf32, #tpu.memory_space<vmem_shared>>) offsets(%dma_start3A_322 : memref<128xi32, #tpu.memory_space<vmem>>) semaphore(%run_scoped3A_319 : memref<!tpu.dma_semaphore, #tpu.memory_space<semaphore_mem>>) {add = true}
        %dma_wait3A_326 = arith.constant 0 : i32
        %dma_wait3A_327 = tpu.memref_slice %arg6[%run_scoped3A_221, %dma_wait3A_326] : memref<16x128xi32, #tpu.memory_space<vmem>> -> memref<1x128xi32, #tpu.memory_space<vmem>>
        %dma_wait3A_328 = tpu.memref_squeeze %dma_wait3A_327 : memref<1x128xi32, #tpu.memory_space<vmem>> -> memref<128xi32, #tpu.memory_space<vmem>>
        %dma_wait3A_329 = arith.constant 0 : i32
        %dma_wait3A_330 = arith.constant 0 : i32
        %dma_wait3A_331 = tpu.memref_slice %arg12[%dma_wait3A_329, %dma_wait3A_330] : memref<10240x128xf32, #tpu.memory_space<vmem_shared>> -> memref<10240x128xf32, #tpu.memory_space<vmem_shared>>
        tpu.wait_indirect_dma semaphore(%run_scoped3A_319 : memref<!tpu.dma_semaphore, #tpu.memory_space<semaphore_mem>>) src(%arg8 : memref<128x128xf32, #tpu.memory_space<vmem>>) dst(%dma_wait3A_331 : memref<10240x128xf32, #tpu.memory_space<vmem_shared>>)
        tpu.yield
      }) : () -> ()
      %dma_start3A_222 = arith.constant 13 : i32
      %dma_start3A_223 = arith.constant 0 : i32
      %dma_start3A_224 = tpu.memref_slice %arg6[%dma_start3A_222, %dma_start3A_223] : memref<16x128xi32, #tpu.memory_space<vmem>> -> memref<1x128xi32, #tpu.memory_space<vmem>>
      %dma_start3A_225 = tpu.memref_squeeze %dma_start3A_224 : memref<1x128xi32, #tpu.memory_space<vmem>> -> memref<128xi32, #tpu.memory_space<vmem>>
      %dma_start3A_226 = arith.constant 0 : i32
      %dma_start3A_227 = tpu.memref_slice %arg13[%dma_start3A_226] : memref<10240xf32, #tpu.memory_space<vmem_shared>> -> memref<10240xf32, #tpu.memory_space<vmem_shared>>
      tpu.enqueue_indirect_dma source(%arg10 : memref<128xf32, #tpu.memory_space<vmem>>) target(%dma_start3A_227 : memref<10240xf32, #tpu.memory_space<vmem_shared>>) offsets(%dma_start3A_225 : memref<128xi32, #tpu.memory_space<vmem>>) semaphore(%arg17 : memref<!tpu.dma_semaphore, #tpu.memory_space<semaphore_mem>>) {add = true}
      %dma_wait3A_228 = arith.constant 0 : i32
      %dma_wait3A_229 = tpu.memref_slice %arg3[%add3A, %add3A_86, %dma_wait3A_228] : memref<32x160x128xi32, #tpu.memory_space<hbm>> -> memref<1x16x128xi32, #tpu.memory_space<hbm>>
      %dma_wait3A_230 = tpu.memref_squeeze %dma_wait3A_229 : memref<1x16x128xi32, #tpu.memory_space<hbm>> -> memref<16x128xi32, #tpu.memory_space<hbm>>
      %dma_wait3A_231 = arith.constant 0 : i32
      %dma_wait3A_232 = tpu.memref_slice %arg3[%add3A, %add3A_86, %dma_wait3A_231] : memref<32x160x128xi32, #tpu.memory_space<hbm>> -> memref<1x16x128xi32, #tpu.memory_space<hbm>>
      %dma_wait3A_233 = tpu.memref_squeeze %dma_wait3A_232 : memref<1x16x128xi32, #tpu.memory_space<hbm>> -> memref<16x128xi32, #tpu.memory_space<hbm>>
      tpu.wait_dma2 semaphore(%arg16 : memref<!tpu.dma_semaphore, #tpu.memory_space<semaphore_mem>>) src(%dma_wait3A_233 : memref<16x128xi32, #tpu.memory_space<hbm>>) dst(%arg7 : memref<16x128xi32, #tpu.memory_space<vmem>>)
      %dma_start3A_234 = arith.constant 0 : i32
      %dma_start3A_235 = arith.constant 0 : i32
      %dma_start3A_236 = tpu.memref_slice %arg7[%dma_start3A_234, %dma_start3A_235] : memref<16x128xi32, #tpu.memory_space<vmem>> -> memref<1x128xi32, #tpu.memory_space<vmem>>
      %dma_start3A_237 = tpu.memref_squeeze %dma_start3A_236 : memref<1x128xi32, #tpu.memory_space<vmem>> -> memref<128xi32, #tpu.memory_space<vmem>>
      %dma_start3A_238 = arith.constant 0 : i32
      %dma_start3A_239 = arith.constant 0 : i32
      %dma_start3A_240 = tpu.memref_slice %arg2[%dma_start3A_238, %dma_start3A_239] : memref<10000x128xf32, #tpu.memory_space<hbm>> -> memref<10000x128xf32, #tpu.memory_space<hbm>>
      tpu.enqueue_indirect_dma source(%dma_start3A_240 : memref<10000x128xf32, #tpu.memory_space<hbm>>) target(%arg8 : memref<128x128xf32, #tpu.memory_space<vmem>>) offsets(%dma_start3A_237 : memref<128xi32, #tpu.memory_space<vmem>>) semaphore(%arg14 : memref<!tpu.dma_semaphore, #tpu.memory_space<semaphore_mem>>)
      %dma_wait3A_241 = arith.constant 14 : i32
      %dma_wait3A_242 = arith.constant 0 : i32
      %dma_wait3A_243 = tpu.memref_slice %arg6[%dma_wait3A_241, %dma_wait3A_242] : memref<16x128xi32, #tpu.memory_space<vmem>> -> memref<1x128xi32, #tpu.memory_space<vmem>>
      %dma_wait3A_244 = tpu.memref_squeeze %dma_wait3A_243 : memref<1x128xi32, #tpu.memory_space<vmem>> -> memref<128xi32, #tpu.memory_space<vmem>>
      %dma_wait3A_245 = arith.constant 0 : i32
      %dma_wait3A_246 = arith.constant 0 : i32
      %dma_wait3A_247 = tpu.memref_slice %arg2[%dma_wait3A_245, %dma_wait3A_246] : memref<10000x128xf32, #tpu.memory_space<hbm>> -> memref<10000x128xf32, #tpu.memory_space<hbm>>
      tpu.wait_indirect_dma semaphore(%arg15 : memref<!tpu.dma_semaphore, #tpu.memory_space<semaphore_mem>>) src(%dma_wait3A_247 : memref<10000x128xf32, #tpu.memory_space<hbm>>) dst(%arg9 : memref<128x128xf32, #tpu.memory_space<vmem>>)
      %run_scoped3A_248 = arith.constant 15 : i32
      "tpu.region"() ({
        %run_scoped3A_319 = tpu.sem_alloc : memref<!tpu.dma_semaphore, #tpu.memory_space<semaphore_mem>>
        %dma_start3A_320 = arith.constant 0 : i32
        %dma_start3A_321 = tpu.memref_slice %arg6[%run_scoped3A_248, %dma_start3A_320] : memref<16x128xi32, #tpu.memory_space<vmem>> -> memref<1x128xi32, #tpu.memory_space<vmem>>
        %dma_start3A_322 = tpu.memref_squeeze %dma_start3A_321 : memref<1x128xi32, #tpu.memory_space<vmem>> -> memref<128xi32, #tpu.memory_space<vmem>>
        %dma_start3A_323 = arith.constant 0 : i32
        %dma_start3A_324 = arith.constant 0 : i32
        %dma_start3A_325 = tpu.memref_slice %arg12[%dma_start3A_323, %dma_start3A_324] : memref<10240x128xf32, #tpu.memory_space<vmem_shared>> -> memref<10240x128xf32, #tpu.memory_space<vmem_shared>>
        tpu.enqueue_indirect_dma source(%arg9 : memref<128x128xf32, #tpu.memory_space<vmem>>) target(%dma_start3A_325 : memref<10240x128xf32, #tpu.memory_space<vmem_shared>>) offsets(%dma_start3A_322 : memref<128xi32, #tpu.memory_space<vmem>>) semaphore(%run_scoped3A_319 : memref<!tpu.dma_semaphore, #tpu.memory_space<semaphore_mem>>) {add = true}
        %dma_wait3A_326 = arith.constant 0 : i32
        %dma_wait3A_327 = tpu.memref_slice %arg6[%run_scoped3A_248, %dma_wait3A_326] : memref<16x128xi32, #tpu.memory_space<vmem>> -> memref<1x128xi32, #tpu.memory_space<vmem>>
        %dma_wait3A_328 = tpu.memref_squeeze %dma_wait3A_327 : memref<1x128xi32, #tpu.memory_space<vmem>> -> memref<128xi32, #tpu.memory_space<vmem>>
        %dma_wait3A_329 = arith.constant 0 : i32
        %dma_wait3A_330 = arith.constant 0 : i32
        %dma_wait3A_331 = tpu.memref_slice %arg12[%dma_wait3A_329, %dma_wait3A_330] : memref<10240x128xf32, #tpu.memory_space<vmem_shared>> -> memref<10240x128xf32, #tpu.memory_space<vmem_shared>>
        tpu.wait_indirect_dma semaphore(%run_scoped3A_319 : memref<!tpu.dma_semaphore, #tpu.memory_space<semaphore_mem>>) src(%arg9 : memref<128x128xf32, #tpu.memory_space<vmem>>) dst(%dma_wait3A_331 : memref<10240x128xf32, #tpu.memory_space<vmem_shared>>)
        tpu.yield
      }) : () -> ()
      %dma_start3A_249 = arith.constant 15 : i32
      %dma_start3A_250 = arith.constant 0 : i32
      %dma_start3A_251 = tpu.memref_slice %arg6[%dma_start3A_249, %dma_start3A_250] : memref<16x128xi32, #tpu.memory_space<vmem>> -> memref<1x128xi32, #tpu.memory_space<vmem>>
      %dma_start3A_252 = tpu.memref_squeeze %dma_start3A_251 : memref<1x128xi32, #tpu.memory_space<vmem>> -> memref<128xi32, #tpu.memory_space<vmem>>
      %dma_start3A_253 = arith.constant 0 : i32
      %dma_start3A_254 = tpu.memref_slice %arg13[%dma_start3A_253] : memref<10240xf32, #tpu.memory_space<vmem_shared>> -> memref<10240xf32, #tpu.memory_space<vmem_shared>>
      tpu.enqueue_indirect_dma source(%arg10 : memref<128xf32, #tpu.memory_space<vmem>>) target(%dma_start3A_254 : memref<10240xf32, #tpu.memory_space<vmem_shared>>) offsets(%dma_start3A_252 : memref<128xi32, #tpu.memory_space<vmem>>) semaphore(%arg17 : memref<!tpu.dma_semaphore, #tpu.memory_space<semaphore_mem>>) {add = true}
      %dma_start3A_255 = arith.constant 2 : i32
      %dma_start3A_256 = arith.constant 0 : i32
      %dma_start3A_257 = tpu.memref_slice %arg7[%dma_start3A_255, %dma_start3A_256] : memref<16x128xi32, #tpu.memory_space<vmem>> -> memref<1x128xi32, #tpu.memory_space<vmem>>
      %dma_start3A_258 = tpu.memref_squeeze %dma_start3A_257 : memref<1x128xi32, #tpu.memory_space<vmem>> -> memref<128xi32, #tpu.memory_space<vmem>>
      %dma_start3A_259 = arith.constant 0 : i32
      %dma_start3A_260 = arith.constant 0 : i32
      %dma_start3A_261 = tpu.memref_slice %arg2[%dma_start3A_259, %dma_start3A_260] : memref<10000x128xf32, #tpu.memory_space<hbm>> -> memref<10000x128xf32, #tpu.memory_space<hbm>>
      tpu.enqueue_indirect_dma source(%dma_start3A_261 : memref<10000x128xf32, #tpu.memory_space<hbm>>) target(%arg9 : memref<128x128xf32, #tpu.memory_space<vmem>>) offsets(%dma_start3A_258 : memref<128xi32, #tpu.memory_space<vmem>>) semaphore(%arg15 : memref<!tpu.dma_semaphore, #tpu.memory_space<semaphore_mem>>)
      %dma_wait3A_262 = arith.constant 1 : i32
      %dma_wait3A_263 = arith.constant 0 : i32
      %dma_wait3A_264 = tpu.memref_slice %arg6[%dma_wait3A_262, %dma_wait3A_263] : memref<16x128xi32, #tpu.memory_space<vmem>> -> memref<1x128xi32, #tpu.memory_space<vmem>>
      %dma_wait3A_265 = tpu.memref_squeeze %dma_wait3A_264 : memref<1x128xi32, #tpu.memory_space<vmem>> -> memref<128xi32, #tpu.memory_space<vmem>>
      %dma_wait3A_266 = arith.constant 0 : i32
      %dma_wait3A_267 = tpu.memref_slice %arg13[%dma_wait3A_266] : memref<10240xf32, #tpu.memory_space<vmem_shared>> -> memref<10240xf32, #tpu.memory_space<vmem_shared>>
      tpu.wait_indirect_dma semaphore(%arg17 : memref<!tpu.dma_semaphore, #tpu.memory_space<semaphore_mem>>) src(%arg10 : memref<128xf32, #tpu.memory_space<vmem>>) dst(%dma_wait3A_267 : memref<10240xf32, #tpu.memory_space<vmem_shared>>)
      %dma_wait3A_268 = arith.constant 1 : i32
      %dma_wait3A_269 = arith.constant 0 : i32
      %dma_wait3A_270 = tpu.memref_slice %arg6[%dma_wait3A_268, %dma_wait3A_269] : memref<16x128xi32, #tpu.memory_space<vmem>> -> memref<1x128xi32, #tpu.memory_space<vmem>>
      %dma_wait3A_271 = tpu.memref_squeeze %dma_wait3A_270 : memref<1x128xi32, #tpu.memory_space<vmem>> -> memref<128xi32, #tpu.memory_space<vmem>>
      %dma_wait3A_272 = arith.constant 0 : i32
      %dma_wait3A_273 = tpu.memref_slice %arg13[%dma_wait3A_272] : memref<10240xf32, #tpu.memory_space<vmem_shared>> -> memref<10240xf32, #tpu.memory_space<vmem_shared>>
      tpu.wait_indirect_dma semaphore(%arg17 : memref<!tpu.dma_semaphore, #tpu.memory_space<semaphore_mem>>) src(%arg10 : memref<128xf32, #tpu.memory_space<vmem>>) dst(%dma_wait3A_273 : memref<10240xf32, #tpu.memory_space<vmem_shared>>)
      %dma_wait3A_274 = arith.constant 1 : i32
      %dma_wait3A_275 = arith.constant 0 : i32
      %dma_wait3A_276 = tpu.memref_slice %arg6[%dma_wait3A_274, %dma_wait3A_275] : memref<16x128xi32, #tpu.memory_space<vmem>> -> memref<1x128xi32, #tpu.memory_space<vmem>>
      %dma_wait3A_277 = tpu.memref_squeeze %dma_wait3A_276 : memref<1x128xi32, #tpu.memory_space<vmem>> -> memref<128xi32, #tpu.memory_space<vmem>>
      %dma_wait3A_278 = arith.constant 0 : i32
      %dma_wait3A_279 = tpu.memref_slice %arg13[%dma_wait3A_278] : memref<10240xf32, #tpu.memory_space<vmem_shared>> -> memref<10240xf32, #tpu.memory_space<vmem_shared>>
      tpu.wait_indirect_dma semaphore(%arg17 : memref<!tpu.dma_semaphore, #tpu.memory_space<semaphore_mem>>) src(%arg10 : memref<128xf32, #tpu.memory_space<vmem>>) dst(%dma_wait3A_279 : memref<10240xf32, #tpu.memory_space<vmem_shared>>)
      %dma_wait3A_280 = arith.constant 1 : i32
      %dma_wait3A_281 = arith.constant 0 : i32
      %dma_wait3A_282 = tpu.memref_slice %arg6[%dma_wait3A_280, %dma_wait3A_281] : memref<16x128xi32, #tpu.memory_space<vmem>> -> memref<1x128xi32, #tpu.memory_space<vmem>>
      %dma_wait3A_283 = tpu.memref_squeeze %dma_wait3A_282 : memref<1x128xi32, #tpu.memory_space<vmem>> -> memref<128xi32, #tpu.memory_space<vmem>>
      %dma_wait3A_284 = arith.constant 0 : i32
      %dma_wait3A_285 = tpu.memref_slice %arg13[%dma_wait3A_284] : memref<10240xf32, #tpu.memory_space<vmem_shared>> -> memref<10240xf32, #tpu.memory_space<vmem_shared>>
      tpu.wait_indirect_dma semaphore(%arg17 : memref<!tpu.dma_semaphore, #tpu.memory_space<semaphore_mem>>) src(%arg10 : memref<128xf32, #tpu.memory_space<vmem>>) dst(%dma_wait3A_285 : memref<10240xf32, #tpu.memory_space<vmem_shared>>)
      %dma_wait3A_286 = arith.constant 1 : i32
      %dma_wait3A_287 = arith.constant 0 : i32
      %dma_wait3A_288 = tpu.memref_slice %arg6[%dma_wait3A_286, %dma_wait3A_287] : memref<16x128xi32, #tpu.memory_space<vmem>> -> memref<1x128xi32, #tpu.memory_space<vmem>>
      %dma_wait3A_289 = tpu.memref_squeeze %dma_wait3A_288 : memref<1x128xi32, #tpu.memory_space<vmem>> -> memref<128xi32, #tpu.memory_space<vmem>>
      %dma_wait3A_290 = arith.constant 0 : i32
      %dma_wait3A_291 = tpu.memref_slice %arg13[%dma_wait3A_290] : memref<10240xf32, #tpu.memory_space<vmem_shared>> -> memref<10240xf32, #tpu.memory_space<vmem_shared>>
      tpu.wait_indirect_dma semaphore(%arg17 : memref<!tpu.dma_semaphore, #tpu.memory_space<semaphore_mem>>) src(%arg10 : memref<128xf32, #tpu.memory_space<vmem>>) dst(%dma_wait3A_291 : memref<10240xf32, #tpu.memory_space<vmem_shared>>)
      %dma_wait3A_292 = arith.constant 1 : i32
      %dma_wait3A_293 = arith.constant 0 : i32
      %dma_wait3A_294 = tpu.memref_slice %arg6[%dma_wait3A_292, %dma_wait3A_293] : memref<16x128xi32, #tpu.memory_space<vmem>> -> memref<1x128xi32, #tpu.memory_space<vmem>>
      %dma_wait3A_295 = tpu.memref_squeeze %dma_wait3A_294 : memref<1x128xi32, #tpu.memory_space<vmem>> -> memref<128xi32, #tpu.memory_space<vmem>>
      %dma_wait3A_296 = arith.constant 0 : i32
      %dma_wait3A_297 = tpu.memref_slice %arg13[%dma_wait3A_296] : memref<10240xf32, #tpu.memory_space<vmem_shared>> -> memref<10240xf32, #tpu.memory_space<vmem_shared>>
      tpu.wait_indirect_dma semaphore(%arg17 : memref<!tpu.dma_semaphore, #tpu.memory_space<semaphore_mem>>) src(%arg10 : memref<128xf32, #tpu.memory_space<vmem>>) dst(%dma_wait3A_297 : memref<10240xf32, #tpu.memory_space<vmem_shared>>)
      %dma_wait3A_298 = arith.constant 1 : i32
      %dma_wait3A_299 = arith.constant 0 : i32
      %dma_wait3A_300 = tpu.memref_slice %arg6[%dma_wait3A_298, %dma_wait3A_299] : memref<16x128xi32, #tpu.memory_space<vmem>> -> memref<1x128xi32, #tpu.memory_space<vmem>>
      %dma_wait3A_301 = tpu.memref_squeeze %dma_wait3A_300 : memref<1x128xi32, #tpu.memory_space<vmem>> -> memref<128xi32, #tpu.memory_space<vmem>>
      %dma_wait3A_302 = arith.constant 0 : i32
      %dma_wait3A_303 = tpu.memref_slice %arg13[%dma_wait3A_302] : memref<10240xf32, #tpu.memory_space<vmem_shared>> -> memref<10240xf32, #tpu.memory_space<vmem_shared>>
      tpu.wait_indirect_dma semaphore(%arg17 : memref<!tpu.dma_semaphore, #tpu.memory_space<semaphore_mem>>) src(%arg10 : memref<128xf32, #tpu.memory_space<vmem>>) dst(%dma_wait3A_303 : memref<10240xf32, #tpu.memory_space<vmem_shared>>)
      %dma_wait3A_304 = arith.constant 1 : i32
      %dma_wait3A_305 = arith.constant 0 : i32
      %dma_wait3A_306 = tpu.memref_slice %arg6[%dma_wait3A_304, %dma_wait3A_305] : memref<16x128xi32, #tpu.memory_space<vmem>> -> memref<1x128xi32, #tpu.memory_space<vmem>>
      %dma_wait3A_307 = tpu.memref_squeeze %dma_wait3A_306 : memref<1x128xi32, #tpu.memory_space<vmem>> -> memref<128xi32, #tpu.memory_space<vmem>>
      %dma_wait3A_308 = arith.constant 0 : i32
      %dma_wait3A_309 = tpu.memref_slice %arg13[%dma_wait3A_308] : memref<10240xf32, #tpu.memory_space<vmem_shared>> -> memref<10240xf32, #tpu.memory_space<vmem_shared>>
      tpu.wait_indirect_dma semaphore(%arg17 : memref<!tpu.dma_semaphore, #tpu.memory_space<semaphore_mem>>) src(%arg10 : memref<128xf32, #tpu.memory_space<vmem>>) dst(%dma_wait3A_309 : memref<10240xf32, #tpu.memory_space<vmem_shared>>)
      %convert_element_type3A = arith.extui %lt3A_89 : i1 to i32
      %cond3A = arith.constant 0 : i32
      %cond3A_310 = arith.cmpi ne, %convert_element_type3A, %cond3A : i32
      scf.if %cond3A_310 {
        %dma_start3A_319 = arith.constant 0 : i32
        %dma_start3A_320 = tpu.memref_slice %arg3[%add3A, %add3A_88, %dma_start3A_319] : memref<32x160x128xi32, #tpu.memory_space<hbm>> -> memref<1x16x128xi32, #tpu.memory_space<hbm>>
        %dma_start3A_321 = tpu.memref_squeeze %dma_start3A_320 : memref<1x16x128xi32, #tpu.memory_space<hbm>> -> memref<16x128xi32, #tpu.memory_space<hbm>>
        %dma_start3A_322 = arith.constant 0 : i32
        %dma_start3A_323 = tpu.memref_slice %arg3[%add3A, %add3A_88, %dma_start3A_322] : memref<32x160x128xi32, #tpu.memory_space<hbm>> -> memref<1x16x128xi32, #tpu.memory_space<hbm>>
        %dma_start3A_324 = tpu.memref_squeeze %dma_start3A_323 : memref<1x16x128xi32, #tpu.memory_space<hbm>> -> memref<16x128xi32, #tpu.memory_space<hbm>>
        tpu.enqueue_dma source(%dma_start3A_324 : memref<16x128xi32, #tpu.memory_space<hbm>>) target(%arg6 : memref<16x128xi32, #tpu.memory_space<vmem>>) target_semaphore(%arg16 : memref<!tpu.dma_semaphore, #tpu.memory_space<semaphore_mem>>)
      } else {
      }
      %ge3A = arith.constant 4 : i32
      %ge3A_311 = arith.cmpi sge, %while3A_82, %ge3A : i32
      %not3A = arith.constant true
      %not3A_312 = arith.xori %ge3A_311, %not3A : i1
      %convert_element_type3A_313 = arith.extui %not3A_312 : i1 to i32
      %cond3A_314 = arith.constant 0 : i32
      %cond3A_315 = arith.cmpi ne, %convert_element_type3A_313, %cond3A_314 : i32
      scf.if %cond3A_315 {
        %add3A_319 = arith.constant 32 : i32
        %add3A_320 = arith.addi %mul3A_84, %add3A_319 : i32
        %dma_wait3A_321 = arith.constant 0 : i32
        %dma_wait3A_322 = arith.constant 0 : i32
        %dma_wait3A_323 = tpu.memref_slice %arg7[%dma_wait3A_321, %dma_wait3A_322] : memref<16x128xi32, #tpu.memory_space<vmem>> -> memref<1x128xi32, #tpu.memory_space<vmem>>
        %dma_wait3A_324 = tpu.memref_squeeze %dma_wait3A_323 : memref<1x128xi32, #tpu.memory_space<vmem>> -> memref<128xi32, #tpu.memory_space<vmem>>
        %dma_wait3A_325 = arith.constant 0 : i32
        %dma_wait3A_326 = arith.constant 0 : i32
        %dma_wait3A_327 = tpu.memref_slice %arg2[%dma_wait3A_325, %dma_wait3A_326] : memref<10000x128xf32, #tpu.memory_space<hbm>> -> memref<10000x128xf32, #tpu.memory_space<hbm>>
        tpu.wait_indirect_dma semaphore(%arg14 : memref<!tpu.dma_semaphore, #tpu.memory_space<semaphore_mem>>) src(%dma_wait3A_327 : memref<10000x128xf32, #tpu.memory_space<hbm>>) dst(%arg8 : memref<128x128xf32, #tpu.memory_space<vmem>>)
        %run_scoped3A_328 = arith.constant 1 : i32
        "tpu.region"() ({
          %run_scoped3A_551 = tpu.sem_alloc : memref<!tpu.dma_semaphore, #tpu.memory_space<semaphore_mem>>
          %dma_start3A_552 = arith.constant 0 : i32
          %dma_start3A_553 = tpu.memref_slice %arg7[%run_scoped3A_328, %dma_start3A_552] : memref<16x128xi32, #tpu.memory_space<vmem>> -> memref<1x128xi32, #tpu.memory_space<vmem>>
          %dma_start3A_554 = tpu.memref_squeeze %dma_start3A_553 : memref<1x128xi32, #tpu.memory_space<vmem>> -> memref<128xi32, #tpu.memory_space<vmem>>
          %dma_start3A_555 = arith.constant 0 : i32
          %dma_start3A_556 = arith.constant 0 : i32
          %dma_start3A_557 = tpu.memref_slice %arg12[%dma_start3A_555, %dma_start3A_556] : memref<10240x128xf32, #tpu.memory_space<vmem_shared>> -> memref<10240x128xf32, #tpu.memory_space<vmem_shared>>
          tpu.enqueue_indirect_dma source(%arg8 : memref<128x128xf32, #tpu.memory_space<vmem>>) target(%dma_start3A_557 : memref<10240x128xf32, #tpu.memory_space<vmem_shared>>) offsets(%dma_start3A_554 : memref<128xi32, #tpu.memory_space<vmem>>) semaphore(%run_scoped3A_551 : memref<!tpu.dma_semaphore, #tpu.memory_space<semaphore_mem>>) {add = true}
          %dma_wait3A_558 = arith.constant 0 : i32
          %dma_wait3A_559 = tpu.memref_slice %arg7[%run_scoped3A_328, %dma_wait3A_558] : memref<16x128xi32, #tpu.memory_space<vmem>> -> memref<1x128xi32, #tpu.memory_space<vmem>>
          %dma_wait3A_560 = tpu.memref_squeeze %dma_wait3A_559 : memref<1x128xi32, #tpu.memory_space<vmem>> -> memref<128xi32, #tpu.memory_space<vmem>>
          %dma_wait3A_561 = arith.constant 0 : i32
          %dma_wait3A_562 = arith.constant 0 : i32
          %dma_wait3A_563 = tpu.memref_slice %arg12[%dma_wait3A_561, %dma_wait3A_562] : memref<10240x128xf32, #tpu.memory_space<vmem_shared>> -> memref<10240x128xf32, #tpu.memory_space<vmem_shared>>
          tpu.wait_indirect_dma semaphore(%run_scoped3A_551 : memref<!tpu.dma_semaphore, #tpu.memory_space<semaphore_mem>>) src(%arg8 : memref<128x128xf32, #tpu.memory_space<vmem>>) dst(%dma_wait3A_563 : memref<10240x128xf32, #tpu.memory_space<vmem_shared>>)
          tpu.yield
        }) : () -> ()
        %dma_start3A_329 = arith.constant 1 : i32
        %dma_start3A_330 = arith.constant 0 : i32
        %dma_start3A_331 = tpu.memref_slice %arg7[%dma_start3A_329, %dma_start3A_330] : memref<16x128xi32, #tpu.memory_space<vmem>> -> memref<1x128xi32, #tpu.memory_space<vmem>>
        %dma_start3A_332 = tpu.memref_squeeze %dma_start3A_331 : memref<1x128xi32, #tpu.memory_space<vmem>> -> memref<128xi32, #tpu.memory_space<vmem>>
        %dma_start3A_333 = arith.constant 0 : i32
        %dma_start3A_334 = tpu.memref_slice %arg13[%dma_start3A_333] : memref<10240xf32, #tpu.memory_space<vmem_shared>> -> memref<10240xf32, #tpu.memory_space<vmem_shared>>
        tpu.enqueue_indirect_dma source(%arg10 : memref<128xf32, #tpu.memory_space<vmem>>) target(%dma_start3A_334 : memref<10240xf32, #tpu.memory_space<vmem_shared>>) offsets(%dma_start3A_332 : memref<128xi32, #tpu.memory_space<vmem>>) semaphore(%arg17 : memref<!tpu.dma_semaphore, #tpu.memory_space<semaphore_mem>>) {add = true}
        %dma_start3A_335 = arith.constant 4 : i32
        %dma_start3A_336 = arith.constant 0 : i32
        %dma_start3A_337 = tpu.memref_slice %arg7[%dma_start3A_335, %dma_start3A_336] : memref<16x128xi32, #tpu.memory_space<vmem>> -> memref<1x128xi32, #tpu.memory_space<vmem>>
        %dma_start3A_338 = tpu.memref_squeeze %dma_start3A_337 : memref<1x128xi32, #tpu.memory_space<vmem>> -> memref<128xi32, #tpu.memory_space<vmem>>
        %dma_start3A_339 = arith.constant 0 : i32
        %dma_start3A_340 = arith.constant 0 : i32
        %dma_start3A_341 = tpu.memref_slice %arg2[%dma_start3A_339, %dma_start3A_340] : memref<10000x128xf32, #tpu.memory_space<hbm>> -> memref<10000x128xf32, #tpu.memory_space<hbm>>
        tpu.enqueue_indirect_dma source(%dma_start3A_341 : memref<10000x128xf32, #tpu.memory_space<hbm>>) target(%arg8 : memref<128x128xf32, #tpu.memory_space<vmem>>) offsets(%dma_start3A_338 : memref<128xi32, #tpu.memory_space<vmem>>) semaphore(%arg14 : memref<!tpu.dma_semaphore, #tpu.memory_space<semaphore_mem>>)
        %dma_wait3A_342 = arith.constant 2 : i32
        %dma_wait3A_343 = arith.constant 0 : i32
        %dma_wait3A_344 = tpu.memref_slice %arg7[%dma_wait3A_342, %dma_wait3A_343] : memref<16x128xi32, #tpu.memory_space<vmem>> -> memref<1x128xi32, #tpu.memory_space<vmem>>
        %dma_wait3A_345 = tpu.memref_squeeze %dma_wait3A_344 : memref<1x128xi32, #tpu.memory_space<vmem>> -> memref<128xi32, #tpu.memory_space<vmem>>
        %dma_wait3A_346 = arith.constant 0 : i32
        %dma_wait3A_347 = arith.constant 0 : i32
        %dma_wait3A_348 = tpu.memref_slice %arg2[%dma_wait3A_346, %dma_wait3A_347] : memref<10000x128xf32, #tpu.memory_space<hbm>> -> memref<10000x128xf32, #tpu.memory_space<hbm>>
        tpu.wait_indirect_dma semaphore(%arg15 : memref<!tpu.dma_semaphore, #tpu.memory_space<semaphore_mem>>) src(%dma_wait3A_348 : memref<10000x128xf32, #tpu.memory_space<hbm>>) dst(%arg9 : memref<128x128xf32, #tpu.memory_space<vmem>>)
        %run_scoped3A_349 = arith.constant 3 : i32
        "tpu.region"() ({
          %run_scoped3A_551 = tpu.sem_alloc : memref<!tpu.dma_semaphore, #tpu.memory_space<semaphore_mem>>
          %dma_start3A_552 = arith.constant 0 : i32
          %dma_start3A_553 = tpu.memref_slice %arg7[%run_scoped3A_349, %dma_start3A_552] : memref<16x128xi32, #tpu.memory_space<vmem>> -> memref<1x128xi32, #tpu.memory_space<vmem>>
          %dma_start3A_554 = tpu.memref_squeeze %dma_start3A_553 : memref<1x128xi32, #tpu.memory_space<vmem>> -> memref<128xi32, #tpu.memory_space<vmem>>
          %dma_start3A_555 = arith.constant 0 : i32
          %dma_start3A_556 = arith.constant 0 : i32
          %dma_start3A_557 = tpu.memref_slice %arg12[%dma_start3A_555, %dma_start3A_556] : memref<10240x128xf32, #tpu.memory_space<vmem_shared>> -> memref<10240x128xf32, #tpu.memory_space<vmem_shared>>
          tpu.enqueue_indirect_dma source(%arg9 : memref<128x128xf32, #tpu.memory_space<vmem>>) target(%dma_start3A_557 : memref<10240x128xf32, #tpu.memory_space<vmem_shared>>) offsets(%dma_start3A_554 : memref<128xi32, #tpu.memory_space<vmem>>) semaphore(%run_scoped3A_551 : memref<!tpu.dma_semaphore, #tpu.memory_space<semaphore_mem>>) {add = true}
          %dma_wait3A_558 = arith.constant 0 : i32
          %dma_wait3A_559 = tpu.memref_slice %arg7[%run_scoped3A_349, %dma_wait3A_558] : memref<16x128xi32, #tpu.memory_space<vmem>> -> memref<1x128xi32, #tpu.memory_space<vmem>>
          %dma_wait3A_560 = tpu.memref_squeeze %dma_wait3A_559 : memref<1x128xi32, #tpu.memory_space<vmem>> -> memref<128xi32, #tpu.memory_space<vmem>>
          %dma_wait3A_561 = arith.constant 0 : i32
          %dma_wait3A_562 = arith.constant 0 : i32
          %dma_wait3A_563 = tpu.memref_slice %arg12[%dma_wait3A_561, %dma_wait3A_562] : memref<10240x128xf32, #tpu.memory_space<vmem_shared>> -> memref<10240x128xf32, #tpu.memory_space<vmem_shared>>
          tpu.wait_indirect_dma semaphore(%run_scoped3A_551 : memref<!tpu.dma_semaphore, #tpu.memory_space<semaphore_mem>>) src(%arg9 : memref<128x128xf32, #tpu.memory_space<vmem>>) dst(%dma_wait3A_563 : memref<10240x128xf32, #tpu.memory_space<vmem_shared>>)
          tpu.yield
        }) : () -> ()
        %dma_start3A_350 = arith.constant 3 : i32
        %dma_start3A_351 = arith.constant 0 : i32
        %dma_start3A_352 = tpu.memref_slice %arg7[%dma_start3A_350, %dma_start3A_351] : memref<16x128xi32, #tpu.memory_space<vmem>> -> memref<1x128xi32, #tpu.memory_space<vmem>>
        %dma_start3A_353 = tpu.memref_squeeze %dma_start3A_352 : memref<1x128xi32, #tpu.memory_space<vmem>> -> memref<128xi32, #tpu.memory_space<vmem>>
        %dma_start3A_354 = arith.constant 0 : i32
        %dma_start3A_355 = tpu.memref_slice %arg13[%dma_start3A_354] : memref<10240xf32, #tpu.memory_space<vmem_shared>> -> memref<10240xf32, #tpu.memory_space<vmem_shared>>
        tpu.enqueue_indirect_dma source(%arg10 : memref<128xf32, #tpu.memory_space<vmem>>) target(%dma_start3A_355 : memref<10240xf32, #tpu.memory_space<vmem_shared>>) offsets(%dma_start3A_353 : memref<128xi32, #tpu.memory_space<vmem>>) semaphore(%arg17 : memref<!tpu.dma_semaphore, #tpu.memory_space<semaphore_mem>>) {add = true}
        %dma_start3A_356 = arith.constant 6 : i32
        %dma_start3A_357 = arith.constant 0 : i32
        %dma_start3A_358 = tpu.memref_slice %arg7[%dma_start3A_356, %dma_start3A_357] : memref<16x128xi32, #tpu.memory_space<vmem>> -> memref<1x128xi32, #tpu.memory_space<vmem>>
        %dma_start3A_359 = tpu.memref_squeeze %dma_start3A_358 : memref<1x128xi32, #tpu.memory_space<vmem>> -> memref<128xi32, #tpu.memory_space<vmem>>
        %dma_start3A_360 = arith.constant 0 : i32
        %dma_start3A_361 = arith.constant 0 : i32
        %dma_start3A_362 = tpu.memref_slice %arg2[%dma_start3A_360, %dma_start3A_361] : memref<10000x128xf32, #tpu.memory_space<hbm>> -> memref<10000x128xf32, #tpu.memory_space<hbm>>
        tpu.enqueue_indirect_dma source(%dma_start3A_362 : memref<10000x128xf32, #tpu.memory_space<hbm>>) target(%arg9 : memref<128x128xf32, #tpu.memory_space<vmem>>) offsets(%dma_start3A_359 : memref<128xi32, #tpu.memory_space<vmem>>) semaphore(%arg15 : memref<!tpu.dma_semaphore, #tpu.memory_space<semaphore_mem>>)
        %dma_wait3A_363 = arith.constant 4 : i32
        %dma_wait3A_364 = arith.constant 0 : i32
        %dma_wait3A_365 = tpu.memref_slice %arg7[%dma_wait3A_363, %dma_wait3A_364] : memref<16x128xi32, #tpu.memory_space<vmem>> -> memref<1x128xi32, #tpu.memory_space<vmem>>
        %dma_wait3A_366 = tpu.memref_squeeze %dma_wait3A_365 : memref<1x128xi32, #tpu.memory_space<vmem>> -> memref<128xi32, #tpu.memory_space<vmem>>
        %dma_wait3A_367 = arith.constant 0 : i32
        %dma_wait3A_368 = arith.constant 0 : i32
        %dma_wait3A_369 = tpu.memref_slice %arg2[%dma_wait3A_367, %dma_wait3A_368] : memref<10000x128xf32, #tpu.memory_space<hbm>> -> memref<10000x128xf32, #tpu.memory_space<hbm>>
        tpu.wait_indirect_dma semaphore(%arg14 : memref<!tpu.dma_semaphore, #tpu.memory_space<semaphore_mem>>) src(%dma_wait3A_369 : memref<10000x128xf32, #tpu.memory_space<hbm>>) dst(%arg8 : memref<128x128xf32, #tpu.memory_space<vmem>>)
        %run_scoped3A_370 = arith.constant 5 : i32
        "tpu.region"() ({
          %run_scoped3A_551 = tpu.sem_alloc : memref<!tpu.dma_semaphore, #tpu.memory_space<semaphore_mem>>
          %dma_start3A_552 = arith.constant 0 : i32
          %dma_start3A_553 = tpu.memref_slice %arg7[%run_scoped3A_370, %dma_start3A_552] : memref<16x128xi32, #tpu.memory_space<vmem>> -> memref<1x128xi32, #tpu.memory_space<vmem>>
          %dma_start3A_554 = tpu.memref_squeeze %dma_start3A_553 : memref<1x128xi32, #tpu.memory_space<vmem>> -> memref<128xi32, #tpu.memory_space<vmem>>
          %dma_start3A_555 = arith.constant 0 : i32
          %dma_start3A_556 = arith.constant 0 : i32
          %dma_start3A_557 = tpu.memref_slice %arg12[%dma_start3A_555, %dma_start3A_556] : memref<10240x128xf32, #tpu.memory_space<vmem_shared>> -> memref<10240x128xf32, #tpu.memory_space<vmem_shared>>
          tpu.enqueue_indirect_dma source(%arg8 : memref<128x128xf32, #tpu.memory_space<vmem>>) target(%dma_start3A_557 : memref<10240x128xf32, #tpu.memory_space<vmem_shared>>) offsets(%dma_start3A_554 : memref<128xi32, #tpu.memory_space<vmem>>) semaphore(%run_scoped3A_551 : memref<!tpu.dma_semaphore, #tpu.memory_space<semaphore_mem>>) {add = true}
          %dma_wait3A_558 = arith.constant 0 : i32
          %dma_wait3A_559 = tpu.memref_slice %arg7[%run_scoped3A_370, %dma_wait3A_558] : memref<16x128xi32, #tpu.memory_space<vmem>> -> memref<1x128xi32, #tpu.memory_space<vmem>>
          %dma_wait3A_560 = tpu.memref_squeeze %dma_wait3A_559 : memref<1x128xi32, #tpu.memory_space<vmem>> -> memref<128xi32, #tpu.memory_space<vmem>>
          %dma_wait3A_561 = arith.constant 0 : i32
          %dma_wait3A_562 = arith.constant 0 : i32
          %dma_wait3A_563 = tpu.memref_slice %arg12[%dma_wait3A_561, %dma_wait3A_562] : memref<10240x128xf32, #tpu.memory_space<vmem_shared>> -> memref<10240x128xf32, #tpu.memory_space<vmem_shared>>
          tpu.wait_indirect_dma semaphore(%run_scoped3A_551 : memref<!tpu.dma_semaphore, #tpu.memory_space<semaphore_mem>>) src(%arg8 : memref<128x128xf32, #tpu.memory_space<vmem>>) dst(%dma_wait3A_563 : memref<10240x128xf32, #tpu.memory_space<vmem_shared>>)
          tpu.yield
        }) : () -> ()
        %dma_start3A_371 = arith.constant 5 : i32
        %dma_start3A_372 = arith.constant 0 : i32
        %dma_start3A_373 = tpu.memref_slice %arg7[%dma_start3A_371, %dma_start3A_372] : memref<16x128xi32, #tpu.memory_space<vmem>> -> memref<1x128xi32, #tpu.memory_space<vmem>>
        %dma_start3A_374 = tpu.memref_squeeze %dma_start3A_373 : memref<1x128xi32, #tpu.memory_space<vmem>> -> memref<128xi32, #tpu.memory_space<vmem>>
        %dma_start3A_375 = arith.constant 0 : i32
        %dma_start3A_376 = tpu.memref_slice %arg13[%dma_start3A_375] : memref<10240xf32, #tpu.memory_space<vmem_shared>> -> memref<10240xf32, #tpu.memory_space<vmem_shared>>
        tpu.enqueue_indirect_dma source(%arg10 : memref<128xf32, #tpu.memory_space<vmem>>) target(%dma_start3A_376 : memref<10240xf32, #tpu.memory_space<vmem_shared>>) offsets(%dma_start3A_374 : memref<128xi32, #tpu.memory_space<vmem>>) semaphore(%arg17 : memref<!tpu.dma_semaphore, #tpu.memory_space<semaphore_mem>>) {add = true}
        %dma_start3A_377 = arith.constant 8 : i32
        %dma_start3A_378 = arith.constant 0 : i32
        %dma_start3A_379 = tpu.memref_slice %arg7[%dma_start3A_377, %dma_start3A_378] : memref<16x128xi32, #tpu.memory_space<vmem>> -> memref<1x128xi32, #tpu.memory_space<vmem>>
        %dma_start3A_380 = tpu.memref_squeeze %dma_start3A_379 : memref<1x128xi32, #tpu.memory_space<vmem>> -> memref<128xi32, #tpu.memory_space<vmem>>
        %dma_start3A_381 = arith.constant 0 : i32
        %dma_start3A_382 = arith.constant 0 : i32
        %dma_start3A_383 = tpu.memref_slice %arg2[%dma_start3A_381, %dma_start3A_382] : memref<10000x128xf32, #tpu.memory_space<hbm>> -> memref<10000x128xf32, #tpu.memory_space<hbm>>
        tpu.enqueue_indirect_dma source(%dma_start3A_383 : memref<10000x128xf32, #tpu.memory_space<hbm>>) target(%arg8 : memref<128x128xf32, #tpu.memory_space<vmem>>) offsets(%dma_start3A_380 : memref<128xi32, #tpu.memory_space<vmem>>) semaphore(%arg14 : memref<!tpu.dma_semaphore, #tpu.memory_space<semaphore_mem>>)
        %dma_wait3A_384 = arith.constant 6 : i32
        %dma_wait3A_385 = arith.constant 0 : i32
        %dma_wait3A_386 = tpu.memref_slice %arg7[%dma_wait3A_384, %dma_wait3A_385] : memref<16x128xi32, #tpu.memory_space<vmem>> -> memref<1x128xi32, #tpu.memory_space<vmem>>
        %dma_wait3A_387 = tpu.memref_squeeze %dma_wait3A_386 : memref<1x128xi32, #tpu.memory_space<vmem>> -> memref<128xi32, #tpu.memory_space<vmem>>
        %dma_wait3A_388 = arith.constant 0 : i32
        %dma_wait3A_389 = arith.constant 0 : i32
        %dma_wait3A_390 = tpu.memref_slice %arg2[%dma_wait3A_388, %dma_wait3A_389] : memref<10000x128xf32, #tpu.memory_space<hbm>> -> memref<10000x128xf32, #tpu.memory_space<hbm>>
        tpu.wait_indirect_dma semaphore(%arg15 : memref<!tpu.dma_semaphore, #tpu.memory_space<semaphore_mem>>) src(%dma_wait3A_390 : memref<10000x128xf32, #tpu.memory_space<hbm>>) dst(%arg9 : memref<128x128xf32, #tpu.memory_space<vmem>>)
        %run_scoped3A_391 = arith.constant 7 : i32
        "tpu.region"() ({
          %run_scoped3A_551 = tpu.sem_alloc : memref<!tpu.dma_semaphore, #tpu.memory_space<semaphore_mem>>
          %dma_start3A_552 = arith.constant 0 : i32
          %dma_start3A_553 = tpu.memref_slice %arg7[%run_scoped3A_391, %dma_start3A_552] : memref<16x128xi32, #tpu.memory_space<vmem>> -> memref<1x128xi32, #tpu.memory_space<vmem>>
          %dma_start3A_554 = tpu.memref_squeeze %dma_start3A_553 : memref<1x128xi32, #tpu.memory_space<vmem>> -> memref<128xi32, #tpu.memory_space<vmem>>
          %dma_start3A_555 = arith.constant 0 : i32
          %dma_start3A_556 = arith.constant 0 : i32
          %dma_start3A_557 = tpu.memref_slice %arg12[%dma_start3A_555, %dma_start3A_556] : memref<10240x128xf32, #tpu.memory_space<vmem_shared>> -> memref<10240x128xf32, #tpu.memory_space<vmem_shared>>
          tpu.enqueue_indirect_dma source(%arg9 : memref<128x128xf32, #tpu.memory_space<vmem>>) target(%dma_start3A_557 : memref<10240x128xf32, #tpu.memory_space<vmem_shared>>) offsets(%dma_start3A_554 : memref<128xi32, #tpu.memory_space<vmem>>) semaphore(%run_scoped3A_551 : memref<!tpu.dma_semaphore, #tpu.memory_space<semaphore_mem>>) {add = true}
          %dma_wait3A_558 = arith.constant 0 : i32
          %dma_wait3A_559 = tpu.memref_slice %arg7[%run_scoped3A_391, %dma_wait3A_558] : memref<16x128xi32, #tpu.memory_space<vmem>> -> memref<1x128xi32, #tpu.memory_space<vmem>>
          %dma_wait3A_560 = tpu.memref_squeeze %dma_wait3A_559 : memref<1x128xi32, #tpu.memory_space<vmem>> -> memref<128xi32, #tpu.memory_space<vmem>>
          %dma_wait3A_561 = arith.constant 0 : i32
          %dma_wait3A_562 = arith.constant 0 : i32
          %dma_wait3A_563 = tpu.memref_slice %arg12[%dma_wait3A_561, %dma_wait3A_562] : memref<10240x128xf32, #tpu.memory_space<vmem_shared>> -> memref<10240x128xf32, #tpu.memory_space<vmem_shared>>
          tpu.wait_indirect_dma semaphore(%run_scoped3A_551 : memref<!tpu.dma_semaphore, #tpu.memory_space<semaphore_mem>>) src(%arg9 : memref<128x128xf32, #tpu.memory_space<vmem>>) dst(%dma_wait3A_563 : memref<10240x128xf32, #tpu.memory_space<vmem_shared>>)
          tpu.yield
        }) : () -> ()
        %dma_start3A_392 = arith.constant 7 : i32
        %dma_start3A_393 = arith.constant 0 : i32
        %dma_start3A_394 = tpu.memref_slice %arg7[%dma_start3A_392, %dma_start3A_393] : memref<16x128xi32, #tpu.memory_space<vmem>> -> memref<1x128xi32, #tpu.memory_space<vmem>>
        %dma_start3A_395 = tpu.memref_squeeze %dma_start3A_394 : memref<1x128xi32, #tpu.memory_space<vmem>> -> memref<128xi32, #tpu.memory_space<vmem>>
        %dma_start3A_396 = arith.constant 0 : i32
        %dma_start3A_397 = tpu.memref_slice %arg13[%dma_start3A_396] : memref<10240xf32, #tpu.memory_space<vmem_shared>> -> memref<10240xf32, #tpu.memory_space<vmem_shared>>
        tpu.enqueue_indirect_dma source(%arg10 : memref<128xf32, #tpu.memory_space<vmem>>) target(%dma_start3A_397 : memref<10240xf32, #tpu.memory_space<vmem_shared>>) offsets(%dma_start3A_395 : memref<128xi32, #tpu.memory_space<vmem>>) semaphore(%arg17 : memref<!tpu.dma_semaphore, #tpu.memory_space<semaphore_mem>>) {add = true}
        %dma_start3A_398 = arith.constant 10 : i32
        %dma_start3A_399 = arith.constant 0 : i32
        %dma_start3A_400 = tpu.memref_slice %arg7[%dma_start3A_398, %dma_start3A_399] : memref<16x128xi32, #tpu.memory_space<vmem>> -> memref<1x128xi32, #tpu.memory_space<vmem>>
        %dma_start3A_401 = tpu.memref_squeeze %dma_start3A_400 : memref<1x128xi32, #tpu.memory_space<vmem>> -> memref<128xi32, #tpu.memory_space<vmem>>
        %dma_start3A_402 = arith.constant 0 : i32
        %dma_start3A_403 = arith.constant 0 : i32
        %dma_start3A_404 = tpu.memref_slice %arg2[%dma_start3A_402, %dma_start3A_403] : memref<10000x128xf32, #tpu.memory_space<hbm>> -> memref<10000x128xf32, #tpu.memory_space<hbm>>
        tpu.enqueue_indirect_dma source(%dma_start3A_404 : memref<10000x128xf32, #tpu.memory_space<hbm>>) target(%arg9 : memref<128x128xf32, #tpu.memory_space<vmem>>) offsets(%dma_start3A_401 : memref<128xi32, #tpu.memory_space<vmem>>) semaphore(%arg15 : memref<!tpu.dma_semaphore, #tpu.memory_space<semaphore_mem>>)
        %dma_wait3A_405 = arith.constant 8 : i32
        %dma_wait3A_406 = arith.constant 0 : i32
        %dma_wait3A_407 = tpu.memref_slice %arg7[%dma_wait3A_405, %dma_wait3A_406] : memref<16x128xi32, #tpu.memory_space<vmem>> -> memref<1x128xi32, #tpu.memory_space<vmem>>
        %dma_wait3A_408 = tpu.memref_squeeze %dma_wait3A_407 : memref<1x128xi32, #tpu.memory_space<vmem>> -> memref<128xi32, #tpu.memory_space<vmem>>
        %dma_wait3A_409 = arith.constant 0 : i32
        %dma_wait3A_410 = arith.constant 0 : i32
        %dma_wait3A_411 = tpu.memref_slice %arg2[%dma_wait3A_409, %dma_wait3A_410] : memref<10000x128xf32, #tpu.memory_space<hbm>> -> memref<10000x128xf32, #tpu.memory_space<hbm>>
        tpu.wait_indirect_dma semaphore(%arg14 : memref<!tpu.dma_semaphore, #tpu.memory_space<semaphore_mem>>) src(%dma_wait3A_411 : memref<10000x128xf32, #tpu.memory_space<hbm>>) dst(%arg8 : memref<128x128xf32, #tpu.memory_space<vmem>>)
        %run_scoped3A_412 = arith.constant 9 : i32
        "tpu.region"() ({
          %run_scoped3A_551 = tpu.sem_alloc : memref<!tpu.dma_semaphore, #tpu.memory_space<semaphore_mem>>
          %dma_start3A_552 = arith.constant 0 : i32
          %dma_start3A_553 = tpu.memref_slice %arg7[%run_scoped3A_412, %dma_start3A_552] : memref<16x128xi32, #tpu.memory_space<vmem>> -> memref<1x128xi32, #tpu.memory_space<vmem>>
          %dma_start3A_554 = tpu.memref_squeeze %dma_start3A_553 : memref<1x128xi32, #tpu.memory_space<vmem>> -> memref<128xi32, #tpu.memory_space<vmem>>
          %dma_start3A_555 = arith.constant 0 : i32
          %dma_start3A_556 = arith.constant 0 : i32
          %dma_start3A_557 = tpu.memref_slice %arg12[%dma_start3A_555, %dma_start3A_556] : memref<10240x128xf32, #tpu.memory_space<vmem_shared>> -> memref<10240x128xf32, #tpu.memory_space<vmem_shared>>
          tpu.enqueue_indirect_dma source(%arg8 : memref<128x128xf32, #tpu.memory_space<vmem>>) target(%dma_start3A_557 : memref<10240x128xf32, #tpu.memory_space<vmem_shared>>) offsets(%dma_start3A_554 : memref<128xi32, #tpu.memory_space<vmem>>) semaphore(%run_scoped3A_551 : memref<!tpu.dma_semaphore, #tpu.memory_space<semaphore_mem>>) {add = true}
          %dma_wait3A_558 = arith.constant 0 : i32
          %dma_wait3A_559 = tpu.memref_slice %arg7[%run_scoped3A_412, %dma_wait3A_558] : memref<16x128xi32, #tpu.memory_space<vmem>> -> memref<1x128xi32, #tpu.memory_space<vmem>>
          %dma_wait3A_560 = tpu.memref_squeeze %dma_wait3A_559 : memref<1x128xi32, #tpu.memory_space<vmem>> -> memref<128xi32, #tpu.memory_space<vmem>>
          %dma_wait3A_561 = arith.constant 0 : i32
          %dma_wait3A_562 = arith.constant 0 : i32
          %dma_wait3A_563 = tpu.memref_slice %arg12[%dma_wait3A_561, %dma_wait3A_562] : memref<10240x128xf32, #tpu.memory_space<vmem_shared>> -> memref<10240x128xf32, #tpu.memory_space<vmem_shared>>
          tpu.wait_indirect_dma semaphore(%run_scoped3A_551 : memref<!tpu.dma_semaphore, #tpu.memory_space<semaphore_mem>>) src(%arg8 : memref<128x128xf32, #tpu.memory_space<vmem>>) dst(%dma_wait3A_563 : memref<10240x128xf32, #tpu.memory_space<vmem_shared>>)
          tpu.yield
        }) : () -> ()
        %dma_start3A_413 = arith.constant 9 : i32
        %dma_start3A_414 = arith.constant 0 : i32
        %dma_start3A_415 = tpu.memref_slice %arg7[%dma_start3A_413, %dma_start3A_414] : memref<16x128xi32, #tpu.memory_space<vmem>> -> memref<1x128xi32, #tpu.memory_space<vmem>>
        %dma_start3A_416 = tpu.memref_squeeze %dma_start3A_415 : memref<1x128xi32, #tpu.memory_space<vmem>> -> memref<128xi32, #tpu.memory_space<vmem>>
        %dma_start3A_417 = arith.constant 0 : i32
        %dma_start3A_418 = tpu.memref_slice %arg13[%dma_start3A_417] : memref<10240xf32, #tpu.memory_space<vmem_shared>> -> memref<10240xf32, #tpu.memory_space<vmem_shared>>
        tpu.enqueue_indirect_dma source(%arg10 : memref<128xf32, #tpu.memory_space<vmem>>) target(%dma_start3A_418 : memref<10240xf32, #tpu.memory_space<vmem_shared>>) offsets(%dma_start3A_416 : memref<128xi32, #tpu.memory_space<vmem>>) semaphore(%arg17 : memref<!tpu.dma_semaphore, #tpu.memory_space<semaphore_mem>>) {add = true}
        %dma_start3A_419 = arith.constant 12 : i32
        %dma_start3A_420 = arith.constant 0 : i32
        %dma_start3A_421 = tpu.memref_slice %arg7[%dma_start3A_419, %dma_start3A_420] : memref<16x128xi32, #tpu.memory_space<vmem>> -> memref<1x128xi32, #tpu.memory_space<vmem>>
        %dma_start3A_422 = tpu.memref_squeeze %dma_start3A_421 : memref<1x128xi32, #tpu.memory_space<vmem>> -> memref<128xi32, #tpu.memory_space<vmem>>
        %dma_start3A_423 = arith.constant 0 : i32
        %dma_start3A_424 = arith.constant 0 : i32
        %dma_start3A_425 = tpu.memref_slice %arg2[%dma_start3A_423, %dma_start3A_424] : memref<10000x128xf32, #tpu.memory_space<hbm>> -> memref<10000x128xf32, #tpu.memory_space<hbm>>
        tpu.enqueue_indirect_dma source(%dma_start3A_425 : memref<10000x128xf32, #tpu.memory_space<hbm>>) target(%arg8 : memref<128x128xf32, #tpu.memory_space<vmem>>) offsets(%dma_start3A_422 : memref<128xi32, #tpu.memory_space<vmem>>) semaphore(%arg14 : memref<!tpu.dma_semaphore, #tpu.memory_space<semaphore_mem>>)
        %dma_wait3A_426 = arith.constant 10 : i32
        %dma_wait3A_427 = arith.constant 0 : i32
        %dma_wait3A_428 = tpu.memref_slice %arg7[%dma_wait3A_426, %dma_wait3A_427] : memref<16x128xi32, #tpu.memory_space<vmem>> -> memref<1x128xi32, #tpu.memory_space<vmem>>
        %dma_wait3A_429 = tpu.memref_squeeze %dma_wait3A_428 : memref<1x128xi32, #tpu.memory_space<vmem>> -> memref<128xi32, #tpu.memory_space<vmem>>
        %dma_wait3A_430 = arith.constant 0 : i32
        %dma_wait3A_431 = arith.constant 0 : i32
        %dma_wait3A_432 = tpu.memref_slice %arg2[%dma_wait3A_430, %dma_wait3A_431] : memref<10000x128xf32, #tpu.memory_space<hbm>> -> memref<10000x128xf32, #tpu.memory_space<hbm>>
        tpu.wait_indirect_dma semaphore(%arg15 : memref<!tpu.dma_semaphore, #tpu.memory_space<semaphore_mem>>) src(%dma_wait3A_432 : memref<10000x128xf32, #tpu.memory_space<hbm>>) dst(%arg9 : memref<128x128xf32, #tpu.memory_space<vmem>>)
        %run_scoped3A_433 = arith.constant 11 : i32
        "tpu.region"() ({
          %run_scoped3A_551 = tpu.sem_alloc : memref<!tpu.dma_semaphore, #tpu.memory_space<semaphore_mem>>
          %dma_start3A_552 = arith.constant 0 : i32
          %dma_start3A_553 = tpu.memref_slice %arg7[%run_scoped3A_433, %dma_start3A_552] : memref<16x128xi32, #tpu.memory_space<vmem>> -> memref<1x128xi32, #tpu.memory_space<vmem>>
          %dma_start3A_554 = tpu.memref_squeeze %dma_start3A_553 : memref<1x128xi32, #tpu.memory_space<vmem>> -> memref<128xi32, #tpu.memory_space<vmem>>
          %dma_start3A_555 = arith.constant 0 : i32
          %dma_start3A_556 = arith.constant 0 : i32
          %dma_start3A_557 = tpu.memref_slice %arg12[%dma_start3A_555, %dma_start3A_556] : memref<10240x128xf32, #tpu.memory_space<vmem_shared>> -> memref<10240x128xf32, #tpu.memory_space<vmem_shared>>
          tpu.enqueue_indirect_dma source(%arg9 : memref<128x128xf32, #tpu.memory_space<vmem>>) target(%dma_start3A_557 : memref<10240x128xf32, #tpu.memory_space<vmem_shared>>) offsets(%dma_start3A_554 : memref<128xi32, #tpu.memory_space<vmem>>) semaphore(%run_scoped3A_551 : memref<!tpu.dma_semaphore, #tpu.memory_space<semaphore_mem>>) {add = true}
          %dma_wait3A_558 = arith.constant 0 : i32
          %dma_wait3A_559 = tpu.memref_slice %arg7[%run_scoped3A_433, %dma_wait3A_558] : memref<16x128xi32, #tpu.memory_space<vmem>> -> memref<1x128xi32, #tpu.memory_space<vmem>>
          %dma_wait3A_560 = tpu.memref_squeeze %dma_wait3A_559 : memref<1x128xi32, #tpu.memory_space<vmem>> -> memref<128xi32, #tpu.memory_space<vmem>>
          %dma_wait3A_561 = arith.constant 0 : i32
          %dma_wait3A_562 = arith.constant 0 : i32
          %dma_wait3A_563 = tpu.memref_slice %arg12[%dma_wait3A_561, %dma_wait3A_562] : memref<10240x128xf32, #tpu.memory_space<vmem_shared>> -> memref<10240x128xf32, #tpu.memory_space<vmem_shared>>
          tpu.wait_indirect_dma semaphore(%run_scoped3A_551 : memref<!tpu.dma_semaphore, #tpu.memory_space<semaphore_mem>>) src(%arg9 : memref<128x128xf32, #tpu.memory_space<vmem>>) dst(%dma_wait3A_563 : memref<10240x128xf32, #tpu.memory_space<vmem_shared>>)
          tpu.yield
        }) : () -> ()
        %dma_start3A_434 = arith.constant 11 : i32
        %dma_start3A_435 = arith.constant 0 : i32
        %dma_start3A_436 = tpu.memref_slice %arg7[%dma_start3A_434, %dma_start3A_435] : memref<16x128xi32, #tpu.memory_space<vmem>> -> memref<1x128xi32, #tpu.memory_space<vmem>>
        %dma_start3A_437 = tpu.memref_squeeze %dma_start3A_436 : memref<1x128xi32, #tpu.memory_space<vmem>> -> memref<128xi32, #tpu.memory_space<vmem>>
        %dma_start3A_438 = arith.constant 0 : i32
        %dma_start3A_439 = tpu.memref_slice %arg13[%dma_start3A_438] : memref<10240xf32, #tpu.memory_space<vmem_shared>> -> memref<10240xf32, #tpu.memory_space<vmem_shared>>
        tpu.enqueue_indirect_dma source(%arg10 : memref<128xf32, #tpu.memory_space<vmem>>) target(%dma_start3A_439 : memref<10240xf32, #tpu.memory_space<vmem_shared>>) offsets(%dma_start3A_437 : memref<128xi32, #tpu.memory_space<vmem>>) semaphore(%arg17 : memref<!tpu.dma_semaphore, #tpu.memory_space<semaphore_mem>>) {add = true}
        %dma_start3A_440 = arith.constant 14 : i32
        %dma_start3A_441 = arith.constant 0 : i32
        %dma_start3A_442 = tpu.memref_slice %arg7[%dma_start3A_440, %dma_start3A_441] : memref<16x128xi32, #tpu.memory_space<vmem>> -> memref<1x128xi32, #tpu.memory_space<vmem>>
        %dma_start3A_443 = tpu.memref_squeeze %dma_start3A_442 : memref<1x128xi32, #tpu.memory_space<vmem>> -> memref<128xi32, #tpu.memory_space<vmem>>
        %dma_start3A_444 = arith.constant 0 : i32
        %dma_start3A_445 = arith.constant 0 : i32
        %dma_start3A_446 = tpu.memref_slice %arg2[%dma_start3A_444, %dma_start3A_445] : memref<10000x128xf32, #tpu.memory_space<hbm>> -> memref<10000x128xf32, #tpu.memory_space<hbm>>
        tpu.enqueue_indirect_dma source(%dma_start3A_446 : memref<10000x128xf32, #tpu.memory_space<hbm>>) target(%arg9 : memref<128x128xf32, #tpu.memory_space<vmem>>) offsets(%dma_start3A_443 : memref<128xi32, #tpu.memory_space<vmem>>) semaphore(%arg15 : memref<!tpu.dma_semaphore, #tpu.memory_space<semaphore_mem>>)
        %dma_wait3A_447 = arith.constant 12 : i32
        %dma_wait3A_448 = arith.constant 0 : i32
        %dma_wait3A_449 = tpu.memref_slice %arg7[%dma_wait3A_447, %dma_wait3A_448] : memref<16x128xi32, #tpu.memory_space<vmem>> -> memref<1x128xi32, #tpu.memory_space<vmem>>
        %dma_wait3A_450 = tpu.memref_squeeze %dma_wait3A_449 : memref<1x128xi32, #tpu.memory_space<vmem>> -> memref<128xi32, #tpu.memory_space<vmem>>
        %dma_wait3A_451 = arith.constant 0 : i32
        %dma_wait3A_452 = arith.constant 0 : i32
        %dma_wait3A_453 = tpu.memref_slice %arg2[%dma_wait3A_451, %dma_wait3A_452] : memref<10000x128xf32, #tpu.memory_space<hbm>> -> memref<10000x128xf32, #tpu.memory_space<hbm>>
        tpu.wait_indirect_dma semaphore(%arg14 : memref<!tpu.dma_semaphore, #tpu.memory_space<semaphore_mem>>) src(%dma_wait3A_453 : memref<10000x128xf32, #tpu.memory_space<hbm>>) dst(%arg8 : memref<128x128xf32, #tpu.memory_space<vmem>>)
        %run_scoped3A_454 = arith.constant 13 : i32
        "tpu.region"() ({
          %run_scoped3A_551 = tpu.sem_alloc : memref<!tpu.dma_semaphore, #tpu.memory_space<semaphore_mem>>
          %dma_start3A_552 = arith.constant 0 : i32
          %dma_start3A_553 = tpu.memref_slice %arg7[%run_scoped3A_454, %dma_start3A_552] : memref<16x128xi32, #tpu.memory_space<vmem>> -> memref<1x128xi32, #tpu.memory_space<vmem>>
          %dma_start3A_554 = tpu.memref_squeeze %dma_start3A_553 : memref<1x128xi32, #tpu.memory_space<vmem>> -> memref<128xi32, #tpu.memory_space<vmem>>
          %dma_start3A_555 = arith.constant 0 : i32
          %dma_start3A_556 = arith.constant 0 : i32
          %dma_start3A_557 = tpu.memref_slice %arg12[%dma_start3A_555, %dma_start3A_556] : memref<10240x128xf32, #tpu.memory_space<vmem_shared>> -> memref<10240x128xf32, #tpu.memory_space<vmem_shared>>
          tpu.enqueue_indirect_dma source(%arg8 : memref<128x128xf32, #tpu.memory_space<vmem>>) target(%dma_start3A_557 : memref<10240x128xf32, #tpu.memory_space<vmem_shared>>) offsets(%dma_start3A_554 : memref<128xi32, #tpu.memory_space<vmem>>) semaphore(%run_scoped3A_551 : memref<!tpu.dma_semaphore, #tpu.memory_space<semaphore_mem>>) {add = true}
          %dma_wait3A_558 = arith.constant 0 : i32
          %dma_wait3A_559 = tpu.memref_slice %arg7[%run_scoped3A_454, %dma_wait3A_558] : memref<16x128xi32, #tpu.memory_space<vmem>> -> memref<1x128xi32, #tpu.memory_space<vmem>>
          %dma_wait3A_560 = tpu.memref_squeeze %dma_wait3A_559 : memref<1x128xi32, #tpu.memory_space<vmem>> -> memref<128xi32, #tpu.memory_space<vmem>>
          %dma_wait3A_561 = arith.constant 0 : i32
          %dma_wait3A_562 = arith.constant 0 : i32
          %dma_wait3A_563 = tpu.memref_slice %arg12[%dma_wait3A_561, %dma_wait3A_562] : memref<10240x128xf32, #tpu.memory_space<vmem_shared>> -> memref<10240x128xf32, #tpu.memory_space<vmem_shared>>
          tpu.wait_indirect_dma semaphore(%run_scoped3A_551 : memref<!tpu.dma_semaphore, #tpu.memory_space<semaphore_mem>>) src(%arg8 : memref<128x128xf32, #tpu.memory_space<vmem>>) dst(%dma_wait3A_563 : memref<10240x128xf32, #tpu.memory_space<vmem_shared>>)
          tpu.yield
        }) : () -> ()
        %dma_start3A_455 = arith.constant 13 : i32
        %dma_start3A_456 = arith.constant 0 : i32
        %dma_start3A_457 = tpu.memref_slice %arg7[%dma_start3A_455, %dma_start3A_456] : memref<16x128xi32, #tpu.memory_space<vmem>> -> memref<1x128xi32, #tpu.memory_space<vmem>>
        %dma_start3A_458 = tpu.memref_squeeze %dma_start3A_457 : memref<1x128xi32, #tpu.memory_space<vmem>> -> memref<128xi32, #tpu.memory_space<vmem>>
        %dma_start3A_459 = arith.constant 0 : i32
        %dma_start3A_460 = tpu.memref_slice %arg13[%dma_start3A_459] : memref<10240xf32, #tpu.memory_space<vmem_shared>> -> memref<10240xf32, #tpu.memory_space<vmem_shared>>
        tpu.enqueue_indirect_dma source(%arg10 : memref<128xf32, #tpu.memory_space<vmem>>) target(%dma_start3A_460 : memref<10240xf32, #tpu.memory_space<vmem_shared>>) offsets(%dma_start3A_458 : memref<128xi32, #tpu.memory_space<vmem>>) semaphore(%arg17 : memref<!tpu.dma_semaphore, #tpu.memory_space<semaphore_mem>>) {add = true}
        %dma_wait3A_461 = arith.constant 0 : i32
        %dma_wait3A_462 = tpu.memref_slice %arg3[%add3A, %add3A_320, %dma_wait3A_461] : memref<32x160x128xi32, #tpu.memory_space<hbm>> -> memref<1x16x128xi32, #tpu.memory_space<hbm>>
        %dma_wait3A_463 = tpu.memref_squeeze %dma_wait3A_462 : memref<1x16x128xi32, #tpu.memory_space<hbm>> -> memref<16x128xi32, #tpu.memory_space<hbm>>
        %dma_wait3A_464 = arith.constant 0 : i32
        %dma_wait3A_465 = tpu.memref_slice %arg3[%add3A, %add3A_320, %dma_wait3A_464] : memref<32x160x128xi32, #tpu.memory_space<hbm>> -> memref<1x16x128xi32, #tpu.memory_space<hbm>>
        %dma_wait3A_466 = tpu.memref_squeeze %dma_wait3A_465 : memref<1x16x128xi32, #tpu.memory_space<hbm>> -> memref<16x128xi32, #tpu.memory_space<hbm>>
        tpu.wait_dma2 semaphore(%arg16 : memref<!tpu.dma_semaphore, #tpu.memory_space<semaphore_mem>>) src(%dma_wait3A_466 : memref<16x128xi32, #tpu.memory_space<hbm>>) dst(%arg6 : memref<16x128xi32, #tpu.memory_space<vmem>>)
        %dma_start3A_467 = arith.constant 0 : i32
        %dma_start3A_468 = arith.constant 0 : i32
        %dma_start3A_469 = tpu.memref_slice %arg6[%dma_start3A_467, %dma_start3A_468] : memref<16x128xi32, #tpu.memory_space<vmem>> -> memref<1x128xi32, #tpu.memory_space<vmem>>
        %dma_start3A_470 = tpu.memref_squeeze %dma_start3A_469 : memref<1x128xi32, #tpu.memory_space<vmem>> -> memref<128xi32, #tpu.memory_space<vmem>>
        %dma_start3A_471 = arith.constant 0 : i32
        %dma_start3A_472 = arith.constant 0 : i32
        %dma_start3A_473 = tpu.memref_slice %arg2[%dma_start3A_471, %dma_start3A_472] : memref<10000x128xf32, #tpu.memory_space<hbm>> -> memref<10000x128xf32, #tpu.memory_space<hbm>>
        tpu.enqueue_indirect_dma source(%dma_start3A_473 : memref<10000x128xf32, #tpu.memory_space<hbm>>) target(%arg8 : memref<128x128xf32, #tpu.memory_space<vmem>>) offsets(%dma_start3A_470 : memref<128xi32, #tpu.memory_space<vmem>>) semaphore(%arg14 : memref<!tpu.dma_semaphore, #tpu.memory_space<semaphore_mem>>)
        %dma_wait3A_474 = arith.constant 14 : i32
        %dma_wait3A_475 = arith.constant 0 : i32
        %dma_wait3A_476 = tpu.memref_slice %arg7[%dma_wait3A_474, %dma_wait3A_475] : memref<16x128xi32, #tpu.memory_space<vmem>> -> memref<1x128xi32, #tpu.memory_space<vmem>>
        %dma_wait3A_477 = tpu.memref_squeeze %dma_wait3A_476 : memref<1x128xi32, #tpu.memory_space<vmem>> -> memref<128xi32, #tpu.memory_space<vmem>>
        %dma_wait3A_478 = arith.constant 0 : i32
        %dma_wait3A_479 = arith.constant 0 : i32
        %dma_wait3A_480 = tpu.memref_slice %arg2[%dma_wait3A_478, %dma_wait3A_479] : memref<10000x128xf32, #tpu.memory_space<hbm>> -> memref<10000x128xf32, #tpu.memory_space<hbm>>
        tpu.wait_indirect_dma semaphore(%arg15 : memref<!tpu.dma_semaphore, #tpu.memory_space<semaphore_mem>>) src(%dma_wait3A_480 : memref<10000x128xf32, #tpu.memory_space<hbm>>) dst(%arg9 : memref<128x128xf32, #tpu.memory_space<vmem>>)
        %run_scoped3A_481 = arith.constant 15 : i32
        "tpu.region"() ({
          %run_scoped3A_551 = tpu.sem_alloc : memref<!tpu.dma_semaphore, #tpu.memory_space<semaphore_mem>>
          %dma_start3A_552 = arith.constant 0 : i32
          %dma_start3A_553 = tpu.memref_slice %arg7[%run_scoped3A_481, %dma_start3A_552] : memref<16x128xi32, #tpu.memory_space<vmem>> -> memref<1x128xi32, #tpu.memory_space<vmem>>
          %dma_start3A_554 = tpu.memref_squeeze %dma_start3A_553 : memref<1x128xi32, #tpu.memory_space<vmem>> -> memref<128xi32, #tpu.memory_space<vmem>>
          %dma_start3A_555 = arith.constant 0 : i32
          %dma_start3A_556 = arith.constant 0 : i32
          %dma_start3A_557 = tpu.memref_slice %arg12[%dma_start3A_555, %dma_start3A_556] : memref<10240x128xf32, #tpu.memory_space<vmem_shared>> -> memref<10240x128xf32, #tpu.memory_space<vmem_shared>>
          tpu.enqueue_indirect_dma source(%arg9 : memref<128x128xf32, #tpu.memory_space<vmem>>) target(%dma_start3A_557 : memref<10240x128xf32, #tpu.memory_space<vmem_shared>>) offsets(%dma_start3A_554 : memref<128xi32, #tpu.memory_space<vmem>>) semaphore(%run_scoped3A_551 : memref<!tpu.dma_semaphore, #tpu.memory_space<semaphore_mem>>) {add = true}
          %dma_wait3A_558 = arith.constant 0 : i32
          %dma_wait3A_559 = tpu.memref_slice %arg7[%run_scoped3A_481, %dma_wait3A_558] : memref<16x128xi32, #tpu.memory_space<vmem>> -> memref<1x128xi32, #tpu.memory_space<vmem>>
          %dma_wait3A_560 = tpu.memref_squeeze %dma_wait3A_559 : memref<1x128xi32, #tpu.memory_space<vmem>> -> memref<128xi32, #tpu.memory_space<vmem>>
          %dma_wait3A_561 = arith.constant 0 : i32
          %dma_wait3A_562 = arith.constant 0 : i32
          %dma_wait3A_563 = tpu.memref_slice %arg12[%dma_wait3A_561, %dma_wait3A_562] : memref<10240x128xf32, #tpu.memory_space<vmem_shared>> -> memref<10240x128xf32, #tpu.memory_space<vmem_shared>>
          tpu.wait_indirect_dma semaphore(%run_scoped3A_551 : memref<!tpu.dma_semaphore, #tpu.memory_space<semaphore_mem>>) src(%arg9 : memref<128x128xf32, #tpu.memory_space<vmem>>) dst(%dma_wait3A_563 : memref<10240x128xf32, #tpu.memory_space<vmem_shared>>)
          tpu.yield
        }) : () -> ()
        %dma_start3A_482 = arith.constant 15 : i32
        %dma_start3A_483 = arith.constant 0 : i32
        %dma_start3A_484 = tpu.memref_slice %arg7[%dma_start3A_482, %dma_start3A_483] : memref<16x128xi32, #tpu.memory_space<vmem>> -> memref<1x128xi32, #tpu.memory_space<vmem>>
        %dma_start3A_485 = tpu.memref_squeeze %dma_start3A_484 : memref<1x128xi32, #tpu.memory_space<vmem>> -> memref<128xi32, #tpu.memory_space<vmem>>
        %dma_start3A_486 = arith.constant 0 : i32
        %dma_start3A_487 = tpu.memref_slice %arg13[%dma_start3A_486] : memref<10240xf32, #tpu.memory_space<vmem_shared>> -> memref<10240xf32, #tpu.memory_space<vmem_shared>>
        tpu.enqueue_indirect_dma source(%arg10 : memref<128xf32, #tpu.memory_space<vmem>>) target(%dma_start3A_487 : memref<10240xf32, #tpu.memory_space<vmem_shared>>) offsets(%dma_start3A_485 : memref<128xi32, #tpu.memory_space<vmem>>) semaphore(%arg17 : memref<!tpu.dma_semaphore, #tpu.memory_space<semaphore_mem>>) {add = true}
        %dma_start3A_488 = arith.constant 2 : i32
        %dma_start3A_489 = arith.constant 0 : i32
        %dma_start3A_490 = tpu.memref_slice %arg6[%dma_start3A_488, %dma_start3A_489] : memref<16x128xi32, #tpu.memory_space<vmem>> -> memref<1x128xi32, #tpu.memory_space<vmem>>
        %dma_start3A_491 = tpu.memref_squeeze %dma_start3A_490 : memref<1x128xi32, #tpu.memory_space<vmem>> -> memref<128xi32, #tpu.memory_space<vmem>>
        %dma_start3A_492 = arith.constant 0 : i32
        %dma_start3A_493 = arith.constant 0 : i32
        %dma_start3A_494 = tpu.memref_slice %arg2[%dma_start3A_492, %dma_start3A_493] : memref<10000x128xf32, #tpu.memory_space<hbm>> -> memref<10000x128xf32, #tpu.memory_space<hbm>>
        tpu.enqueue_indirect_dma source(%dma_start3A_494 : memref<10000x128xf32, #tpu.memory_space<hbm>>) target(%arg9 : memref<128x128xf32, #tpu.memory_space<vmem>>) offsets(%dma_start3A_491 : memref<128xi32, #tpu.memory_space<vmem>>) semaphore(%arg15 : memref<!tpu.dma_semaphore, #tpu.memory_space<semaphore_mem>>)
        %dma_wait3A_495 = arith.constant 1 : i32
        %dma_wait3A_496 = arith.constant 0 : i32
        %dma_wait3A_497 = tpu.memref_slice %arg7[%dma_wait3A_495, %dma_wait3A_496] : memref<16x128xi32, #tpu.memory_space<vmem>> -> memref<1x128xi32, #tpu.memory_space<vmem>>
        %dma_wait3A_498 = tpu.memref_squeeze %dma_wait3A_497 : memref<1x128xi32, #tpu.memory_space<vmem>> -> memref<128xi32, #tpu.memory_space<vmem>>
        %dma_wait3A_499 = arith.constant 0 : i32
        %dma_wait3A_500 = tpu.memref_slice %arg13[%dma_wait3A_499] : memref<10240xf32, #tpu.memory_space<vmem_shared>> -> memref<10240xf32, #tpu.memory_space<vmem_shared>>
        tpu.wait_indirect_dma semaphore(%arg17 : memref<!tpu.dma_semaphore, #tpu.memory_space<semaphore_mem>>) src(%arg10 : memref<128xf32, #tpu.memory_space<vmem>>) dst(%dma_wait3A_500 : memref<10240xf32, #tpu.memory_space<vmem_shared>>)
        %dma_wait3A_501 = arith.constant 1 : i32
        %dma_wait3A_502 = arith.constant 0 : i32
        %dma_wait3A_503 = tpu.memref_slice %arg7[%dma_wait3A_501, %dma_wait3A_502] : memref<16x128xi32, #tpu.memory_space<vmem>> -> memref<1x128xi32, #tpu.memory_space<vmem>>
        %dma_wait3A_504 = tpu.memref_squeeze %dma_wait3A_503 : memref<1x128xi32, #tpu.memory_space<vmem>> -> memref<128xi32, #tpu.memory_space<vmem>>
        %dma_wait3A_505 = arith.constant 0 : i32
        %dma_wait3A_506 = tpu.memref_slice %arg13[%dma_wait3A_505] : memref<10240xf32, #tpu.memory_space<vmem_shared>> -> memref<10240xf32, #tpu.memory_space<vmem_shared>>
        tpu.wait_indirect_dma semaphore(%arg17 : memref<!tpu.dma_semaphore, #tpu.memory_space<semaphore_mem>>) src(%arg10 : memref<128xf32, #tpu.memory_space<vmem>>) dst(%dma_wait3A_506 : memref<10240xf32, #tpu.memory_space<vmem_shared>>)
        %dma_wait3A_507 = arith.constant 1 : i32
        %dma_wait3A_508 = arith.constant 0 : i32
        %dma_wait3A_509 = tpu.memref_slice %arg7[%dma_wait3A_507, %dma_wait3A_508] : memref<16x128xi32, #tpu.memory_space<vmem>> -> memref<1x128xi32, #tpu.memory_space<vmem>>
        %dma_wait3A_510 = tpu.memref_squeeze %dma_wait3A_509 : memref<1x128xi32, #tpu.memory_space<vmem>> -> memref<128xi32, #tpu.memory_space<vmem>>
        %dma_wait3A_511 = arith.constant 0 : i32
        %dma_wait3A_512 = tpu.memref_slice %arg13[%dma_wait3A_511] : memref<10240xf32, #tpu.memory_space<vmem_shared>> -> memref<10240xf32, #tpu.memory_space<vmem_shared>>
        tpu.wait_indirect_dma semaphore(%arg17 : memref<!tpu.dma_semaphore, #tpu.memory_space<semaphore_mem>>) src(%arg10 : memref<128xf32, #tpu.memory_space<vmem>>) dst(%dma_wait3A_512 : memref<10240xf32, #tpu.memory_space<vmem_shared>>)
        %dma_wait3A_513 = arith.constant 1 : i32
        %dma_wait3A_514 = arith.constant 0 : i32
        %dma_wait3A_515 = tpu.memref_slice %arg7[%dma_wait3A_513, %dma_wait3A_514] : memref<16x128xi32, #tpu.memory_space<vmem>> -> memref<1x128xi32, #tpu.memory_space<vmem>>
        %dma_wait3A_516 = tpu.memref_squeeze %dma_wait3A_515 : memref<1x128xi32, #tpu.memory_space<vmem>> -> memref<128xi32, #tpu.memory_space<vmem>>
        %dma_wait3A_517 = arith.constant 0 : i32
        %dma_wait3A_518 = tpu.memref_slice %arg13[%dma_wait3A_517] : memref<10240xf32, #tpu.memory_space<vmem_shared>> -> memref<10240xf32, #tpu.memory_space<vmem_shared>>
        tpu.wait_indirect_dma semaphore(%arg17 : memref<!tpu.dma_semaphore, #tpu.memory_space<semaphore_mem>>) src(%arg10 : memref<128xf32, #tpu.memory_space<vmem>>) dst(%dma_wait3A_518 : memref<10240xf32, #tpu.memory_space<vmem_shared>>)
        %dma_wait3A_519 = arith.constant 1 : i32
        %dma_wait3A_520 = arith.constant 0 : i32
        %dma_wait3A_521 = tpu.memref_slice %arg7[%dma_wait3A_519, %dma_wait3A_520] : memref<16x128xi32, #tpu.memory_space<vmem>> -> memref<1x128xi32, #tpu.memory_space<vmem>>
        %dma_wait3A_522 = tpu.memref_squeeze %dma_wait3A_521 : memref<1x128xi32, #tpu.memory_space<vmem>> -> memref<128xi32, #tpu.memory_space<vmem>>
        %dma_wait3A_523 = arith.constant 0 : i32
        %dma_wait3A_524 = tpu.memref_slice %arg13[%dma_wait3A_523] : memref<10240xf32, #tpu.memory_space<vmem_shared>> -> memref<10240xf32, #tpu.memory_space<vmem_shared>>
        tpu.wait_indirect_dma semaphore(%arg17 : memref<!tpu.dma_semaphore, #tpu.memory_space<semaphore_mem>>) src(%arg10 : memref<128xf32, #tpu.memory_space<vmem>>) dst(%dma_wait3A_524 : memref<10240xf32, #tpu.memory_space<vmem_shared>>)
        %dma_wait3A_525 = arith.constant 1 : i32
        %dma_wait3A_526 = arith.constant 0 : i32
        %dma_wait3A_527 = tpu.memref_slice %arg7[%dma_wait3A_525, %dma_wait3A_526] : memref<16x128xi32, #tpu.memory_space<vmem>> -> memref<1x128xi32, #tpu.memory_space<vmem>>
        %dma_wait3A_528 = tpu.memref_squeeze %dma_wait3A_527 : memref<1x128xi32, #tpu.memory_space<vmem>> -> memref<128xi32, #tpu.memory_space<vmem>>
        %dma_wait3A_529 = arith.constant 0 : i32
        %dma_wait3A_530 = tpu.memref_slice %arg13[%dma_wait3A_529] : memref<10240xf32, #tpu.memory_space<vmem_shared>> -> memref<10240xf32, #tpu.memory_space<vmem_shared>>
        tpu.wait_indirect_dma semaphore(%arg17 : memref<!tpu.dma_semaphore, #tpu.memory_space<semaphore_mem>>) src(%arg10 : memref<128xf32, #tpu.memory_space<vmem>>) dst(%dma_wait3A_530 : memref<10240xf32, #tpu.memory_space<vmem_shared>>)
        %dma_wait3A_531 = arith.constant 1 : i32
        %dma_wait3A_532 = arith.constant 0 : i32
        %dma_wait3A_533 = tpu.memref_slice %arg7[%dma_wait3A_531, %dma_wait3A_532] : memref<16x128xi32, #tpu.memory_space<vmem>> -> memref<1x128xi32, #tpu.memory_space<vmem>>
        %dma_wait3A_534 = tpu.memref_squeeze %dma_wait3A_533 : memref<1x128xi32, #tpu.memory_space<vmem>> -> memref<128xi32, #tpu.memory_space<vmem>>
        %dma_wait3A_535 = arith.constant 0 : i32
        %dma_wait3A_536 = tpu.memref_slice %arg13[%dma_wait3A_535] : memref<10240xf32, #tpu.memory_space<vmem_shared>> -> memref<10240xf32, #tpu.memory_space<vmem_shared>>
        tpu.wait_indirect_dma semaphore(%arg17 : memref<!tpu.dma_semaphore, #tpu.memory_space<semaphore_mem>>) src(%arg10 : memref<128xf32, #tpu.memory_space<vmem>>) dst(%dma_wait3A_536 : memref<10240xf32, #tpu.memory_space<vmem_shared>>)
        %dma_wait3A_537 = arith.constant 1 : i32
        %dma_wait3A_538 = arith.constant 0 : i32
        %dma_wait3A_539 = tpu.memref_slice %arg7[%dma_wait3A_537, %dma_wait3A_538] : memref<16x128xi32, #tpu.memory_space<vmem>> -> memref<1x128xi32, #tpu.memory_space<vmem>>
        %dma_wait3A_540 = tpu.memref_squeeze %dma_wait3A_539 : memref<1x128xi32, #tpu.memory_space<vmem>> -> memref<128xi32, #tpu.memory_space<vmem>>
        %dma_wait3A_541 = arith.constant 0 : i32
        %dma_wait3A_542 = tpu.memref_slice %arg13[%dma_wait3A_541] : memref<10240xf32, #tpu.memory_space<vmem_shared>> -> memref<10240xf32, #tpu.memory_space<vmem_shared>>
        tpu.wait_indirect_dma semaphore(%arg17 : memref<!tpu.dma_semaphore, #tpu.memory_space<semaphore_mem>>) src(%arg10 : memref<128xf32, #tpu.memory_space<vmem>>) dst(%dma_wait3A_542 : memref<10240xf32, #tpu.memory_space<vmem_shared>>)
        %add3A_543 = arith.constant 48 : i32
        %add3A_544 = arith.addi %mul3A_84, %add3A_543 : i32
        %dma_start3A_545 = arith.constant 0 : i32
        %dma_start3A_546 = tpu.memref_slice %arg3[%add3A, %add3A_544, %dma_start3A_545] : memref<32x160x128xi32, #tpu.memory_space<hbm>> -> memref<1x16x128xi32, #tpu.memory_space<hbm>>
        %dma_start3A_547 = tpu.memref_squeeze %dma_start3A_546 : memref<1x16x128xi32, #tpu.memory_space<hbm>> -> memref<16x128xi32, #tpu.memory_space<hbm>>
        %dma_start3A_548 = arith.constant 0 : i32
        %dma_start3A_549 = tpu.memref_slice %arg3[%add3A, %add3A_544, %dma_start3A_548] : memref<32x160x128xi32, #tpu.memory_space<hbm>> -> memref<1x16x128xi32, #tpu.memory_space<hbm>>
        %dma_start3A_550 = tpu.memref_squeeze %dma_start3A_549 : memref<1x16x128xi32, #tpu.memory_space<hbm>> -> memref<16x128xi32, #tpu.memory_space<hbm>>
        tpu.enqueue_dma source(%dma_start3A_550 : memref<16x128xi32, #tpu.memory_space<hbm>>) target(%arg7 : memref<16x128xi32, #tpu.memory_space<vmem>>) target_semaphore(%arg16 : memref<!tpu.dma_semaphore, #tpu.memory_space<semaphore_mem>>)
      } else {
      }
      %convert_element_type3A_316 = arith.extui %ge3A_311 : i1 to i32
      %cond3A_317 = arith.constant 0 : i32
      %cond3A_318 = arith.cmpi ne, %convert_element_type3A_316, %cond3A_317 : i32
      scf.if %cond3A_318 {
        %dma_wait3A_319 = arith.constant 0 : i32
        %dma_wait3A_320 = arith.constant 0 : i32
        %dma_wait3A_321 = tpu.memref_slice %arg7[%dma_wait3A_319, %dma_wait3A_320] : memref<16x128xi32, #tpu.memory_space<vmem>> -> memref<1x128xi32, #tpu.memory_space<vmem>>
        %dma_wait3A_322 = tpu.memref_squeeze %dma_wait3A_321 : memref<1x128xi32, #tpu.memory_space<vmem>> -> memref<128xi32, #tpu.memory_space<vmem>>
        %dma_wait3A_323 = arith.constant 0 : i32
        %dma_wait3A_324 = arith.constant 0 : i32
        %dma_wait3A_325 = tpu.memref_slice %arg2[%dma_wait3A_323, %dma_wait3A_324] : memref<10000x128xf32, #tpu.memory_space<hbm>> -> memref<10000x128xf32, #tpu.memory_space<hbm>>
        tpu.wait_indirect_dma semaphore(%arg14 : memref<!tpu.dma_semaphore, #tpu.memory_space<semaphore_mem>>) src(%dma_wait3A_325 : memref<10000x128xf32, #tpu.memory_space<hbm>>) dst(%arg8 : memref<128x128xf32, #tpu.memory_space<vmem>>)
        %run_scoped3A_326 = arith.constant 1 : i32
        "tpu.region"() ({
          %run_scoped3A_521 = tpu.sem_alloc : memref<!tpu.dma_semaphore, #tpu.memory_space<semaphore_mem>>
          %dma_start3A_522 = arith.constant 0 : i32
          %dma_start3A_523 = tpu.memref_slice %arg7[%run_scoped3A_326, %dma_start3A_522] : memref<16x128xi32, #tpu.memory_space<vmem>> -> memref<1x128xi32, #tpu.memory_space<vmem>>
          %dma_start3A_524 = tpu.memref_squeeze %dma_start3A_523 : memref<1x128xi32, #tpu.memory_space<vmem>> -> memref<128xi32, #tpu.memory_space<vmem>>
          %dma_start3A_525 = arith.constant 0 : i32
          %dma_start3A_526 = arith.constant 0 : i32
          %dma_start3A_527 = tpu.memref_slice %arg12[%dma_start3A_525, %dma_start3A_526] : memref<10240x128xf32, #tpu.memory_space<vmem_shared>> -> memref<10240x128xf32, #tpu.memory_space<vmem_shared>>
          tpu.enqueue_indirect_dma source(%arg8 : memref<128x128xf32, #tpu.memory_space<vmem>>) target(%dma_start3A_527 : memref<10240x128xf32, #tpu.memory_space<vmem_shared>>) offsets(%dma_start3A_524 : memref<128xi32, #tpu.memory_space<vmem>>) semaphore(%run_scoped3A_521 : memref<!tpu.dma_semaphore, #tpu.memory_space<semaphore_mem>>) {add = true}
          %dma_wait3A_528 = arith.constant 0 : i32
          %dma_wait3A_529 = tpu.memref_slice %arg7[%run_scoped3A_326, %dma_wait3A_528] : memref<16x128xi32, #tpu.memory_space<vmem>> -> memref<1x128xi32, #tpu.memory_space<vmem>>
          %dma_wait3A_530 = tpu.memref_squeeze %dma_wait3A_529 : memref<1x128xi32, #tpu.memory_space<vmem>> -> memref<128xi32, #tpu.memory_space<vmem>>
          %dma_wait3A_531 = arith.constant 0 : i32
          %dma_wait3A_532 = arith.constant 0 : i32
          %dma_wait3A_533 = tpu.memref_slice %arg12[%dma_wait3A_531, %dma_wait3A_532] : memref<10240x128xf32, #tpu.memory_space<vmem_shared>> -> memref<10240x128xf32, #tpu.memory_space<vmem_shared>>
          tpu.wait_indirect_dma semaphore(%run_scoped3A_521 : memref<!tpu.dma_semaphore, #tpu.memory_space<semaphore_mem>>) src(%arg8 : memref<128x128xf32, #tpu.memory_space<vmem>>) dst(%dma_wait3A_533 : memref<10240x128xf32, #tpu.memory_space<vmem_shared>>)
          tpu.yield
        }) : () -> ()
        %dma_start3A_327 = arith.constant 1 : i32
        %dma_start3A_328 = arith.constant 0 : i32
        %dma_start3A_329 = tpu.memref_slice %arg7[%dma_start3A_327, %dma_start3A_328] : memref<16x128xi32, #tpu.memory_space<vmem>> -> memref<1x128xi32, #tpu.memory_space<vmem>>
        %dma_start3A_330 = tpu.memref_squeeze %dma_start3A_329 : memref<1x128xi32, #tpu.memory_space<vmem>> -> memref<128xi32, #tpu.memory_space<vmem>>
        %dma_start3A_331 = arith.constant 0 : i32
        %dma_start3A_332 = tpu.memref_slice %arg13[%dma_start3A_331] : memref<10240xf32, #tpu.memory_space<vmem_shared>> -> memref<10240xf32, #tpu.memory_space<vmem_shared>>
        tpu.enqueue_indirect_dma source(%arg10 : memref<128xf32, #tpu.memory_space<vmem>>) target(%dma_start3A_332 : memref<10240xf32, #tpu.memory_space<vmem_shared>>) offsets(%dma_start3A_330 : memref<128xi32, #tpu.memory_space<vmem>>) semaphore(%arg17 : memref<!tpu.dma_semaphore, #tpu.memory_space<semaphore_mem>>) {add = true}
        %dma_start3A_333 = arith.constant 4 : i32
        %dma_start3A_334 = arith.constant 0 : i32
        %dma_start3A_335 = tpu.memref_slice %arg7[%dma_start3A_333, %dma_start3A_334] : memref<16x128xi32, #tpu.memory_space<vmem>> -> memref<1x128xi32, #tpu.memory_space<vmem>>
        %dma_start3A_336 = tpu.memref_squeeze %dma_start3A_335 : memref<1x128xi32, #tpu.memory_space<vmem>> -> memref<128xi32, #tpu.memory_space<vmem>>
        %dma_start3A_337 = arith.constant 0 : i32
        %dma_start3A_338 = arith.constant 0 : i32
        %dma_start3A_339 = tpu.memref_slice %arg2[%dma_start3A_337, %dma_start3A_338] : memref<10000x128xf32, #tpu.memory_space<hbm>> -> memref<10000x128xf32, #tpu.memory_space<hbm>>
        tpu.enqueue_indirect_dma source(%dma_start3A_339 : memref<10000x128xf32, #tpu.memory_space<hbm>>) target(%arg8 : memref<128x128xf32, #tpu.memory_space<vmem>>) offsets(%dma_start3A_336 : memref<128xi32, #tpu.memory_space<vmem>>) semaphore(%arg14 : memref<!tpu.dma_semaphore, #tpu.memory_space<semaphore_mem>>)
        %dma_wait3A_340 = arith.constant 2 : i32
        %dma_wait3A_341 = arith.constant 0 : i32
        %dma_wait3A_342 = tpu.memref_slice %arg7[%dma_wait3A_340, %dma_wait3A_341] : memref<16x128xi32, #tpu.memory_space<vmem>> -> memref<1x128xi32, #tpu.memory_space<vmem>>
        %dma_wait3A_343 = tpu.memref_squeeze %dma_wait3A_342 : memref<1x128xi32, #tpu.memory_space<vmem>> -> memref<128xi32, #tpu.memory_space<vmem>>
        %dma_wait3A_344 = arith.constant 0 : i32
        %dma_wait3A_345 = arith.constant 0 : i32
        %dma_wait3A_346 = tpu.memref_slice %arg2[%dma_wait3A_344, %dma_wait3A_345] : memref<10000x128xf32, #tpu.memory_space<hbm>> -> memref<10000x128xf32, #tpu.memory_space<hbm>>
        tpu.wait_indirect_dma semaphore(%arg15 : memref<!tpu.dma_semaphore, #tpu.memory_space<semaphore_mem>>) src(%dma_wait3A_346 : memref<10000x128xf32, #tpu.memory_space<hbm>>) dst(%arg9 : memref<128x128xf32, #tpu.memory_space<vmem>>)
        %run_scoped3A_347 = arith.constant 3 : i32
        "tpu.region"() ({
          %run_scoped3A_521 = tpu.sem_alloc : memref<!tpu.dma_semaphore, #tpu.memory_space<semaphore_mem>>
          %dma_start3A_522 = arith.constant 0 : i32
          %dma_start3A_523 = tpu.memref_slice %arg7[%run_scoped3A_347, %dma_start3A_522] : memref<16x128xi32, #tpu.memory_space<vmem>> -> memref<1x128xi32, #tpu.memory_space<vmem>>
          %dma_start3A_524 = tpu.memref_squeeze %dma_start3A_523 : memref<1x128xi32, #tpu.memory_space<vmem>> -> memref<128xi32, #tpu.memory_space<vmem>>
          %dma_start3A_525 = arith.constant 0 : i32
          %dma_start3A_526 = arith.constant 0 : i32
          %dma_start3A_527 = tpu.memref_slice %arg12[%dma_start3A_525, %dma_start3A_526] : memref<10240x128xf32, #tpu.memory_space<vmem_shared>> -> memref<10240x128xf32, #tpu.memory_space<vmem_shared>>
          tpu.enqueue_indirect_dma source(%arg9 : memref<128x128xf32, #tpu.memory_space<vmem>>) target(%dma_start3A_527 : memref<10240x128xf32, #tpu.memory_space<vmem_shared>>) offsets(%dma_start3A_524 : memref<128xi32, #tpu.memory_space<vmem>>) semaphore(%run_scoped3A_521 : memref<!tpu.dma_semaphore, #tpu.memory_space<semaphore_mem>>) {add = true}
          %dma_wait3A_528 = arith.constant 0 : i32
          %dma_wait3A_529 = tpu.memref_slice %arg7[%run_scoped3A_347, %dma_wait3A_528] : memref<16x128xi32, #tpu.memory_space<vmem>> -> memref<1x128xi32, #tpu.memory_space<vmem>>
          %dma_wait3A_530 = tpu.memref_squeeze %dma_wait3A_529 : memref<1x128xi32, #tpu.memory_space<vmem>> -> memref<128xi32, #tpu.memory_space<vmem>>
          %dma_wait3A_531 = arith.constant 0 : i32
          %dma_wait3A_532 = arith.constant 0 : i32
          %dma_wait3A_533 = tpu.memref_slice %arg12[%dma_wait3A_531, %dma_wait3A_532] : memref<10240x128xf32, #tpu.memory_space<vmem_shared>> -> memref<10240x128xf32, #tpu.memory_space<vmem_shared>>
          tpu.wait_indirect_dma semaphore(%run_scoped3A_521 : memref<!tpu.dma_semaphore, #tpu.memory_space<semaphore_mem>>) src(%arg9 : memref<128x128xf32, #tpu.memory_space<vmem>>) dst(%dma_wait3A_533 : memref<10240x128xf32, #tpu.memory_space<vmem_shared>>)
          tpu.yield
        }) : () -> ()
        %dma_start3A_348 = arith.constant 3 : i32
        %dma_start3A_349 = arith.constant 0 : i32
        %dma_start3A_350 = tpu.memref_slice %arg7[%dma_start3A_348, %dma_start3A_349] : memref<16x128xi32, #tpu.memory_space<vmem>> -> memref<1x128xi32, #tpu.memory_space<vmem>>
        %dma_start3A_351 = tpu.memref_squeeze %dma_start3A_350 : memref<1x128xi32, #tpu.memory_space<vmem>> -> memref<128xi32, #tpu.memory_space<vmem>>
        %dma_start3A_352 = arith.constant 0 : i32
        %dma_start3A_353 = tpu.memref_slice %arg13[%dma_start3A_352] : memref<10240xf32, #tpu.memory_space<vmem_shared>> -> memref<10240xf32, #tpu.memory_space<vmem_shared>>
        tpu.enqueue_indirect_dma source(%arg10 : memref<128xf32, #tpu.memory_space<vmem>>) target(%dma_start3A_353 : memref<10240xf32, #tpu.memory_space<vmem_shared>>) offsets(%dma_start3A_351 : memref<128xi32, #tpu.memory_space<vmem>>) semaphore(%arg17 : memref<!tpu.dma_semaphore, #tpu.memory_space<semaphore_mem>>) {add = true}
        %dma_start3A_354 = arith.constant 6 : i32
        %dma_start3A_355 = arith.constant 0 : i32
        %dma_start3A_356 = tpu.memref_slice %arg7[%dma_start3A_354, %dma_start3A_355] : memref<16x128xi32, #tpu.memory_space<vmem>> -> memref<1x128xi32, #tpu.memory_space<vmem>>
        %dma_start3A_357 = tpu.memref_squeeze %dma_start3A_356 : memref<1x128xi32, #tpu.memory_space<vmem>> -> memref<128xi32, #tpu.memory_space<vmem>>
        %dma_start3A_358 = arith.constant 0 : i32
        %dma_start3A_359 = arith.constant 0 : i32
        %dma_start3A_360 = tpu.memref_slice %arg2[%dma_start3A_358, %dma_start3A_359] : memref<10000x128xf32, #tpu.memory_space<hbm>> -> memref<10000x128xf32, #tpu.memory_space<hbm>>
        tpu.enqueue_indirect_dma source(%dma_start3A_360 : memref<10000x128xf32, #tpu.memory_space<hbm>>) target(%arg9 : memref<128x128xf32, #tpu.memory_space<vmem>>) offsets(%dma_start3A_357 : memref<128xi32, #tpu.memory_space<vmem>>) semaphore(%arg15 : memref<!tpu.dma_semaphore, #tpu.memory_space<semaphore_mem>>)
        %dma_wait3A_361 = arith.constant 4 : i32
        %dma_wait3A_362 = arith.constant 0 : i32
        %dma_wait3A_363 = tpu.memref_slice %arg7[%dma_wait3A_361, %dma_wait3A_362] : memref<16x128xi32, #tpu.memory_space<vmem>> -> memref<1x128xi32, #tpu.memory_space<vmem>>
        %dma_wait3A_364 = tpu.memref_squeeze %dma_wait3A_363 : memref<1x128xi32, #tpu.memory_space<vmem>> -> memref<128xi32, #tpu.memory_space<vmem>>
        %dma_wait3A_365 = arith.constant 0 : i32
        %dma_wait3A_366 = arith.constant 0 : i32
        %dma_wait3A_367 = tpu.memref_slice %arg2[%dma_wait3A_365, %dma_wait3A_366] : memref<10000x128xf32, #tpu.memory_space<hbm>> -> memref<10000x128xf32, #tpu.memory_space<hbm>>
        tpu.wait_indirect_dma semaphore(%arg14 : memref<!tpu.dma_semaphore, #tpu.memory_space<semaphore_mem>>) src(%dma_wait3A_367 : memref<10000x128xf32, #tpu.memory_space<hbm>>) dst(%arg8 : memref<128x128xf32, #tpu.memory_space<vmem>>)
        %run_scoped3A_368 = arith.constant 5 : i32
        "tpu.region"() ({
          %run_scoped3A_521 = tpu.sem_alloc : memref<!tpu.dma_semaphore, #tpu.memory_space<semaphore_mem>>
          %dma_start3A_522 = arith.constant 0 : i32
          %dma_start3A_523 = tpu.memref_slice %arg7[%run_scoped3A_368, %dma_start3A_522] : memref<16x128xi32, #tpu.memory_space<vmem>> -> memref<1x128xi32, #tpu.memory_space<vmem>>
          %dma_start3A_524 = tpu.memref_squeeze %dma_start3A_523 : memref<1x128xi32, #tpu.memory_space<vmem>> -> memref<128xi32, #tpu.memory_space<vmem>>
          %dma_start3A_525 = arith.constant 0 : i32
          %dma_start3A_526 = arith.constant 0 : i32
          %dma_start3A_527 = tpu.memref_slice %arg12[%dma_start3A_525, %dma_start3A_526] : memref<10240x128xf32, #tpu.memory_space<vmem_shared>> -> memref<10240x128xf32, #tpu.memory_space<vmem_shared>>
          tpu.enqueue_indirect_dma source(%arg8 : memref<128x128xf32, #tpu.memory_space<vmem>>) target(%dma_start3A_527 : memref<10240x128xf32, #tpu.memory_space<vmem_shared>>) offsets(%dma_start3A_524 : memref<128xi32, #tpu.memory_space<vmem>>) semaphore(%run_scoped3A_521 : memref<!tpu.dma_semaphore, #tpu.memory_space<semaphore_mem>>) {add = true}
          %dma_wait3A_528 = arith.constant 0 : i32
          %dma_wait3A_529 = tpu.memref_slice %arg7[%run_scoped3A_368, %dma_wait3A_528] : memref<16x128xi32, #tpu.memory_space<vmem>> -> memref<1x128xi32, #tpu.memory_space<vmem>>
          %dma_wait3A_530 = tpu.memref_squeeze %dma_wait3A_529 : memref<1x128xi32, #tpu.memory_space<vmem>> -> memref<128xi32, #tpu.memory_space<vmem>>
          %dma_wait3A_531 = arith.constant 0 : i32
          %dma_wait3A_532 = arith.constant 0 : i32
          %dma_wait3A_533 = tpu.memref_slice %arg12[%dma_wait3A_531, %dma_wait3A_532] : memref<10240x128xf32, #tpu.memory_space<vmem_shared>> -> memref<10240x128xf32, #tpu.memory_space<vmem_shared>>
          tpu.wait_indirect_dma semaphore(%run_scoped3A_521 : memref<!tpu.dma_semaphore, #tpu.memory_space<semaphore_mem>>) src(%arg8 : memref<128x128xf32, #tpu.memory_space<vmem>>) dst(%dma_wait3A_533 : memref<10240x128xf32, #tpu.memory_space<vmem_shared>>)
          tpu.yield
        }) : () -> ()
        %dma_start3A_369 = arith.constant 5 : i32
        %dma_start3A_370 = arith.constant 0 : i32
        %dma_start3A_371 = tpu.memref_slice %arg7[%dma_start3A_369, %dma_start3A_370] : memref<16x128xi32, #tpu.memory_space<vmem>> -> memref<1x128xi32, #tpu.memory_space<vmem>>
        %dma_start3A_372 = tpu.memref_squeeze %dma_start3A_371 : memref<1x128xi32, #tpu.memory_space<vmem>> -> memref<128xi32, #tpu.memory_space<vmem>>
        %dma_start3A_373 = arith.constant 0 : i32
        %dma_start3A_374 = tpu.memref_slice %arg13[%dma_start3A_373] : memref<10240xf32, #tpu.memory_space<vmem_shared>> -> memref<10240xf32, #tpu.memory_space<vmem_shared>>
        tpu.enqueue_indirect_dma source(%arg10 : memref<128xf32, #tpu.memory_space<vmem>>) target(%dma_start3A_374 : memref<10240xf32, #tpu.memory_space<vmem_shared>>) offsets(%dma_start3A_372 : memref<128xi32, #tpu.memory_space<vmem>>) semaphore(%arg17 : memref<!tpu.dma_semaphore, #tpu.memory_space<semaphore_mem>>) {add = true}
        %dma_start3A_375 = arith.constant 8 : i32
        %dma_start3A_376 = arith.constant 0 : i32
        %dma_start3A_377 = tpu.memref_slice %arg7[%dma_start3A_375, %dma_start3A_376] : memref<16x128xi32, #tpu.memory_space<vmem>> -> memref<1x128xi32, #tpu.memory_space<vmem>>
        %dma_start3A_378 = tpu.memref_squeeze %dma_start3A_377 : memref<1x128xi32, #tpu.memory_space<vmem>> -> memref<128xi32, #tpu.memory_space<vmem>>
        %dma_start3A_379 = arith.constant 0 : i32
        %dma_start3A_380 = arith.constant 0 : i32
        %dma_start3A_381 = tpu.memref_slice %arg2[%dma_start3A_379, %dma_start3A_380] : memref<10000x128xf32, #tpu.memory_space<hbm>> -> memref<10000x128xf32, #tpu.memory_space<hbm>>
        tpu.enqueue_indirect_dma source(%dma_start3A_381 : memref<10000x128xf32, #tpu.memory_space<hbm>>) target(%arg8 : memref<128x128xf32, #tpu.memory_space<vmem>>) offsets(%dma_start3A_378 : memref<128xi32, #tpu.memory_space<vmem>>) semaphore(%arg14 : memref<!tpu.dma_semaphore, #tpu.memory_space<semaphore_mem>>)
        %dma_wait3A_382 = arith.constant 6 : i32
        %dma_wait3A_383 = arith.constant 0 : i32
        %dma_wait3A_384 = tpu.memref_slice %arg7[%dma_wait3A_382, %dma_wait3A_383] : memref<16x128xi32, #tpu.memory_space<vmem>> -> memref<1x128xi32, #tpu.memory_space<vmem>>
        %dma_wait3A_385 = tpu.memref_squeeze %dma_wait3A_384 : memref<1x128xi32, #tpu.memory_space<vmem>> -> memref<128xi32, #tpu.memory_space<vmem>>
        %dma_wait3A_386 = arith.constant 0 : i32
        %dma_wait3A_387 = arith.constant 0 : i32
        %dma_wait3A_388 = tpu.memref_slice %arg2[%dma_wait3A_386, %dma_wait3A_387] : memref<10000x128xf32, #tpu.memory_space<hbm>> -> memref<10000x128xf32, #tpu.memory_space<hbm>>
        tpu.wait_indirect_dma semaphore(%arg15 : memref<!tpu.dma_semaphore, #tpu.memory_space<semaphore_mem>>) src(%dma_wait3A_388 : memref<10000x128xf32, #tpu.memory_space<hbm>>) dst(%arg9 : memref<128x128xf32, #tpu.memory_space<vmem>>)
        %run_scoped3A_389 = arith.constant 7 : i32
        "tpu.region"() ({
          %run_scoped3A_521 = tpu.sem_alloc : memref<!tpu.dma_semaphore, #tpu.memory_space<semaphore_mem>>
          %dma_start3A_522 = arith.constant 0 : i32
          %dma_start3A_523 = tpu.memref_slice %arg7[%run_scoped3A_389, %dma_start3A_522] : memref<16x128xi32, #tpu.memory_space<vmem>> -> memref<1x128xi32, #tpu.memory_space<vmem>>
          %dma_start3A_524 = tpu.memref_squeeze %dma_start3A_523 : memref<1x128xi32, #tpu.memory_space<vmem>> -> memref<128xi32, #tpu.memory_space<vmem>>
          %dma_start3A_525 = arith.constant 0 : i32
          %dma_start3A_526 = arith.constant 0 : i32
          %dma_start3A_527 = tpu.memref_slice %arg12[%dma_start3A_525, %dma_start3A_526] : memref<10240x128xf32, #tpu.memory_space<vmem_shared>> -> memref<10240x128xf32, #tpu.memory_space<vmem_shared>>
          tpu.enqueue_indirect_dma source(%arg9 : memref<128x128xf32, #tpu.memory_space<vmem>>) target(%dma_start3A_527 : memref<10240x128xf32, #tpu.memory_space<vmem_shared>>) offsets(%dma_start3A_524 : memref<128xi32, #tpu.memory_space<vmem>>) semaphore(%run_scoped3A_521 : memref<!tpu.dma_semaphore, #tpu.memory_space<semaphore_mem>>) {add = true}
          %dma_wait3A_528 = arith.constant 0 : i32
          %dma_wait3A_529 = tpu.memref_slice %arg7[%run_scoped3A_389, %dma_wait3A_528] : memref<16x128xi32, #tpu.memory_space<vmem>> -> memref<1x128xi32, #tpu.memory_space<vmem>>
          %dma_wait3A_530 = tpu.memref_squeeze %dma_wait3A_529 : memref<1x128xi32, #tpu.memory_space<vmem>> -> memref<128xi32, #tpu.memory_space<vmem>>
          %dma_wait3A_531 = arith.constant 0 : i32
          %dma_wait3A_532 = arith.constant 0 : i32
          %dma_wait3A_533 = tpu.memref_slice %arg12[%dma_wait3A_531, %dma_wait3A_532] : memref<10240x128xf32, #tpu.memory_space<vmem_shared>> -> memref<10240x128xf32, #tpu.memory_space<vmem_shared>>
          tpu.wait_indirect_dma semaphore(%run_scoped3A_521 : memref<!tpu.dma_semaphore, #tpu.memory_space<semaphore_mem>>) src(%arg9 : memref<128x128xf32, #tpu.memory_space<vmem>>) dst(%dma_wait3A_533 : memref<10240x128xf32, #tpu.memory_space<vmem_shared>>)
          tpu.yield
        }) : () -> ()
        %dma_start3A_390 = arith.constant 7 : i32
        %dma_start3A_391 = arith.constant 0 : i32
        %dma_start3A_392 = tpu.memref_slice %arg7[%dma_start3A_390, %dma_start3A_391] : memref<16x128xi32, #tpu.memory_space<vmem>> -> memref<1x128xi32, #tpu.memory_space<vmem>>
        %dma_start3A_393 = tpu.memref_squeeze %dma_start3A_392 : memref<1x128xi32, #tpu.memory_space<vmem>> -> memref<128xi32, #tpu.memory_space<vmem>>
        %dma_start3A_394 = arith.constant 0 : i32
        %dma_start3A_395 = tpu.memref_slice %arg13[%dma_start3A_394] : memref<10240xf32, #tpu.memory_space<vmem_shared>> -> memref<10240xf32, #tpu.memory_space<vmem_shared>>
        tpu.enqueue_indirect_dma source(%arg10 : memref<128xf32, #tpu.memory_space<vmem>>) target(%dma_start3A_395 : memref<10240xf32, #tpu.memory_space<vmem_shared>>) offsets(%dma_start3A_393 : memref<128xi32, #tpu.memory_space<vmem>>) semaphore(%arg17 : memref<!tpu.dma_semaphore, #tpu.memory_space<semaphore_mem>>) {add = true}
        %dma_start3A_396 = arith.constant 10 : i32
        %dma_start3A_397 = arith.constant 0 : i32
        %dma_start3A_398 = tpu.memref_slice %arg7[%dma_start3A_396, %dma_start3A_397] : memref<16x128xi32, #tpu.memory_space<vmem>> -> memref<1x128xi32, #tpu.memory_space<vmem>>
        %dma_start3A_399 = tpu.memref_squeeze %dma_start3A_398 : memref<1x128xi32, #tpu.memory_space<vmem>> -> memref<128xi32, #tpu.memory_space<vmem>>
        %dma_start3A_400 = arith.constant 0 : i32
        %dma_start3A_401 = arith.constant 0 : i32
        %dma_start3A_402 = tpu.memref_slice %arg2[%dma_start3A_400, %dma_start3A_401] : memref<10000x128xf32, #tpu.memory_space<hbm>> -> memref<10000x128xf32, #tpu.memory_space<hbm>>
        tpu.enqueue_indirect_dma source(%dma_start3A_402 : memref<10000x128xf32, #tpu.memory_space<hbm>>) target(%arg9 : memref<128x128xf32, #tpu.memory_space<vmem>>) offsets(%dma_start3A_399 : memref<128xi32, #tpu.memory_space<vmem>>) semaphore(%arg15 : memref<!tpu.dma_semaphore, #tpu.memory_space<semaphore_mem>>)
        %dma_wait3A_403 = arith.constant 8 : i32
        %dma_wait3A_404 = arith.constant 0 : i32
        %dma_wait3A_405 = tpu.memref_slice %arg7[%dma_wait3A_403, %dma_wait3A_404] : memref<16x128xi32, #tpu.memory_space<vmem>> -> memref<1x128xi32, #tpu.memory_space<vmem>>
        %dma_wait3A_406 = tpu.memref_squeeze %dma_wait3A_405 : memref<1x128xi32, #tpu.memory_space<vmem>> -> memref<128xi32, #tpu.memory_space<vmem>>
        %dma_wait3A_407 = arith.constant 0 : i32
        %dma_wait3A_408 = arith.constant 0 : i32
        %dma_wait3A_409 = tpu.memref_slice %arg2[%dma_wait3A_407, %dma_wait3A_408] : memref<10000x128xf32, #tpu.memory_space<hbm>> -> memref<10000x128xf32, #tpu.memory_space<hbm>>
        tpu.wait_indirect_dma semaphore(%arg14 : memref<!tpu.dma_semaphore, #tpu.memory_space<semaphore_mem>>) src(%dma_wait3A_409 : memref<10000x128xf32, #tpu.memory_space<hbm>>) dst(%arg8 : memref<128x128xf32, #tpu.memory_space<vmem>>)
        %run_scoped3A_410 = arith.constant 9 : i32
        "tpu.region"() ({
          %run_scoped3A_521 = tpu.sem_alloc : memref<!tpu.dma_semaphore, #tpu.memory_space<semaphore_mem>>
          %dma_start3A_522 = arith.constant 0 : i32
          %dma_start3A_523 = tpu.memref_slice %arg7[%run_scoped3A_410, %dma_start3A_522] : memref<16x128xi32, #tpu.memory_space<vmem>> -> memref<1x128xi32, #tpu.memory_space<vmem>>
          %dma_start3A_524 = tpu.memref_squeeze %dma_start3A_523 : memref<1x128xi32, #tpu.memory_space<vmem>> -> memref<128xi32, #tpu.memory_space<vmem>>
          %dma_start3A_525 = arith.constant 0 : i32
          %dma_start3A_526 = arith.constant 0 : i32
          %dma_start3A_527 = tpu.memref_slice %arg12[%dma_start3A_525, %dma_start3A_526] : memref<10240x128xf32, #tpu.memory_space<vmem_shared>> -> memref<10240x128xf32, #tpu.memory_space<vmem_shared>>
          tpu.enqueue_indirect_dma source(%arg8 : memref<128x128xf32, #tpu.memory_space<vmem>>) target(%dma_start3A_527 : memref<10240x128xf32, #tpu.memory_space<vmem_shared>>) offsets(%dma_start3A_524 : memref<128xi32, #tpu.memory_space<vmem>>) semaphore(%run_scoped3A_521 : memref<!tpu.dma_semaphore, #tpu.memory_space<semaphore_mem>>) {add = true}
          %dma_wait3A_528 = arith.constant 0 : i32
          %dma_wait3A_529 = tpu.memref_slice %arg7[%run_scoped3A_410, %dma_wait3A_528] : memref<16x128xi32, #tpu.memory_space<vmem>> -> memref<1x128xi32, #tpu.memory_space<vmem>>
          %dma_wait3A_530 = tpu.memref_squeeze %dma_wait3A_529 : memref<1x128xi32, #tpu.memory_space<vmem>> -> memref<128xi32, #tpu.memory_space<vmem>>
          %dma_wait3A_531 = arith.constant 0 : i32
          %dma_wait3A_532 = arith.constant 0 : i32
          %dma_wait3A_533 = tpu.memref_slice %arg12[%dma_wait3A_531, %dma_wait3A_532] : memref<10240x128xf32, #tpu.memory_space<vmem_shared>> -> memref<10240x128xf32, #tpu.memory_space<vmem_shared>>
          tpu.wait_indirect_dma semaphore(%run_scoped3A_521 : memref<!tpu.dma_semaphore, #tpu.memory_space<semaphore_mem>>) src(%arg8 : memref<128x128xf32, #tpu.memory_space<vmem>>) dst(%dma_wait3A_533 : memref<10240x128xf32, #tpu.memory_space<vmem_shared>>)
          tpu.yield
        }) : () -> ()
        %dma_start3A_411 = arith.constant 9 : i32
        %dma_start3A_412 = arith.constant 0 : i32
        %dma_start3A_413 = tpu.memref_slice %arg7[%dma_start3A_411, %dma_start3A_412] : memref<16x128xi32, #tpu.memory_space<vmem>> -> memref<1x128xi32, #tpu.memory_space<vmem>>
        %dma_start3A_414 = tpu.memref_squeeze %dma_start3A_413 : memref<1x128xi32, #tpu.memory_space<vmem>> -> memref<128xi32, #tpu.memory_space<vmem>>
        %dma_start3A_415 = arith.constant 0 : i32
        %dma_start3A_416 = tpu.memref_slice %arg13[%dma_start3A_415] : memref<10240xf32, #tpu.memory_space<vmem_shared>> -> memref<10240xf32, #tpu.memory_space<vmem_shared>>
        tpu.enqueue_indirect_dma source(%arg10 : memref<128xf32, #tpu.memory_space<vmem>>) target(%dma_start3A_416 : memref<10240xf32, #tpu.memory_space<vmem_shared>>) offsets(%dma_start3A_414 : memref<128xi32, #tpu.memory_space<vmem>>) semaphore(%arg17 : memref<!tpu.dma_semaphore, #tpu.memory_space<semaphore_mem>>) {add = true}
        %dma_start3A_417 = arith.constant 12 : i32
        %dma_start3A_418 = arith.constant 0 : i32
        %dma_start3A_419 = tpu.memref_slice %arg7[%dma_start3A_417, %dma_start3A_418] : memref<16x128xi32, #tpu.memory_space<vmem>> -> memref<1x128xi32, #tpu.memory_space<vmem>>
        %dma_start3A_420 = tpu.memref_squeeze %dma_start3A_419 : memref<1x128xi32, #tpu.memory_space<vmem>> -> memref<128xi32, #tpu.memory_space<vmem>>
        %dma_start3A_421 = arith.constant 0 : i32
        %dma_start3A_422 = arith.constant 0 : i32
        %dma_start3A_423 = tpu.memref_slice %arg2[%dma_start3A_421, %dma_start3A_422] : memref<10000x128xf32, #tpu.memory_space<hbm>> -> memref<10000x128xf32, #tpu.memory_space<hbm>>
        tpu.enqueue_indirect_dma source(%dma_start3A_423 : memref<10000x128xf32, #tpu.memory_space<hbm>>) target(%arg8 : memref<128x128xf32, #tpu.memory_space<vmem>>) offsets(%dma_start3A_420 : memref<128xi32, #tpu.memory_space<vmem>>) semaphore(%arg14 : memref<!tpu.dma_semaphore, #tpu.memory_space<semaphore_mem>>)
        %dma_wait3A_424 = arith.constant 10 : i32
        %dma_wait3A_425 = arith.constant 0 : i32
        %dma_wait3A_426 = tpu.memref_slice %arg7[%dma_wait3A_424, %dma_wait3A_425] : memref<16x128xi32, #tpu.memory_space<vmem>> -> memref<1x128xi32, #tpu.memory_space<vmem>>
        %dma_wait3A_427 = tpu.memref_squeeze %dma_wait3A_426 : memref<1x128xi32, #tpu.memory_space<vmem>> -> memref<128xi32, #tpu.memory_space<vmem>>
        %dma_wait3A_428 = arith.constant 0 : i32
        %dma_wait3A_429 = arith.constant 0 : i32
        %dma_wait3A_430 = tpu.memref_slice %arg2[%dma_wait3A_428, %dma_wait3A_429] : memref<10000x128xf32, #tpu.memory_space<hbm>> -> memref<10000x128xf32, #tpu.memory_space<hbm>>
        tpu.wait_indirect_dma semaphore(%arg15 : memref<!tpu.dma_semaphore, #tpu.memory_space<semaphore_mem>>) src(%dma_wait3A_430 : memref<10000x128xf32, #tpu.memory_space<hbm>>) dst(%arg9 : memref<128x128xf32, #tpu.memory_space<vmem>>)
        %run_scoped3A_431 = arith.constant 11 : i32
        "tpu.region"() ({
          %run_scoped3A_521 = tpu.sem_alloc : memref<!tpu.dma_semaphore, #tpu.memory_space<semaphore_mem>>
          %dma_start3A_522 = arith.constant 0 : i32
          %dma_start3A_523 = tpu.memref_slice %arg7[%run_scoped3A_431, %dma_start3A_522] : memref<16x128xi32, #tpu.memory_space<vmem>> -> memref<1x128xi32, #tpu.memory_space<vmem>>
          %dma_start3A_524 = tpu.memref_squeeze %dma_start3A_523 : memref<1x128xi32, #tpu.memory_space<vmem>> -> memref<128xi32, #tpu.memory_space<vmem>>
          %dma_start3A_525 = arith.constant 0 : i32
          %dma_start3A_526 = arith.constant 0 : i32
          %dma_start3A_527 = tpu.memref_slice %arg12[%dma_start3A_525, %dma_start3A_526] : memref<10240x128xf32, #tpu.memory_space<vmem_shared>> -> memref<10240x128xf32, #tpu.memory_space<vmem_shared>>
          tpu.enqueue_indirect_dma source(%arg9 : memref<128x128xf32, #tpu.memory_space<vmem>>) target(%dma_start3A_527 : memref<10240x128xf32, #tpu.memory_space<vmem_shared>>) offsets(%dma_start3A_524 : memref<128xi32, #tpu.memory_space<vmem>>) semaphore(%run_scoped3A_521 : memref<!tpu.dma_semaphore, #tpu.memory_space<semaphore_mem>>) {add = true}
          %dma_wait3A_528 = arith.constant 0 : i32
          %dma_wait3A_529 = tpu.memref_slice %arg7[%run_scoped3A_431, %dma_wait3A_528] : memref<16x128xi32, #tpu.memory_space<vmem>> -> memref<1x128xi32, #tpu.memory_space<vmem>>
          %dma_wait3A_530 = tpu.memref_squeeze %dma_wait3A_529 : memref<1x128xi32, #tpu.memory_space<vmem>> -> memref<128xi32, #tpu.memory_space<vmem>>
          %dma_wait3A_531 = arith.constant 0 : i32
          %dma_wait3A_532 = arith.constant 0 : i32
          %dma_wait3A_533 = tpu.memref_slice %arg12[%dma_wait3A_531, %dma_wait3A_532] : memref<10240x128xf32, #tpu.memory_space<vmem_shared>> -> memref<10240x128xf32, #tpu.memory_space<vmem_shared>>
          tpu.wait_indirect_dma semaphore(%run_scoped3A_521 : memref<!tpu.dma_semaphore, #tpu.memory_space<semaphore_mem>>) src(%arg9 : memref<128x128xf32, #tpu.memory_space<vmem>>) dst(%dma_wait3A_533 : memref<10240x128xf32, #tpu.memory_space<vmem_shared>>)
          tpu.yield
        }) : () -> ()
        %dma_start3A_432 = arith.constant 11 : i32
        %dma_start3A_433 = arith.constant 0 : i32
        %dma_start3A_434 = tpu.memref_slice %arg7[%dma_start3A_432, %dma_start3A_433] : memref<16x128xi32, #tpu.memory_space<vmem>> -> memref<1x128xi32, #tpu.memory_space<vmem>>
        %dma_start3A_435 = tpu.memref_squeeze %dma_start3A_434 : memref<1x128xi32, #tpu.memory_space<vmem>> -> memref<128xi32, #tpu.memory_space<vmem>>
        %dma_start3A_436 = arith.constant 0 : i32
        %dma_start3A_437 = tpu.memref_slice %arg13[%dma_start3A_436] : memref<10240xf32, #tpu.memory_space<vmem_shared>> -> memref<10240xf32, #tpu.memory_space<vmem_shared>>
        tpu.enqueue_indirect_dma source(%arg10 : memref<128xf32, #tpu.memory_space<vmem>>) target(%dma_start3A_437 : memref<10240xf32, #tpu.memory_space<vmem_shared>>) offsets(%dma_start3A_435 : memref<128xi32, #tpu.memory_space<vmem>>) semaphore(%arg17 : memref<!tpu.dma_semaphore, #tpu.memory_space<semaphore_mem>>) {add = true}
        %dma_start3A_438 = arith.constant 14 : i32
        %dma_start3A_439 = arith.constant 0 : i32
        %dma_start3A_440 = tpu.memref_slice %arg7[%dma_start3A_438, %dma_start3A_439] : memref<16x128xi32, #tpu.memory_space<vmem>> -> memref<1x128xi32, #tpu.memory_space<vmem>>
        %dma_start3A_441 = tpu.memref_squeeze %dma_start3A_440 : memref<1x128xi32, #tpu.memory_space<vmem>> -> memref<128xi32, #tpu.memory_space<vmem>>
        %dma_start3A_442 = arith.constant 0 : i32
        %dma_start3A_443 = arith.constant 0 : i32
        %dma_start3A_444 = tpu.memref_slice %arg2[%dma_start3A_442, %dma_start3A_443] : memref<10000x128xf32, #tpu.memory_space<hbm>> -> memref<10000x128xf32, #tpu.memory_space<hbm>>
        tpu.enqueue_indirect_dma source(%dma_start3A_444 : memref<10000x128xf32, #tpu.memory_space<hbm>>) target(%arg9 : memref<128x128xf32, #tpu.memory_space<vmem>>) offsets(%dma_start3A_441 : memref<128xi32, #tpu.memory_space<vmem>>) semaphore(%arg15 : memref<!tpu.dma_semaphore, #tpu.memory_space<semaphore_mem>>)
        %dma_wait3A_445 = arith.constant 12 : i32
        %dma_wait3A_446 = arith.constant 0 : i32
        %dma_wait3A_447 = tpu.memref_slice %arg7[%dma_wait3A_445, %dma_wait3A_446] : memref<16x128xi32, #tpu.memory_space<vmem>> -> memref<1x128xi32, #tpu.memory_space<vmem>>
        %dma_wait3A_448 = tpu.memref_squeeze %dma_wait3A_447 : memref<1x128xi32, #tpu.memory_space<vmem>> -> memref<128xi32, #tpu.memory_space<vmem>>
        %dma_wait3A_449 = arith.constant 0 : i32
        %dma_wait3A_450 = arith.constant 0 : i32
        %dma_wait3A_451 = tpu.memref_slice %arg2[%dma_wait3A_449, %dma_wait3A_450] : memref<10000x128xf32, #tpu.memory_space<hbm>> -> memref<10000x128xf32, #tpu.memory_space<hbm>>
        tpu.wait_indirect_dma semaphore(%arg14 : memref<!tpu.dma_semaphore, #tpu.memory_space<semaphore_mem>>) src(%dma_wait3A_451 : memref<10000x128xf32, #tpu.memory_space<hbm>>) dst(%arg8 : memref<128x128xf32, #tpu.memory_space<vmem>>)
        %run_scoped3A_452 = arith.constant 13 : i32
        "tpu.region"() ({
          %run_scoped3A_521 = tpu.sem_alloc : memref<!tpu.dma_semaphore, #tpu.memory_space<semaphore_mem>>
          %dma_start3A_522 = arith.constant 0 : i32
          %dma_start3A_523 = tpu.memref_slice %arg7[%run_scoped3A_452, %dma_start3A_522] : memref<16x128xi32, #tpu.memory_space<vmem>> -> memref<1x128xi32, #tpu.memory_space<vmem>>
          %dma_start3A_524 = tpu.memref_squeeze %dma_start3A_523 : memref<1x128xi32, #tpu.memory_space<vmem>> -> memref<128xi32, #tpu.memory_space<vmem>>
          %dma_start3A_525 = arith.constant 0 : i32
          %dma_start3A_526 = arith.constant 0 : i32
          %dma_start3A_527 = tpu.memref_slice %arg12[%dma_start3A_525, %dma_start3A_526] : memref<10240x128xf32, #tpu.memory_space<vmem_shared>> -> memref<10240x128xf32, #tpu.memory_space<vmem_shared>>
          tpu.enqueue_indirect_dma source(%arg8 : memref<128x128xf32, #tpu.memory_space<vmem>>) target(%dma_start3A_527 : memref<10240x128xf32, #tpu.memory_space<vmem_shared>>) offsets(%dma_start3A_524 : memref<128xi32, #tpu.memory_space<vmem>>) semaphore(%run_scoped3A_521 : memref<!tpu.dma_semaphore, #tpu.memory_space<semaphore_mem>>) {add = true}
          %dma_wait3A_528 = arith.constant 0 : i32
          %dma_wait3A_529 = tpu.memref_slice %arg7[%run_scoped3A_452, %dma_wait3A_528] : memref<16x128xi32, #tpu.memory_space<vmem>> -> memref<1x128xi32, #tpu.memory_space<vmem>>
          %dma_wait3A_530 = tpu.memref_squeeze %dma_wait3A_529 : memref<1x128xi32, #tpu.memory_space<vmem>> -> memref<128xi32, #tpu.memory_space<vmem>>
          %dma_wait3A_531 = arith.constant 0 : i32
          %dma_wait3A_532 = arith.constant 0 : i32
          %dma_wait3A_533 = tpu.memref_slice %arg12[%dma_wait3A_531, %dma_wait3A_532] : memref<10240x128xf32, #tpu.memory_space<vmem_shared>> -> memref<10240x128xf32, #tpu.memory_space<vmem_shared>>
          tpu.wait_indirect_dma semaphore(%run_scoped3A_521 : memref<!tpu.dma_semaphore, #tpu.memory_space<semaphore_mem>>) src(%arg8 : memref<128x128xf32, #tpu.memory_space<vmem>>) dst(%dma_wait3A_533 : memref<10240x128xf32, #tpu.memory_space<vmem_shared>>)
          tpu.yield
        }) : () -> ()
        %dma_start3A_453 = arith.constant 13 : i32
        %dma_start3A_454 = arith.constant 0 : i32
        %dma_start3A_455 = tpu.memref_slice %arg7[%dma_start3A_453, %dma_start3A_454] : memref<16x128xi32, #tpu.memory_space<vmem>> -> memref<1x128xi32, #tpu.memory_space<vmem>>
        %dma_start3A_456 = tpu.memref_squeeze %dma_start3A_455 : memref<1x128xi32, #tpu.memory_space<vmem>> -> memref<128xi32, #tpu.memory_space<vmem>>
        %dma_start3A_457 = arith.constant 0 : i32
        %dma_start3A_458 = tpu.memref_slice %arg13[%dma_start3A_457] : memref<10240xf32, #tpu.memory_space<vmem_shared>> -> memref<10240xf32, #tpu.memory_space<vmem_shared>>
        tpu.enqueue_indirect_dma source(%arg10 : memref<128xf32, #tpu.memory_space<vmem>>) target(%dma_start3A_458 : memref<10240xf32, #tpu.memory_space<vmem_shared>>) offsets(%dma_start3A_456 : memref<128xi32, #tpu.memory_space<vmem>>) semaphore(%arg17 : memref<!tpu.dma_semaphore, #tpu.memory_space<semaphore_mem>>) {add = true}
        %dma_wait3A_459 = arith.constant 14 : i32
        %dma_wait3A_460 = arith.constant 0 : i32
        %dma_wait3A_461 = tpu.memref_slice %arg7[%dma_wait3A_459, %dma_wait3A_460] : memref<16x128xi32, #tpu.memory_space<vmem>> -> memref<1x128xi32, #tpu.memory_space<vmem>>
        %dma_wait3A_462 = tpu.memref_squeeze %dma_wait3A_461 : memref<1x128xi32, #tpu.memory_space<vmem>> -> memref<128xi32, #tpu.memory_space<vmem>>
        %dma_wait3A_463 = arith.constant 0 : i32
        %dma_wait3A_464 = arith.constant 0 : i32
        %dma_wait3A_465 = tpu.memref_slice %arg2[%dma_wait3A_463, %dma_wait3A_464] : memref<10000x128xf32, #tpu.memory_space<hbm>> -> memref<10000x128xf32, #tpu.memory_space<hbm>>
        tpu.wait_indirect_dma semaphore(%arg15 : memref<!tpu.dma_semaphore, #tpu.memory_space<semaphore_mem>>) src(%dma_wait3A_465 : memref<10000x128xf32, #tpu.memory_space<hbm>>) dst(%arg9 : memref<128x128xf32, #tpu.memory_space<vmem>>)
        %run_scoped3A_466 = arith.constant 15 : i32
        "tpu.region"() ({
          %run_scoped3A_521 = tpu.sem_alloc : memref<!tpu.dma_semaphore, #tpu.memory_space<semaphore_mem>>
          %dma_start3A_522 = arith.constant 0 : i32
          %dma_start3A_523 = tpu.memref_slice %arg7[%run_scoped3A_466, %dma_start3A_522] : memref<16x128xi32, #tpu.memory_space<vmem>> -> memref<1x128xi32, #tpu.memory_space<vmem>>
          %dma_start3A_524 = tpu.memref_squeeze %dma_start3A_523 : memref<1x128xi32, #tpu.memory_space<vmem>> -> memref<128xi32, #tpu.memory_space<vmem>>
          %dma_start3A_525 = arith.constant 0 : i32
          %dma_start3A_526 = arith.constant 0 : i32
          %dma_start3A_527 = tpu.memref_slice %arg12[%dma_start3A_525, %dma_start3A_526] : memref<10240x128xf32, #tpu.memory_space<vmem_shared>> -> memref<10240x128xf32, #tpu.memory_space<vmem_shared>>
          tpu.enqueue_indirect_dma source(%arg9 : memref<128x128xf32, #tpu.memory_space<vmem>>) target(%dma_start3A_527 : memref<10240x128xf32, #tpu.memory_space<vmem_shared>>) offsets(%dma_start3A_524 : memref<128xi32, #tpu.memory_space<vmem>>) semaphore(%run_scoped3A_521 : memref<!tpu.dma_semaphore, #tpu.memory_space<semaphore_mem>>) {add = true}
          %dma_wait3A_528 = arith.constant 0 : i32
          %dma_wait3A_529 = tpu.memref_slice %arg7[%run_scoped3A_466, %dma_wait3A_528] : memref<16x128xi32, #tpu.memory_space<vmem>> -> memref<1x128xi32, #tpu.memory_space<vmem>>
          %dma_wait3A_530 = tpu.memref_squeeze %dma_wait3A_529 : memref<1x128xi32, #tpu.memory_space<vmem>> -> memref<128xi32, #tpu.memory_space<vmem>>
          %dma_wait3A_531 = arith.constant 0 : i32
          %dma_wait3A_532 = arith.constant 0 : i32
          %dma_wait3A_533 = tpu.memref_slice %arg12[%dma_wait3A_531, %dma_wait3A_532] : memref<10240x128xf32, #tpu.memory_space<vmem_shared>> -> memref<10240x128xf32, #tpu.memory_space<vmem_shared>>
          tpu.wait_indirect_dma semaphore(%run_scoped3A_521 : memref<!tpu.dma_semaphore, #tpu.memory_space<semaphore_mem>>) src(%arg9 : memref<128x128xf32, #tpu.memory_space<vmem>>) dst(%dma_wait3A_533 : memref<10240x128xf32, #tpu.memory_space<vmem_shared>>)
          tpu.yield
        }) : () -> ()
        %dma_start3A_467 = arith.constant 15 : i32
        %dma_start3A_468 = arith.constant 0 : i32
        %dma_start3A_469 = tpu.memref_slice %arg7[%dma_start3A_467, %dma_start3A_468] : memref<16x128xi32, #tpu.memory_space<vmem>> -> memref<1x128xi32, #tpu.memory_space<vmem>>
        %dma_start3A_470 = tpu.memref_squeeze %dma_start3A_469 : memref<1x128xi32, #tpu.memory_space<vmem>> -> memref<128xi32, #tpu.memory_space<vmem>>
        %dma_start3A_471 = arith.constant 0 : i32
        %dma_start3A_472 = tpu.memref_slice %arg13[%dma_start3A_471] : memref<10240xf32, #tpu.memory_space<vmem_shared>> -> memref<10240xf32, #tpu.memory_space<vmem_shared>>
        tpu.enqueue_indirect_dma source(%arg10 : memref<128xf32, #tpu.memory_space<vmem>>) target(%dma_start3A_472 : memref<10240xf32, #tpu.memory_space<vmem_shared>>) offsets(%dma_start3A_470 : memref<128xi32, #tpu.memory_space<vmem>>) semaphore(%arg17 : memref<!tpu.dma_semaphore, #tpu.memory_space<semaphore_mem>>) {add = true}
        %dma_wait3A_473 = arith.constant 1 : i32
        %dma_wait3A_474 = arith.constant 0 : i32
        %dma_wait3A_475 = tpu.memref_slice %arg7[%dma_wait3A_473, %dma_wait3A_474] : memref<16x128xi32, #tpu.memory_space<vmem>> -> memref<1x128xi32, #tpu.memory_space<vmem>>
        %dma_wait3A_476 = tpu.memref_squeeze %dma_wait3A_475 : memref<1x128xi32, #tpu.memory_space<vmem>> -> memref<128xi32, #tpu.memory_space<vmem>>
        %dma_wait3A_477 = arith.constant 0 : i32
        %dma_wait3A_478 = tpu.memref_slice %arg13[%dma_wait3A_477] : memref<10240xf32, #tpu.memory_space<vmem_shared>> -> memref<10240xf32, #tpu.memory_space<vmem_shared>>
        tpu.wait_indirect_dma semaphore(%arg17 : memref<!tpu.dma_semaphore, #tpu.memory_space<semaphore_mem>>) src(%arg10 : memref<128xf32, #tpu.memory_space<vmem>>) dst(%dma_wait3A_478 : memref<10240xf32, #tpu.memory_space<vmem_shared>>)
        %dma_wait3A_479 = arith.constant 1 : i32
        %dma_wait3A_480 = arith.constant 0 : i32
        %dma_wait3A_481 = tpu.memref_slice %arg7[%dma_wait3A_479, %dma_wait3A_480] : memref<16x128xi32, #tpu.memory_space<vmem>> -> memref<1x128xi32, #tpu.memory_space<vmem>>
        %dma_wait3A_482 = tpu.memref_squeeze %dma_wait3A_481 : memref<1x128xi32, #tpu.memory_space<vmem>> -> memref<128xi32, #tpu.memory_space<vmem>>
        %dma_wait3A_483 = arith.constant 0 : i32
        %dma_wait3A_484 = tpu.memref_slice %arg13[%dma_wait3A_483] : memref<10240xf32, #tpu.memory_space<vmem_shared>> -> memref<10240xf32, #tpu.memory_space<vmem_shared>>
        tpu.wait_indirect_dma semaphore(%arg17 : memref<!tpu.dma_semaphore, #tpu.memory_space<semaphore_mem>>) src(%arg10 : memref<128xf32, #tpu.memory_space<vmem>>) dst(%dma_wait3A_484 : memref<10240xf32, #tpu.memory_space<vmem_shared>>)
        %dma_wait3A_485 = arith.constant 1 : i32
        %dma_wait3A_486 = arith.constant 0 : i32
        %dma_wait3A_487 = tpu.memref_slice %arg7[%dma_wait3A_485, %dma_wait3A_486] : memref<16x128xi32, #tpu.memory_space<vmem>> -> memref<1x128xi32, #tpu.memory_space<vmem>>
        %dma_wait3A_488 = tpu.memref_squeeze %dma_wait3A_487 : memref<1x128xi32, #tpu.memory_space<vmem>> -> memref<128xi32, #tpu.memory_space<vmem>>
        %dma_wait3A_489 = arith.constant 0 : i32
        %dma_wait3A_490 = tpu.memref_slice %arg13[%dma_wait3A_489] : memref<10240xf32, #tpu.memory_space<vmem_shared>> -> memref<10240xf32, #tpu.memory_space<vmem_shared>>
        tpu.wait_indirect_dma semaphore(%arg17 : memref<!tpu.dma_semaphore, #tpu.memory_space<semaphore_mem>>) src(%arg10 : memref<128xf32, #tpu.memory_space<vmem>>) dst(%dma_wait3A_490 : memref<10240xf32, #tpu.memory_space<vmem_shared>>)
        %dma_wait3A_491 = arith.constant 1 : i32
        %dma_wait3A_492 = arith.constant 0 : i32
        %dma_wait3A_493 = tpu.memref_slice %arg7[%dma_wait3A_491, %dma_wait3A_492] : memref<16x128xi32, #tpu.memory_space<vmem>> -> memref<1x128xi32, #tpu.memory_space<vmem>>
        %dma_wait3A_494 = tpu.memref_squeeze %dma_wait3A_493 : memref<1x128xi32, #tpu.memory_space<vmem>> -> memref<128xi32, #tpu.memory_space<vmem>>
        %dma_wait3A_495 = arith.constant 0 : i32
        %dma_wait3A_496 = tpu.memref_slice %arg13[%dma_wait3A_495] : memref<10240xf32, #tpu.memory_space<vmem_shared>> -> memref<10240xf32, #tpu.memory_space<vmem_shared>>
        tpu.wait_indirect_dma semaphore(%arg17 : memref<!tpu.dma_semaphore, #tpu.memory_space<semaphore_mem>>) src(%arg10 : memref<128xf32, #tpu.memory_space<vmem>>) dst(%dma_wait3A_496 : memref<10240xf32, #tpu.memory_space<vmem_shared>>)
        %dma_wait3A_497 = arith.constant 1 : i32
        %dma_wait3A_498 = arith.constant 0 : i32
        %dma_wait3A_499 = tpu.memref_slice %arg7[%dma_wait3A_497, %dma_wait3A_498] : memref<16x128xi32, #tpu.memory_space<vmem>> -> memref<1x128xi32, #tpu.memory_space<vmem>>
        %dma_wait3A_500 = tpu.memref_squeeze %dma_wait3A_499 : memref<1x128xi32, #tpu.memory_space<vmem>> -> memref<128xi32, #tpu.memory_space<vmem>>
        %dma_wait3A_501 = arith.constant 0 : i32
        %dma_wait3A_502 = tpu.memref_slice %arg13[%dma_wait3A_501] : memref<10240xf32, #tpu.memory_space<vmem_shared>> -> memref<10240xf32, #tpu.memory_space<vmem_shared>>
        tpu.wait_indirect_dma semaphore(%arg17 : memref<!tpu.dma_semaphore, #tpu.memory_space<semaphore_mem>>) src(%arg10 : memref<128xf32, #tpu.memory_space<vmem>>) dst(%dma_wait3A_502 : memref<10240xf32, #tpu.memory_space<vmem_shared>>)
        %dma_wait3A_503 = arith.constant 1 : i32
        %dma_wait3A_504 = arith.constant 0 : i32
        %dma_wait3A_505 = tpu.memref_slice %arg7[%dma_wait3A_503, %dma_wait3A_504] : memref<16x128xi32, #tpu.memory_space<vmem>> -> memref<1x128xi32, #tpu.memory_space<vmem>>
        %dma_wait3A_506 = tpu.memref_squeeze %dma_wait3A_505 : memref<1x128xi32, #tpu.memory_space<vmem>> -> memref<128xi32, #tpu.memory_space<vmem>>
        %dma_wait3A_507 = arith.constant 0 : i32
        %dma_wait3A_508 = tpu.memref_slice %arg13[%dma_wait3A_507] : memref<10240xf32, #tpu.memory_space<vmem_shared>> -> memref<10240xf32, #tpu.memory_space<vmem_shared>>
        tpu.wait_indirect_dma semaphore(%arg17 : memref<!tpu.dma_semaphore, #tpu.memory_space<semaphore_mem>>) src(%arg10 : memref<128xf32, #tpu.memory_space<vmem>>) dst(%dma_wait3A_508 : memref<10240xf32, #tpu.memory_space<vmem_shared>>)
        %dma_wait3A_509 = arith.constant 1 : i32
        %dma_wait3A_510 = arith.constant 0 : i32
        %dma_wait3A_511 = tpu.memref_slice %arg7[%dma_wait3A_509, %dma_wait3A_510] : memref<16x128xi32, #tpu.memory_space<vmem>> -> memref<1x128xi32, #tpu.memory_space<vmem>>
        %dma_wait3A_512 = tpu.memref_squeeze %dma_wait3A_511 : memref<1x128xi32, #tpu.memory_space<vmem>> -> memref<128xi32, #tpu.memory_space<vmem>>
        %dma_wait3A_513 = arith.constant 0 : i32
        %dma_wait3A_514 = tpu.memref_slice %arg13[%dma_wait3A_513] : memref<10240xf32, #tpu.memory_space<vmem_shared>> -> memref<10240xf32, #tpu.memory_space<vmem_shared>>
        tpu.wait_indirect_dma semaphore(%arg17 : memref<!tpu.dma_semaphore, #tpu.memory_space<semaphore_mem>>) src(%arg10 : memref<128xf32, #tpu.memory_space<vmem>>) dst(%dma_wait3A_514 : memref<10240xf32, #tpu.memory_space<vmem_shared>>)
        %dma_wait3A_515 = arith.constant 1 : i32
        %dma_wait3A_516 = arith.constant 0 : i32
        %dma_wait3A_517 = tpu.memref_slice %arg7[%dma_wait3A_515, %dma_wait3A_516] : memref<16x128xi32, #tpu.memory_space<vmem>> -> memref<1x128xi32, #tpu.memory_space<vmem>>
        %dma_wait3A_518 = tpu.memref_squeeze %dma_wait3A_517 : memref<1x128xi32, #tpu.memory_space<vmem>> -> memref<128xi32, #tpu.memory_space<vmem>>
        %dma_wait3A_519 = arith.constant 0 : i32
        %dma_wait3A_520 = tpu.memref_slice %arg13[%dma_wait3A_519] : memref<10240xf32, #tpu.memory_space<vmem_shared>> -> memref<10240xf32, #tpu.memory_space<vmem_shared>>
        tpu.wait_indirect_dma semaphore(%arg17 : memref<!tpu.dma_semaphore, #tpu.memory_space<semaphore_mem>>) src(%arg10 : memref<128xf32, #tpu.memory_space<vmem>>) dst(%dma_wait3A_520 : memref<10240xf32, #tpu.memory_space<vmem_shared>>)
      } else {
      }
    }
    %barrier3A_78 = arith.constant 0 : index
    tpu.barrier barrier_id(%barrier3A_78)
    "tpu.region"() ({
      %run_scoped3A = tpu.sem_alloc : memref<!tpu.dma_semaphore, #tpu.memory_space<semaphore_mem>>
      %dma_start3A_82 = arith.constant 0 : i32
      %dma_start3A_83 = tpu.memref_slice %arg4[%arg0, %mul3A_35, %dma_start3A_82] : memref<2x10240x128xf32, #tpu.memory_space<hbm>> -> memref<1x640x128xf32, #tpu.memory_space<hbm>>
      %dma_start3A_84 = tpu.memref_squeeze %dma_start3A_83 : memref<1x640x128xf32, #tpu.memory_space<hbm>> -> memref<640x128xf32, #tpu.memory_space<hbm>>
      %dma_start3A_85 = arith.constant 0 : i32
      %dma_start3A_86 = tpu.memref_slice %arg12[%mul3A_35, %dma_start3A_85] : memref<10240x128xf32, #tpu.memory_space<vmem_shared>> -> memref<640x128xf32, #tpu.memory_space<vmem_shared>>
      tpu.enqueue_dma source(%dma_start3A_86 : memref<640x128xf32, #tpu.memory_space<vmem_shared>>) target(%dma_start3A_84 : memref<640x128xf32, #tpu.memory_space<hbm>>) target_semaphore(%run_scoped3A : memref<!tpu.dma_semaphore, #tpu.memory_space<semaphore_mem>>)
      %dma_wait3A = arith.constant 0 : i32
      %dma_wait3A_87 = tpu.memref_slice %arg4[%arg0, %mul3A_35, %dma_wait3A] : memref<2x10240x128xf32, #tpu.memory_space<hbm>> -> memref<1x640x128xf32, #tpu.memory_space<hbm>>
      %dma_wait3A_88 = tpu.memref_squeeze %dma_wait3A_87 : memref<1x640x128xf32, #tpu.memory_space<hbm>> -> memref<640x128xf32, #tpu.memory_space<hbm>>
      %dma_wait3A_89 = arith.constant 0 : i32
      %dma_wait3A_90 = tpu.memref_slice %arg12[%mul3A_35, %dma_wait3A_89] : memref<10240x128xf32, #tpu.memory_space<vmem_shared>> -> memref<640x128xf32, #tpu.memory_space<vmem_shared>>
      tpu.wait_dma2 semaphore(%run_scoped3A : memref<!tpu.dma_semaphore, #tpu.memory_space<semaphore_mem>>) src(%dma_wait3A_90 : memref<640x128xf32, #tpu.memory_space<vmem_shared>>) dst(%dma_wait3A_88 : memref<640x128xf32, #tpu.memory_space<hbm>>)
      tpu.yield
    }) : () -> ()
    "tpu.region"() ({
      %run_scoped3A = tpu.sem_alloc : memref<!tpu.dma_semaphore, #tpu.memory_space<semaphore_mem>>
      %dma_start3A_82 = tpu.memref_slice %arg13[%mul3A_35] : memref<10240xf32, #tpu.memory_space<vmem_shared>> -> memref<640xf32, #tpu.memory_space<vmem_shared>>
      %dma_start3A_83 = tpu.memref_slice %arg13[%mul3A_35] : memref<10240xf32, #tpu.memory_space<vmem_shared>> -> memref<640xf32, #tpu.memory_space<vmem_shared>>
      tpu.enqueue_dma source(%dma_start3A_83 : memref<640xf32, #tpu.memory_space<vmem_shared>>) target(%arg11 : memref<640xf32, #tpu.memory_space<vmem>>) target_semaphore(%run_scoped3A : memref<!tpu.dma_semaphore, #tpu.memory_space<semaphore_mem>>)
      %dma_wait3A = tpu.memref_slice %arg13[%mul3A_35] : memref<10240xf32, #tpu.memory_space<vmem_shared>> -> memref<640xf32, #tpu.memory_space<vmem_shared>>
      %dma_wait3A_84 = tpu.memref_slice %arg13[%mul3A_35] : memref<10240xf32, #tpu.memory_space<vmem_shared>> -> memref<640xf32, #tpu.memory_space<vmem_shared>>
      tpu.wait_dma2 semaphore(%run_scoped3A : memref<!tpu.dma_semaphore, #tpu.memory_space<semaphore_mem>>) src(%dma_wait3A_84 : memref<640xf32, #tpu.memory_space<vmem_shared>>) dst(%arg11 : memref<640xf32, #tpu.memory_space<vmem>>)
      tpu.yield
    }) : () -> ()
    %mul3A_79 = arith.constant 10240 : i32
    %mul3A_80 = arith.muli %arg0, %mul3A_79 : i32
    %add3A_81 = arith.addi %mul3A_80, %mul3A_35 : i32
    "tpu.region"() ({
      %run_scoped3A = tpu.sem_alloc : memref<!tpu.dma_semaphore, #tpu.memory_space<semaphore_mem>>
      %dma_start3A_82 = tpu.memref_slice %arg5[%add3A_81] : memref<20480xf32, #tpu.memory_space<hbm>> -> memref<640xf32, #tpu.memory_space<hbm>>
      %dma_start3A_83 = tpu.memref_slice %arg5[%add3A_81] : memref<20480xf32, #tpu.memory_space<hbm>> -> memref<640xf32, #tpu.memory_space<hbm>>
      tpu.enqueue_dma source(%arg11 : memref<640xf32, #tpu.memory_space<vmem>>) target(%dma_start3A_83 : memref<640xf32, #tpu.memory_space<hbm>>) target_semaphore(%run_scoped3A : memref<!tpu.dma_semaphore, #tpu.memory_space<semaphore_mem>>)
      %dma_wait3A = tpu.memref_slice %arg5[%add3A_81] : memref<20480xf32, #tpu.memory_space<hbm>> -> memref<640xf32, #tpu.memory_space<hbm>>
      %dma_wait3A_84 = tpu.memref_slice %arg5[%add3A_81] : memref<20480xf32, #tpu.memory_space<hbm>> -> memref<640xf32, #tpu.memory_space<hbm>>
      tpu.wait_dma2 semaphore(%run_scoped3A : memref<!tpu.dma_semaphore, #tpu.memory_space<semaphore_mem>>) src(%arg11 : memref<640xf32, #tpu.memory_space<vmem>>) dst(%dma_wait3A_84 : memref<640xf32, #tpu.memory_space<hbm>>)
      tpu.yield
    }) : () -> ()
    return
  }
}

module attributes {stable_mosaic.version = 14 : i64} {
  func.func @_fin_body(%arg0: i32, %arg1: memref<2x1024x128xf32, #tpu.memory_space<vmem>>, %arg2: memref<2x8x128xf32, #tpu.memory_space<vmem>>, %arg3: memref<128x128xf32, #tpu.memory_space<vmem>>, %arg4: memref<1x128xf32, #tpu.memory_space<vmem>>, %arg5: memref<1x1xi32, #tpu.memory_space<vmem>>, %arg6: memref<1024x128xf32, #tpu.memory_space<vmem>>) attributes {dimension_semantics = [#tpu.dimension_semantics<arbitrary>], iteration_bounds = array<i64: 10>, scalar_prefetch = 0 : i64, scratch_operands = 0 : i64, tpu.core_type = #tpu.core_type<tc>, window_params = [{transform_indices = @transform_0, window_bounds = array<i64: 2, 1024, 128>}, {transform_indices = @transform_1, window_bounds = array<i64: 2, 8, 128>}, {transform_indices = @transform_2, window_bounds = array<i64: 128, 128>}, {transform_indices = @transform_3, window_bounds = array<i64: 1, 128>}, {transform_indices = @transform_4, window_bounds = array<i64: 1, 1>}, {transform_indices = @transform_5, window_bounds = array<i64: 1024, 128>}]} {
    %get3A = arith.constant 0 : index
    %get3A_0 = arith.constant 0 : index
    %get3A_1 = arith.constant 0 : index
    %get3A_2 = vector.load %arg2[%get3A, %get3A_0, %get3A_1] : memref<2x8x128xf32, #tpu.memory_space<vmem>>, vector<1x8x128xf32>
    %get3A_3 = vector.shape_cast %get3A_2 : vector<1x8x128xf32> to vector<8x128xf32>
    %get3A_4 = arith.constant 1 : index
    %get3A_5 = arith.constant 0 : index
    %get3A_6 = arith.constant 0 : index
    %get3A_7 = vector.load %arg2[%get3A_4, %get3A_5, %get3A_6] : memref<2x8x128xf32, #tpu.memory_space<vmem>>, vector<1x8x128xf32>
    %get3A_8 = vector.shape_cast %get3A_7 : vector<1x8x128xf32> to vector<8x128xf32>
    %add3A = arith.addf %get3A_3, %get3A_8 : vector<8x128xf32>
    %broadcast_in_dim3A = vector.shape_cast %add3A : vector<8x128xf32> to vector<8x1x128xf32>
    %broadcast_in_dim3A_9 = vector.shape_cast %broadcast_in_dim3A : vector<8x1x128xf32> to vector<8x1x128xf32>
    %broadcast_in_dim3A_10 = vector.broadcast %broadcast_in_dim3A_9 : vector<8x1x128xf32> to vector<8x128x128xf32>
    %reshape3A = vector.shape_cast %broadcast_in_dim3A_10 : vector<8x128x128xf32> to vector<1024x128xf32>
    %iota3A = tpu.iota {dimensions = array<i32: 1>} : vector<1024x128xi32>
    %iota3A_11 = tpu.iota {dimensions = array<i32: 0>} : vector<1024x128xi32>
    %jit3A = arith.constant 128 : i64
    %convert_element_type3A = arith.trunci %jit3A : i64 to i32
    %eq3A = arith.constant 0 : i32
    %eq3A_12 = arith.cmpi eq, %convert_element_type3A, %eq3A : i32
    %jit3A_13 = arith.constant 1 : i32
    %select_n3A = arith.select %eq3A_12, %jit3A_13, %convert_element_type3A : i32
    %rem3A = vector.broadcast %select_n3A : i32 to vector<1024x128xi32>
    %rem3A_14 = arith.remsi %iota3A_11, %rem3A : vector<1024x128xi32>
    %ne3A = arith.constant 0 : i32
    %ne3A_15 = vector.broadcast %ne3A : i32 to vector<1024x128xi32>
    %ne3A_16 = arith.cmpi ne, %rem3A_14, %ne3A_15 : vector<1024x128xi32>
    %lt3A = arith.constant 0 : i32
    %lt3A_17 = vector.broadcast %lt3A : i32 to vector<1024x128xi32>
    %lt3A_18 = arith.cmpi slt, %rem3A_14, %lt3A_17 : vector<1024x128xi32>
    %lt3A_19 = arith.constant 0 : i32
    %lt3A_20 = arith.cmpi slt, %select_n3A, %lt3A_19 : i32
    %ne3A_21 = vector.broadcast %lt3A_20 : i1 to vector<1024x128xi1>
    %ne3A_22 = vector.broadcast %ne3A_21 : vector<1024x128xi1> to vector<1024x128xi1>
    %ne3A_23 = arith.xori %lt3A_18, %ne3A_22 : vector<1024x128xi1>
    %and3A = arith.andi %ne3A_23, %ne3A_16 : vector<1024x128xi1>
    %add3A_24 = vector.broadcast %select_n3A : i32 to vector<1024x128xi32>
    %add3A_25 = arith.addi %rem3A_14, %add3A_24 : vector<1024x128xi32>
    %select_n3A_26 = arith.select %and3A, %add3A_25, %rem3A_14 : vector<1024x128xi1>, vector<1024x128xi32>
    %eq3A_27 = arith.cmpi eq, %iota3A, %select_n3A_26 : vector<1024x128xi32>
    %jit3A_28 = arith.constant 0.000000e+00 : f64
    %convert_element_type3A_29 = arith.truncf %jit3A_28 : f64 to f32
    %broadcast_in_dim3A_30 = vector.broadcast %convert_element_type3A_29 : f32 to vector<1024x128xf32>
    %select_n3A_31 = arith.select %eq3A_27, %reshape3A, %broadcast_in_dim3A_30 : vector<1024x128xi1>, vector<1024x128xf32>
    %reduce_sum3A = arith.constant dense<0.000000e+00> : vector<1024xf32>
    %reduce_sum3A_32 = vector.multi_reduction <add>, %select_n3A_31, %reduce_sum3A [1] : vector<1024x128xf32> to vector<1024xf32>
    %broadcast_in_dim3A_33 = vector.shape_cast %reduce_sum3A_32 : vector<1024xf32> to vector<1024x1xf32>
    %get3A_34 = arith.constant 0 : index
    %get3A_35 = arith.constant 0 : index
    %get3A_36 = arith.constant 0 : index
    %get3A_37 = vector.load %arg1[%get3A_34, %get3A_35, %get3A_36] : memref<2x1024x128xf32, #tpu.memory_space<vmem>>, vector<1x1024x128xf32>
    %get3A_38 = vector.shape_cast %get3A_37 : vector<1x1024x128xf32> to vector<1024x128xf32>
    %get3A_39 = arith.constant 1 : index
    %get3A_40 = arith.constant 0 : index
    %get3A_41 = arith.constant 0 : index
    %get3A_42 = vector.load %arg1[%get3A_39, %get3A_40, %get3A_41] : memref<2x1024x128xf32, #tpu.memory_space<vmem>>, vector<1x1024x128xf32>
    %get3A_43 = vector.shape_cast %get3A_42 : vector<1x1024x128xf32> to vector<1024x128xf32>
    %add3A_44 = arith.addf %get3A_38, %get3A_43 : vector<1024x128xf32>
    %max3A = arith.constant 1.000000e+00 : f32
    %max3A_45 = vector.broadcast %max3A : f32 to vector<1024x1xf32>
    %max3A_46 = arith.maximumf %broadcast_in_dim3A_33, %max3A_45 : vector<1024x1xf32>
    %div3A = vector.broadcast %max3A_46 : vector<1024x1xf32> to vector<1024x128xf32>
    %div3A_47 = arith.divf %add3A_44, %div3A : vector<1024x128xf32>
    %get3A_48 = arith.constant 0 : index
    %get3A_49 = arith.constant 0 : index
    %get3A_50 = vector.load %arg3[%get3A_48, %get3A_49] : memref<128x128xf32, #tpu.memory_space<vmem>>, vector<128x128xf32>
    %dot_general3A = arith.constant dense<0.000000e+00> : vector<1024x128xf32>
    %dot_general3A_51 = tpu.matmul %div3A_47, %get3A_50, %dot_general3A {dimension_numbers = #tpu.dot_dimension_numbers<[1], [0], [0], [1], [0, 0, 1, 1], [], []>, transpose_lhs_hint = false} : vector<1024x128xf32>, vector<128x128xf32>, vector<1024x128xf32> -> vector<1024x128xf32>
    %min3A = arith.constant 1.000000e+00 : f32
    %min3A_52 = vector.broadcast %min3A : f32 to vector<1024x1xf32>
    %min3A_53 = arith.minimumf %broadcast_in_dim3A_33, %min3A_52 : vector<1024x1xf32>
    %get3A_54 = arith.constant 0 : index
    %get3A_55 = arith.constant 0 : index
    %get3A_56 = vector.load %arg4[%get3A_54, %get3A_55] : memref<1x128xf32, #tpu.memory_space<vmem>>, vector<1x128xf32>
    %mul3A = vector.broadcast %min3A_53 : vector<1024x1xf32> to vector<1024x128xf32>
    %mul3A_57 = vector.broadcast %get3A_56 : vector<1x128xf32> to vector<1024x128xf32>
    %mul3A_58 = arith.mulf %mul3A, %mul3A_57 : vector<1024x128xf32>
    %add3A_59 = arith.addf %dot_general3A_51, %mul3A_58 : vector<1024x128xf32>
    %iota3A_60 = tpu.iota {dimensions = array<i32: 0>} : vector<1024x1xi32>
    %mul3A_61 = arith.constant 1024 : i32
    %mul3A_62 = arith.muli %arg0, %mul3A_61 : i32
    %add3A_63 = vector.broadcast %mul3A_62 : i32 to vector<1024x1xi32>
    %add3A_64 = arith.addi %iota3A_60, %add3A_63 : vector<1024x1xi32>
    %get3A_65 = arith.constant 0 : index
    %get3A_66 = arith.constant 0 : index
    %get3A_67 = vector.load %arg5[%get3A_65, %get3A_66] : memref<1x1xi32, #tpu.memory_space<vmem>>, vector<1x1xi32>
    %get3A_68 = vector.extract %get3A_67[0, 0] : i32 from vector<1x1xi32>
    %lt3A_69 = vector.broadcast %get3A_68 : i32 to vector<1024x1xi32>
    %lt3A_70 = arith.cmpi slt, %add3A_64, %lt3A_69 : vector<1024x1xi32>
    %jit3A_71 = arith.constant 0.000000e+00 : f64
    %convert_element_type3A_72 = arith.truncf %jit3A_71 : f64 to f32
    %broadcast_in_dim3A_73 = vector.shape_cast %lt3A_70 : vector<1024x1xi1> to vector<1024x1xi1>
    %broadcast_in_dim3A_74 = vector.broadcast %broadcast_in_dim3A_73 : vector<1024x1xi1> to vector<1024x128xi1>
    %broadcast_in_dim3A_75 = vector.broadcast %convert_element_type3A_72 : f32 to vector<1024x128xf32>
    %select_n3A_76 = arith.select %broadcast_in_dim3A_74, %add3A_59, %broadcast_in_dim3A_75 : vector<1024x128xi1>, vector<1024x128xf32>
    %swap3A = arith.constant 0 : index
    %swap3A_77 = arith.constant 0 : index
    %swap3A_78 = vector.load %arg6[%swap3A, %swap3A_77] : memref<1024x128xf32, #tpu.memory_space<vmem>>, vector<1024x128xf32>
    tpu.vector_store %arg6[%swap3A, %swap3A_77], %select_n3A_76 {strides = array<i32>} : memref<1024x128xf32, #tpu.memory_space<vmem>>, vector<1024x128xf32>,
    return
  }
  func.func @transform_0(%arg0: i32) -> (i32, i32, i32) {
    %sub3A = arith.subi %arg0, %arg0 : i32
    %sub3A_0 = arith.subi %arg0, %arg0 : i32
    %c0_i32 = arith.constant 0 : i32
    return %sub3A, %arg0, %sub3A_0 : i32, i32, i32
  }
  func.func @transform_1(%arg0: i32) -> (i32, i32, i32) {
    %sub3A = arith.subi %arg0, %arg0 : i32
    %sub3A_0 = arith.subi %arg0, %arg0 : i32
    %c0_i32 = arith.constant 0 : i32
    return %sub3A, %arg0, %sub3A_0 : i32, i32, i32
  }
  func.func @transform_2(%arg0: i32) -> (i32, i32) {
    %sub3A = arith.subi %arg0, %arg0 : i32
    %sub3A_0 = arith.subi %arg0, %arg0 : i32
    %c0_i32 = arith.constant 0 : i32
    return %sub3A, %sub3A_0 : i32, i32
  }
  func.func @transform_3(%arg0: i32) -> (i32, i32) {
    %sub3A = arith.subi %arg0, %arg0 : i32
    %sub3A_0 = arith.subi %arg0, %arg0 : i32
    %c0_i32 = arith.constant 0 : i32
    return %sub3A, %sub3A_0 : i32, i32
  }
  func.func @transform_4(%arg0: i32) -> (i32, i32) {
    %sub3A = arith.subi %arg0, %arg0 : i32
    %sub3A_0 = arith.subi %arg0, %arg0 : i32
    %c0_i32 = arith.constant 0 : i32
    return %sub3A, %sub3A_0 : i32, i32
  }
  func.func @transform_5(%arg0: i32) -> (i32, i32) {
    %sub3A = arith.subi %arg0, %arg0 : i32
    %c0_i32 = arith.constant 0 : i32
    return %arg0, %sub3A : i32, i32
  }
}

</mosaic_0001>

<sc_bundles>
// kernel: kernel.4.cloned.1.call-start
scs
__scs_entry_jumppad:
0x0: {  	(pc) =	sbr.rel $0x88, $3  }
0x1: {  	(tag) =	ssettag $0x0;
	lr =	simm.s32 $0x1  }
0x2: {  	[smem:$0x3F9C] =	sst lr;
	_ =	strace $0xD0000000  }
0x3: {  	_ = 	snop  }
0x4: {  	_ = 	snop  }
0x5: {  	_ = 	snop  }
0x6: {  	_ = 	snop  }
0x7: {  	_ = 	snop  }
__scs_overlays_trampoline_lowered:
0x8: {  	[smem:$0x3FAB] =	sst s0  }
0x9: {  	[smem:$0x3FAC] =	sst s1  }
0xa: {  	[smem:$0x3FAD] =	sst s2  }
0xb: {  	[smem:$0x3FAE] =	sst s3  }
0xc: {  	[smem:$0x3FAF] =	sst s4  }
0xd: {  	[smem:$0x3FB0] =	sst s5  }
0xe: {  	[smem:$0x3FB1] =	sst s6  }
0xf: {  	[smem:$0x3FB2] =	sst s7  }
0x10: {  	[smem:$0x3FB3] =	sst s8  }
0x11: {  	[smem:$0x3FB4] =	sst s9;
	s0 =	simm.s32 @!p0 $0x0  }
0x12: {  	s1 =	sld [smem:$0x3F9A];
	s0 =	simm.s32 @p0 $0x1  }
0x13: {  	[smem:$0x3FB5] =	sst s0;
	s0 =	simm.s32 @!p1 $0x0  }
0x14: {  	s2 =	sld [smem:$0x3F99];
	s0 =	simm.s32 @p1 $0x1  }
0x15: {  	[smem:$0x3FB6] =	sst s0;
	s0 =	simm.s32 @!p2 $0x0  }
0x16: {  	s3 =	sld [smem:$0x3FDB];
	s0 =	simm.s32 @p2 $0x1  }
0x17: {  	s4 =	simm.s32 $0x1BF5;
	[smem:$0x3FB8] =	sst s0  }
0x18: {  	s0 =	sld [smem:$0x3F9B];
	_ =	swait.ge [sflag:s4], $0x0  }
0x19: {  	s7 =	sld [smem:$0x3F9C]  }
0x1a: {  	s8 =	sadd.s32 $0xFFFFE003, lr  }
0x1b: {  	s9 =	sadd.s32 $0xFFFFFEF7, lr;
	s5 =	simm.s32 $0xFFFFFFFF;
	p2 =	slt.u32 s8, $0xFFFFF086  }
0x1c: {  	p1 =	slt.u32 s9, $0xF7A;
	s5 =	simm.s32 @!p2 $0x0  }
0x1d: {  	s5 =	simm.s32 @p1 $0x1;
	p0 =	seq.s32 s7, s2  }
0x1e: {  	s7 =	smul.u32 @!p0 $0xF7A, s2;
	p2 =	seq.s32 @!p0 s5, $0x0  }
0x1f: {  	s9 =	smul.u32 $0xF7A, s1;
	s8 =	simm.s32 @!p0 $0x1BF5;
	p2 =	por !p2, p0  }
0x20: {  	[sflag:s8] =	ssyncset.s32 @!p0 $0xFFFFF086;
	s6 =	sadd.s32 @!p0 s3, s7;
	s7 =	simm.s32 @!p0 $0x108  }
0x21: {  	s3 =	sadd.s32 s3, s9;
	s6 =	sadd.s32 @!p0 $0x88, s6;
	s7 =	simm.s32 @p2 $0x1082  }
0x22: {  	[simem:s7], [sflag:s8] =	dma.local @!p0 [hbm:s6], $0xF7A  }
0x23: {  	s9 =	sor.u32 $0xD0000000, s2;
	s6 =	simm.s32 $0x108;
	_ =	swait.ge @!p0 [sflag:s8], $0x0  }
0x24: {  	s3 =	sadd.s32 $0x88, s3;
	s6 =	simm.s32 @!p1 $0x1082;
	[sflag:s4] =	ssyncset.s32 $0xFFFFF086  }
0x25: {  	[simem:s6], [sflag:s4] =	dma.local [hbm:s3], $0xF7A  }
0x26: {  	[smem:$0x3F9C] =	sst s1;
	(tag) =	ssettag s2;
	_ =	strace s9  }
0x27: {  	s1 =	sld [smem:$0x3FAC]  }
0x28: {  	s2 =	sld [smem:$0x3FAD]  }
0x29: {  	s4 =	sld [smem:$0x3FAF]  }
0x2a: {  	p0 =	seq.s32 s5, $0x0;
	s5 =	sld [smem:$0x3FB0]  }
0x2b: {  	s6 =	sld [smem:$0x3FB1]  }
0x2c: {  	s7 =	sld [smem:$0x3FB2]  }
0x2d: {  	s3 =	simm.s32 $0x108;
	s8 =	sld [smem:$0x3FB3]  }
0x2e: {  	s3 =	simm.s32 @!p0 $0x1082;
	s9 =	sld [smem:$0x3FB4]  }
0x2f: {  	lr =	sadd.s32 s0, s3;
	s0 =	sld [smem:$0x3FAB]  }
0x30: {  	s3 =	sld [smem:$0x3FAE]  }
0x31: {  	[smem:$0x3FB7] =	sst s10  }
0x32: {  	s10 =	sld [smem:$0x3FB5];
	_ =	sdelay $0x3  }
0x33: {  	p0 =	seq.s32 s10, $0x1;
	s10 =	sld [smem:$0x3FB7];
	_ =	sdelay $0x3  }
0x34: {  	[smem:$0x3FB7] =	sst s10  }
0x35: {  	s10 =	sld [smem:$0x3FB6];
	_ =	sdelay $0x3  }
0x36: {  	p1 =	seq.s32 s10, $0x1;
	s10 =	sld [smem:$0x3FB7];
	_ =	sdelay $0x3  }
0x37: {  	[smem:$0x3FB7] =	sst s10  }
0x38: {  	s10 =	sld [smem:$0x3FB8]  }
0x39: {  	_ = 	snop;
	(pc) =	sbr.ind lr, $3  }
0x3a: {  	_ = 	snop  }
0x3b: {  	_ = 	snop  }
0x3c: {  	p2 =	seq.s32 s10, $0x1;
	s10 =	sld [smem:$0x3FB7]  }
0x3d: {  	_ =	shalt  }
0x3e: {  	_ =	shalt  }
0x3f: {  	_ =	shalt  }
0x40: {  	_ =	shalt  }
0x41: {  	_ =	shalt  }
0x42: {  	_ =	shalt  }
0x43: {  	_ =	shalt  }
0x44: {  	_ =	shalt  }
0x45: {  	_ =	shalt  }
0x46: {  	_ =	shalt  }
0x47: {  	_ =	shalt  }
0x48: {  	_ =	shalt  }
0x49: {  	_ =	shalt  }
0x4a: {  	_ =	shalt  }
0x4b: {  	_ =	shalt  }
0x4c: {  	_ =	shalt  }
0x4d: {  	_ =	shalt  }
0x4e: {  	_ =	shalt  }
0x4f: {  	_ =	shalt  }
0x50: {  	_ =	shalt  }
0x51: {  	_ =	shalt  }
0x52: {  	_ =	shalt  }
0x53: {  	_ =	shalt  }
0x54: {  	_ =	shalt  }
0x55: {  	_ =	shalt  }
0x56: {  	_ =	shalt  }
0x57: {  	_ =	shalt  }
0x58: {  	_ =	shalt  }
0x59: {  	_ =	shalt  }
0x5a: {  	_ =	shalt  }
0x5b: {  	_ =	shalt  }
0x5c: {  	_ =	shalt  }
0x5d: {  	_ =	shalt  }
0x5e: {  	_ =	shalt  }
0x5f: {  	_ =	shalt  }
0x60: {  	_ =	shalt  }
0x61: {  	_ =	shalt  }
0x62: {  	_ =	shalt  }
0x63: {  	_ =	shalt  }
0x64: {  	_ =	shalt  }
0x65: {  	_ =	shalt  }
0x66: {  	_ =	shalt  }
0x67: {  	_ =	shalt  }
0x68: {  	_ =	shalt  }
0x69: {  	_ =	shalt  }
0x6a: {  	_ =	shalt  }
0x6b: {  	_ =	shalt  }
0x6c: {  	_ =	shalt  }
0x6d: {  	_ =	shalt  }
0x6e: {  	_ =	shalt  }
0x6f: {  	_ =	shalt  }
0x70: {  	_ =	shalt  }
0x71: {  	_ =	shalt  }
0x72: {  	_ =	shalt  }
0x73: {  	_ =	shalt  }
0x74: {  	_ =	shalt  }
0x75: {  	_ =	shalt  }
0x76: {  	_ =	shalt  }
0x77: {  	_ =	shalt  }
0x78: {  	_ =	shalt  }
0x79: {  	_ =	shalt  }
0x7a: {  	_ =	shalt  }
0x7b: {  	_ =	shalt  }
0x7c: {  	_ =	shalt  }
0x7d: {  	_ =	shalt  }
0x7e: {  	_ =	shalt  }
0x7f: {  	_ =	shalt  }
0x80: {  	_ =	shalt  }
0x81: {  	_ =	shalt  }
0x82: {  	_ =	shalt  }
0x83: {  	_ =	shalt  }
0x84: {  	_ =	shalt  }
0x85: {  	_ =	shalt  }
0x86: {  	_ =	shalt  }
0x87: {  	_ =	shalt  }
.Lfunc_end0:
.L_simem_size_0:
called_computation_lowered:
.L_overlay_start_0:
0x88: {  	s2 =	sld [smem:$0x3FD9]  }
0x89: {  	s3 =	sld [smem:$0x3FFE];
	_ =	sdelay $0x1  }
0x8a: {  	s1 =	srdreg.scid  }
0x8b: {  	s0 =	sand.u32 $0x1, s1  }
0x8c: {  	s17 =	sshll.u32 s0, $0xA;
	s2 =	sadd.s32 s3, s2  }
0x8d: {  	s2 =	sadd.s32 s2, s17  }
0x8e: {  	[smem:$0x3FC3] =	sst s2  }
0x8f: {  	_ = 	snop  }
0x90: {  	s2 =	sld [smem:$0x3FC9]  }
0x91: {  	s18 =	sld [smem:$0x3FD0];
	(tm) =	ssettm $0x1  }
0x92: {  	s4 =	sld [smem:$0x3FFB];
	_ =	sdelay $0x3  }
0x93: {  	_ =	strace s4  }
0x94: {  	s4 =	sld [smem:$0x3FFC];
	_ =	sdelay $0x3  }
0x95: {  	_ =	strace s4  }
0x96: {  	s4 =	sld [smem:$0x3FFD];
	_ =	sdelay $0x3  }
0x97: {  	_ =	strace s4  }
0x98: {  	_ =	strace $0x8FFFFFFF  }
0x99: {  	s19 =	sld [smem:$0x3FDB];
	_ =	sdelay $0x1  }
0x9a: {  	s5 =	simm.s32 $_scs_section_size  }
0x9b: {  	s6 =	simm.s32 $_size__tile_overlayer_lowered;
	s7 =	simm.s32 $_tile_overlayer_lowered  }
0x9c: {  	s22 =	simm.s32 $0x1BFF;
	s21 =	sshll.u32 s7, $0x1;
	s4 =	sadd.s32 s5, s19  }
0x9d: {  	s8 =	simm.s32 $0x0;
	s20 =	sshll.u32 s6, $0x1;
	s6 =	sadd.s32 s21, s4  }
0x9e: {  	[timem:s8], [sflag:s22] =	dma.local [hbm:s6], s20  }
0x9f: {  	_ =	swait.ge [sflag:s22], s20  }
0xa0: {  	s5 =	ssub.s32 $0x0, s20;
	[sflag:s22] =	ssyncset.done $0x0  }
0xa1: {  	[sflag:s22] =	ssyncadd.s32 s5;
	_ =	sdelay $0x1  }
0xa2: {  	s23 =	simm.s32 $0x1B8B  }
0xa3: {  	_ =	swait.ge [sflag:s23], $0x1  }
0xa4: {  	[sflag:s23] =	ssyncset.done $0x0  }
0xa5: {  	s25 =	simm.s32 $0x1B8E;
	s24 =	sld [smem:$0x3FFE];
	[sflag:s23] =	ssyncadd.s32 $0xFFFFFFFF  }
0xa6: {  	s26 =	simm.s32 $execute0_lowered;
	[smem:$0x3FD2] =	sst s25  }
0xa7: {  	s6 =	sshll.u32 s26, $0x1;
	_ =	strace $0x80000046;
	[dreg:$0x1] =	wrdreg $0xFFFFFFFF  }
0xa8: {  	s28 =	simm.s32 $_size_execute0_lowered;
	s4 =	sadd.s32 s4, s6;
	[dreg:$0x0] =	wrdreg $0x0  }
0xa9: {  	s6 =	sshll.u32 s28, $0x1;
	[dreg:$0x2] =	wrdreg s4  }
0xaa: {  	[dreg:$0x3] =	wrdreg s6  }
0xab: {  	[dreg:$0x4] =	wrdreg $0xC0  }
0xac: {  	_ =	task [dreg:s8], $0x5FFFF  }
0xad: {  	[dreg:$0x1] =	wrdreg $0xFFFFFFFF  }
0xae: {  	[dreg:$0x0] =	wrdreg $0x60  }
0xaf: {  	[dreg:$0x2] =	wrdreg s2  }
0xb0: {  	[dreg:$0x3] =	wrdreg s18  }
0xb1: {  	[dreg:$0x4] =	wrdreg s24  }
0xb2: {  	[dreg:$0x5] =	wrdreg $0x93000  }
0xb3: {  	[dreg:$0x6] =	wrdreg $0x1D3000  }
0xb4: {  	[dreg:$0x7] =	wrdreg $0x9  }
0xb5: {  	_ =	task.clear_ibuf [dreg:s8], $0x8FFFF;
	_ =	strace $0x90000046  }
0xb6: {  	s29 =	simm.s32 $0x9;
	_ =	strace $0x80000048  }
0xb7: {  	_ =	swait.ge [sflag:s29], $0x1  }
0xb8: {  	[sflag:s29] =	ssyncadd.s32 $0xFFFFFFFF  }
0xb9: {  	_ =	strace $0x90000048  }
0xba: {  	_ =	sfence  }
0xbb: {  	s30 =	sld [smem:$0x0];
	_ =	sdelay $0x2  }
0xbc: {  	s31 =	sshll.u32 s1, $0xD;
	s1 =	sshrl.u32 s1, $0x2  }
0xbd: {  	s3 =	sand.u32 $0x4000, s31;
	s1 =	sadd.s32 s1, s30  }
0xbe: {  	s0 =	sor.u32 s3, s0;
	s1 =	sshll.u32 s1, $0x11  }
0xbf: {  	s0 =	sor.u32 s1, s0  }
0xc0: {  	s0 =	sadd.s32 $0x8F2B, s0  }
0xc1: {  	[sflag:s0] =	ssyncadd.remote.s32 $0x1  }
0xc2: {  	_ =	sfence.sel $0xFFFF  }
0xc3: {  	[dreg:$0x0] =	wrdreg $0xFFFFFFFF;
	(pc) =	sbr.abs _section_cstart, $3  }
0xc4: {  	[dreg:$0x1] =	wrdreg $0xFFFFFFFF  }
0xc5: {  	_ =	task.clear_ibuf [dreg:s8], $0x2FFFF;
	_ =	strace $0x9FFFFFFF  }
0xc6: {  	(tm) =	ssettm $0x7FFFFFFF  }
0xc7: {  	_ =	shalt  }
tec
execute0_lowered:
.L_overlay_start_1:
0x0: {  	(tag) =	ssettag $0x1  }
0x1: {  	s0 =	rddreg [dreg:$0x0]  }
0x2: {  	s12 =	rddreg [dreg:$0x1]  }
0x3: {  	s1 =	rddreg [dreg:$0x2];
	s2 =	srdreg.scid  }
0x4: {  	s4 =	rddreg [dreg:$0x3];
	s13 =	stileid.u32  }
0x5: {  	s5 =	rddreg [dreg:$0x4];
	s7 =	smul.u32 $0x14000, s13  }
0x6: {  	s6 =	simm.s32 $0x0;
	s28 =	simm.s32 $0x1;
	s8 =	smul.u32 $0x280, s13  }
0x7: {  	s29 =	simm.s32 $0x9000;
	s31 =	simm.s32 $0x2;
	s10 =	smul.u32 $0x50000, s13  }
0x8: {  	s14 =	simm.s32 $0x480;
	s2 =	sand.u32 $0x1, s2;
	s18 =	smul.u32 $0x5000, s13  }
0x9: {  	s30 =	simm.s32 $0x980;
	[smem:$0x7FF] =	sst s6;
	s3 =	smul.u32 $0x140000, s2  }
0xa: {  	s15 =	smul.u32 $0x2800, s2;
	_ =	strace $0x80000047;
	s9 =	sshll.u32 s2, $0x4  }
0xb: {  	s16 =	ssub.s32 $0x2, s2;
	s2 =	smul.u32 $0x50000, s2;
	s9 =	sor.u32 s13, s9  }
0xc: {  	s11 =	sshrl.u32 s16, $0x1;
	s10 =	sshrl.u32 s10, $0x2;
	s13 =	simm.s32 $0x3  }
0xd: {  	s3 =	sadd.s32 s7, s3;
	s7 =	sadd.s32 s8, s15;
	s9 =	smul.u32 $0x5000, s9  }
0xe: {  	s17 =	sadd.s32 s10, s4;
	s2 =	sadd.s32 s18, s2;
	s8 =	sadd.s32 s8, s5  }
0xf: {  	s10 =	simm.s32 $0x380;
	s15 =	simm.s32 $0xB80;
	s3 =	sshrl.u32 s3, $0x3  }
0x10: {  	s7 =	sshrl.u32 s7, $0x3;
	s19 =	sadd.s32 $0x4000, s17;
	[dreg:$0x6] =	wrdreg s17  }
0x11: {  	s20 =	sadd.s32 $0x8000, s17;
	s21 =	sadd.s32 $0xC000, s17;
	[dreg:$0xb] =	wrdreg s8  }
0x12: {  	s22 =	sadd.s32 $0x1800, s2;
	s26 =	sadd.s32 $0x1000, s2;
	s2 =	simm.s32 $0xD80  }
0x13: {  	s8 =	simm.s32 $0x0;
	s3 =	sadd.s32 s3, s1;
	[dreg:$0x7] =	wrdreg s19  }
0x14: {  	s1 =	sadd.s32 s7, s1;
	s7 =	ssub.s32 s16, s11;
	[dreg:$0x8] =	wrdreg s20  }
0x15: {  	[dreg:$0x9] =	wrdreg s21;
	s11 =	sadd.s32 $0x10000, s17;
	s9 =	sshrl.u32 s9, $0x3  }
0x16: {  	s23 =	sshrl.u32 s22, $0x3;
	[dreg:$0x12] =	wrdreg s26;
	s20 =	simm.s32 $0x1000  }
0x17: {  	s21 =	simm.s32 $0x5;
	s26 =	simm.s32 $0x5000;
	s16 =	simm.s32 $0x580  }
0x18: {  	s19 =	simm.s32 $0x680;
	s22 =	simm.s32 $0x780;
	s17 =	simm.s32 $0xE80  }
0x19: {  	[dreg:$0xa] =	wrdreg s11;
	s9 =	sadd.s32 s12, s9;
	s3 =	sadd.s32 $0xA00, s3  }
0x1a: {  	s1 =	sadd.s32 $0x50A00, s1;
	s24 =	smax.u32 s7, $0x1;
	[dreg:$0xc] =	wrdreg s9  }
.Ltmp0:
0x1b: {  	s25 =	sadd.s32 s23, s12;
	[dreg:$0xe] =	wrdreg s3;
	(pc) =	sbr.rel .LBB2_1-.Ltmp0, $4  }
0x1c: {  	s23 =	simm.s32 $0x9080;
	s7 =	simm.s32 $0x4;
	[dreg:$0xf] =	wrdreg s1  }
0x1d: {  	s12 =	simm.s32 $0xC80;
	s9 =	sadd.s32 $0x100, s9;
	[dreg:$0x10] =	wrdreg s24  }
0x1e: {  	[dreg:$0x11] =	wrdreg s25;
	s24 =	simm.s32 $0x80;
	s1 =	simm.s32 $0x880  }
0x1f: {  	v0 =	vimm.f32 $0.0e+00;
	v1 =	vimm.f32 $1.000000000e+00;
	s25 =	simm.s32 $0xF80;
	[dreg:$0xd] =	wrdreg s9;
	s9 =	simm.s32 $0xA80  }
.LBB2_6:
0x20: {  	_ =	swait.ge [sflag:s28], $0x4000  }
0x21: {  	[sflag:s28] =	ssyncset.done $0x0  }
0x22: {  	[sflag:s28] =	ssyncadd.s32 $0xFFFFC000  }
0x23: {  	[spmem:s4] =	stream.indirect.scatter.add.f32 [tilespmem:s20], [sflag:$0x5], $0x80, s1, s24, $0xb8;
	[tilespmem:$0x1D580] =	vst v63  }
0x24: {  	_ =	swait.ge [sflag:s21], $0x4000  }
0x25: {  	[sflag:s21] =	ssyncset.done $0x0  }
0x26: {  	[sflag:s21] =	ssyncadd.s32 $0xFFFFC000  }
0x27: {  	[spmem:s5] =	stream.indirect.scatter.add.f32 [tilespmem:s29], [sflag:$0x4], $0x1, s1, s24, $0xb8;
	[tilespmem:$0x1D580] =	vst v63  }
0x28: {  	s3 =	simm.s32 $0xA00  }
0x29: {  	[tilespmem:s20], [sflag:$0x1] =	stream.indirect.gather [hbm4b:s0+s24], $0x80, s3, s24, $0xb8;
	[tilespmem:$0x1D580] =	vst v63  }
0x2a: {  	_ =	swait.ge [sflag:s31], $0x4000  }
0x2b: {  	[sflag:s31] =	ssyncset.done $0x0  }
0x2c: {  	[sflag:s31] =	ssyncadd.s32 $0xFFFFC000  }
0x2d: {  	[spmem:s4] =	stream.indirect.scatter.add.f32 [tilespmem:s26], [sflag:$0x5], $0x80, s30, s24, $0xb8;
	[tilespmem:$0x1D580] =	vst v63  }
0x2e: {  	_ =	swait.ge [sflag:s21], $0x4000  }
0x2f: {  	[sflag:s21] =	ssyncset.done $0x0  }
0x30: {  	[sflag:s21] =	ssyncadd.s32 $0xFFFFC000  }
0x31: {  	[spmem:s5] =	stream.indirect.scatter.add.f32 [tilespmem:s29], [sflag:$0x4], $0x1, s30, s24, $0xb8;
	[tilespmem:$0x1D580] =	vst v63  }
0x32: {  	s11 =	simm.s32 $0xB00  }
0x33: {  	[tilespmem:s26], [sflag:$0x2] =	stream.indirect.gather [hbm4b:s0+s24], $0x80, s11, s24, $0xb8;
	[tilespmem:$0x1D580] =	vst v63  }
0x34: {  	_ =	swait.ge [sflag:s28], $0x4000  }
0x35: {  	[sflag:s28] =	ssyncset.done $0x0  }
0x36: {  	[sflag:s28] =	ssyncadd.s32 $0xFFFFC000  }
0x37: {  	[spmem:s4] =	stream.indirect.scatter.add.f32 [tilespmem:s20], [sflag:$0x5], $0x80, s9, s24, $0xb8;
	[tilespmem:$0x1D580] =	vst v63  }
0x38: {  	_ =	swait.ge [sflag:s21], $0x4000  }
0x39: {  	[sflag:s21] =	ssyncset.done $0x0  }
0x3a: {  	[sflag:s21] =	ssyncadd.s32 $0xFFFFC000  }
0x3b: {  	[spmem:s5] =	stream.indirect.scatter.add.f32 [tilespmem:s29], [sflag:$0x4], $0x1, s9, s24, $0xb8;
	[tilespmem:$0x1D580] =	vst v63  }
0x3c: {  	s18 =	simm.s32 $0xC00  }
0x3d: {  	[tilespmem:s20], [sflag:$0x1] =	stream.indirect.gather [hbm4b:s0+s24], $0x80, s18, s24, $0xb8;
	[tilespmem:$0x1D580] =	vst v63  }
0x3e: {  	_ =	swait.ge [sflag:s31], $0x4000  }
0x3f: {  	[sflag:s31] =	ssyncset.done $0x0  }
0x40: {  	[sflag:s31] =	ssyncadd.s32 $0xFFFFC000  }
0x41: {  	[spmem:s4] =	stream.indirect.scatter.add.f32 [tilespmem:s26], [sflag:$0x5], $0x80, s15, s24, $0xb8;
	[tilespmem:$0x1D580] =	vst v63  }
0x42: {  	_ =	swait.ge [sflag:s21], $0x4000  }
0x43: {  	[sflag:s21] =	ssyncset.done $0x0  }
0x44: {  	[sflag:s21] =	ssyncadd.s32 $0xFFFFC000  }
0x45: {  	[spmem:s5] =	stream.indirect.scatter.add.f32 [tilespmem:s29], [sflag:$0x4], $0x1, s15, s24, $0xb8;
	[tilespmem:$0x1D580] =	vst v63  }
0x46: {  	s23 =	simm.s32 $0xD00  }
0x47: {  	[tilespmem:s26], [sflag:$0x2] =	stream.indirect.gather [hbm4b:s0+s24], $0x80, s23, s24, $0xb8;
	[tilespmem:$0x1D580] =	vst v63  }
0x48: {  	_ =	swait.ge [sflag:s28], $0x4000  }
0x49: {  	[sflag:s28] =	ssyncset.done $0x0  }
0x4a: {  	[sflag:s28] =	ssyncadd.s32 $0xFFFFC000  }
0x4b: {  	[spmem:s4] =	stream.indirect.scatter.add.f32 [tilespmem:s20], [sflag:$0x5], $0x80, s12, s24, $0xb8;
	[tilespmem:$0x1D580] =	vst v63  }
0x4c: {  	_ =	swait.ge [sflag:s21], $0x4000  }
0x4d: {  	[sflag:s21] =	ssyncset.done $0x0  }
0x4e: {  	[sflag:s21] =	ssyncadd.s32 $0xFFFFC000  }
0x4f: {  	[spmem:s5] =	stream.indirect.scatter.add.f32 [tilespmem:s29], [sflag:$0x4], $0x1, s12, s24, $0xb8;
	[tilespmem:$0x1D580] =	vst v63  }
0x50: {  	s8 =	simm.s32 $0xE00  }
0x51: {  	[tilespmem:s20], [sflag:$0x1] =	stream.indirect.gather [hbm4b:s0+s24], $0x80, s8, s24, $0xb8;
	[tilespmem:$0x1D580] =	vst v63  }
0x52: {  	_ =	swait.ge [sflag:s31], $0x4000  }
0x53: {  	[sflag:s31] =	ssyncset.done $0x0  }
0x54: {  	[sflag:s31] =	ssyncadd.s32 $0xFFFFC000  }
0x55: {  	[spmem:s4] =	stream.indirect.scatter.add.f32 [tilespmem:s26], [sflag:$0x5], $0x80, s2, s24, $0xb8;
	[tilespmem:$0x1D580] =	vst v63  }
0x56: {  	_ =	swait.ge [sflag:s21], $0x4000  }
0x57: {  	[sflag:s21] =	ssyncset.done $0x0  }
0x58: {  	[sflag:s21] =	ssyncadd.s32 $0xFFFFC000  }
0x59: {  	[spmem:s5] =	stream.indirect.scatter.add.f32 [tilespmem:s29], [sflag:$0x4], $0x1, s2, s24, $0xb8;
	[tilespmem:$0x1D580] =	vst v63  }
0x5a: {  	s11 =	simm.s32 $0xF00  }
0x5b: {  	[tilespmem:s26], [sflag:$0x2] =	stream.indirect.gather [hbm4b:s0+s24], $0x80, s11, s24, $0xb8;
	[tilespmem:$0x1D580] =	vst v63  }
0x5c: {  	_ =	swait.ge [sflag:s28], $0x4000  }
0x5d: {  	[sflag:s28] =	ssyncset.done $0x0  }
0x5e: {  	[sflag:s28] =	ssyncadd.s32 $0xFFFFC000  }
0x5f: {  	[spmem:s4] =	stream.indirect.scatter.add.f32 [tilespmem:s20], [sflag:$0x5], $0x80, s17, s24, $0xb8;
	[tilespmem:$0x1D580] =	vst v63  }
0x60: {  	_ =	swait.ge [sflag:s21], $0x4000  }
0x61: {  	[sflag:s21] =	ssyncset.done $0x0  }
0x62: {  	[sflag:s21] =	ssyncadd.s32 $0xFFFFC000  }
0x63: {  	[spmem:s5] =	stream.indirect.scatter.add.f32 [tilespmem:s29], [sflag:$0x4], $0x1, s17, s24, $0xb8;
	[tilespmem:$0x1D580] =	vst v63  }
0x64: {  	_ =	swait.ge [sflag:s31], $0x4000  }
0x65: {  	[sflag:s31] =	ssyncset.done $0x0  }
0x66: {  	[sflag:s31] =	ssyncadd.s32 $0xFFFFC000  }
0x67: {  	[spmem:s4] =	stream.indirect.scatter.add.f32 [tilespmem:s26], [sflag:$0x5], $0x80, s25, s24, $0xb8;
	[tilespmem:$0x1D580] =	vst v63  }
0x68: {  	_ =	swait.ge [sflag:s21], $0x4000  }
0x69: {  	[sflag:s21] =	ssyncset.done $0x0  }
0x6a: {  	[sflag:s21] =	ssyncadd.s32 $0xFFFFC000  }
0x6b: {  	[spmem:s5] =	stream.indirect.scatter.add.f32 [tilespmem:s29], [sflag:$0x4], $0x1, s25, s24, $0xb8;
	[tilespmem:$0x1D580] =	vst v63  }
0x6c: {  	_ =	swait.ge [sflag:s7], $0x80  }
0x6d: {  	[sflag:s7] =	ssyncset.done $0x0  }
0x6e: {  	[sflag:s7] =	ssyncadd.s32 $0xFFFFFF80  }
0x6f: {  	_ =	swait.ge [sflag:s7], $0x80  }
0x70: {  	[sflag:s7] =	ssyncset.done $0x0  }
0x71: {  	[sflag:s7] =	ssyncadd.s32 $0xFFFFFF80  }
0x72: {  	_ =	swait.ge [sflag:s7], $0x80  }
0x73: {  	[sflag:s7] =	ssyncset.done $0x0  }
0x74: {  	[sflag:s7] =	ssyncadd.s32 $0xFFFFFF80  }
0x75: {  	_ =	swait.ge [sflag:s7], $0x80  }
0x76: {  	[sflag:s7] =	ssyncset.done $0x0  }
0x77: {  	[sflag:s7] =	ssyncadd.s32 $0xFFFFFF80  }
0x78: {  	_ =	swait.ge [sflag:s7], $0x80  }
0x79: {  	[sflag:s7] =	ssyncset.done $0x0  }
0x7a: {  	[sflag:s7] =	ssyncadd.s32 $0xFFFFFF80  }
0x7b: {  	_ =	swait.ge [sflag:s7], $0x80  }
0x7c: {  	[sflag:s7] =	ssyncset.done $0x0  }
0x7d: {  	[sflag:s7] =	ssyncadd.s32 $0xFFFFFF80  }
0x7e: {  	_ =	swait.ge [sflag:s7], $0x80  }
0x7f: {  	[sflag:s7] =	ssyncset.done $0x0  }
0x80: {  	[sflag:s7] =	ssyncadd.s32 $0xFFFFFF80  }
0x81: {  	_ =	swait.ge [sflag:s7], $0x80  }
0x82: {  	[sflag:s7] =	ssyncset.done $0x0  }
0x83: {  	[sflag:s7] =	ssyncadd.s32 $0xFFFFFF80  }
0x84: {  	s18 =	stileid.u32;
	[bflag:$0x0] =	sbarrier.arrive $0xFFFF  }
0x85: {  	s11 =	sshll.u32 s18, $0x6;
	s23 =	rddreg [dreg:$0x6]  }
0x86: {  	s11 =	sor.u32 $0x1C05, s11;
	s8 =	rddreg [dreg:$0xe];
	s18 =	sshrl.u32 s23, $0x3  }
0x87: {  	[hbm:s8], [sflag:s11] =	dma.local [spmem:s18], $0x2800  }
0x88: {  	_ =	swait.ge [sflag:s21], $0x2800  }
0x89: {  	[sflag:s21] =	ssyncset.done $0x0  }
0x8a: {  	s18 =	simm.s32 $0x9080;
	s11 =	rddreg [dreg:$0xb];
	[sflag:s21] =	ssyncadd.s32 $0xFFFFD800  }
0x8b: {  	[tilespmem:s18], [sflag:$0x5] =	stream.linear.gather [spmem:s11], $0x280, $0x38;
	[tilespmem:$0x1D580] =	vst v63  }
0x8c: {  	_ =	swait.ge [sflag:s21], $0x280  }
0x8d: {  	[sflag:s21] =	ssyncset.done $0x0  }
0x8e: {  	s8 =	rddreg [dreg:$0xf];
	[sflag:s21] =	ssyncadd.s32 $0xFFFFFD80  }
0x8f: {  	[hbm4b:s8+s6] =	stream.linear.scatter [tilespmem:s18], [sflag:$0x5], $0x280, $0x38;
	[tilespmem:$0x1D580] =	vst v63  }
0x90: {  	_ =	swait.ge [sflag:s21], $0x280  }
0x91: {  	s8 =	rddreg [dreg:$0x13]  }
0x92: {  	s18 =	rddreg [dreg:$0x10];
	s8 =	sadd.s32 $0x1, s8  }
0x93: {  	p0 =	sne.s32 s8, s18  }
.Ltmp1:
0x94: {  	_ = 	snop;
	(pc) =	sbr.rel @!p0 .LBB2_7-.Ltmp1, $3  }
0x95: {  	_ =	sdelay $0x1  }
0x96: {  	[sflag:s21] =	ssyncset.done $0x0  }
0x97: {  	s23 =	simm.s32 $0x9080;
	[sflag:s21] =	ssyncadd.s32 $0xFFFFFD80  }
.LBB2_1:
0x98: {  	[dreg:$0x13] =	wrdreg s8;
	s11 =	simm.s32 $0x0;
	s18 =	simm.s32 $0x200  }
.LBB2_2:
0x99: {  	p0 =	sne.s32 s18, $0xFE00;
	[tilespmem:s11+$0x1070] =	vst v0  }
0x9a: {  	[tilespmem:s11+$0x1000] =	vst v0  }
0x9b: {  	[tilespmem:s11+$0x1010] =	vst v0  }
.Ltmp2:
0x9c: {  	[tilespmem:s11+$0x1020] =	vst v0;
	(pc) =	sbr.rel @p0 .LBB2_2-.Ltmp2, $4  }
0x9d: {  	[tilespmem:s11+$0x1030] =	vst v0  }
0x9e: {  	[tilespmem:s11+$0x1040] =	vst v0  }
0x9f: {  	[tilespmem:s11+$0x1050] =	vst v0  }
0xa0: {  	[tilespmem:s11+$0x1060] =	vst v0;
	s11 =	sshra.s32 s18, $0x2;
	s18 =	sadd.s32 $0x200, s18  }
0xa1: {  	[tilespmem:s11+$0x1070] =	vst v0  }
0xa2: {  	[tilespmem:s11+$0x1000] =	vst v0  }
0xa3: {  	[tilespmem:s11+$0x1010] =	vst v0  }
0xa4: {  	[tilespmem:s11+$0x1020] =	vst v0  }
0xa5: {  	[tilespmem:s11+$0x1030] =	vst v0  }
0xa6: {  	[tilespmem:s11+$0x1040] =	vst v0  }
0xa7: {  	[tilespmem:s11+$0x1050] =	vst v0  }
0xa8: {  	[tilespmem:s11+$0x1060] =	vst v0  }
0xa9: {  	[tilespmem:$0x9080] =	vst v0  }
0xaa: {  	[tilespmem:$0x9090] =	vst v0  }
0xab: {  	[tilespmem:$0x90A0] =	vst v0  }
0xac: {  	[tilespmem:$0x90B0] =	vst v0  }
0xad: {  	[tilespmem:$0x90C0] =	vst v0  }
0xae: {  	[tilespmem:$0x90D0] =	vst v0  }
0xaf: {  	[tilespmem:$0x90E0] =	vst v0  }
0xb0: {  	[tilespmem:$0x90F0] =	vst v0  }
0xb1: {  	[tilespmem:$0x9100] =	vst v0  }
0xb2: {  	[tilespmem:$0x9110] =	vst v0  }
0xb3: {  	[tilespmem:$0x9120] =	vst v0  }
0xb4: {  	[tilespmem:$0x9130] =	vst v0  }
0xb5: {  	[tilespmem:$0x9140] =	vst v0  }
0xb6: {  	[tilespmem:$0x9150] =	vst v0  }
0xb7: {  	[tilespmem:$0x9160] =	vst v0  }
0xb8: {  	[tilespmem:$0x9170] =	vst v0  }
0xb9: {  	[tilespmem:$0x9180] =	vst v0  }
0xba: {  	[tilespmem:$0x9190] =	vst v0  }
0xbb: {  	[tilespmem:$0x91A0] =	vst v0  }
0xbc: {  	[tilespmem:$0x91B0] =	vst v0  }
0xbd: {  	[tilespmem:$0x91C0] =	vst v0  }
0xbe: {  	[tilespmem:$0x91D0] =	vst v0  }
0xbf: {  	[tilespmem:$0x91E0] =	vst v0  }
0xc0: {  	[tilespmem:$0x91F0] =	vst v0  }
0xc1: {  	[tilespmem:$0x9200] =	vst v0  }
0xc2: {  	[tilespmem:$0x9210] =	vst v0  }
0xc3: {  	[tilespmem:$0x9220] =	vst v0  }
0xc4: {  	[tilespmem:$0x9230] =	vst v0  }
0xc5: {  	[tilespmem:$0x9240] =	vst v0  }
0xc6: {  	[tilespmem:$0x9250] =	vst v0  }
0xc7: {  	[tilespmem:$0x9260] =	vst v0  }
0xc8: {  	[tilespmem:$0x9270] =	vst v0  }
0xc9: {  	[tilespmem:$0x9280] =	vst v0  }
0xca: {  	[tilespmem:$0x9290] =	vst v0  }
0xcb: {  	[tilespmem:$0x92A0] =	vst v0  }
0xcc: {  	[tilespmem:$0x92B0] =	vst v0  }
0xcd: {  	[tilespmem:$0x92C0] =	vst v0  }
0xce: {  	[tilespmem:$0x92D0] =	vst v0  }
0xcf: {  	[tilespmem:$0x92E0] =	vst v0  }
0xd0: {  	[tilespmem:$0x92F0] =	vst v0  }
0xd1: {  	[tilespmem:$0x9000] =	vst v1  }
0xd2: {  	[tilespmem:$0x9010] =	vst v1  }
0xd3: {  	[tilespmem:$0x9020] =	vst v1  }
0xd4: {  	[tilespmem:$0x9030] =	vst v1  }
0xd5: {  	[tilespmem:$0x9040] =	vst v1  }
0xd6: {  	[tilespmem:$0x9050] =	vst v1  }
0xd7: {  	[tilespmem:$0x9060] =	vst v1  }
0xd8: {  	s3 =	rddreg [dreg:$0x6];
	[tilespmem:$0x9070] =	vst v1  }
0xd9: {  	[spmem:s3] =	stream.linear.scatter [tilespmem:s20], [sflag:$0x5], $0x4000, $0x38;
	[tilespmem:$0x1D580] =	vst v63  }
0xda: {  	_ =	swait.ge [sflag:s21], $0x4000  }
0xdb: {  	[sflag:s21] =	ssyncset.done $0x0  }
0xdc: {  	s11 =	rddreg [dreg:$0x7];
	[sflag:s21] =	ssyncadd.s32 $0xFFFFC000  }
0xdd: {  	[spmem:s11] =	stream.linear.scatter [tilespmem:s20], [sflag:$0x5], $0x4000, $0x38;
	[tilespmem:$0x1D580] =	vst v63  }
0xde: {  	_ =	swait.ge [sflag:s21], $0x4000  }
0xdf: {  	[sflag:s21] =	ssyncset.done $0x0  }
0xe0: {  	s18 =	rddreg [dreg:$0x8];
	[sflag:s21] =	ssyncadd.s32 $0xFFFFC000  }
0xe1: {  	[spmem:s18] =	stream.linear.scatter [tilespmem:s20], [sflag:$0x5], $0x4000, $0x38;
	[tilespmem:$0x1D580] =	vst v63  }
0xe2: {  	_ =	swait.ge [sflag:s21], $0x4000  }
0xe3: {  	[sflag:s21] =	ssyncset.done $0x0  }
0xe4: {  	s8 =	rddreg [dreg:$0x9];
	[sflag:s21] =	ssyncadd.s32 $0xFFFFC000  }
0xe5: {  	[spmem:s8] =	stream.linear.scatter [tilespmem:s20], [sflag:$0x5], $0x4000, $0x38;
	[tilespmem:$0x1D580] =	vst v63  }
0xe6: {  	_ =	swait.ge [sflag:s21], $0x4000  }
0xe7: {  	[sflag:s21] =	ssyncset.done $0x0  }
0xe8: {  	s11 =	rddreg [dreg:$0xa];
	[sflag:s21] =	ssyncadd.s32 $0xFFFFC000  }
0xe9: {  	[spmem:s11] =	stream.linear.scatter [tilespmem:s20], [sflag:$0x5], $0x4000, $0x38;
	[tilespmem:$0x1D580] =	vst v63  }
0xea: {  	_ =	swait.ge [sflag:s21], $0x4000  }
0xeb: {  	[sflag:s21] =	ssyncset.done $0x0  }
0xec: {  	s18 =	rddreg [dreg:$0xb];
	[sflag:s21] =	ssyncadd.s32 $0xFFFFC000  }
0xed: {  	[spmem:s18] =	stream.linear.scatter [tilespmem:s23], [sflag:$0x5], $0x280, $0x38;
	[tilespmem:$0x1D580] =	vst v63  }
0xee: {  	_ =	swait.ge [sflag:s21], $0x280  }
0xef: {  	[sflag:s21] =	ssyncset.done $0x0  }
0xf0: {  	s11 =	simm.s32 $0x0;
	s8 =	rddreg [dreg:$0xc];
	[sflag:s21] =	ssyncadd.s32 $0xFFFFFD80  }
0xf1: {  	[tilespmem:s11], [sflag:$0x5] =	stream.linear.gather [hbm4b:s8+s11], $0x800, $0x38;
	[tilespmem:$0x1D580] =	vst v63  }
0xf2: {  	_ =	swait.ge [sflag:s21], $0x800  }
0xf3: {  	[sflag:s21] =	ssyncset.done $0x0  }
0xf4: {  	s8 =	simm.s32 $0x800;
	s18 =	rddreg [dreg:$0xd];
	[sflag:s21] =	ssyncadd.s32 $0xFFFFF800  }
0xf5: {  	[tilespmem:s8], [sflag:$0x3] =	stream.linear.gather [hbm4b:s18+s11], $0x800, $0x38;
	[tilespmem:$0x1D580] =	vst v63  }
0xf6: {  	_ = 	snop  }
0xf7: {  	[tilespmem:s20], [sflag:$0x1] =	stream.indirect.gather [hbm4b:s0+s24], $0x80, s11, s24, $0xb8;
	[tilespmem:$0x1D580] =	vst v63  }
0xf8: {  	s23 =	simm.s32 $0x100  }
0xf9: {  	[tilespmem:s26], [sflag:$0x2] =	stream.indirect.gather [hbm4b:s0+s24], $0x80, s23, s24, $0xb8;
	[tilespmem:$0x1D580] =	vst v63  }
0xfa: {  	[bflag:$0x0] =	sbarrier.arrive $0xFFFF  }
0xfb: {  	s3 =	simm.s32 $0x800;
	s18 =	rddreg [dreg:$0x12]  }
.LBB2_4:
0xfc: {  	_ =	swait.ge [sflag:s28], $0x4000  }
0xfd: {  	[sflag:s28] =	ssyncset.done $0x0  }
0xfe: {  	[sflag:s28] =	ssyncadd.s32 $0xFFFFC000  }
0xff: {  	[spmem:s4] =	stream.indirect.scatter.add.f32 [tilespmem:s20], [sflag:$0x5], $0x80, s24, s24, $0xb8;
	[tilespmem:$0x1D580] =	vst v63  }
0x100: {  	_ =	swait.ge [sflag:s21], $0x4000  }
0x101: {  	[sflag:s21] =	ssyncset.done $0x0  }
0x102: {  	[sflag:s21] =	ssyncadd.s32 $0xFFFFC000  }
0x103: {  	[spmem:s5] =	stream.indirect.scatter.add.f32 [tilespmem:s29], [sflag:$0x4], $0x1, s24, s24, $0xb8;
	[tilespmem:$0x1D580] =	vst v63  }
0x104: {  	s8 =	simm.s32 $0x200  }
0x105: {  	[tilespmem:s20], [sflag:$0x1] =	stream.indirect.gather [hbm4b:s0+s24], $0x80, s8, s24, $0xb8;
	[tilespmem:$0x1D580] =	vst v63  }
0x106: {  	_ =	swait.ge [sflag:s31], $0x4000  }
0x107: {  	[sflag:s31] =	ssyncset.done $0x0  }
0x108: {  	s23 =	simm.s32 $0x180;
	[sflag:s31] =	ssyncadd.s32 $0xFFFFC000  }
0x109: {  	[spmem:s4] =	stream.indirect.scatter.add.f32 [tilespmem:s26], [sflag:$0x5], $0x80, s23, s24, $0xb8;
	[tilespmem:$0x1D580] =	vst v63  }
0x10a: {  	_ =	swait.ge [sflag:s21], $0x4000  }
0x10b: {  	[sflag:s21] =	ssyncset.done $0x0  }
0x10c: {  	[sflag:s21] =	ssyncadd.s32 $0xFFFFC000  }
0x10d: {  	[spmem:s5] =	stream.indirect.scatter.add.f32 [tilespmem:s29], [sflag:$0x4], $0x1, s23, s24, $0xb8;
	[tilespmem:$0x1D580] =	vst v63  }
0x10e: {  	s23 =	simm.s32 $0x300  }
0x10f: {  	[tilespmem:s26], [sflag:$0x2] =	stream.indirect.gather [hbm4b:s0+s24], $0x80, s23, s24, $0xb8;
	[tilespmem:$0x1D580] =	vst v63  }
0x110: {  	_ =	swait.ge [sflag:s28], $0x4000  }
0x111: {  	[sflag:s28] =	ssyncset.done $0x0  }
0x112: {  	s23 =	simm.s32 $0x280;
	[sflag:s28] =	ssyncadd.s32 $0xFFFFC000  }
0x113: {  	[spmem:s4] =	stream.indirect.scatter.add.f32 [tilespmem:s20], [sflag:$0x5], $0x80, s23, s24, $0xb8;
	[tilespmem:$0x1D580] =	vst v63  }
0x114: {  	_ =	swait.ge [sflag:s21], $0x4000  }
0x115: {  	[sflag:s21] =	ssyncset.done $0x0  }
0x116: {  	[sflag:s21] =	ssyncadd.s32 $0xFFFFC000  }
0x117: {  	[spmem:s5] =	stream.indirect.scatter.add.f32 [tilespmem:s29], [sflag:$0x4], $0x1, s23, s24, $0xb8;
	[tilespmem:$0x1D580] =	vst v63  }
0x118: {  	s23 =	simm.s32 $0x400  }
0x119: {  	[tilespmem:s20], [sflag:$0x1] =	stream.indirect.gather [hbm4b:s0+s24], $0x80, s23, s24, $0xb8;
	[tilespmem:$0x1D580] =	vst v63  }
0x11a: {  	_ =	swait.ge [sflag:s31], $0x4000  }
0x11b: {  	[sflag:s31] =	ssyncset.done $0x0  }
0x11c: {  	[sflag:s31] =	ssyncadd.s32 $0xFFFFC000  }
0x11d: {  	[spmem:s4] =	stream.indirect.scatter.add.f32 [tilespmem:s26], [sflag:$0x5], $0x80, s10, s24, $0xb8;
	[tilespmem:$0x1D580] =	vst v63  }
0x11e: {  	_ =	swait.ge [sflag:s21], $0x4000  }
0x11f: {  	[sflag:s21] =	ssyncset.done $0x0  }
0x120: {  	[sflag:s21] =	ssyncadd.s32 $0xFFFFC000  }
0x121: {  	[spmem:s5] =	stream.indirect.scatter.add.f32 [tilespmem:s29], [sflag:$0x4], $0x1, s10, s24, $0xb8;
	[tilespmem:$0x1D580] =	vst v63  }
0x122: {  	s23 =	simm.s32 $0x500  }
0x123: {  	[tilespmem:s26], [sflag:$0x2] =	stream.indirect.gather [hbm4b:s0+s24], $0x80, s23, s24, $0xb8;
	[tilespmem:$0x1D580] =	vst v63  }
0x124: {  	_ =	swait.ge [sflag:s28], $0x4000  }
0x125: {  	[sflag:s28] =	ssyncset.done $0x0  }
0x126: {  	[sflag:s28] =	ssyncadd.s32 $0xFFFFC000  }
0x127: {  	[spmem:s4] =	stream.indirect.scatter.add.f32 [tilespmem:s20], [sflag:$0x5], $0x80, s14, s24, $0xb8;
	[tilespmem:$0x1D580] =	vst v63  }
0x128: {  	_ =	swait.ge [sflag:s21], $0x4000  }
0x129: {  	[sflag:s21] =	ssyncset.done $0x0  }
0x12a: {  	[sflag:s21] =	ssyncadd.s32 $0xFFFFC000  }
0x12b: {  	[spmem:s5] =	stream.indirect.scatter.add.f32 [tilespmem:s29], [sflag:$0x4], $0x1, s14, s24, $0xb8;
	[tilespmem:$0x1D580] =	vst v63  }
0x12c: {  	s23 =	simm.s32 $0x600  }
0x12d: {  	[tilespmem:s20], [sflag:$0x1] =	stream.indirect.gather [hbm4b:s0+s24], $0x80, s23, s24, $0xb8;
	[tilespmem:$0x1D580] =	vst v63  }
0x12e: {  	_ =	swait.ge [sflag:s31], $0x4000  }
0x12f: {  	[sflag:s31] =	ssyncset.done $0x0  }
0x130: {  	[sflag:s31] =	ssyncadd.s32 $0xFFFFC000  }
0x131: {  	[spmem:s4] =	stream.indirect.scatter.add.f32 [tilespmem:s26], [sflag:$0x5], $0x80, s16, s24, $0xb8;
	[tilespmem:$0x1D580] =	vst v63  }
0x132: {  	_ =	swait.ge [sflag:s21], $0x4000  }
0x133: {  	[sflag:s21] =	ssyncset.done $0x0  }
0x134: {  	[sflag:s21] =	ssyncadd.s32 $0xFFFFC000  }
0x135: {  	[spmem:s5] =	stream.indirect.scatter.add.f32 [tilespmem:s29], [sflag:$0x4], $0x1, s16, s24, $0xb8;
	[tilespmem:$0x1D580] =	vst v63  }
0x136: {  	s23 =	simm.s32 $0x700  }
0x137: {  	[tilespmem:s26], [sflag:$0x2] =	stream.indirect.gather [hbm4b:s0+s24], $0x80, s23, s24, $0xb8;
	[tilespmem:$0x1D580] =	vst v63  }
0x138: {  	_ =	swait.ge [sflag:s28], $0x4000  }
0x139: {  	[sflag:s28] =	ssyncset.done $0x0  }
0x13a: {  	[sflag:s28] =	ssyncadd.s32 $0xFFFFC000  }
0x13b: {  	[spmem:s4] =	stream.indirect.scatter.add.f32 [tilespmem:s20], [sflag:$0x5], $0x80, s19, s24, $0xb8;
	[tilespmem:$0x1D580] =	vst v63  }
0x13c: {  	_ =	swait.ge [sflag:s21], $0x4000  }
0x13d: {  	[sflag:s21] =	ssyncset.done $0x0  }
0x13e: {  	[sflag:s21] =	ssyncadd.s32 $0xFFFFC000  }
0x13f: {  	[spmem:s5] =	stream.indirect.scatter.add.f32 [tilespmem:s29], [sflag:$0x4], $0x1, s19, s24, $0xb8;
	[tilespmem:$0x1D580] =	vst v63  }
0x140: {  	_ =	swait.ge [sflag:s13], $0x800  }
0x141: {  	[sflag:s13] =	ssyncset.done $0x0  }
0x142: {  	[sflag:s13] =	ssyncadd.s32 $0xFFFFF800  }
0x143: {  	[tilespmem:s20], [sflag:$0x1] =	stream.indirect.gather [hbm4b:s0+s24], $0x80, s3, s24, $0xb8;
	[tilespmem:$0x1D580] =	vst v63  }
0x144: {  	_ =	swait.ge [sflag:s31], $0x4000  }
0x145: {  	[sflag:s31] =	ssyncset.done $0x0  }
0x146: {  	[sflag:s31] =	ssyncadd.s32 $0xFFFFC000  }
0x147: {  	[spmem:s4] =	stream.indirect.scatter.add.f32 [tilespmem:s26], [sflag:$0x5], $0x80, s22, s24, $0xb8;
	[tilespmem:$0x1D580] =	vst v63  }
0x148: {  	_ =	swait.ge [sflag:s21], $0x4000  }
0x149: {  	[sflag:s21] =	ssyncset.done $0x0  }
0x14a: {  	[sflag:s21] =	ssyncadd.s32 $0xFFFFC000  }
0x14b: {  	[spmem:s5] =	stream.indirect.scatter.add.f32 [tilespmem:s29], [sflag:$0x4], $0x1, s22, s24, $0xb8;
	[tilespmem:$0x1D580] =	vst v63  }
0x14c: {  	s23 =	simm.s32 $0x900  }
0x14d: {  	[tilespmem:s26], [sflag:$0x2] =	stream.indirect.gather [hbm4b:s0+s24], $0x80, s23, s24, $0xb8;
	[tilespmem:$0x1D580] =	vst v63  }
0x14e: {  	_ =	swait.ge [sflag:s7], $0x80  }
0x14f: {  	[sflag:s7] =	ssyncset.done $0x0  }
0x150: {  	[sflag:s7] =	ssyncadd.s32 $0xFFFFFF80  }
0x151: {  	_ =	swait.ge [sflag:s7], $0x80  }
0x152: {  	[sflag:s7] =	ssyncset.done $0x0  }
0x153: {  	[sflag:s7] =	ssyncadd.s32 $0xFFFFFF80  }
0x154: {  	_ =	swait.ge [sflag:s7], $0x80  }
0x155: {  	[sflag:s7] =	ssyncset.done $0x0  }
0x156: {  	[sflag:s7] =	ssyncadd.s32 $0xFFFFFF80  }
0x157: {  	_ =	swait.ge [sflag:s7], $0x80  }
0x158: {  	[sflag:s7] =	ssyncset.done $0x0  }
0x159: {  	[sflag:s7] =	ssyncadd.s32 $0xFFFFFF80  }
0x15a: {  	_ =	swait.ge [sflag:s7], $0x80  }
0x15b: {  	[sflag:s7] =	ssyncset.done $0x0  }
0x15c: {  	[sflag:s7] =	ssyncadd.s32 $0xFFFFFF80  }
0x15d: {  	_ =	swait.ge [sflag:s7], $0x80  }
0x15e: {  	[sflag:s7] =	ssyncset.done $0x0  }
0x15f: {  	[sflag:s7] =	ssyncadd.s32 $0xFFFFFF80  }
0x160: {  	p0 =	seq.s32 s11, $0x800;
	_ =	swait.ge [sflag:s7], $0x80  }
.Ltmp3:
0x161: {  	[sflag:s7] =	ssyncset.done $0x0;
	(pc) =	sbr.rel @p0 .LBB2_6-.Ltmp3, $4  }
0x162: {  	[sflag:s7] =	ssyncadd.s32 $0xFFFFFF80  }
0x163: {  	_ =	swait.ge [sflag:s7], $0x80  }
0x164: {  	[sflag:s7] =	ssyncset.done $0x0  }
0x165: {  	s8 =	simm.s32 $0x800;
	[sflag:s7] =	ssyncadd.s32 $0xFFFFFF80  }
0x166: {  	s23 =	sshrl.u32 s18, $0x3;
	s3 =	rddreg [dreg:$0x1]  }
0x167: {  	s23 =	sadd.s32 s3, s23  }
0x168: {  	[tilespmem:s6], [sflag:$0x3] =	stream.linear.gather [hbm4b:s23+s6], $0x800, $0x38;
	[tilespmem:$0x1D580] =	vst v63  }
0x169: {  	_ =	swait.ge [sflag:s28], $0x4000  }
0x16a: {  	[sflag:s28] =	ssyncset.done $0x0  }
0x16b: {  	[sflag:s28] =	ssyncadd.s32 $0xFFFFC000  }
0x16c: {  	[spmem:s4] =	stream.indirect.scatter.add.f32 [tilespmem:s20], [sflag:$0x5], $0x80, s1, s24, $0xb8;
	[tilespmem:$0x1D580] =	vst v63  }
0x16d: {  	_ =	swait.ge [sflag:s21], $0x4000  }
0x16e: {  	[sflag:s21] =	ssyncset.done $0x0  }
0x16f: {  	[sflag:s21] =	ssyncadd.s32 $0xFFFFC000  }
0x170: {  	[spmem:s5] =	stream.indirect.scatter.add.f32 [tilespmem:s29], [sflag:$0x4], $0x1, s1, s24, $0xb8;
	[tilespmem:$0x1D580] =	vst v63  }
0x171: {  	s23 =	simm.s32 $0xA00  }
0x172: {  	[tilespmem:s20], [sflag:$0x1] =	stream.indirect.gather [hbm4b:s0+s24], $0x80, s23, s24, $0xb8;
	[tilespmem:$0x1D580] =	vst v63  }
0x173: {  	_ =	swait.ge [sflag:s31], $0x4000  }
0x174: {  	[sflag:s31] =	ssyncset.done $0x0  }
0x175: {  	[sflag:s31] =	ssyncadd.s32 $0xFFFFC000  }
0x176: {  	[spmem:s4] =	stream.indirect.scatter.add.f32 [tilespmem:s26], [sflag:$0x5], $0x80, s30, s24, $0xb8;
	[tilespmem:$0x1D580] =	vst v63  }
0x177: {  	_ =	swait.ge [sflag:s21], $0x4000  }
0x178: {  	[sflag:s21] =	ssyncset.done $0x0  }
0x179: {  	[sflag:s21] =	ssyncadd.s32 $0xFFFFC000  }
0x17a: {  	[spmem:s5] =	stream.indirect.scatter.add.f32 [tilespmem:s29], [sflag:$0x4], $0x1, s30, s24, $0xb8;
	[tilespmem:$0x1D580] =	vst v63  }
0x17b: {  	s23 =	simm.s32 $0xB00  }
0x17c: {  	[tilespmem:s26], [sflag:$0x2] =	stream.indirect.gather [hbm4b:s0+s24], $0x80, s23, s24, $0xb8;
	[tilespmem:$0x1D580] =	vst v63  }
0x17d: {  	_ =	swait.ge [sflag:s28], $0x4000  }
0x17e: {  	[sflag:s28] =	ssyncset.done $0x0  }
0x17f: {  	[sflag:s28] =	ssyncadd.s32 $0xFFFFC000  }
0x180: {  	[spmem:s4] =	stream.indirect.scatter.add.f32 [tilespmem:s20], [sflag:$0x5], $0x80, s9, s24, $0xb8;
	[tilespmem:$0x1D580] =	vst v63  }
0x181: {  	_ =	swait.ge [sflag:s21], $0x4000  }
0x182: {  	[sflag:s21] =	ssyncset.done $0x0  }
0x183: {  	[sflag:s21] =	ssyncadd.s32 $0xFFFFC000  }
0x184: {  	[spmem:s5] =	stream.indirect.scatter.add.f32 [tilespmem:s29], [sflag:$0x4], $0x1, s9, s24, $0xb8;
	[tilespmem:$0x1D580] =	vst v63  }
0x185: {  	s23 =	simm.s32 $0xC00  }
0x186: {  	[tilespmem:s20], [sflag:$0x1] =	stream.indirect.gather [hbm4b:s0+s24], $0x80, s23, s24, $0xb8;
	[tilespmem:$0x1D580] =	vst v63  }
0x187: {  	_ =	swait.ge [sflag:s31], $0x4000  }
0x188: {  	[sflag:s31] =	ssyncset.done $0x0  }
0x189: {  	[sflag:s31] =	ssyncadd.s32 $0xFFFFC000  }
0x18a: {  	[spmem:s4] =	stream.indirect.scatter.add.f32 [tilespmem:s26], [sflag:$0x5], $0x80, s15, s24, $0xb8;
	[tilespmem:$0x1D580] =	vst v63  }
0x18b: {  	_ =	swait.ge [sflag:s21], $0x4000  }
0x18c: {  	[sflag:s21] =	ssyncset.done $0x0  }
0x18d: {  	[sflag:s21] =	ssyncadd.s32 $0xFFFFC000  }
0x18e: {  	[spmem:s5] =	stream.indirect.scatter.add.f32 [tilespmem:s29], [sflag:$0x4], $0x1, s15, s24, $0xb8;
	[tilespmem:$0x1D580] =	vst v63  }
0x18f: {  	s23 =	simm.s32 $0xD00  }
0x190: {  	[tilespmem:s26], [sflag:$0x2] =	stream.indirect.gather [hbm4b:s0+s24], $0x80, s23, s24, $0xb8;
	[tilespmem:$0x1D580] =	vst v63  }
0x191: {  	_ =	swait.ge [sflag:s28], $0x4000  }
0x192: {  	[sflag:s28] =	ssyncset.done $0x0  }
0x193: {  	[sflag:s28] =	ssyncadd.s32 $0xFFFFC000  }
0x194: {  	[spmem:s4] =	stream.indirect.scatter.add.f32 [tilespmem:s20], [sflag:$0x5], $0x80, s12, s24, $0xb8;
	[tilespmem:$0x1D580] =	vst v63  }
0x195: {  	_ =	swait.ge [sflag:s21], $0x4000  }
0x196: {  	[sflag:s21] =	ssyncset.done $0x0  }
0x197: {  	[sflag:s21] =	ssyncadd.s32 $0xFFFFC000  }
0x198: {  	[spmem:s5] =	stream.indirect.scatter.add.f32 [tilespmem:s29], [sflag:$0x4], $0x1, s12, s24, $0xb8;
	[tilespmem:$0x1D580] =	vst v63  }
0x199: {  	s23 =	simm.s32 $0xE00  }
0x19a: {  	[tilespmem:s20], [sflag:$0x1] =	stream.indirect.gather [hbm4b:s0+s24], $0x80, s23, s24, $0xb8;
	[tilespmem:$0x1D580] =	vst v63  }
0x19b: {  	_ =	swait.ge [sflag:s31], $0x4000  }
0x19c: {  	[sflag:s31] =	ssyncset.done $0x0  }
0x19d: {  	[sflag:s31] =	ssyncadd.s32 $0xFFFFC000  }
0x19e: {  	[spmem:s4] =	stream.indirect.scatter.add.f32 [tilespmem:s26], [sflag:$0x5], $0x80, s2, s24, $0xb8;
	[tilespmem:$0x1D580] =	vst v63  }
0x19f: {  	_ =	swait.ge [sflag:s21], $0x4000  }
0x1a0: {  	[sflag:s21] =	ssyncset.done $0x0  }
0x1a1: {  	[sflag:s21] =	ssyncadd.s32 $0xFFFFC000  }
0x1a2: {  	[spmem:s5] =	stream.indirect.scatter.add.f32 [tilespmem:s29], [sflag:$0x4], $0x1, s2, s24, $0xb8;
	[tilespmem:$0x1D580] =	vst v63  }
0x1a3: {  	s23 =	simm.s32 $0xF00  }
0x1a4: {  	[tilespmem:s26], [sflag:$0x2] =	stream.indirect.gather [hbm4b:s0+s24], $0x80, s23, s24, $0xb8;
	[tilespmem:$0x1D580] =	vst v63  }
0x1a5: {  	_ =	swait.ge [sflag:s28], $0x4000  }
0x1a6: {  	[sflag:s28] =	ssyncset.done $0x0  }
0x1a7: {  	[sflag:s28] =	ssyncadd.s32 $0xFFFFC000  }
0x1a8: {  	[spmem:s4] =	stream.indirect.scatter.add.f32 [tilespmem:s20], [sflag:$0x5], $0x80, s17, s24, $0xb8;
	[tilespmem:$0x1D580] =	vst v63  }
0x1a9: {  	_ =	swait.ge [sflag:s21], $0x4000  }
0x1aa: {  	[sflag:s21] =	ssyncset.done $0x0  }
0x1ab: {  	[sflag:s21] =	ssyncadd.s32 $0xFFFFC000  }
0x1ac: {  	[spmem:s5] =	stream.indirect.scatter.add.f32 [tilespmem:s29], [sflag:$0x4], $0x1, s17, s24, $0xb8;
	[tilespmem:$0x1D580] =	vst v63  }
0x1ad: {  	_ =	swait.ge [sflag:s13], $0x800  }
0x1ae: {  	[sflag:s13] =	ssyncset.done $0x0  }
0x1af: {  	[sflag:s13] =	ssyncadd.s32 $0xFFFFF800  }
0x1b0: {  	[tilespmem:s20], [sflag:$0x1] =	stream.indirect.gather [hbm4b:s0+s24], $0x80, s6, s24, $0xb8;
	[tilespmem:$0x1D580] =	vst v63  }
0x1b1: {  	_ =	swait.ge [sflag:s31], $0x4000  }
0x1b2: {  	[sflag:s31] =	ssyncset.done $0x0  }
0x1b3: {  	[sflag:s31] =	ssyncadd.s32 $0xFFFFC000  }
0x1b4: {  	[spmem:s4] =	stream.indirect.scatter.add.f32 [tilespmem:s26], [sflag:$0x5], $0x80, s25, s24, $0xb8;
	[tilespmem:$0x1D580] =	vst v63  }
0x1b5: {  	_ =	swait.ge [sflag:s21], $0x4000  }
0x1b6: {  	[sflag:s21] =	ssyncset.done $0x0  }
0x1b7: {  	[sflag:s21] =	ssyncadd.s32 $0xFFFFC000  }
0x1b8: {  	[spmem:s5] =	stream.indirect.scatter.add.f32 [tilespmem:s29], [sflag:$0x4], $0x1, s25, s24, $0xb8;
	[tilespmem:$0x1D580] =	vst v63  }
0x1b9: {  	s23 =	simm.s32 $0x100  }
0x1ba: {  	[tilespmem:s26], [sflag:$0x2] =	stream.indirect.gather [hbm4b:s0+s24], $0x80, s23, s24, $0xb8;
	[tilespmem:$0x1D580] =	vst v63  }
0x1bb: {  	_ =	swait.ge [sflag:s7], $0x80  }
0x1bc: {  	[sflag:s7] =	ssyncset.done $0x0  }
0x1bd: {  	[sflag:s7] =	ssyncadd.s32 $0xFFFFFF80  }
0x1be: {  	_ =	swait.ge [sflag:s7], $0x80  }
0x1bf: {  	[sflag:s7] =	ssyncset.done $0x0  }
0x1c0: {  	[sflag:s7] =	ssyncadd.s32 $0xFFFFFF80  }
0x1c1: {  	_ =	swait.ge [sflag:s7], $0x80  }
0x1c2: {  	[sflag:s7] =	ssyncset.done $0x0  }
0x1c3: {  	[sflag:s7] =	ssyncadd.s32 $0xFFFFFF80  }
0x1c4: {  	_ =	swait.ge [sflag:s7], $0x80  }
0x1c5: {  	[sflag:s7] =	ssyncset.done $0x0  }
0x1c6: {  	[sflag:s7] =	ssyncadd.s32 $0xFFFFFF80  }
0x1c7: {  	_ =	swait.ge [sflag:s7], $0x80  }
0x1c8: {  	[sflag:s7] =	ssyncset.done $0x0  }
0x1c9: {  	[sflag:s7] =	ssyncadd.s32 $0xFFFFFF80  }
0x1ca: {  	_ =	swait.ge [sflag:s7], $0x80  }
0x1cb: {  	[sflag:s7] =	ssyncset.done $0x0  }
0x1cc: {  	[sflag:s7] =	ssyncadd.s32 $0xFFFFFF80  }
0x1cd: {  	_ =	swait.ge [sflag:s7], $0x80  }
0x1ce: {  	[sflag:s7] =	ssyncset.done $0x0  }
0x1cf: {  	[sflag:s7] =	ssyncadd.s32 $0xFFFFFF80  }
.Ltmp4:
0x1d0: {  	_ =	swait.ge [sflag:s7], $0x80;
	(pc) =	sbr.rel .LBB2_4-.Ltmp4, $4  }
0x1d1: {  	[sflag:s7] =	ssyncset.done $0x0;
	s23 =	rddreg [dreg:$0x11]  }
0x1d2: {  	[sflag:s7] =	ssyncadd.s32 $0xFFFFFF80;
	s3 =	sadd.s32 s11, s23  }
0x1d3: {  	[tilespmem:s8], [sflag:$0x3] =	stream.linear.gather [hbm4b:s3+s6], $0x800, $0x38;
	[tilespmem:$0x1D580] =	vst v63  }
0x1d4: {  	s18 =	sadd.s32 $0x1000, s18;
	s11 =	sadd.s32 $0x200, s11;
	s3 =	simm.s32 $0x800  }
.LBB2_7:
0x1d5: {  	_ =	sfence.sel $0x180000  }
0x1d6: {  	[bflag:$0x0] =	sbarrier.arrive $0xFFFF  }
0x1d7: {  	_ =	strace $0x90000047  }
0x1d8: {  	s0 =	stileid.u32;
	[bflag:$0x2] =	sbarrier.arrive $0xFFFF  }
0x1d9: {  	p0 =	sne.s32 s0, $0x0;
	s0 =	rddreg [dreg:$0x5]  }
0x1da: {  	s0 =	sadd.s32 @!p0 $0x100000, s0  }
0x1db: {  	[sflag:s0] =	ssyncadd.tile.s32 @!p0 $0x1;
	_ =	shalt  }
.Lfunc_end2:
_tile_overlayer_lowered:
.L_overlay_start_2:
0x1dc: {  	(tag) =	ssettag $0x2  }
0x1dd: {  	s0 =	rddreg [dreg:$0x0];
	s2 =	stileid.u32  }
0x1de: {  	s1 =	rddreg [dreg:$0x1];
	p0 =	sne.s32 s2, $0x0  }
0x1df: {  	s3 =	rddreg [dreg:$0x2];
	[bflag:$0x3] =	sbarrier.arrive $0xFFFF;
	s2 =	simm.s32 @!p0 $0x1C05  }
0x1e0: {  	[timem:s3], [sflag:s2] =	dma.local @!p0 [hbm:s0], s1  }
0x1e1: {  	s0 =	simm.s32 @!p0 $0x5  }
0x1e2: {  	_ =	swait.ge @!p0 [sflag:s0], s1  }
0x1e3: {  	s1 =	ssub.s32 @!p0 $0x0, s1;
	[sflag:s0] =	ssyncset.done @!p0 $0x0  }
0x1e4: {  	[sflag:s0] =	ssyncadd.s32 @!p0 s1  }
0x1e5: {  	[bflag:$0x3] =	sbarrier.arrive $0xFFFF  }
0x1e6: {  	_ =	shalt  }

</sc_bundles>
